<compile_context>
chip_gen: v7x
topology: tpu7x:2x2x1
jax: 0.10.2.dev20260603
libtpu: 0.0.44.dev20260713+nightly
codegen_flags: <defaults>
</compile_context>

<pallas_src>
import dataclasses
import functools

import jax
import jax.numpy as jnp
from jax import lax
from jax.experimental import pallas as pl
from jax.experimental.pallas import tpu as pltpu
from jax.experimental.pallas import tpu_sc as plsc


_LANES = 16
_NUM_WORKERS = 32
_SC_CHUNK_ROWS = 128
_SC_ROWS = 4096

_TC_ROWS_PER_STEP = 4096
_TC_GROUP = 128


def _sc_scores(target_embeds, context_embeds, sc_rows):
    batch, dim = target_embeds.shape
    nchunks = dim // _LANES
    rows_per_worker = sc_rows // _NUM_WORKERS
    chunk = min(_SC_CHUNK_ROWS, rows_per_worker)
    nsteps = rows_per_worker // chunk
    mesh = plsc.VectorSubcoreMesh(core_axis_name="c", subcore_axis_name="s")
    cp = pltpu.CompilerParams()
    if "needs_layout_passes" in pltpu.CompilerParams.__dataclass_fields__:
        cp = dataclasses.replace(cp, needs_layout_passes=False)

    @functools.partial(
        pl.kernel,
        mesh=mesh,
        out_type=jax.ShapeDtypeStruct((sc_rows,), jnp.float32),
        compiler_params=cp,
        scratch_types=[
            pltpu.VMEM((2, chunk, dim), jnp.float32),
            pltpu.VMEM((2, chunk, dim), jnp.float32),
            pltpu.VMEM((rows_per_worker,), jnp.float32),
            pltpu.SemaphoreType.DMA,
            pltpu.SemaphoreType.DMA,
            pltpu.SemaphoreType.DMA,
        ],
    )
    def scores_kernel(t_hbm, c_hbm, o_hbm, t_buf, c_buf, o_buf, tsem, csem, osem):
        wid = lax.axis_index("s") * 2 + lax.axis_index("c")
        base = wid * rows_per_worker

        def chunk_rows(hbm, step):
            return hbm.at[pl.ds(base + step * chunk, chunk), :]

        pltpu.async_copy(chunk_rows(t_hbm, 0), t_buf.at[0], tsem)
        pltpu.async_copy(chunk_rows(c_hbm, 0), c_buf.at[0], csem)

        lane_ids = lax.iota(jnp.int32, _LANES)
        bfly = [(lane_ids ^ sh).reshape(_LANES, 1) for sh in (8, 4, 2, 1)]
        gdn = lax.GatherDimensionNumbers(
            offset_dims=(), collapsed_slice_dims=(0,), start_index_map=(0,)
        )

        def lane_sum_bcast(v):
            for idx in bfly:
                v = v + lax.gather(
                    v, idx, gdn, (1,),
                    mode=lax.GatherScatterMode.PROMISE_IN_BOUNDS,
                )
            return v

        for step in range(nsteps):
            buf = step % 2
            if step + 1 < nsteps:
                nxt = (step + 1) % 2
                pltpu.async_copy(chunk_rows(t_hbm, step + 1), t_buf.at[nxt], tsem)
                pltpu.async_copy(chunk_rows(c_hbm, step + 1), c_buf.at[nxt], csem)
            pltpu.make_async_copy(chunk_rows(t_hbm, step), t_buf.at[buf], tsem).wait()
            pltpu.make_async_copy(chunk_rows(c_hbm, step), c_buf.at[buf], csem).wait()

            t_v = t_buf.at[buf]
            c_v = c_buf.at[buf]
            obase = step * chunk

            @pl.loop(0, chunk, step=_LANES)
            def _(r0):
                res = jnp.zeros((_LANES,), jnp.float32)
                half = nchunks // 2
                for j in range(_LANES):
                    r = r0 + j
                    acc_a = (
                        t_v.at[r, pl.ds(0, _LANES)][...]
                        * c_v.at[r, pl.ds(0, _LANES)][...]
                    )
                    acc_b = (
                        t_v.at[r, pl.ds(half * _LANES, _LANES)][...]
                        * c_v.at[r, pl.ds(half * _LANES, _LANES)][...]
                    )
                    for k in range(1, half):
                        acc_a = acc_a + (
                            t_v.at[r, pl.ds(k * _LANES, _LANES)][...]
                            * c_v.at[r, pl.ds(k * _LANES, _LANES)][...]
                        )
                        acc_b = acc_b + (
                            t_v.at[r, pl.ds((half + k) * _LANES, _LANES)][...]
                            * c_v.at[r, pl.ds((half + k) * _LANES, _LANES)][...]
                        )
                    s = lane_sum_bcast(acc_a + acc_b)
                    res = jnp.where(lane_ids == j, s, res)
                o_buf.at[pl.ds(obase + r0, _LANES)][...] = 1.0 / (
                    1.0 + jnp.exp(-res)
                )

        pltpu.async_copy(
            o_buf, o_hbm.at[pl.ds(base, rows_per_worker)], osem
        ).wait()

    return scores_kernel(target_embeds, context_embeds)


def _tc_dot_sigmoid_body(t_ref, c_ref, o_ref):
    p = t_ref[...] * c_ref[...]
    ngroups = _TC_ROWS_PER_STEP // _TC_GROUP
    p3 = p.reshape(ngroups, _TC_GROUP, _TC_GROUP)
    rows = []
    for g in range(ngroups):
        pt = p3[g].T
        rows.append(jnp.sum(pt, axis=0))
    o_ref[...] = jax.nn.sigmoid(jnp.stack(rows))


def _tc_scores(target_embeds, context_embeds, row_offset):
    batch, dim = target_embeds.shape
    tc_rows = batch - row_offset
    nsteps = tc_rows // _TC_ROWS_PER_STEP
    ngroups = _TC_ROWS_PER_STEP // _TC_GROUP
    step_off = row_offset // _TC_ROWS_PER_STEP
    out2d = pl.pallas_call(
        _tc_dot_sigmoid_body,
        grid=(nsteps,),
        in_specs=[
            pl.BlockSpec((_TC_ROWS_PER_STEP, dim), lambda i: (i + step_off, 0)),
            pl.BlockSpec((_TC_ROWS_PER_STEP, dim), lambda i: (i + step_off, 0)),
        ],
        out_specs=pl.BlockSpec((ngroups, _TC_GROUP), lambda i: (i, 0)),
        out_shape=jax.ShapeDtypeStruct((tc_rows // _TC_GROUP, _TC_GROUP), jnp.float32),
    )(target_embeds, context_embeds)
    return out2d.reshape(tc_rows)


def kernel(target_embeds, context_embeds):
    sc_out = _sc_scores(target_embeds, context_embeds, _SC_ROWS)
    tc_out = _tc_scores(target_embeds, context_embeds, _SC_ROWS)
    return jnp.concatenate([sc_out, tc_out])

# --- scband reference (transcript-rebuilt; emitter-appended) ---
"""Pipeline reference for scband-word2-vec-18159121727813 (READ-ONLY COPY).

The authoritative reference and input builder live on the scoring server;
editing this copy changes nothing except your own understanding.
"""

import jax, jax.numpy as jnp
import numpy as np

BATCH = 16384
EMBED_DIM = 128

def setup_inputs(seed: int = 0) -> dict:
    key = jax.random.key(seed)
    k1, k2 = jax.random.split(key)
    # These are the rows already gathered from the target/context nn.Embedding
    # tables (the actual forward() of Word2Vec takes the gathered embeddings).
    target_embeds = jax.random.normal(k1, (BATCH, EMBED_DIM), dtype=jnp.float32)
    context_embeds = jax.random.normal(k2, (BATCH, EMBED_DIM), dtype=jnp.float32)
    return {"target_embeds": target_embeds, "context_embeds": context_embeds}

def reference(target_embeds, context_embeds):
    # Faithful translation of Word2Vec.forward:
    #   scores = torch.mul(target_embeds, context_embeds)
    #   scores = torch.sum(scores, dim=1)
    #   scores = sigmoid(scores)
    scores = jnp.multiply(target_embeds, context_embeds)
    scores = jnp.sum(scores, axis=1)
    scores = jax.nn.sigmoid(scores)
    return scores

if __name__ == "__main__":
    import jax
    _d = setup_inputs()
    print(jax.jit(kernel)(*tuple(_d.values())))

</pallas_src>

<mosaic_0001>
#map = affine_map<(d0, d1) -> (0, 0)>
#map1 = affine_map<(d0, d1) -> (0)>
module attributes {stable_mosaic.version = 14 : i64} {
  func.func @scores_kernel(%arg0: i32, %arg1: i32, %arg2: memref<16384x128xf32, #tpu.memory_space<hbm>>, %arg3: memref<16384x128xf32, #tpu.memory_space<hbm>>, %arg4: memref<4096xf32, #tpu.memory_space<hbm>>, %arg5: memref<2x128x128xf32, #tpu.memory_space<vmem>>, %arg6: memref<2x128x128xf32, #tpu.memory_space<vmem>>, %arg7: memref<128xf32, #tpu.memory_space<vmem>>, %arg8: memref<!tpu.dma_semaphore, #tpu.memory_space<semaphore_mem>>, %arg9: memref<!tpu.dma_semaphore, #tpu.memory_space<semaphore_mem>>, %arg10: memref<!tpu.dma_semaphore, #tpu.memory_space<semaphore_mem>>) attributes {dimension_semantics = [#tpu.dimension_semantics<core_parallel>, #tpu.dimension_semantics<subcore_parallel>], iteration_bounds = array<i64: 2, 16>, scalar_prefetch = 0 : i64, scratch_operands = 6 : i64, tpu.core_type = #tpu.core_type<sc_vector_subcore>, window_params = [{transform_indices = #map}, {transform_indices = #map}, {transform_indices = #map1}]} {
    %mul3A = arith.constant 2 : i32
    %mul3A_0 = arith.muli %arg1, %mul3A : i32
    %add3A = arith.addi %mul3A_0, %arg0 : i32
    %mul3A_1 = arith.constant 128 : i32
    %mul3A_2 = arith.muli %add3A, %mul3A_1 : i32
    %add3A_3 = arith.constant 0 : i32
    %add3A_4 = arith.addi %mul3A_2, %add3A_3 : i32
    %dma_start3A = arith.constant 0 : i32
    %dma_start3A_5 = arith.constant 0 : i32
    %dma_start3A_6 = arith.constant 0 : i32
    %dma_start3A_7 = tpu.memref_slice %arg5[%dma_start3A, %dma_start3A_5, %dma_start3A_6] : memref<2x128x128xf32, #tpu.memory_space<vmem>> -> memref<1x128x128xf32, #tpu.memory_space<vmem>>
    %dma_start3A_8 = tpu.memref_squeeze %dma_start3A_7 : memref<1x128x128xf32, #tpu.memory_space<vmem>> -> memref<128x128xf32, #tpu.memory_space<vmem>>
    %dma_start3A_9 = arith.constant 0 : i32
    %dma_start3A_10 = tpu.memref_slice %arg2[%add3A_4, %dma_start3A_9] : memref<16384x128xf32, #tpu.memory_space<hbm>> -> memref<128x128xf32, #tpu.memory_space<hbm>>
    %dma_start3A_11 = arith.constant 0 : i32
    %dma_start3A_12 = arith.constant 0 : i32
    %dma_start3A_13 = tpu.memref_slice %arg5[%dma_start3A, %dma_start3A_11, %dma_start3A_12] : memref<2x128x128xf32, #tpu.memory_space<vmem>> -> memref<1x128x128xf32, #tpu.memory_space<vmem>>
    %dma_start3A_14 = tpu.memref_squeeze %dma_start3A_13 : memref<1x128x128xf32, #tpu.memory_space<vmem>> -> memref<128x128xf32, #tpu.memory_space<vmem>>
    %dma_start3A_15 = arith.constant 0 : i32
    %dma_start3A_16 = tpu.memref_slice %arg2[%add3A_4, %dma_start3A_15] : memref<16384x128xf32, #tpu.memory_space<hbm>> -> memref<128x128xf32, #tpu.memory_space<hbm>>
    tpu.enqueue_dma source(%dma_start3A_16 : memref<128x128xf32, #tpu.memory_space<hbm>>) target(%dma_start3A_14 : memref<128x128xf32, #tpu.memory_space<vmem>>) target_semaphore(%arg8 : memref<!tpu.dma_semaphore, #tpu.memory_space<semaphore_mem>>)
    %add3A_17 = arith.constant 0 : i32
    %add3A_18 = arith.addi %mul3A_2, %add3A_17 : i32
    %dma_start3A_19 = arith.constant 0 : i32
    %dma_start3A_20 = arith.constant 0 : i32
    %dma_start3A_21 = arith.constant 0 : i32
    %dma_start3A_22 = tpu.memref_slice %arg6[%dma_start3A_19, %dma_start3A_20, %dma_start3A_21] : memref<2x128x128xf32, #tpu.memory_space<vmem>> -> memref<1x128x128xf32, #tpu.memory_space<vmem>>
    %dma_start3A_23 = tpu.memref_squeeze %dma_start3A_22 : memref<1x128x128xf32, #tpu.memory_space<vmem>> -> memref<128x128xf32, #tpu.memory_space<vmem>>
    %dma_start3A_24 = arith.constant 0 : i32
    %dma_start3A_25 = tpu.memref_slice %arg3[%add3A_18, %dma_start3A_24] : memref<16384x128xf32, #tpu.memory_space<hbm>> -> memref<128x128xf32, #tpu.memory_space<hbm>>
    %dma_start3A_26 = arith.constant 0 : i32
    %dma_start3A_27 = arith.constant 0 : i32
    %dma_start3A_28 = tpu.memref_slice %arg6[%dma_start3A_19, %dma_start3A_26, %dma_start3A_27] : memref<2x128x128xf32, #tpu.memory_space<vmem>> -> memref<1x128x128xf32, #tpu.memory_space<vmem>>
    %dma_start3A_29 = tpu.memref_squeeze %dma_start3A_28 : memref<1x128x128xf32, #tpu.memory_space<vmem>> -> memref<128x128xf32, #tpu.memory_space<vmem>>
    %dma_start3A_30 = arith.constant 0 : i32
    %dma_start3A_31 = tpu.memref_slice %arg3[%add3A_18, %dma_start3A_30] : memref<16384x128xf32, #tpu.memory_space<hbm>> -> memref<128x128xf32, #tpu.memory_space<hbm>>
    tpu.enqueue_dma source(%dma_start3A_31 : memref<128x128xf32, #tpu.memory_space<hbm>>) target(%dma_start3A_29 : memref<128x128xf32, #tpu.memory_space<vmem>>) target_semaphore(%arg9 : memref<!tpu.dma_semaphore, #tpu.memory_space<semaphore_mem>>)
    %iota3A = tpu.iota {dimensions = array<i32: 0>} : vector<16xi32>
    %xor3A = arith.constant 8 : i32
    %xor3A_32 = vector.broadcast %xor3A : i32 to vector<16xi32>
    %xor3A_33 = arith.xori %iota3A, %xor3A_32 : vector<16xi32>
    %reshape3A = vector.shape_cast %xor3A_33 : vector<16xi32> to vector<16x1xi32>
    %xor3A_34 = arith.constant 4 : i32
    %xor3A_35 = vector.broadcast %xor3A_34 : i32 to vector<16xi32>
    %xor3A_36 = arith.xori %iota3A, %xor3A_35 : vector<16xi32>
    %reshape3A_37 = vector.shape_cast %xor3A_36 : vector<16xi32> to vector<16x1xi32>
    %xor3A_38 = arith.constant 2 : i32
    %xor3A_39 = vector.broadcast %xor3A_38 : i32 to vector<16xi32>
    %xor3A_40 = arith.xori %iota3A, %xor3A_39 : vector<16xi32>
    %reshape3A_41 = vector.shape_cast %xor3A_40 : vector<16xi32> to vector<16x1xi32>
    %xor3A_42 = arith.constant 1 : i32
    %xor3A_43 = vector.broadcast %xor3A_42 : i32 to vector<16xi32>
    %xor3A_44 = arith.xori %iota3A, %xor3A_43 : vector<16xi32>
    %reshape3A_45 = vector.shape_cast %xor3A_44 : vector<16xi32> to vector<16x1xi32>
    %add3A_46 = arith.constant 0 : i32
    %add3A_47 = arith.addi %mul3A_2, %add3A_46 : i32
    %dma_wait3A = arith.constant 0 : i32
    %dma_wait3A_48 = arith.constant 0 : i32
    %dma_wait3A_49 = arith.constant 0 : i32
    %dma_wait3A_50 = tpu.memref_slice %arg5[%dma_wait3A, %dma_wait3A_48, %dma_wait3A_49] : memref<2x128x128xf32, #tpu.memory_space<vmem>> -> memref<1x128x128xf32, #tpu.memory_space<vmem>>
    %dma_wait3A_51 = tpu.memref_squeeze %dma_wait3A_50 : memref<1x128x128xf32, #tpu.memory_space<vmem>> -> memref<128x128xf32, #tpu.memory_space<vmem>>
    %dma_wait3A_52 = arith.constant 0 : i32
    %dma_wait3A_53 = tpu.memref_slice %arg2[%add3A_47, %dma_wait3A_52] : memref<16384x128xf32, #tpu.memory_space<hbm>> -> memref<128x128xf32, #tpu.memory_space<hbm>>
    %dma_wait3A_54 = arith.constant 0 : i32
    %dma_wait3A_55 = arith.constant 0 : i32
    %dma_wait3A_56 = tpu.memref_slice %arg5[%dma_wait3A, %dma_wait3A_54, %dma_wait3A_55] : memref<2x128x128xf32, #tpu.memory_space<vmem>> -> memref<1x128x128xf32, #tpu.memory_space<vmem>>
    %dma_wait3A_57 = tpu.memref_squeeze %dma_wait3A_56 : memref<1x128x128xf32, #tpu.memory_space<vmem>> -> memref<128x128xf32, #tpu.memory_space<vmem>>
    %dma_wait3A_58 = arith.constant 0 : i32
    %dma_wait3A_59 = tpu.memref_slice %arg2[%add3A_47, %dma_wait3A_58] : memref<16384x128xf32, #tpu.memory_space<hbm>> -> memref<128x128xf32, #tpu.memory_space<hbm>>
    tpu.wait_dma2 semaphore(%arg8 : memref<!tpu.dma_semaphore, #tpu.memory_space<semaphore_mem>>) src(%dma_wait3A_59 : memref<128x128xf32, #tpu.memory_space<hbm>>) dst(%dma_wait3A_57 : memref<128x128xf32, #tpu.memory_space<vmem>>)
    %add3A_60 = arith.constant 0 : i32
    %add3A_61 = arith.addi %mul3A_2, %add3A_60 : i32
    %dma_wait3A_62 = arith.constant 0 : i32
    %dma_wait3A_63 = arith.constant 0 : i32
    %dma_wait3A_64 = arith.constant 0 : i32
    %dma_wait3A_65 = tpu.memref_slice %arg6[%dma_wait3A_62, %dma_wait3A_63, %dma_wait3A_64] : memref<2x128x128xf32, #tpu.memory_space<vmem>> -> memref<1x128x128xf32, #tpu.memory_space<vmem>>
    %dma_wait3A_66 = tpu.memref_squeeze %dma_wait3A_65 : memref<1x128x128xf32, #tpu.memory_space<vmem>> -> memref<128x128xf32, #tpu.memory_space<vmem>>
    %dma_wait3A_67 = arith.constant 0 : i32
    %dma_wait3A_68 = tpu.memref_slice %arg3[%add3A_61, %dma_wait3A_67] : memref<16384x128xf32, #tpu.memory_space<hbm>> -> memref<128x128xf32, #tpu.memory_space<hbm>>
    %dma_wait3A_69 = arith.constant 0 : i32
    %dma_wait3A_70 = arith.constant 0 : i32
    %dma_wait3A_71 = tpu.memref_slice %arg6[%dma_wait3A_62, %dma_wait3A_69, %dma_wait3A_70] : memref<2x128x128xf32, #tpu.memory_space<vmem>> -> memref<1x128x128xf32, #tpu.memory_space<vmem>>
    %dma_wait3A_72 = tpu.memref_squeeze %dma_wait3A_71 : memref<1x128x128xf32, #tpu.memory_space<vmem>> -> memref<128x128xf32, #tpu.memory_space<vmem>>
    %dma_wait3A_73 = arith.constant 0 : i32
    %dma_wait3A_74 = tpu.memref_slice %arg3[%add3A_61, %dma_wait3A_73] : memref<16384x128xf32, #tpu.memory_space<hbm>> -> memref<128x128xf32, #tpu.memory_space<hbm>>
    tpu.wait_dma2 semaphore(%arg9 : memref<!tpu.dma_semaphore, #tpu.memory_space<semaphore_mem>>) src(%dma_wait3A_74 : memref<128x128xf32, #tpu.memory_space<hbm>>) dst(%dma_wait3A_72 : memref<128x128xf32, #tpu.memory_space<vmem>>)
    %scan3A = arith.constant 0 : i32
    %scan3A_75 = arith.constant 0 : i32
    %scan3A_76 = arith.constant 0 : i32
    %scan3A_77 = arith.constant 8 : i32
    %scan3A_78 = arith.addi %scan3A_76, %scan3A_77 : i32
    %scan3A_79 = arith.constant 1 : i32
    scf.for %scan3A_85 = %scan3A_76 to %scan3A_78 step %scan3A_79  : i32 {
      %mul3A_86 = arith.constant 16 : i32
      %mul3A_87 = arith.muli %scan3A_85, %mul3A_86 : i32
      %add3A_88 = arith.constant 0 : i32
      %add3A_89 = arith.addi %add3A_88, %mul3A_87 : i32
      %broadcast_in_dim3A = arith.constant 0.000000e+00 : f32
      %broadcast_in_dim3A_90 = vector.broadcast %broadcast_in_dim3A : f32 to vector<16xf32>
      %add3A_91 = arith.constant 0 : i32
      %add3A_92 = arith.addi %add3A_89, %add3A_91 : i32
      %get3A = arith.constant 0 : i32
      %get3A_93 = arith.constant 0 : i32
      %get3A_94 = tpu.memref_slice %arg5[%scan3A, %get3A, %get3A_93] : memref<2x128x128xf32, #tpu.memory_space<vmem>> -> memref<1x128x128xf32, #tpu.memory_space<vmem>>
      %get3A_95 = tpu.memref_squeeze %get3A_94 : memref<1x128x128xf32, #tpu.memory_space<vmem>> -> memref<128x128xf32, #tpu.memory_space<vmem>>
      %get3A_96 = arith.index_cast %add3A_92 : i32 to index
      %get3A_97 = arith.constant 0 : index
      %get3A_98 = tpu.vector_load %get3A_95[%get3A_96, %get3A_97] {strides = array<i32>} : memref<128x128xf32, #tpu.memory_space<vmem>>, vector<16xf32>,
      %get3A_99 = arith.constant 0 : i32
      %get3A_100 = arith.constant 0 : i32
      %get3A_101 = tpu.memref_slice %arg6[%scan3A_75, %get3A_99, %get3A_100] : memref<2x128x128xf32, #tpu.memory_space<vmem>> -> memref<1x128x128xf32, #tpu.memory_space<vmem>>
      %get3A_102 = tpu.memref_squeeze %get3A_101 : memref<1x128x128xf32, #tpu.memory_space<vmem>> -> memref<128x128xf32, #tpu.memory_space<vmem>>
      %get3A_103 = arith.index_cast %add3A_92 : i32 to index
      %get3A_104 = arith.constant 0 : index
      %get3A_105 = tpu.vector_load %get3A_102[%get3A_103, %get3A_104] {strides = array<i32>} : memref<128x128xf32, #tpu.memory_space<vmem>>, vector<16xf32>,
      %mul3A_106 = arith.mulf %get3A_98, %get3A_105 : vector<16xf32>
      %get3A_107 = arith.constant 0 : i32
      %get3A_108 = arith.constant 0 : i32
      %get3A_109 = tpu.memref_slice %arg5[%scan3A, %get3A_107, %get3A_108] : memref<2x128x128xf32, #tpu.memory_space<vmem>> -> memref<1x128x128xf32, #tpu.memory_space<vmem>>
      %get3A_110 = tpu.memref_squeeze %get3A_109 : memref<1x128x128xf32, #tpu.memory_space<vmem>> -> memref<128x128xf32, #tpu.memory_space<vmem>>
      %get3A_111 = arith.index_cast %add3A_92 : i32 to index
      %get3A_112 = arith.constant 64 : index
      %get3A_113 = tpu.vector_load %get3A_110[%get3A_111, %get3A_112] {strides = array<i32>} : memref<128x128xf32, #tpu.memory_space<vmem>>, vector<16xf32>,
      %get3A_114 = arith.constant 0 : i32
      %get3A_115 = arith.constant 0 : i32
      %get3A_116 = tpu.memref_slice %arg6[%scan3A_75, %get3A_114, %get3A_115] : memref<2x128x128xf32, #tpu.memory_space<vmem>> -> memref<1x128x128xf32, #tpu.memory_space<vmem>>
      %get3A_117 = tpu.memref_squeeze %get3A_116 : memref<1x128x128xf32, #tpu.memory_space<vmem>> -> memref<128x128xf32, #tpu.memory_space<vmem>>
      %get3A_118 = arith.index_cast %add3A_92 : i32 to index
      %get3A_119 = arith.constant 64 : index
      %get3A_120 = tpu.vector_load %get3A_117[%get3A_118, %get3A_119] {strides = array<i32>} : memref<128x128xf32, #tpu.memory_space<vmem>>, vector<16xf32>,
      %mul3A_121 = arith.mulf %get3A_113, %get3A_120 : vector<16xf32>
      %get3A_122 = arith.constant 0 : i32
      %get3A_123 = arith.constant 0 : i32
      %get3A_124 = tpu.memref_slice %arg5[%scan3A, %get3A_122, %get3A_123] : memref<2x128x128xf32, #tpu.memory_space<vmem>> -> memref<1x128x128xf32, #tpu.memory_space<vmem>>
      %get3A_125 = tpu.memref_squeeze %get3A_124 : memref<1x128x128xf32, #tpu.memory_space<vmem>> -> memref<128x128xf32, #tpu.memory_space<vmem>>
      %get3A_126 = arith.index_cast %add3A_92 : i32 to index
      %get3A_127 = arith.constant 16 : index
      %get3A_128 = tpu.vector_load %get3A_125[%get3A_126, %get3A_127] {strides = array<i32>} : memref<128x128xf32, #tpu.memory_space<vmem>>, vector<16xf32>,
      %get3A_129 = arith.constant 0 : i32
      %get3A_130 = arith.constant 0 : i32
      %get3A_131 = tpu.memref_slice %arg6[%scan3A_75, %get3A_129, %get3A_130] : memref<2x128x128xf32, #tpu.memory_space<vmem>> -> memref<1x128x128xf32, #tpu.memory_space<vmem>>
      %get3A_132 = tpu.memref_squeeze %get3A_131 : memref<1x128x128xf32, #tpu.memory_space<vmem>> -> memref<128x128xf32, #tpu.memory_space<vmem>>
      %get3A_133 = arith.index_cast %add3A_92 : i32 to index
      %get3A_134 = arith.constant 16 : index
      %get3A_135 = tpu.vector_load %get3A_132[%get3A_133, %get3A_134] {strides = array<i32>} : memref<128x128xf32, #tpu.memory_space<vmem>>, vector<16xf32>,
      %mul3A_136 = arith.mulf %get3A_128, %get3A_135 : vector<16xf32>
      %add3A_137 = arith.addf %mul3A_106, %mul3A_136 : vector<16xf32>
      %get3A_138 = arith.constant 0 : i32
      %get3A_139 = arith.constant 0 : i32
      %get3A_140 = tpu.memref_slice %arg5[%scan3A, %get3A_138, %get3A_139] : memref<2x128x128xf32, #tpu.memory_space<vmem>> -> memref<1x128x128xf32, #tpu.memory_space<vmem>>
      %get3A_141 = tpu.memref_squeeze %get3A_140 : memref<1x128x128xf32, #tpu.memory_space<vmem>> -> memref<128x128xf32, #tpu.memory_space<vmem>>
      %get3A_142 = arith.index_cast %add3A_92 : i32 to index
      %get3A_143 = arith.constant 80 : index
      %get3A_144 = tpu.vector_load %get3A_141[%get3A_142, %get3A_143] {strides = array<i32>} : memref<128x128xf32, #tpu.memory_space<vmem>>, vector<16xf32>,
      %get3A_145 = arith.constant 0 : i32
      %get3A_146 = arith.constant 0 : i32
      %get3A_147 = tpu.memref_slice %arg6[%scan3A_75, %get3A_145, %get3A_146] : memref<2x128x128xf32, #tpu.memory_space<vmem>> -> memref<1x128x128xf32, #tpu.memory_space<vmem>>
      %get3A_148 = tpu.memref_squeeze %get3A_147 : memref<1x128x128xf32, #tpu.memory_space<vmem>> -> memref<128x128xf32, #tpu.memory_space<vmem>>
      %get3A_149 = arith.index_cast %add3A_92 : i32 to index
      %get3A_150 = arith.constant 80 : index
      %get3A_151 = tpu.vector_load %get3A_148[%get3A_149, %get3A_150] {strides = array<i32>} : memref<128x128xf32, #tpu.memory_space<vmem>>, vector<16xf32>,
      %mul3A_152 = arith.mulf %get3A_144, %get3A_151 : vector<16xf32>
      %add3A_153 = arith.addf %mul3A_121, %mul3A_152 : vector<16xf32>
      %get3A_154 = arith.constant 0 : i32
      %get3A_155 = arith.constant 0 : i32
      %get3A_156 = tpu.memref_slice %arg5[%scan3A, %get3A_154, %get3A_155] : memref<2x128x128xf32, #tpu.memory_space<vmem>> -> memref<1x128x128xf32, #tpu.memory_space<vmem>>
      %get3A_157 = tpu.memref_squeeze %get3A_156 : memref<1x128x128xf32, #tpu.memory_space<vmem>> -> memref<128x128xf32, #tpu.memory_space<vmem>>
      %get3A_158 = arith.index_cast %add3A_92 : i32 to index
      %get3A_159 = arith.constant 32 : index
      %get3A_160 = tpu.vector_load %get3A_157[%get3A_158, %get3A_159] {strides = array<i32>} : memref<128x128xf32, #tpu.memory_space<vmem>>, vector<16xf32>,
      %get3A_161 = arith.constant 0 : i32
      %get3A_162 = arith.constant 0 : i32
      %get3A_163 = tpu.memref_slice %arg6[%scan3A_75, %get3A_161, %get3A_162] : memref<2x128x128xf32, #tpu.memory_space<vmem>> -> memref<1x128x128xf32, #tpu.memory_space<vmem>>
      %get3A_164 = tpu.memref_squeeze %get3A_163 : memref<1x128x128xf32, #tpu.memory_space<vmem>> -> memref<128x128xf32, #tpu.memory_space<vmem>>
      %get3A_165 = arith.index_cast %add3A_92 : i32 to index
      %get3A_166 = arith.constant 32 : index
      %get3A_167 = tpu.vector_load %get3A_164[%get3A_165, %get3A_166] {strides = array<i32>} : memref<128x128xf32, #tpu.memory_space<vmem>>, vector<16xf32>,
      %mul3A_168 = arith.mulf %get3A_160, %get3A_167 : vector<16xf32>
      %add3A_169 = arith.addf %add3A_137, %mul3A_168 : vector<16xf32>
      %get3A_170 = arith.constant 0 : i32
      %get3A_171 = arith.constant 0 : i32
      %get3A_172 = tpu.memref_slice %arg5[%scan3A, %get3A_170, %get3A_171] : memref<2x128x128xf32, #tpu.memory_space<vmem>> -> memref<1x128x128xf32, #tpu.memory_space<vmem>>
      %get3A_173 = tpu.memref_squeeze %get3A_172 : memref<1x128x128xf32, #tpu.memory_space<vmem>> -> memref<128x128xf32, #tpu.memory_space<vmem>>
      %get3A_174 = arith.index_cast %add3A_92 : i32 to index
      %get3A_175 = arith.constant 96 : index
      %get3A_176 = tpu.vector_load %get3A_173[%get3A_174, %get3A_175] {strides = array<i32>} : memref<128x128xf32, #tpu.memory_space<vmem>>, vector<16xf32>,
      %get3A_177 = arith.constant 0 : i32
      %get3A_178 = arith.constant 0 : i32
      %get3A_179 = tpu.memref_slice %arg6[%scan3A_75, %get3A_177, %get3A_178] : memref<2x128x128xf32, #tpu.memory_space<vmem>> -> memref<1x128x128xf32, #tpu.memory_space<vmem>>
      %get3A_180 = tpu.memref_squeeze %get3A_179 : memref<1x128x128xf32, #tpu.memory_space<vmem>> -> memref<128x128xf32, #tpu.memory_space<vmem>>
      %get3A_181 = arith.index_cast %add3A_92 : i32 to index
      %get3A_182 = arith.constant 96 : index
      %get3A_183 = tpu.vector_load %get3A_180[%get3A_181, %get3A_182] {strides = array<i32>} : memref<128x128xf32, #tpu.memory_space<vmem>>, vector<16xf32>,
      %mul3A_184 = arith.mulf %get3A_176, %get3A_183 : vector<16xf32>
      %add3A_185 = arith.addf %add3A_153, %mul3A_184 : vector<16xf32>
      %get3A_186 = arith.constant 0 : i32
      %get3A_187 = arith.constant 0 : i32
      %get3A_188 = tpu.memref_slice %arg5[%scan3A, %get3A_186, %get3A_187] : memref<2x128x128xf32, #tpu.memory_space<vmem>> -> memref<1x128x128xf32, #tpu.memory_space<vmem>>
      %get3A_189 = tpu.memref_squeeze %get3A_188 : memref<1x128x128xf32, #tpu.memory_space<vmem>> -> memref<128x128xf32, #tpu.memory_space<vmem>>
      %get3A_190 = arith.index_cast %add3A_92 : i32 to index
      %get3A_191 = arith.constant 48 : index
      %get3A_192 = tpu.vector_load %get3A_189[%get3A_190, %get3A_191] {strides = array<i32>} : memref<128x128xf32, #tpu.memory_space<vmem>>, vector<16xf32>,
      %get3A_193 = arith.constant 0 : i32
      %get3A_194 = arith.constant 0 : i32
      %get3A_195 = tpu.memref_slice %arg6[%scan3A_75, %get3A_193, %get3A_194] : memref<2x128x128xf32, #tpu.memory_space<vmem>> -> memref<1x128x128xf32, #tpu.memory_space<vmem>>
      %get3A_196 = tpu.memref_squeeze %get3A_195 : memref<1x128x128xf32, #tpu.memory_space<vmem>> -> memref<128x128xf32, #tpu.memory_space<vmem>>
      %get3A_197 = arith.index_cast %add3A_92 : i32 to index
      %get3A_198 = arith.constant 48 : index
      %get3A_199 = tpu.vector_load %get3A_196[%get3A_197, %get3A_198] {strides = array<i32>} : memref<128x128xf32, #tpu.memory_space<vmem>>, vector<16xf32>,
      %mul3A_200 = arith.mulf %get3A_192, %get3A_199 : vector<16xf32>
      %add3A_201 = arith.addf %add3A_169, %mul3A_200 : vector<16xf32>
      %get3A_202 = arith.constant 0 : i32
      %get3A_203 = arith.constant 0 : i32
      %get3A_204 = tpu.memref_slice %arg5[%scan3A, %get3A_202, %get3A_203] : memref<2x128x128xf32, #tpu.memory_space<vmem>> -> memref<1x128x128xf32, #tpu.memory_space<vmem>>
      %get3A_205 = tpu.memref_squeeze %get3A_204 : memref<1x128x128xf32, #tpu.memory_space<vmem>> -> memref<128x128xf32, #tpu.memory_space<vmem>>
      %get3A_206 = arith.index_cast %add3A_92 : i32 to index
      %get3A_207 = arith.constant 112 : index
      %get3A_208 = tpu.vector_load %get3A_205[%get3A_206, %get3A_207] {strides = array<i32>} : memref<128x128xf32, #tpu.memory_space<vmem>>, vector<16xf32>,
      %get3A_209 = arith.constant 0 : i32
      %get3A_210 = arith.constant 0 : i32
      %get3A_211 = tpu.memref_slice %arg6[%scan3A_75, %get3A_209, %get3A_210] : memref<2x128x128xf32, #tpu.memory_space<vmem>> -> memref<1x128x128xf32, #tpu.memory_space<vmem>>
      %get3A_212 = tpu.memref_squeeze %get3A_211 : memref<1x128x128xf32, #tpu.memory_space<vmem>> -> memref<128x128xf32, #tpu.memory_space<vmem>>
      %get3A_213 = arith.index_cast %add3A_92 : i32 to index
      %get3A_214 = arith.constant 112 : index
      %get3A_215 = tpu.vector_load %get3A_212[%get3A_213, %get3A_214] {strides = array<i32>} : memref<128x128xf32, #tpu.memory_space<vmem>>, vector<16xf32>,
      %mul3A_216 = arith.mulf %get3A_208, %get3A_215 : vector<16xf32>
      %add3A_217 = arith.addf %add3A_185, %mul3A_216 : vector<16xf32>
      %add3A_218 = arith.addf %add3A_201, %add3A_217 : vector<16xf32>
      %gather3A = vector.shape_cast %reshape3A : vector<16x1xi32> to vector<16xi32>
      %gather3A_219 = tpu.dynamic_gather %add3A_218[%gather3A] in [0] : vector<16xf32>, vector<16xi32> -> vector<16xf32>
      %add3A_220 = arith.addf %add3A_218, %gather3A_219 : vector<16xf32>
      %gather3A_221 = vector.shape_cast %reshape3A_37 : vector<16x1xi32> to vector<16xi32>
      %gather3A_222 = tpu.dynamic_gather %add3A_220[%gather3A_221] in [0] : vector<16xf32>, vector<16xi32> -> vector<16xf32>
      %add3A_223 = arith.addf %add3A_220, %gather3A_222 : vector<16xf32>
      %gather3A_224 = vector.shape_cast %reshape3A_41 : vector<16x1xi32> to vector<16xi32>
      %gather3A_225 = tpu.dynamic_gather %add3A_223[%gather3A_224] in [0] : vector<16xf32>, vector<16xi32> -> vector<16xf32>
      %add3A_226 = arith.addf %add3A_223, %gather3A_225 : vector<16xf32>
      %gather3A_227 = vector.shape_cast %reshape3A_45 : vector<16x1xi32> to vector<16xi32>
      %gather3A_228 = tpu.dynamic_gather %add3A_226[%gather3A_227] in [0] : vector<16xf32>, vector<16xi32> -> vector<16xf32>
      %add3A_229 = arith.addf %add3A_226, %gather3A_228 : vector<16xf32>
      %eq3A = arith.constant 0 : i32
      %eq3A_230 = vector.broadcast %eq3A : i32 to vector<16xi32>
      %eq3A_231 = arith.cmpi eq, %iota3A, %eq3A_230 : vector<16xi32>
      %select_n3A = arith.select %eq3A_231, %add3A_229, %broadcast_in_dim3A_90 : vector<16xi1>, vector<16xf32>
      %add3A_232 = arith.constant 1 : i32
      %add3A_233 = arith.addi %add3A_89, %add3A_232 : i32
      %get3A_234 = arith.constant 0 : i32
      %get3A_235 = arith.constant 0 : i32
      %get3A_236 = tpu.memref_slice %arg5[%scan3A, %get3A_234, %get3A_235] : memref<2x128x128xf32, #tpu.memory_space<vmem>> -> memref<1x128x128xf32, #tpu.memory_space<vmem>>
      %get3A_237 = tpu.memref_squeeze %get3A_236 : memref<1x128x128xf32, #tpu.memory_space<vmem>> -> memref<128x128xf32, #tpu.memory_space<vmem>>
      %get3A_238 = arith.index_cast %add3A_233 : i32 to index
      %get3A_239 = arith.constant 0 : index
      %get3A_240 = tpu.vector_load %get3A_237[%get3A_238, %get3A_239] {strides = array<i32>} : memref<128x128xf32, #tpu.memory_space<vmem>>, vector<16xf32>,
      %get3A_241 = arith.constant 0 : i32
      %get3A_242 = arith.constant 0 : i32
      %get3A_243 = tpu.memref_slice %arg6[%scan3A_75, %get3A_241, %get3A_242] : memref<2x128x128xf32, #tpu.memory_space<vmem>> -> memref<1x128x128xf32, #tpu.memory_space<vmem>>
      %get3A_244 = tpu.memref_squeeze %get3A_243 : memref<1x128x128xf32, #tpu.memory_space<vmem>> -> memref<128x128xf32, #tpu.memory_space<vmem>>
      %get3A_245 = arith.index_cast %add3A_233 : i32 to index
      %get3A_246 = arith.constant 0 : index
      %get3A_247 = tpu.vector_load %get3A_244[%get3A_245, %get3A_246] {strides = array<i32>} : memref<128x128xf32, #tpu.memory_space<vmem>>, vector<16xf32>,
      %mul3A_248 = arith.mulf %get3A_240, %get3A_247 : vector<16xf32>
      %get3A_249 = arith.constant 0 : i32
      %get3A_250 = arith.constant 0 : i32
      %get3A_251 = tpu.memref_slice %arg5[%scan3A, %get3A_249, %get3A_250] : memref<2x128x128xf32, #tpu.memory_space<vmem>> -> memref<1x128x128xf32, #tpu.memory_space<vmem>>
      %get3A_252 = tpu.memref_squeeze %get3A_251 : memref<1x128x128xf32, #tpu.memory_space<vmem>> -> memref<128x128xf32, #tpu.memory_space<vmem>>
      %get3A_253 = arith.index_cast %add3A_233 : i32 to index
      %get3A_254 = arith.constant 64 : index
      %get3A_255 = tpu.vector_load %get3A_252[%get3A_253, %get3A_254] {strides = array<i32>} : memref<128x128xf32, #tpu.memory_space<vmem>>, vector<16xf32>,
      %get3A_256 = arith.constant 0 : i32
      %get3A_257 = arith.constant 0 : i32
      %get3A_258 = tpu.memref_slice %arg6[%scan3A_75, %get3A_256, %get3A_257] : memref<2x128x128xf32, #tpu.memory_space<vmem>> -> memref<1x128x128xf32, #tpu.memory_space<vmem>>
      %get3A_259 = tpu.memref_squeeze %get3A_258 : memref<1x128x128xf32, #tpu.memory_space<vmem>> -> memref<128x128xf32, #tpu.memory_space<vmem>>
      %get3A_260 = arith.index_cast %add3A_233 : i32 to index
      %get3A_261 = arith.constant 64 : index
      %get3A_262 = tpu.vector_load %get3A_259[%get3A_260, %get3A_261] {strides = array<i32>} : memref<128x128xf32, #tpu.memory_space<vmem>>, vector<16xf32>,
      %mul3A_263 = arith.mulf %get3A_255, %get3A_262 : vector<16xf32>
      %get3A_264 = arith.constant 0 : i32
      %get3A_265 = arith.constant 0 : i32
      %get3A_266 = tpu.memref_slice %arg5[%scan3A, %get3A_264, %get3A_265] : memref<2x128x128xf32, #tpu.memory_space<vmem>> -> memref<1x128x128xf32, #tpu.memory_space<vmem>>
      %get3A_267 = tpu.memref_squeeze %get3A_266 : memref<1x128x128xf32, #tpu.memory_space<vmem>> -> memref<128x128xf32, #tpu.memory_space<vmem>>
      %get3A_268 = arith.index_cast %add3A_233 : i32 to index
      %get3A_269 = arith.constant 16 : index
      %get3A_270 = tpu.vector_load %get3A_267[%get3A_268, %get3A_269] {strides = array<i32>} : memref<128x128xf32, #tpu.memory_space<vmem>>, vector<16xf32>,
      %get3A_271 = arith.constant 0 : i32
      %get3A_272 = arith.constant 0 : i32
      %get3A_273 = tpu.memref_slice %arg6[%scan3A_75, %get3A_271, %get3A_272] : memref<2x128x128xf32, #tpu.memory_space<vmem>> -> memref<1x128x128xf32, #tpu.memory_space<vmem>>
      %get3A_274 = tpu.memref_squeeze %get3A_273 : memref<1x128x128xf32, #tpu.memory_space<vmem>> -> memref<128x128xf32, #tpu.memory_space<vmem>>
      %get3A_275 = arith.index_cast %add3A_233 : i32 to index
      %get3A_276 = arith.constant 16 : index
      %get3A_277 = tpu.vector_load %get3A_274[%get3A_275, %get3A_276] {strides = array<i32>} : memref<128x128xf32, #tpu.memory_space<vmem>>, vector<16xf32>,
      %mul3A_278 = arith.mulf %get3A_270, %get3A_277 : vector<16xf32>
      %add3A_279 = arith.addf %mul3A_248, %mul3A_278 : vector<16xf32>
      %get3A_280 = arith.constant 0 : i32
      %get3A_281 = arith.constant 0 : i32
      %get3A_282 = tpu.memref_slice %arg5[%scan3A, %get3A_280, %get3A_281] : memref<2x128x128xf32, #tpu.memory_space<vmem>> -> memref<1x128x128xf32, #tpu.memory_space<vmem>>
      %get3A_283 = tpu.memref_squeeze %get3A_282 : memref<1x128x128xf32, #tpu.memory_space<vmem>> -> memref<128x128xf32, #tpu.memory_space<vmem>>
      %get3A_284 = arith.index_cast %add3A_233 : i32 to index
      %get3A_285 = arith.constant 80 : index
      %get3A_286 = tpu.vector_load %get3A_283[%get3A_284, %get3A_285] {strides = array<i32>} : memref<128x128xf32, #tpu.memory_space<vmem>>, vector<16xf32>,
      %get3A_287 = arith.constant 0 : i32
      %get3A_288 = arith.constant 0 : i32
      %get3A_289 = tpu.memref_slice %arg6[%scan3A_75, %get3A_287, %get3A_288] : memref<2x128x128xf32, #tpu.memory_space<vmem>> -> memref<1x128x128xf32, #tpu.memory_space<vmem>>
      %get3A_290 = tpu.memref_squeeze %get3A_289 : memref<1x128x128xf32, #tpu.memory_space<vmem>> -> memref<128x128xf32, #tpu.memory_space<vmem>>
      %get3A_291 = arith.index_cast %add3A_233 : i32 to index
      %get3A_292 = arith.constant 80 : index
      %get3A_293 = tpu.vector_load %get3A_290[%get3A_291, %get3A_292] {strides = array<i32>} : memref<128x128xf32, #tpu.memory_space<vmem>>, vector<16xf32>,
      %mul3A_294 = arith.mulf %get3A_286, %get3A_293 : vector<16xf32>
      %add3A_295 = arith.addf %mul3A_263, %mul3A_294 : vector<16xf32>
      %get3A_296 = arith.constant 0 : i32
      %get3A_297 = arith.constant 0 : i32
      %get3A_298 = tpu.memref_slice %arg5[%scan3A, %get3A_296, %get3A_297] : memref<2x128x128xf32, #tpu.memory_space<vmem>> -> memref<1x128x128xf32, #tpu.memory_space<vmem>>
      %get3A_299 = tpu.memref_squeeze %get3A_298 : memref<1x128x128xf32, #tpu.memory_space<vmem>> -> memref<128x128xf32, #tpu.memory_space<vmem>>
      %get3A_300 = arith.index_cast %add3A_233 : i32 to index
      %get3A_301 = arith.constant 32 : index
      %get3A_302 = tpu.vector_load %get3A_299[%get3A_300, %get3A_301] {strides = array<i32>} : memref<128x128xf32, #tpu.memory_space<vmem>>, vector<16xf32>,
      %get3A_303 = arith.constant 0 : i32
      %get3A_304 = arith.constant 0 : i32
      %get3A_305 = tpu.memref_slice %arg6[%scan3A_75, %get3A_303, %get3A_304] : memref<2x128x128xf32, #tpu.memory_space<vmem>> -> memref<1x128x128xf32, #tpu.memory_space<vmem>>
      %get3A_306 = tpu.memref_squeeze %get3A_305 : memref<1x128x128xf32, #tpu.memory_space<vmem>> -> memref<128x128xf32, #tpu.memory_space<vmem>>
      %get3A_307 = arith.index_cast %add3A_233 : i32 to index
      %get3A_308 = arith.constant 32 : index
      %get3A_309 = tpu.vector_load %get3A_306[%get3A_307, %get3A_308] {strides = array<i32>} : memref<128x128xf32, #tpu.memory_space<vmem>>, vector<16xf32>,
      %mul3A_310 = arith.mulf %get3A_302, %get3A_309 : vector<16xf32>
      %add3A_311 = arith.addf %add3A_279, %mul3A_310 : vector<16xf32>
      %get3A_312 = arith.constant 0 : i32
      %get3A_313 = arith.constant 0 : i32
      %get3A_314 = tpu.memref_slice %arg5[%scan3A, %get3A_312, %get3A_313] : memref<2x128x128xf32, #tpu.memory_space<vmem>> -> memref<1x128x128xf32, #tpu.memory_space<vmem>>
      %get3A_315 = tpu.memref_squeeze %get3A_314 : memref<1x128x128xf32, #tpu.memory_space<vmem>> -> memref<128x128xf32, #tpu.memory_space<vmem>>
      %get3A_316 = arith.index_cast %add3A_233 : i32 to index
      %get3A_317 = arith.constant 96 : index
      %get3A_318 = tpu.vector_load %get3A_315[%get3A_316, %get3A_317] {strides = array<i32>} : memref<128x128xf32, #tpu.memory_space<vmem>>, vector<16xf32>,
      %get3A_319 = arith.constant 0 : i32
      %get3A_320 = arith.constant 0 : i32
      %get3A_321 = tpu.memref_slice %arg6[%scan3A_75, %get3A_319, %get3A_320] : memref<2x128x128xf32, #tpu.memory_space<vmem>> -> memref<1x128x128xf32, #tpu.memory_space<vmem>>
      %get3A_322 = tpu.memref_squeeze %get3A_321 : memref<1x128x128xf32, #tpu.memory_space<vmem>> -> memref<128x128xf32, #tpu.memory_space<vmem>>
      %get3A_323 = arith.index_cast %add3A_233 : i32 to index
      %get3A_324 = arith.constant 96 : index
      %get3A_325 = tpu.vector_load %get3A_322[%get3A_323, %get3A_324] {strides = array<i32>} : memref<128x128xf32, #tpu.memory_space<vmem>>, vector<16xf32>,
      %mul3A_326 = arith.mulf %get3A_318, %get3A_325 : vector<16xf32>
      %add3A_327 = arith.addf %add3A_295, %mul3A_326 : vector<16xf32>
      %get3A_328 = arith.constant 0 : i32
      %get3A_329 = arith.constant 0 : i32
      %get3A_330 = tpu.memref_slice %arg5[%scan3A, %get3A_328, %get3A_329] : memref<2x128x128xf32, #tpu.memory_space<vmem>> -> memref<1x128x128xf32, #tpu.memory_space<vmem>>
      %get3A_331 = tpu.memref_squeeze %get3A_330 : memref<1x128x128xf32, #tpu.memory_space<vmem>> -> memref<128x128xf32, #tpu.memory_space<vmem>>
      %get3A_332 = arith.index_cast %add3A_233 : i32 to index
      %get3A_333 = arith.constant 48 : index
      %get3A_334 = tpu.vector_load %get3A_331[%get3A_332, %get3A_333] {strides = array<i32>} : memref<128x128xf32, #tpu.memory_space<vmem>>, vector<16xf32>,
      %get3A_335 = arith.constant 0 : i32
      %get3A_336 = arith.constant 0 : i32
      %get3A_337 = tpu.memref_slice %arg6[%scan3A_75, %get3A_335, %get3A_336] : memref<2x128x128xf32, #tpu.memory_space<vmem>> -> memref<1x128x128xf32, #tpu.memory_space<vmem>>
      %get3A_338 = tpu.memref_squeeze %get3A_337 : memref<1x128x128xf32, #tpu.memory_space<vmem>> -> memref<128x128xf32, #tpu.memory_space<vmem>>
      %get3A_339 = arith.index_cast %add3A_233 : i32 to index
      %get3A_340 = arith.constant 48 : index
      %get3A_341 = tpu.vector_load %get3A_338[%get3A_339, %get3A_340] {strides = array<i32>} : memref<128x128xf32, #tpu.memory_space<vmem>>, vector<16xf32>,
      %mul3A_342 = arith.mulf %get3A_334, %get3A_341 : vector<16xf32>
      %add3A_343 = arith.addf %add3A_311, %mul3A_342 : vector<16xf32>
      %get3A_344 = arith.constant 0 : i32
      %get3A_345 = arith.constant 0 : i32
      %get3A_346 = tpu.memref_slice %arg5[%scan3A, %get3A_344, %get3A_345] : memref<2x128x128xf32, #tpu.memory_space<vmem>> -> memref<1x128x128xf32, #tpu.memory_space<vmem>>
      %get3A_347 = tpu.memref_squeeze %get3A_346 : memref<1x128x128xf32, #tpu.memory_space<vmem>> -> memref<128x128xf32, #tpu.memory_space<vmem>>
      %get3A_348 = arith.index_cast %add3A_233 : i32 to index
      %get3A_349 = arith.constant 112 : index
      %get3A_350 = tpu.vector_load %get3A_347[%get3A_348, %get3A_349] {strides = array<i32>} : memref<128x128xf32, #tpu.memory_space<vmem>>, vector<16xf32>,
      %get3A_351 = arith.constant 0 : i32
      %get3A_352 = arith.constant 0 : i32
      %get3A_353 = tpu.memref_slice %arg6[%scan3A_75, %get3A_351, %get3A_352] : memref<2x128x128xf32, #tpu.memory_space<vmem>> -> memref<1x128x128xf32, #tpu.memory_space<vmem>>
      %get3A_354 = tpu.memref_squeeze %get3A_353 : memref<1x128x128xf32, #tpu.memory_space<vmem>> -> memref<128x128xf32, #tpu.memory_space<vmem>>
      %get3A_355 = arith.index_cast %add3A_233 : i32 to index
      %get3A_356 = arith.constant 112 : index
      %get3A_357 = tpu.vector_load %get3A_354[%get3A_355, %get3A_356] {strides = array<i32>} : memref<128x128xf32, #tpu.memory_space<vmem>>, vector<16xf32>,
      %mul3A_358 = arith.mulf %get3A_350, %get3A_357 : vector<16xf32>
      %add3A_359 = arith.addf %add3A_327, %mul3A_358 : vector<16xf32>
      %add3A_360 = arith.addf %add3A_343, %add3A_359 : vector<16xf32>
      %gather3A_361 = vector.shape_cast %reshape3A : vector<16x1xi32> to vector<16xi32>
      %gather3A_362 = tpu.dynamic_gather %add3A_360[%gather3A_361] in [0] : vector<16xf32>, vector<16xi32> -> vector<16xf32>
      %add3A_363 = arith.addf %add3A_360, %gather3A_362 : vector<16xf32>
      %gather3A_364 = vector.shape_cast %reshape3A_37 : vector<16x1xi32> to vector<16xi32>
      %gather3A_365 = tpu.dynamic_gather %add3A_363[%gather3A_364] in [0] : vector<16xf32>, vector<16xi32> -> vector<16xf32>
      %add3A_366 = arith.addf %add3A_363, %gather3A_365 : vector<16xf32>
      %gather3A_367 = vector.shape_cast %reshape3A_41 : vector<16x1xi32> to vector<16xi32>
      %gather3A_368 = tpu.dynamic_gather %add3A_366[%gather3A_367] in [0] : vector<16xf32>, vector<16xi32> -> vector<16xf32>
      %add3A_369 = arith.addf %add3A_366, %gather3A_368 : vector<16xf32>
      %gather3A_370 = vector.shape_cast %reshape3A_45 : vector<16x1xi32> to vector<16xi32>
      %gather3A_371 = tpu.dynamic_gather %add3A_369[%gather3A_370] in [0] : vector<16xf32>, vector<16xi32> -> vector<16xf32>
      %add3A_372 = arith.addf %add3A_369, %gather3A_371 : vector<16xf32>
      %eq3A_373 = arith.constant 1 : i32
      %eq3A_374 = vector.broadcast %eq3A_373 : i32 to vector<16xi32>
      %eq3A_375 = arith.cmpi eq, %iota3A, %eq3A_374 : vector<16xi32>
      %select_n3A_376 = arith.select %eq3A_375, %add3A_372, %select_n3A : vector<16xi1>, vector<16xf32>
      %add3A_377 = arith.constant 2 : i32
      %add3A_378 = arith.addi %add3A_89, %add3A_377 : i32
      %get3A_379 = arith.constant 0 : i32
      %get3A_380 = arith.constant 0 : i32
      %get3A_381 = tpu.memref_slice %arg5[%scan3A, %get3A_379, %get3A_380] : memref<2x128x128xf32, #tpu.memory_space<vmem>> -> memref<1x128x128xf32, #tpu.memory_space<vmem>>
      %get3A_382 = tpu.memref_squeeze %get3A_381 : memref<1x128x128xf32, #tpu.memory_space<vmem>> -> memref<128x128xf32, #tpu.memory_space<vmem>>
      %get3A_383 = arith.index_cast %add3A_378 : i32 to index
      %get3A_384 = arith.constant 0 : index
      %get3A_385 = tpu.vector_load %get3A_382[%get3A_383, %get3A_384] {strides = array<i32>} : memref<128x128xf32, #tpu.memory_space<vmem>>, vector<16xf32>,
      %get3A_386 = arith.constant 0 : i32
      %get3A_387 = arith.constant 0 : i32
      %get3A_388 = tpu.memref_slice %arg6[%scan3A_75, %get3A_386, %get3A_387] : memref<2x128x128xf32, #tpu.memory_space<vmem>> -> memref<1x128x128xf32, #tpu.memory_space<vmem>>
      %get3A_389 = tpu.memref_squeeze %get3A_388 : memref<1x128x128xf32, #tpu.memory_space<vmem>> -> memref<128x128xf32, #tpu.memory_space<vmem>>
      %get3A_390 = arith.index_cast %add3A_378 : i32 to index
      %get3A_391 = arith.constant 0 : index
      %get3A_392 = tpu.vector_load %get3A_389[%get3A_390, %get3A_391] {strides = array<i32>} : memref<128x128xf32, #tpu.memory_space<vmem>>, vector<16xf32>,
      %mul3A_393 = arith.mulf %get3A_385, %get3A_392 : vector<16xf32>
      %get3A_394 = arith.constant 0 : i32
      %get3A_395 = arith.constant 0 : i32
      %get3A_396 = tpu.memref_slice %arg5[%scan3A, %get3A_394, %get3A_395] : memref<2x128x128xf32, #tpu.memory_space<vmem>> -> memref<1x128x128xf32, #tpu.memory_space<vmem>>
      %get3A_397 = tpu.memref_squeeze %get3A_396 : memref<1x128x128xf32, #tpu.memory_space<vmem>> -> memref<128x128xf32, #tpu.memory_space<vmem>>
      %get3A_398 = arith.index_cast %add3A_378 : i32 to index
      %get3A_399 = arith.constant 64 : index
      %get3A_400 = tpu.vector_load %get3A_397[%get3A_398, %get3A_399] {strides = array<i32>} : memref<128x128xf32, #tpu.memory_space<vmem>>, vector<16xf32>,
      %get3A_401 = arith.constant 0 : i32
      %get3A_402 = arith.constant 0 : i32
      %get3A_403 = tpu.memref_slice %arg6[%scan3A_75, %get3A_401, %get3A_402] : memref<2x128x128xf32, #tpu.memory_space<vmem>> -> memref<1x128x128xf32, #tpu.memory_space<vmem>>
      %get3A_404 = tpu.memref_squeeze %get3A_403 : memref<1x128x128xf32, #tpu.memory_space<vmem>> -> memref<128x128xf32, #tpu.memory_space<vmem>>
      %get3A_405 = arith.index_cast %add3A_378 : i32 to index
      %get3A_406 = arith.constant 64 : index
      %get3A_407 = tpu.vector_load %get3A_404[%get3A_405, %get3A_406] {strides = array<i32>} : memref<128x128xf32, #tpu.memory_space<vmem>>, vector<16xf32>,
      %mul3A_408 = arith.mulf %get3A_400, %get3A_407 : vector<16xf32>
      %get3A_409 = arith.constant 0 : i32
      %get3A_410 = arith.constant 0 : i32
      %get3A_411 = tpu.memref_slice %arg5[%scan3A, %get3A_409, %get3A_410] : memref<2x128x128xf32, #tpu.memory_space<vmem>> -> memref<1x128x128xf32, #tpu.memory_space<vmem>>
      %get3A_412 = tpu.memref_squeeze %get3A_411 : memref<1x128x128xf32, #tpu.memory_space<vmem>> -> memref<128x128xf32, #tpu.memory_space<vmem>>
      %get3A_413 = arith.index_cast %add3A_378 : i32 to index
      %get3A_414 = arith.constant 16 : index
      %get3A_415 = tpu.vector_load %get3A_412[%get3A_413, %get3A_414] {strides = array<i32>} : memref<128x128xf32, #tpu.memory_space<vmem>>, vector<16xf32>,
      %get3A_416 = arith.constant 0 : i32
      %get3A_417 = arith.constant 0 : i32
      %get3A_418 = tpu.memref_slice %arg6[%scan3A_75, %get3A_416, %get3A_417] : memref<2x128x128xf32, #tpu.memory_space<vmem>> -> memref<1x128x128xf32, #tpu.memory_space<vmem>>
      %get3A_419 = tpu.memref_squeeze %get3A_418 : memref<1x128x128xf32, #tpu.memory_space<vmem>> -> memref<128x128xf32, #tpu.memory_space<vmem>>
      %get3A_420 = arith.index_cast %add3A_378 : i32 to index
      %get3A_421 = arith.constant 16 : index
      %get3A_422 = tpu.vector_load %get3A_419[%get3A_420, %get3A_421] {strides = array<i32>} : memref<128x128xf32, #tpu.memory_space<vmem>>, vector<16xf32>,
      %mul3A_423 = arith.mulf %get3A_415, %get3A_422 : vector<16xf32>
      %add3A_424 = arith.addf %mul3A_393, %mul3A_423 : vector<16xf32>
      %get3A_425 = arith.constant 0 : i32
      %get3A_426 = arith.constant 0 : i32
      %get3A_427 = tpu.memref_slice %arg5[%scan3A, %get3A_425, %get3A_426] : memref<2x128x128xf32, #tpu.memory_space<vmem>> -> memref<1x128x128xf32, #tpu.memory_space<vmem>>
      %get3A_428 = tpu.memref_squeeze %get3A_427 : memref<1x128x128xf32, #tpu.memory_space<vmem>> -> memref<128x128xf32, #tpu.memory_space<vmem>>
      %get3A_429 = arith.index_cast %add3A_378 : i32 to index
      %get3A_430 = arith.constant 80 : index
      %get3A_431 = tpu.vector_load %get3A_428[%get3A_429, %get3A_430] {strides = array<i32>} : memref<128x128xf32, #tpu.memory_space<vmem>>, vector<16xf32>,
      %get3A_432 = arith.constant 0 : i32
      %get3A_433 = arith.constant 0 : i32
      %get3A_434 = tpu.memref_slice %arg6[%scan3A_75, %get3A_432, %get3A_433] : memref<2x128x128xf32, #tpu.memory_space<vmem>> -> memref<1x128x128xf32, #tpu.memory_space<vmem>>
      %get3A_435 = tpu.memref_squeeze %get3A_434 : memref<1x128x128xf32, #tpu.memory_space<vmem>> -> memref<128x128xf32, #tpu.memory_space<vmem>>
      %get3A_436 = arith.index_cast %add3A_378 : i32 to index
      %get3A_437 = arith.constant 80 : index
      %get3A_438 = tpu.vector_load %get3A_435[%get3A_436, %get3A_437] {strides = array<i32>} : memref<128x128xf32, #tpu.memory_space<vmem>>, vector<16xf32>,
      %mul3A_439 = arith.mulf %get3A_431, %get3A_438 : vector<16xf32>
      %add3A_440 = arith.addf %mul3A_408, %mul3A_439 : vector<16xf32>
      %get3A_441 = arith.constant 0 : i32
      %get3A_442 = arith.constant 0 : i32
      %get3A_443 = tpu.memref_slice %arg5[%scan3A, %get3A_441, %get3A_442] : memref<2x128x128xf32, #tpu.memory_space<vmem>> -> memref<1x128x128xf32, #tpu.memory_space<vmem>>
      %get3A_444 = tpu.memref_squeeze %get3A_443 : memref<1x128x128xf32, #tpu.memory_space<vmem>> -> memref<128x128xf32, #tpu.memory_space<vmem>>
      %get3A_445 = arith.index_cast %add3A_378 : i32 to index
      %get3A_446 = arith.constant 32 : index
      %get3A_447 = tpu.vector_load %get3A_444[%get3A_445, %get3A_446] {strides = array<i32>} : memref<128x128xf32, #tpu.memory_space<vmem>>, vector<16xf32>,
      %get3A_448 = arith.constant 0 : i32
      %get3A_449 = arith.constant 0 : i32
      %get3A_450 = tpu.memref_slice %arg6[%scan3A_75, %get3A_448, %get3A_449] : memref<2x128x128xf32, #tpu.memory_space<vmem>> -> memref<1x128x128xf32, #tpu.memory_space<vmem>>
      %get3A_451 = tpu.memref_squeeze %get3A_450 : memref<1x128x128xf32, #tpu.memory_space<vmem>> -> memref<128x128xf32, #tpu.memory_space<vmem>>
      %get3A_452 = arith.index_cast %add3A_378 : i32 to index
      %get3A_453 = arith.constant 32 : index
      %get3A_454 = tpu.vector_load %get3A_451[%get3A_452, %get3A_453] {strides = array<i32>} : memref<128x128xf32, #tpu.memory_space<vmem>>, vector<16xf32>,
      %mul3A_455 = arith.mulf %get3A_447, %get3A_454 : vector<16xf32>
      %add3A_456 = arith.addf %add3A_424, %mul3A_455 : vector<16xf32>
      %get3A_457 = arith.constant 0 : i32
      %get3A_458 = arith.constant 0 : i32
      %get3A_459 = tpu.memref_slice %arg5[%scan3A, %get3A_457, %get3A_458] : memref<2x128x128xf32, #tpu.memory_space<vmem>> -> memref<1x128x128xf32, #tpu.memory_space<vmem>>
      %get3A_460 = tpu.memref_squeeze %get3A_459 : memref<1x128x128xf32, #tpu.memory_space<vmem>> -> memref<128x128xf32, #tpu.memory_space<vmem>>
      %get3A_461 = arith.index_cast %add3A_378 : i32 to index
      %get3A_462 = arith.constant 96 : index
      %get3A_463 = tpu.vector_load %get3A_460[%get3A_461, %get3A_462] {strides = array<i32>} : memref<128x128xf32, #tpu.memory_space<vmem>>, vector<16xf32>,
      %get3A_464 = arith.constant 0 : i32
      %get3A_465 = arith.constant 0 : i32
      %get3A_466 = tpu.memref_slice %arg6[%scan3A_75, %get3A_464, %get3A_465] : memref<2x128x128xf32, #tpu.memory_space<vmem>> -> memref<1x128x128xf32, #tpu.memory_space<vmem>>
      %get3A_467 = tpu.memref_squeeze %get3A_466 : memref<1x128x128xf32, #tpu.memory_space<vmem>> -> memref<128x128xf32, #tpu.memory_space<vmem>>
      %get3A_468 = arith.index_cast %add3A_378 : i32 to index
      %get3A_469 = arith.constant 96 : index
      %get3A_470 = tpu.vector_load %get3A_467[%get3A_468, %get3A_469] {strides = array<i32>} : memref<128x128xf32, #tpu.memory_space<vmem>>, vector<16xf32>,
      %mul3A_471 = arith.mulf %get3A_463, %get3A_470 : vector<16xf32>
      %add3A_472 = arith.addf %add3A_440, %mul3A_471 : vector<16xf32>
      %get3A_473 = arith.constant 0 : i32
      %get3A_474 = arith.constant 0 : i32
      %get3A_475 = tpu.memref_slice %arg5[%scan3A, %get3A_473, %get3A_474] : memref<2x128x128xf32, #tpu.memory_space<vmem>> -> memref<1x128x128xf32, #tpu.memory_space<vmem>>
      %get3A_476 = tpu.memref_squeeze %get3A_475 : memref<1x128x128xf32, #tpu.memory_space<vmem>> -> memref<128x128xf32, #tpu.memory_space<vmem>>
      %get3A_477 = arith.index_cast %add3A_378 : i32 to index
      %get3A_478 = arith.constant 48 : index
      %get3A_479 = tpu.vector_load %get3A_476[%get3A_477, %get3A_478] {strides = array<i32>} : memref<128x128xf32, #tpu.memory_space<vmem>>, vector<16xf32>,
      %get3A_480 = arith.constant 0 : i32
      %get3A_481 = arith.constant 0 : i32
      %get3A_482 = tpu.memref_slice %arg6[%scan3A_75, %get3A_480, %get3A_481] : memref<2x128x128xf32, #tpu.memory_space<vmem>> -> memref<1x128x128xf32, #tpu.memory_space<vmem>>
      %get3A_483 = tpu.memref_squeeze %get3A_482 : memref<1x128x128xf32, #tpu.memory_space<vmem>> -> memref<128x128xf32, #tpu.memory_space<vmem>>
      %get3A_484 = arith.index_cast %add3A_378 : i32 to index
      %get3A_485 = arith.constant 48 : index
      %get3A_486 = tpu.vector_load %get3A_483[%get3A_484, %get3A_485] {strides = array<i32>} : memref<128x128xf32, #tpu.memory_space<vmem>>, vector<16xf32>,
      %mul3A_487 = arith.mulf %get3A_479, %get3A_486 : vector<16xf32>
      %add3A_488 = arith.addf %add3A_456, %mul3A_487 : vector<16xf32>
      %get3A_489 = arith.constant 0 : i32
      %get3A_490 = arith.constant 0 : i32
      %get3A_491 = tpu.memref_slice %arg5[%scan3A, %get3A_489, %get3A_490] : memref<2x128x128xf32, #tpu.memory_space<vmem>> -> memref<1x128x128xf32, #tpu.memory_space<vmem>>
      %get3A_492 = tpu.memref_squeeze %get3A_491 : memref<1x128x128xf32, #tpu.memory_space<vmem>> -> memref<128x128xf32, #tpu.memory_space<vmem>>
      %get3A_493 = arith.index_cast %add3A_378 : i32 to index
      %get3A_494 = arith.constant 112 : index
      %get3A_495 = tpu.vector_load %get3A_492[%get3A_493, %get3A_494] {strides = array<i32>} : memref<128x128xf32, #tpu.memory_space<vmem>>, vector<16xf32>,
      %get3A_496 = arith.constant 0 : i32
      %get3A_497 = arith.constant 0 : i32
      %get3A_498 = tpu.memref_slice %arg6[%scan3A_75, %get3A_496, %get3A_497] : memref<2x128x128xf32, #tpu.memory_space<vmem>> -> memref<1x128x128xf32, #tpu.memory_space<vmem>>
      %get3A_499 = tpu.memref_squeeze %get3A_498 : memref<1x128x128xf32, #tpu.memory_space<vmem>> -> memref<128x128xf32, #tpu.memory_space<vmem>>
      %get3A_500 = arith.index_cast %add3A_378 : i32 to index
      %get3A_501 = arith.constant 112 : index
      %get3A_502 = tpu.vector_load %get3A_499[%get3A_500, %get3A_501] {strides = array<i32>} : memref<128x128xf32, #tpu.memory_space<vmem>>, vector<16xf32>,
      %mul3A_503 = arith.mulf %get3A_495, %get3A_502 : vector<16xf32>
      %add3A_504 = arith.addf %add3A_472, %mul3A_503 : vector<16xf32>
      %add3A_505 = arith.addf %add3A_488, %add3A_504 : vector<16xf32>
      %gather3A_506 = vector.shape_cast %reshape3A : vector<16x1xi32> to vector<16xi32>
      %gather3A_507 = tpu.dynamic_gather %add3A_505[%gather3A_506] in [0] : vector<16xf32>, vector<16xi32> -> vector<16xf32>
      %add3A_508 = arith.addf %add3A_505, %gather3A_507 : vector<16xf32>
      %gather3A_509 = vector.shape_cast %reshape3A_37 : vector<16x1xi32> to vector<16xi32>
      %gather3A_510 = tpu.dynamic_gather %add3A_508[%gather3A_509] in [0] : vector<16xf32>, vector<16xi32> -> vector<16xf32>
      %add3A_511 = arith.addf %add3A_508, %gather3A_510 : vector<16xf32>
      %gather3A_512 = vector.shape_cast %reshape3A_41 : vector<16x1xi32> to vector<16xi32>
      %gather3A_513 = tpu.dynamic_gather %add3A_511[%gather3A_512] in [0] : vector<16xf32>, vector<16xi32> -> vector<16xf32>
      %add3A_514 = arith.addf %add3A_511, %gather3A_513 : vector<16xf32>
      %gather3A_515 = vector.shape_cast %reshape3A_45 : vector<16x1xi32> to vector<16xi32>
      %gather3A_516 = tpu.dynamic_gather %add3A_514[%gather3A_515] in [0] : vector<16xf32>, vector<16xi32> -> vector<16xf32>
      %add3A_517 = arith.addf %add3A_514, %gather3A_516 : vector<16xf32>
      %eq3A_518 = arith.constant 2 : i32
      %eq3A_519 = vector.broadcast %eq3A_518 : i32 to vector<16xi32>
      %eq3A_520 = arith.cmpi eq, %iota3A, %eq3A_519 : vector<16xi32>
      %select_n3A_521 = arith.select %eq3A_520, %add3A_517, %select_n3A_376 : vector<16xi1>, vector<16xf32>
      %add3A_522 = arith.constant 3 : i32
      %add3A_523 = arith.addi %add3A_89, %add3A_522 : i32
      %get3A_524 = arith.constant 0 : i32
      %get3A_525 = arith.constant 0 : i32
      %get3A_526 = tpu.memref_slice %arg5[%scan3A, %get3A_524, %get3A_525] : memref<2x128x128xf32, #tpu.memory_space<vmem>> -> memref<1x128x128xf32, #tpu.memory_space<vmem>>
      %get3A_527 = tpu.memref_squeeze %get3A_526 : memref<1x128x128xf32, #tpu.memory_space<vmem>> -> memref<128x128xf32, #tpu.memory_space<vmem>>
      %get3A_528 = arith.index_cast %add3A_523 : i32 to index
      %get3A_529 = arith.constant 0 : index
      %get3A_530 = tpu.vector_load %get3A_527[%get3A_528, %get3A_529] {strides = array<i32>} : memref<128x128xf32, #tpu.memory_space<vmem>>, vector<16xf32>,
      %get3A_531 = arith.constant 0 : i32
      %get3A_532 = arith.constant 0 : i32
      %get3A_533 = tpu.memref_slice %arg6[%scan3A_75, %get3A_531, %get3A_532] : memref<2x128x128xf32, #tpu.memory_space<vmem>> -> memref<1x128x128xf32, #tpu.memory_space<vmem>>
      %get3A_534 = tpu.memref_squeeze %get3A_533 : memref<1x128x128xf32, #tpu.memory_space<vmem>> -> memref<128x128xf32, #tpu.memory_space<vmem>>
      %get3A_535 = arith.index_cast %add3A_523 : i32 to index
      %get3A_536 = arith.constant 0 : index
      %get3A_537 = tpu.vector_load %get3A_534[%get3A_535, %get3A_536] {strides = array<i32>} : memref<128x128xf32, #tpu.memory_space<vmem>>, vector<16xf32>,
      %mul3A_538 = arith.mulf %get3A_530, %get3A_537 : vector<16xf32>
      %get3A_539 = arith.constant 0 : i32
      %get3A_540 = arith.constant 0 : i32
      %get3A_541 = tpu.memref_slice %arg5[%scan3A, %get3A_539, %get3A_540] : memref<2x128x128xf32, #tpu.memory_space<vmem>> -> memref<1x128x128xf32, #tpu.memory_space<vmem>>
      %get3A_542 = tpu.memref_squeeze %get3A_541 : memref<1x128x128xf32, #tpu.memory_space<vmem>> -> memref<128x128xf32, #tpu.memory_space<vmem>>
      %get3A_543 = arith.index_cast %add3A_523 : i32 to index
      %get3A_544 = arith.constant 64 : index
      %get3A_545 = tpu.vector_load %get3A_542[%get3A_543, %get3A_544] {strides = array<i32>} : memref<128x128xf32, #tpu.memory_space<vmem>>, vector<16xf32>,
      %get3A_546 = arith.constant 0 : i32
      %get3A_547 = arith.constant 0 : i32
      %get3A_548 = tpu.memref_slice %arg6[%scan3A_75, %get3A_546, %get3A_547] : memref<2x128x128xf32, #tpu.memory_space<vmem>> -> memref<1x128x128xf32, #tpu.memory_space<vmem>>
      %get3A_549 = tpu.memref_squeeze %get3A_548 : memref<1x128x128xf32, #tpu.memory_space<vmem>> -> memref<128x128xf32, #tpu.memory_space<vmem>>
      %get3A_550 = arith.index_cast %add3A_523 : i32 to index
      %get3A_551 = arith.constant 64 : index
      %get3A_552 = tpu.vector_load %get3A_549[%get3A_550, %get3A_551] {strides = array<i32>} : memref<128x128xf32, #tpu.memory_space<vmem>>, vector<16xf32>,
      %mul3A_553 = arith.mulf %get3A_545, %get3A_552 : vector<16xf32>
      %get3A_554 = arith.constant 0 : i32
      %get3A_555 = arith.constant 0 : i32
      %get3A_556 = tpu.memref_slice %arg5[%scan3A, %get3A_554, %get3A_555] : memref<2x128x128xf32, #tpu.memory_space<vmem>> -> memref<1x128x128xf32, #tpu.memory_space<vmem>>
      %get3A_557 = tpu.memref_squeeze %get3A_556 : memref<1x128x128xf32, #tpu.memory_space<vmem>> -> memref<128x128xf32, #tpu.memory_space<vmem>>
      %get3A_558 = arith.index_cast %add3A_523 : i32 to index
      %get3A_559 = arith.constant 16 : index
      %get3A_560 = tpu.vector_load %get3A_557[%get3A_558, %get3A_559] {strides = array<i32>} : memref<128x128xf32, #tpu.memory_space<vmem>>, vector<16xf32>,
      %get3A_561 = arith.constant 0 : i32
      %get3A_562 = arith.constant 0 : i32
      %get3A_563 = tpu.memref_slice %arg6[%scan3A_75, %get3A_561, %get3A_562] : memref<2x128x128xf32, #tpu.memory_space<vmem>> -> memref<1x128x128xf32, #tpu.memory_space<vmem>>
      %get3A_564 = tpu.memref_squeeze %get3A_563 : memref<1x128x128xf32, #tpu.memory_space<vmem>> -> memref<128x128xf32, #tpu.memory_space<vmem>>
      %get3A_565 = arith.index_cast %add3A_523 : i32 to index
      %get3A_566 = arith.constant 16 : index
      %get3A_567 = tpu.vector_load %get3A_564[%get3A_565, %get3A_566] {strides = array<i32>} : memref<128x128xf32, #tpu.memory_space<vmem>>, vector<16xf32>,
      %mul3A_568 = arith.mulf %get3A_560, %get3A_567 : vector<16xf32>
      %add3A_569 = arith.addf %mul3A_538, %mul3A_568 : vector<16xf32>
      %get3A_570 = arith.constant 0 : i32
      %get3A_571 = arith.constant 0 : i32
      %get3A_572 = tpu.memref_slice %arg5[%scan3A, %get3A_570, %get3A_571] : memref<2x128x128xf32, #tpu.memory_space<vmem>> -> memref<1x128x128xf32, #tpu.memory_space<vmem>>
      %get3A_573 = tpu.memref_squeeze %get3A_572 : memref<1x128x128xf32, #tpu.memory_space<vmem>> -> memref<128x128xf32, #tpu.memory_space<vmem>>
      %get3A_574 = arith.index_cast %add3A_523 : i32 to index
      %get3A_575 = arith.constant 80 : index
      %get3A_576 = tpu.vector_load %get3A_573[%get3A_574, %get3A_575] {strides = array<i32>} : memref<128x128xf32, #tpu.memory_space<vmem>>, vector<16xf32>,
      %get3A_577 = arith.constant 0 : i32
      %get3A_578 = arith.constant 0 : i32
      %get3A_579 = tpu.memref_slice %arg6[%scan3A_75, %get3A_577, %get3A_578] : memref<2x128x128xf32, #tpu.memory_space<vmem>> -> memref<1x128x128xf32, #tpu.memory_space<vmem>>
      %get3A_580 = tpu.memref_squeeze %get3A_579 : memref<1x128x128xf32, #tpu.memory_space<vmem>> -> memref<128x128xf32, #tpu.memory_space<vmem>>
      %get3A_581 = arith.index_cast %add3A_523 : i32 to index
      %get3A_582 = arith.constant 80 : index
      %get3A_583 = tpu.vector_load %get3A_580[%get3A_581, %get3A_582] {strides = array<i32>} : memref<128x128xf32, #tpu.memory_space<vmem>>, vector<16xf32>,
      %mul3A_584 = arith.mulf %get3A_576, %get3A_583 : vector<16xf32>
      %add3A_585 = arith.addf %mul3A_553, %mul3A_584 : vector<16xf32>
      %get3A_586 = arith.constant 0 : i32
      %get3A_587 = arith.constant 0 : i32
      %get3A_588 = tpu.memref_slice %arg5[%scan3A, %get3A_586, %get3A_587] : memref<2x128x128xf32, #tpu.memory_space<vmem>> -> memref<1x128x128xf32, #tpu.memory_space<vmem>>
      %get3A_589 = tpu.memref_squeeze %get3A_588 : memref<1x128x128xf32, #tpu.memory_space<vmem>> -> memref<128x128xf32, #tpu.memory_space<vmem>>
      %get3A_590 = arith.index_cast %add3A_523 : i32 to index
      %get3A_591 = arith.constant 32 : index
      %get3A_592 = tpu.vector_load %get3A_589[%get3A_590, %get3A_591] {strides = array<i32>} : memref<128x128xf32, #tpu.memory_space<vmem>>, vector<16xf32>,
      %get3A_593 = arith.constant 0 : i32
      %get3A_594 = arith.constant 0 : i32
      %get3A_595 = tpu.memref_slice %arg6[%scan3A_75, %get3A_593, %get3A_594] : memref<2x128x128xf32, #tpu.memory_space<vmem>> -> memref<1x128x128xf32, #tpu.memory_space<vmem>>
      %get3A_596 = tpu.memref_squeeze %get3A_595 : memref<1x128x128xf32, #tpu.memory_space<vmem>> -> memref<128x128xf32, #tpu.memory_space<vmem>>
      %get3A_597 = arith.index_cast %add3A_523 : i32 to index
      %get3A_598 = arith.constant 32 : index
      %get3A_599 = tpu.vector_load %get3A_596[%get3A_597, %get3A_598] {strides = array<i32>} : memref<128x128xf32, #tpu.memory_space<vmem>>, vector<16xf32>,
      %mul3A_600 = arith.mulf %get3A_592, %get3A_599 : vector<16xf32>
      %add3A_601 = arith.addf %add3A_569, %mul3A_600 : vector<16xf32>
      %get3A_602 = arith.constant 0 : i32
      %get3A_603 = arith.constant 0 : i32
      %get3A_604 = tpu.memref_slice %arg5[%scan3A, %get3A_602, %get3A_603] : memref<2x128x128xf32, #tpu.memory_space<vmem>> -> memref<1x128x128xf32, #tpu.memory_space<vmem>>
      %get3A_605 = tpu.memref_squeeze %get3A_604 : memref<1x128x128xf32, #tpu.memory_space<vmem>> -> memref<128x128xf32, #tpu.memory_space<vmem>>
      %get3A_606 = arith.index_cast %add3A_523 : i32 to index
      %get3A_607 = arith.constant 96 : index
      %get3A_608 = tpu.vector_load %get3A_605[%get3A_606, %get3A_607] {strides = array<i32>} : memref<128x128xf32, #tpu.memory_space<vmem>>, vector<16xf32>,
      %get3A_609 = arith.constant 0 : i32
      %get3A_610 = arith.constant 0 : i32
      %get3A_611 = tpu.memref_slice %arg6[%scan3A_75, %get3A_609, %get3A_610] : memref<2x128x128xf32, #tpu.memory_space<vmem>> -> memref<1x128x128xf32, #tpu.memory_space<vmem>>
      %get3A_612 = tpu.memref_squeeze %get3A_611 : memref<1x128x128xf32, #tpu.memory_space<vmem>> -> memref<128x128xf32, #tpu.memory_space<vmem>>
      %get3A_613 = arith.index_cast %add3A_523 : i32 to index
      %get3A_614 = arith.constant 96 : index
      %get3A_615 = tpu.vector_load %get3A_612[%get3A_613, %get3A_614] {strides = array<i32>} : memref<128x128xf32, #tpu.memory_space<vmem>>, vector<16xf32>,
      %mul3A_616 = arith.mulf %get3A_608, %get3A_615 : vector<16xf32>
      %add3A_617 = arith.addf %add3A_585, %mul3A_616 : vector<16xf32>
      %get3A_618 = arith.constant 0 : i32
      %get3A_619 = arith.constant 0 : i32
      %get3A_620 = tpu.memref_slice %arg5[%scan3A, %get3A_618, %get3A_619] : memref<2x128x128xf32, #tpu.memory_space<vmem>> -> memref<1x128x128xf32, #tpu.memory_space<vmem>>
      %get3A_621 = tpu.memref_squeeze %get3A_620 : memref<1x128x128xf32, #tpu.memory_space<vmem>> -> memref<128x128xf32, #tpu.memory_space<vmem>>
      %get3A_622 = arith.index_cast %add3A_523 : i32 to index
      %get3A_623 = arith.constant 48 : index
      %get3A_624 = tpu.vector_load %get3A_621[%get3A_622, %get3A_623] {strides = array<i32>} : memref<128x128xf32, #tpu.memory_space<vmem>>, vector<16xf32>,
      %get3A_625 = arith.constant 0 : i32
      %get3A_626 = arith.constant 0 : i32
      %get3A_627 = tpu.memref_slice %arg6[%scan3A_75, %get3A_625, %get3A_626] : memref<2x128x128xf32, #tpu.memory_space<vmem>> -> memref<1x128x128xf32, #tpu.memory_space<vmem>>
      %get3A_628 = tpu.memref_squeeze %get3A_627 : memref<1x128x128xf32, #tpu.memory_space<vmem>> -> memref<128x128xf32, #tpu.memory_space<vmem>>
      %get3A_629 = arith.index_cast %add3A_523 : i32 to index
      %get3A_630 = arith.constant 48 : index
      %get3A_631 = tpu.vector_load %get3A_628[%get3A_629, %get3A_630] {strides = array<i32>} : memref<128x128xf32, #tpu.memory_space<vmem>>, vector<16xf32>,
      %mul3A_632 = arith.mulf %get3A_624, %get3A_631 : vector<16xf32>
      %add3A_633 = arith.addf %add3A_601, %mul3A_632 : vector<16xf32>
      %get3A_634 = arith.constant 0 : i32
      %get3A_635 = arith.constant 0 : i32
      %get3A_636 = tpu.memref_slice %arg5[%scan3A, %get3A_634, %get3A_635] : memref<2x128x128xf32, #tpu.memory_space<vmem>> -> memref<1x128x128xf32, #tpu.memory_space<vmem>>
      %get3A_637 = tpu.memref_squeeze %get3A_636 : memref<1x128x128xf32, #tpu.memory_space<vmem>> -> memref<128x128xf32, #tpu.memory_space<vmem>>
      %get3A_638 = arith.index_cast %add3A_523 : i32 to index
      %get3A_639 = arith.constant 112 : index
      %get3A_640 = tpu.vector_load %get3A_637[%get3A_638, %get3A_639] {strides = array<i32>} : memref<128x128xf32, #tpu.memory_space<vmem>>, vector<16xf32>,
      %get3A_641 = arith.constant 0 : i32
      %get3A_642 = arith.constant 0 : i32
      %get3A_643 = tpu.memref_slice %arg6[%scan3A_75, %get3A_641, %get3A_642] : memref<2x128x128xf32, #tpu.memory_space<vmem>> -> memref<1x128x128xf32, #tpu.memory_space<vmem>>
      %get3A_644 = tpu.memref_squeeze %get3A_643 : memref<1x128x128xf32, #tpu.memory_space<vmem>> -> memref<128x128xf32, #tpu.memory_space<vmem>>
      %get3A_645 = arith.index_cast %add3A_523 : i32 to index
      %get3A_646 = arith.constant 112 : index
      %get3A_647 = tpu.vector_load %get3A_644[%get3A_645, %get3A_646] {strides = array<i32>} : memref<128x128xf32, #tpu.memory_space<vmem>>, vector<16xf32>,
      %mul3A_648 = arith.mulf %get3A_640, %get3A_647 : vector<16xf32>
      %add3A_649 = arith.addf %add3A_617, %mul3A_648 : vector<16xf32>
      %add3A_650 = arith.addf %add3A_633, %add3A_649 : vector<16xf32>
      %gather3A_651 = vector.shape_cast %reshape3A : vector<16x1xi32> to vector<16xi32>
      %gather3A_652 = tpu.dynamic_gather %add3A_650[%gather3A_651] in [0] : vector<16xf32>, vector<16xi32> -> vector<16xf32>
      %add3A_653 = arith.addf %add3A_650, %gather3A_652 : vector<16xf32>
      %gather3A_654 = vector.shape_cast %reshape3A_37 : vector<16x1xi32> to vector<16xi32>
      %gather3A_655 = tpu.dynamic_gather %add3A_653[%gather3A_654] in [0] : vector<16xf32>, vector<16xi32> -> vector<16xf32>
      %add3A_656 = arith.addf %add3A_653, %gather3A_655 : vector<16xf32>
      %gather3A_657 = vector.shape_cast %reshape3A_41 : vector<16x1xi32> to vector<16xi32>
      %gather3A_658 = tpu.dynamic_gather %add3A_656[%gather3A_657] in [0] : vector<16xf32>, vector<16xi32> -> vector<16xf32>
      %add3A_659 = arith.addf %add3A_656, %gather3A_658 : vector<16xf32>
      %gather3A_660 = vector.shape_cast %reshape3A_45 : vector<16x1xi32> to vector<16xi32>
      %gather3A_661 = tpu.dynamic_gather %add3A_659[%gather3A_660] in [0] : vector<16xf32>, vector<16xi32> -> vector<16xf32>
      %add3A_662 = arith.addf %add3A_659, %gather3A_661 : vector<16xf32>
      %eq3A_663 = arith.constant 3 : i32
      %eq3A_664 = vector.broadcast %eq3A_663 : i32 to vector<16xi32>
      %eq3A_665 = arith.cmpi eq, %iota3A, %eq3A_664 : vector<16xi32>
      %select_n3A_666 = arith.select %eq3A_665, %add3A_662, %select_n3A_521 : vector<16xi1>, vector<16xf32>
      %add3A_667 = arith.constant 4 : i32
      %add3A_668 = arith.addi %add3A_89, %add3A_667 : i32
      %get3A_669 = arith.constant 0 : i32
      %get3A_670 = arith.constant 0 : i32
      %get3A_671 = tpu.memref_slice %arg5[%scan3A, %get3A_669, %get3A_670] : memref<2x128x128xf32, #tpu.memory_space<vmem>> -> memref<1x128x128xf32, #tpu.memory_space<vmem>>
      %get3A_672 = tpu.memref_squeeze %get3A_671 : memref<1x128x128xf32, #tpu.memory_space<vmem>> -> memref<128x128xf32, #tpu.memory_space<vmem>>
      %get3A_673 = arith.index_cast %add3A_668 : i32 to index
      %get3A_674 = arith.constant 0 : index
      %get3A_675 = tpu.vector_load %get3A_672[%get3A_673, %get3A_674] {strides = array<i32>} : memref<128x128xf32, #tpu.memory_space<vmem>>, vector<16xf32>,
      %get3A_676 = arith.constant 0 : i32
      %get3A_677 = arith.constant 0 : i32
      %get3A_678 = tpu.memref_slice %arg6[%scan3A_75, %get3A_676, %get3A_677] : memref<2x128x128xf32, #tpu.memory_space<vmem>> -> memref<1x128x128xf32, #tpu.memory_space<vmem>>
      %get3A_679 = tpu.memref_squeeze %get3A_678 : memref<1x128x128xf32, #tpu.memory_space<vmem>> -> memref<128x128xf32, #tpu.memory_space<vmem>>
      %get3A_680 = arith.index_cast %add3A_668 : i32 to index
      %get3A_681 = arith.constant 0 : index
      %get3A_682 = tpu.vector_load %get3A_679[%get3A_680, %get3A_681] {strides = array<i32>} : memref<128x128xf32, #tpu.memory_space<vmem>>, vector<16xf32>,
      %mul3A_683 = arith.mulf %get3A_675, %get3A_682 : vector<16xf32>
      %get3A_684 = arith.constant 0 : i32
      %get3A_685 = arith.constant 0 : i32
      %get3A_686 = tpu.memref_slice %arg5[%scan3A, %get3A_684, %get3A_685] : memref<2x128x128xf32, #tpu.memory_space<vmem>> -> memref<1x128x128xf32, #tpu.memory_space<vmem>>
      %get3A_687 = tpu.memref_squeeze %get3A_686 : memref<1x128x128xf32, #tpu.memory_space<vmem>> -> memref<128x128xf32, #tpu.memory_space<vmem>>
      %get3A_688 = arith.index_cast %add3A_668 : i32 to index
      %get3A_689 = arith.constant 64 : index
      %get3A_690 = tpu.vector_load %get3A_687[%get3A_688, %get3A_689] {strides = array<i32>} : memref<128x128xf32, #tpu.memory_space<vmem>>, vector<16xf32>,
      %get3A_691 = arith.constant 0 : i32
      %get3A_692 = arith.constant 0 : i32
      %get3A_693 = tpu.memref_slice %arg6[%scan3A_75, %get3A_691, %get3A_692] : memref<2x128x128xf32, #tpu.memory_space<vmem>> -> memref<1x128x128xf32, #tpu.memory_space<vmem>>
      %get3A_694 = tpu.memref_squeeze %get3A_693 : memref<1x128x128xf32, #tpu.memory_space<vmem>> -> memref<128x128xf32, #tpu.memory_space<vmem>>
      %get3A_695 = arith.index_cast %add3A_668 : i32 to index
      %get3A_696 = arith.constant 64 : index
      %get3A_697 = tpu.vector_load %get3A_694[%get3A_695, %get3A_696] {strides = array<i32>} : memref<128x128xf32, #tpu.memory_space<vmem>>, vector<16xf32>,
      %mul3A_698 = arith.mulf %get3A_690, %get3A_697 : vector<16xf32>
      %get3A_699 = arith.constant 0 : i32
      %get3A_700 = arith.constant 0 : i32
      %get3A_701 = tpu.memref_slice %arg5[%scan3A, %get3A_699, %get3A_700] : memref<2x128x128xf32, #tpu.memory_space<vmem>> -> memref<1x128x128xf32, #tpu.memory_space<vmem>>
      %get3A_702 = tpu.memref_squeeze %get3A_701 : memref<1x128x128xf32, #tpu.memory_space<vmem>> -> memref<128x128xf32, #tpu.memory_space<vmem>>
      %get3A_703 = arith.index_cast %add3A_668 : i32 to index
      %get3A_704 = arith.constant 16 : index
      %get3A_705 = tpu.vector_load %get3A_702[%get3A_703, %get3A_704] {strides = array<i32>} : memref<128x128xf32, #tpu.memory_space<vmem>>, vector<16xf32>,
      %get3A_706 = arith.constant 0 : i32
      %get3A_707 = arith.constant 0 : i32
      %get3A_708 = tpu.memref_slice %arg6[%scan3A_75, %get3A_706, %get3A_707] : memref<2x128x128xf32, #tpu.memory_space<vmem>> -> memref<1x128x128xf32, #tpu.memory_space<vmem>>
      %get3A_709 = tpu.memref_squeeze %get3A_708 : memref<1x128x128xf32, #tpu.memory_space<vmem>> -> memref<128x128xf32, #tpu.memory_space<vmem>>
      %get3A_710 = arith.index_cast %add3A_668 : i32 to index
      %get3A_711 = arith.constant 16 : index
      %get3A_712 = tpu.vector_load %get3A_709[%get3A_710, %get3A_711] {strides = array<i32>} : memref<128x128xf32, #tpu.memory_space<vmem>>, vector<16xf32>,
      %mul3A_713 = arith.mulf %get3A_705, %get3A_712 : vector<16xf32>
      %add3A_714 = arith.addf %mul3A_683, %mul3A_713 : vector<16xf32>
      %get3A_715 = arith.constant 0 : i32
      %get3A_716 = arith.constant 0 : i32
      %get3A_717 = tpu.memref_slice %arg5[%scan3A, %get3A_715, %get3A_716] : memref<2x128x128xf32, #tpu.memory_space<vmem>> -> memref<1x128x128xf32, #tpu.memory_space<vmem>>
      %get3A_718 = tpu.memref_squeeze %get3A_717 : memref<1x128x128xf32, #tpu.memory_space<vmem>> -> memref<128x128xf32, #tpu.memory_space<vmem>>
      %get3A_719 = arith.index_cast %add3A_668 : i32 to index
      %get3A_720 = arith.constant 80 : index
      %get3A_721 = tpu.vector_load %get3A_718[%get3A_719, %get3A_720] {strides = array<i32>} : memref<128x128xf32, #tpu.memory_space<vmem>>, vector<16xf32>,
      %get3A_722 = arith.constant 0 : i32
      %get3A_723 = arith.constant 0 : i32
      %get3A_724 = tpu.memref_slice %arg6[%scan3A_75, %get3A_722, %get3A_723] : memref<2x128x128xf32, #tpu.memory_space<vmem>> -> memref<1x128x128xf32, #tpu.memory_space<vmem>>
      %get3A_725 = tpu.memref_squeeze %get3A_724 : memref<1x128x128xf32, #tpu.memory_space<vmem>> -> memref<128x128xf32, #tpu.memory_space<vmem>>
      %get3A_726 = arith.index_cast %add3A_668 : i32 to index
      %get3A_727 = arith.constant 80 : index
      %get3A_728 = tpu.vector_load %get3A_725[%get3A_726, %get3A_727] {strides = array<i32>} : memref<128x128xf32, #tpu.memory_space<vmem>>, vector<16xf32>,
      %mul3A_729 = arith.mulf %get3A_721, %get3A_728 : vector<16xf32>
      %add3A_730 = arith.addf %mul3A_698, %mul3A_729 : vector<16xf32>
      %get3A_731 = arith.constant 0 : i32
      %get3A_732 = arith.constant 0 : i32
      %get3A_733 = tpu.memref_slice %arg5[%scan3A, %get3A_731, %get3A_732] : memref<2x128x128xf32, #tpu.memory_space<vmem>> -> memref<1x128x128xf32, #tpu.memory_space<vmem>>
      %get3A_734 = tpu.memref_squeeze %get3A_733 : memref<1x128x128xf32, #tpu.memory_space<vmem>> -> memref<128x128xf32, #tpu.memory_space<vmem>>
      %get3A_735 = arith.index_cast %add3A_668 : i32 to index
      %get3A_736 = arith.constant 32 : index
      %get3A_737 = tpu.vector_load %get3A_734[%get3A_735, %get3A_736] {strides = array<i32>} : memref<128x128xf32, #tpu.memory_space<vmem>>, vector<16xf32>,
      %get3A_738 = arith.constant 0 : i32
      %get3A_739 = arith.constant 0 : i32
      %get3A_740 = tpu.memref_slice %arg6[%scan3A_75, %get3A_738, %get3A_739] : memref<2x128x128xf32, #tpu.memory_space<vmem>> -> memref<1x128x128xf32, #tpu.memory_space<vmem>>
      %get3A_741 = tpu.memref_squeeze %get3A_740 : memref<1x128x128xf32, #tpu.memory_space<vmem>> -> memref<128x128xf32, #tpu.memory_space<vmem>>
      %get3A_742 = arith.index_cast %add3A_668 : i32 to index
      %get3A_743 = arith.constant 32 : index
      %get3A_744 = tpu.vector_load %get3A_741[%get3A_742, %get3A_743] {strides = array<i32>} : memref<128x128xf32, #tpu.memory_space<vmem>>, vector<16xf32>,
      %mul3A_745 = arith.mulf %get3A_737, %get3A_744 : vector<16xf32>
      %add3A_746 = arith.addf %add3A_714, %mul3A_745 : vector<16xf32>
      %get3A_747 = arith.constant 0 : i32
      %get3A_748 = arith.constant 0 : i32
      %get3A_749 = tpu.memref_slice %arg5[%scan3A, %get3A_747, %get3A_748] : memref<2x128x128xf32, #tpu.memory_space<vmem>> -> memref<1x128x128xf32, #tpu.memory_space<vmem>>
      %get3A_750 = tpu.memref_squeeze %get3A_749 : memref<1x128x128xf32, #tpu.memory_space<vmem>> -> memref<128x128xf32, #tpu.memory_space<vmem>>
      %get3A_751 = arith.index_cast %add3A_668 : i32 to index
      %get3A_752 = arith.constant 96 : index
      %get3A_753 = tpu.vector_load %get3A_750[%get3A_751, %get3A_752] {strides = array<i32>} : memref<128x128xf32, #tpu.memory_space<vmem>>, vector<16xf32>,
      %get3A_754 = arith.constant 0 : i32
      %get3A_755 = arith.constant 0 : i32
      %get3A_756 = tpu.memref_slice %arg6[%scan3A_75, %get3A_754, %get3A_755] : memref<2x128x128xf32, #tpu.memory_space<vmem>> -> memref<1x128x128xf32, #tpu.memory_space<vmem>>
      %get3A_757 = tpu.memref_squeeze %get3A_756 : memref<1x128x128xf32, #tpu.memory_space<vmem>> -> memref<128x128xf32, #tpu.memory_space<vmem>>
      %get3A_758 = arith.index_cast %add3A_668 : i32 to index
      %get3A_759 = arith.constant 96 : index
      %get3A_760 = tpu.vector_load %get3A_757[%get3A_758, %get3A_759] {strides = array<i32>} : memref<128x128xf32, #tpu.memory_space<vmem>>, vector<16xf32>,
      %mul3A_761 = arith.mulf %get3A_753, %get3A_760 : vector<16xf32>
      %add3A_762 = arith.addf %add3A_730, %mul3A_761 : vector<16xf32>
      %get3A_763 = arith.constant 0 : i32
      %get3A_764 = arith.constant 0 : i32
      %get3A_765 = tpu.memref_slice %arg5[%scan3A, %get3A_763, %get3A_764] : memref<2x128x128xf32, #tpu.memory_space<vmem>> -> memref<1x128x128xf32, #tpu.memory_space<vmem>>
      %get3A_766 = tpu.memref_squeeze %get3A_765 : memref<1x128x128xf32, #tpu.memory_space<vmem>> -> memref<128x128xf32, #tpu.memory_space<vmem>>
      %get3A_767 = arith.index_cast %add3A_668 : i32 to index
      %get3A_768 = arith.constant 48 : index
      %get3A_769 = tpu.vector_load %get3A_766[%get3A_767, %get3A_768] {strides = array<i32>} : memref<128x128xf32, #tpu.memory_space<vmem>>, vector<16xf32>,
      %get3A_770 = arith.constant 0 : i32
      %get3A_771 = arith.constant 0 : i32
      %get3A_772 = tpu.memref_slice %arg6[%scan3A_75, %get3A_770, %get3A_771] : memref<2x128x128xf32, #tpu.memory_space<vmem>> -> memref<1x128x128xf32, #tpu.memory_space<vmem>>
      %get3A_773 = tpu.memref_squeeze %get3A_772 : memref<1x128x128xf32, #tpu.memory_space<vmem>> -> memref<128x128xf32, #tpu.memory_space<vmem>>
      %get3A_774 = arith.index_cast %add3A_668 : i32 to index
      %get3A_775 = arith.constant 48 : index
      %get3A_776 = tpu.vector_load %get3A_773[%get3A_774, %get3A_775] {strides = array<i32>} : memref<128x128xf32, #tpu.memory_space<vmem>>, vector<16xf32>,
      %mul3A_777 = arith.mulf %get3A_769, %get3A_776 : vector<16xf32>
      %add3A_778 = arith.addf %add3A_746, %mul3A_777 : vector<16xf32>
      %get3A_779 = arith.constant 0 : i32
      %get3A_780 = arith.constant 0 : i32
      %get3A_781 = tpu.memref_slice %arg5[%scan3A, %get3A_779, %get3A_780] : memref<2x128x128xf32, #tpu.memory_space<vmem>> -> memref<1x128x128xf32, #tpu.memory_space<vmem>>
      %get3A_782 = tpu.memref_squeeze %get3A_781 : memref<1x128x128xf32, #tpu.memory_space<vmem>> -> memref<128x128xf32, #tpu.memory_space<vmem>>
      %get3A_783 = arith.index_cast %add3A_668 : i32 to index
      %get3A_784 = arith.constant 112 : index
      %get3A_785 = tpu.vector_load %get3A_782[%get3A_783, %get3A_784] {strides = array<i32>} : memref<128x128xf32, #tpu.memory_space<vmem>>, vector<16xf32>,
      %get3A_786 = arith.constant 0 : i32
      %get3A_787 = arith.constant 0 : i32
      %get3A_788 = tpu.memref_slice %arg6[%scan3A_75, %get3A_786, %get3A_787] : memref<2x128x128xf32, #tpu.memory_space<vmem>> -> memref<1x128x128xf32, #tpu.memory_space<vmem>>
      %get3A_789 = tpu.memref_squeeze %get3A_788 : memref<1x128x128xf32, #tpu.memory_space<vmem>> -> memref<128x128xf32, #tpu.memory_space<vmem>>
      %get3A_790 = arith.index_cast %add3A_668 : i32 to index
      %get3A_791 = arith.constant 112 : index
      %get3A_792 = tpu.vector_load %get3A_789[%get3A_790, %get3A_791] {strides = array<i32>} : memref<128x128xf32, #tpu.memory_space<vmem>>, vector<16xf32>,
      %mul3A_793 = arith.mulf %get3A_785, %get3A_792 : vector<16xf32>
      %add3A_794 = arith.addf %add3A_762, %mul3A_793 : vector<16xf32>
      %add3A_795 = arith.addf %add3A_778, %add3A_794 : vector<16xf32>
      %gather3A_796 = vector.shape_cast %reshape3A : vector<16x1xi32> to vector<16xi32>
      %gather3A_797 = tpu.dynamic_gather %add3A_795[%gather3A_796] in [0] : vector<16xf32>, vector<16xi32> -> vector<16xf32>
      %add3A_798 = arith.addf %add3A_795, %gather3A_797 : vector<16xf32>
      %gather3A_799 = vector.shape_cast %reshape3A_37 : vector<16x1xi32> to vector<16xi32>
      %gather3A_800 = tpu.dynamic_gather %add3A_798[%gather3A_799] in [0] : vector<16xf32>, vector<16xi32> -> vector<16xf32>
      %add3A_801 = arith.addf %add3A_798, %gather3A_800 : vector<16xf32>
      %gather3A_802 = vector.shape_cast %reshape3A_41 : vector<16x1xi32> to vector<16xi32>
      %gather3A_803 = tpu.dynamic_gather %add3A_801[%gather3A_802] in [0] : vector<16xf32>, vector<16xi32> -> vector<16xf32>
      %add3A_804 = arith.addf %add3A_801, %gather3A_803 : vector<16xf32>
      %gather3A_805 = vector.shape_cast %reshape3A_45 : vector<16x1xi32> to vector<16xi32>
      %gather3A_806 = tpu.dynamic_gather %add3A_804[%gather3A_805] in [0] : vector<16xf32>, vector<16xi32> -> vector<16xf32>
      %add3A_807 = arith.addf %add3A_804, %gather3A_806 : vector<16xf32>
      %eq3A_808 = arith.constant 4 : i32
      %eq3A_809 = vector.broadcast %eq3A_808 : i32 to vector<16xi32>
      %eq3A_810 = arith.cmpi eq, %iota3A, %eq3A_809 : vector<16xi32>
      %select_n3A_811 = arith.select %eq3A_810, %add3A_807, %select_n3A_666 : vector<16xi1>, vector<16xf32>
      %add3A_812 = arith.constant 5 : i32
      %add3A_813 = arith.addi %add3A_89, %add3A_812 : i32
      %get3A_814 = arith.constant 0 : i32
      %get3A_815 = arith.constant 0 : i32
      %get3A_816 = tpu.memref_slice %arg5[%scan3A, %get3A_814, %get3A_815] : memref<2x128x128xf32, #tpu.memory_space<vmem>> -> memref<1x128x128xf32, #tpu.memory_space<vmem>>
      %get3A_817 = tpu.memref_squeeze %get3A_816 : memref<1x128x128xf32, #tpu.memory_space<vmem>> -> memref<128x128xf32, #tpu.memory_space<vmem>>
      %get3A_818 = arith.index_cast %add3A_813 : i32 to index
      %get3A_819 = arith.constant 0 : index
      %get3A_820 = tpu.vector_load %get3A_817[%get3A_818, %get3A_819] {strides = array<i32>} : memref<128x128xf32, #tpu.memory_space<vmem>>, vector<16xf32>,
      %get3A_821 = arith.constant 0 : i32
      %get3A_822 = arith.constant 0 : i32
      %get3A_823 = tpu.memref_slice %arg6[%scan3A_75, %get3A_821, %get3A_822] : memref<2x128x128xf32, #tpu.memory_space<vmem>> -> memref<1x128x128xf32, #tpu.memory_space<vmem>>
      %get3A_824 = tpu.memref_squeeze %get3A_823 : memref<1x128x128xf32, #tpu.memory_space<vmem>> -> memref<128x128xf32, #tpu.memory_space<vmem>>
      %get3A_825 = arith.index_cast %add3A_813 : i32 to index
      %get3A_826 = arith.constant 0 : index
      %get3A_827 = tpu.vector_load %get3A_824[%get3A_825, %get3A_826] {strides = array<i32>} : memref<128x128xf32, #tpu.memory_space<vmem>>, vector<16xf32>,
      %mul3A_828 = arith.mulf %get3A_820, %get3A_827 : vector<16xf32>
      %get3A_829 = arith.constant 0 : i32
      %get3A_830 = arith.constant 0 : i32
      %get3A_831 = tpu.memref_slice %arg5[%scan3A, %get3A_829, %get3A_830] : memref<2x128x128xf32, #tpu.memory_space<vmem>> -> memref<1x128x128xf32, #tpu.memory_space<vmem>>
      %get3A_832 = tpu.memref_squeeze %get3A_831 : memref<1x128x128xf32, #tpu.memory_space<vmem>> -> memref<128x128xf32, #tpu.memory_space<vmem>>
      %get3A_833 = arith.index_cast %add3A_813 : i32 to index
      %get3A_834 = arith.constant 64 : index
      %get3A_835 = tpu.vector_load %get3A_832[%get3A_833, %get3A_834] {strides = array<i32>} : memref<128x128xf32, #tpu.memory_space<vmem>>, vector<16xf32>,
      %get3A_836 = arith.constant 0 : i32
      %get3A_837 = arith.constant 0 : i32
      %get3A_838 = tpu.memref_slice %arg6[%scan3A_75, %get3A_836, %get3A_837] : memref<2x128x128xf32, #tpu.memory_space<vmem>> -> memref<1x128x128xf32, #tpu.memory_space<vmem>>
      %get3A_839 = tpu.memref_squeeze %get3A_838 : memref<1x128x128xf32, #tpu.memory_space<vmem>> -> memref<128x128xf32, #tpu.memory_space<vmem>>
      %get3A_840 = arith.index_cast %add3A_813 : i32 to index
      %get3A_841 = arith.constant 64 : index
      %get3A_842 = tpu.vector_load %get3A_839[%get3A_840, %get3A_841] {strides = array<i32>} : memref<128x128xf32, #tpu.memory_space<vmem>>, vector<16xf32>,
      %mul3A_843 = arith.mulf %get3A_835, %get3A_842 : vector<16xf32>
      %get3A_844 = arith.constant 0 : i32
      %get3A_845 = arith.constant 0 : i32
      %get3A_846 = tpu.memref_slice %arg5[%scan3A, %get3A_844, %get3A_845] : memref<2x128x128xf32, #tpu.memory_space<vmem>> -> memref<1x128x128xf32, #tpu.memory_space<vmem>>
      %get3A_847 = tpu.memref_squeeze %get3A_846 : memref<1x128x128xf32, #tpu.memory_space<vmem>> -> memref<128x128xf32, #tpu.memory_space<vmem>>
      %get3A_848 = arith.index_cast %add3A_813 : i32 to index
      %get3A_849 = arith.constant 16 : index
      %get3A_850 = tpu.vector_load %get3A_847[%get3A_848, %get3A_849] {strides = array<i32>} : memref<128x128xf32, #tpu.memory_space<vmem>>, vector<16xf32>,
      %get3A_851 = arith.constant 0 : i32
      %get3A_852 = arith.constant 0 : i32
      %get3A_853 = tpu.memref_slice %arg6[%scan3A_75, %get3A_851, %get3A_852] : memref<2x128x128xf32, #tpu.memory_space<vmem>> -> memref<1x128x128xf32, #tpu.memory_space<vmem>>
      %get3A_854 = tpu.memref_squeeze %get3A_853 : memref<1x128x128xf32, #tpu.memory_space<vmem>> -> memref<128x128xf32, #tpu.memory_space<vmem>>
      %get3A_855 = arith.index_cast %add3A_813 : i32 to index
      %get3A_856 = arith.constant 16 : index
      %get3A_857 = tpu.vector_load %get3A_854[%get3A_855, %get3A_856] {strides = array<i32>} : memref<128x128xf32, #tpu.memory_space<vmem>>, vector<16xf32>,
      %mul3A_858 = arith.mulf %get3A_850, %get3A_857 : vector<16xf32>
      %add3A_859 = arith.addf %mul3A_828, %mul3A_858 : vector<16xf32>
      %get3A_860 = arith.constant 0 : i32
      %get3A_861 = arith.constant 0 : i32
      %get3A_862 = tpu.memref_slice %arg5[%scan3A, %get3A_860, %get3A_861] : memref<2x128x128xf32, #tpu.memory_space<vmem>> -> memref<1x128x128xf32, #tpu.memory_space<vmem>>
      %get3A_863 = tpu.memref_squeeze %get3A_862 : memref<1x128x128xf32, #tpu.memory_space<vmem>> -> memref<128x128xf32, #tpu.memory_space<vmem>>
      %get3A_864 = arith.index_cast %add3A_813 : i32 to index
      %get3A_865 = arith.constant 80 : index
      %get3A_866 = tpu.vector_load %get3A_863[%get3A_864, %get3A_865] {strides = array<i32>} : memref<128x128xf32, #tpu.memory_space<vmem>>, vector<16xf32>,
      %get3A_867 = arith.constant 0 : i32
      %get3A_868 = arith.constant 0 : i32
      %get3A_869 = tpu.memref_slice %arg6[%scan3A_75, %get3A_867, %get3A_868] : memref<2x128x128xf32, #tpu.memory_space<vmem>> -> memref<1x128x128xf32, #tpu.memory_space<vmem>>
      %get3A_870 = tpu.memref_squeeze %get3A_869 : memref<1x128x128xf32, #tpu.memory_space<vmem>> -> memref<128x128xf32, #tpu.memory_space<vmem>>
      %get3A_871 = arith.index_cast %add3A_813 : i32 to index
      %get3A_872 = arith.constant 80 : index
      %get3A_873 = tpu.vector_load %get3A_870[%get3A_871, %get3A_872] {strides = array<i32>} : memref<128x128xf32, #tpu.memory_space<vmem>>, vector<16xf32>,
      %mul3A_874 = arith.mulf %get3A_866, %get3A_873 : vector<16xf32>
      %add3A_875 = arith.addf %mul3A_843, %mul3A_874 : vector<16xf32>
      %get3A_876 = arith.constant 0 : i32
      %get3A_877 = arith.constant 0 : i32
      %get3A_878 = tpu.memref_slice %arg5[%scan3A, %get3A_876, %get3A_877] : memref<2x128x128xf32, #tpu.memory_space<vmem>> -> memref<1x128x128xf32, #tpu.memory_space<vmem>>
      %get3A_879 = tpu.memref_squeeze %get3A_878 : memref<1x128x128xf32, #tpu.memory_space<vmem>> -> memref<128x128xf32, #tpu.memory_space<vmem>>
      %get3A_880 = arith.index_cast %add3A_813 : i32 to index
      %get3A_881 = arith.constant 32 : index
      %get3A_882 = tpu.vector_load %get3A_879[%get3A_880, %get3A_881] {strides = array<i32>} : memref<128x128xf32, #tpu.memory_space<vmem>>, vector<16xf32>,
      %get3A_883 = arith.constant 0 : i32
      %get3A_884 = arith.constant 0 : i32
      %get3A_885 = tpu.memref_slice %arg6[%scan3A_75, %get3A_883, %get3A_884] : memref<2x128x128xf32, #tpu.memory_space<vmem>> -> memref<1x128x128xf32, #tpu.memory_space<vmem>>
      %get3A_886 = tpu.memref_squeeze %get3A_885 : memref<1x128x128xf32, #tpu.memory_space<vmem>> -> memref<128x128xf32, #tpu.memory_space<vmem>>
      %get3A_887 = arith.index_cast %add3A_813 : i32 to index
      %get3A_888 = arith.constant 32 : index
      %get3A_889 = tpu.vector_load %get3A_886[%get3A_887, %get3A_888] {strides = array<i32>} : memref<128x128xf32, #tpu.memory_space<vmem>>, vector<16xf32>,
      %mul3A_890 = arith.mulf %get3A_882, %get3A_889 : vector<16xf32>
      %add3A_891 = arith.addf %add3A_859, %mul3A_890 : vector<16xf32>
      %get3A_892 = arith.constant 0 : i32
      %get3A_893 = arith.constant 0 : i32
      %get3A_894 = tpu.memref_slice %arg5[%scan3A, %get3A_892, %get3A_893] : memref<2x128x128xf32, #tpu.memory_space<vmem>> -> memref<1x128x128xf32, #tpu.memory_space<vmem>>
      %get3A_895 = tpu.memref_squeeze %get3A_894 : memref<1x128x128xf32, #tpu.memory_space<vmem>> -> memref<128x128xf32, #tpu.memory_space<vmem>>
      %get3A_896 = arith.index_cast %add3A_813 : i32 to index
      %get3A_897 = arith.constant 96 : index
      %get3A_898 = tpu.vector_load %get3A_895[%get3A_896, %get3A_897] {strides = array<i32>} : memref<128x128xf32, #tpu.memory_space<vmem>>, vector<16xf32>,
      %get3A_899 = arith.constant 0 : i32
      %get3A_900 = arith.constant 0 : i32
      %get3A_901 = tpu.memref_slice %arg6[%scan3A_75, %get3A_899, %get3A_900] : memref<2x128x128xf32, #tpu.memory_space<vmem>> -> memref<1x128x128xf32, #tpu.memory_space<vmem>>
      %get3A_902 = tpu.memref_squeeze %get3A_901 : memref<1x128x128xf32, #tpu.memory_space<vmem>> -> memref<128x128xf32, #tpu.memory_space<vmem>>
      %get3A_903 = arith.index_cast %add3A_813 : i32 to index
      %get3A_904 = arith.constant 96 : index
      %get3A_905 = tpu.vector_load %get3A_902[%get3A_903, %get3A_904] {strides = array<i32>} : memref<128x128xf32, #tpu.memory_space<vmem>>, vector<16xf32>,
      %mul3A_906 = arith.mulf %get3A_898, %get3A_905 : vector<16xf32>
      %add3A_907 = arith.addf %add3A_875, %mul3A_906 : vector<16xf32>
      %get3A_908 = arith.constant 0 : i32
      %get3A_909 = arith.constant 0 : i32
      %get3A_910 = tpu.memref_slice %arg5[%scan3A, %get3A_908, %get3A_909] : memref<2x128x128xf32, #tpu.memory_space<vmem>> -> memref<1x128x128xf32, #tpu.memory_space<vmem>>
      %get3A_911 = tpu.memref_squeeze %get3A_910 : memref<1x128x128xf32, #tpu.memory_space<vmem>> -> memref<128x128xf32, #tpu.memory_space<vmem>>
      %get3A_912 = arith.index_cast %add3A_813 : i32 to index
      %get3A_913 = arith.constant 48 : index
      %get3A_914 = tpu.vector_load %get3A_911[%get3A_912, %get3A_913] {strides = array<i32>} : memref<128x128xf32, #tpu.memory_space<vmem>>, vector<16xf32>,
      %get3A_915 = arith.constant 0 : i32
      %get3A_916 = arith.constant 0 : i32
      %get3A_917 = tpu.memref_slice %arg6[%scan3A_75, %get3A_915, %get3A_916] : memref<2x128x128xf32, #tpu.memory_space<vmem>> -> memref<1x128x128xf32, #tpu.memory_space<vmem>>
      %get3A_918 = tpu.memref_squeeze %get3A_917 : memref<1x128x128xf32, #tpu.memory_space<vmem>> -> memref<128x128xf32, #tpu.memory_space<vmem>>
      %get3A_919 = arith.index_cast %add3A_813 : i32 to index
      %get3A_920 = arith.constant 48 : index
      %get3A_921 = tpu.vector_load %get3A_918[%get3A_919, %get3A_920] {strides = array<i32>} : memref<128x128xf32, #tpu.memory_space<vmem>>, vector<16xf32>,
      %mul3A_922 = arith.mulf %get3A_914, %get3A_921 : vector<16xf32>
      %add3A_923 = arith.addf %add3A_891, %mul3A_922 : vector<16xf32>
      %get3A_924 = arith.constant 0 : i32
      %get3A_925 = arith.constant 0 : i32
      %get3A_926 = tpu.memref_slice %arg5[%scan3A, %get3A_924, %get3A_925] : memref<2x128x128xf32, #tpu.memory_space<vmem>> -> memref<1x128x128xf32, #tpu.memory_space<vmem>>
      %get3A_927 = tpu.memref_squeeze %get3A_926 : memref<1x128x128xf32, #tpu.memory_space<vmem>> -> memref<128x128xf32, #tpu.memory_space<vmem>>
      %get3A_928 = arith.index_cast %add3A_813 : i32 to index
      %get3A_929 = arith.constant 112 : index
      %get3A_930 = tpu.vector_load %get3A_927[%get3A_928, %get3A_929] {strides = array<i32>} : memref<128x128xf32, #tpu.memory_space<vmem>>, vector<16xf32>,
      %get3A_931 = arith.constant 0 : i32
      %get3A_932 = arith.constant 0 : i32
      %get3A_933 = tpu.memref_slice %arg6[%scan3A_75, %get3A_931, %get3A_932] : memref<2x128x128xf32, #tpu.memory_space<vmem>> -> memref<1x128x128xf32, #tpu.memory_space<vmem>>
      %get3A_934 = tpu.memref_squeeze %get3A_933 : memref<1x128x128xf32, #tpu.memory_space<vmem>> -> memref<128x128xf32, #tpu.memory_space<vmem>>
      %get3A_935 = arith.index_cast %add3A_813 : i32 to index
      %get3A_936 = arith.constant 112 : index
      %get3A_937 = tpu.vector_load %get3A_934[%get3A_935, %get3A_936] {strides = array<i32>} : memref<128x128xf32, #tpu.memory_space<vmem>>, vector<16xf32>,
      %mul3A_938 = arith.mulf %get3A_930, %get3A_937 : vector<16xf32>
      %add3A_939 = arith.addf %add3A_907, %mul3A_938 : vector<16xf32>
      %add3A_940 = arith.addf %add3A_923, %add3A_939 : vector<16xf32>
      %gather3A_941 = vector.shape_cast %reshape3A : vector<16x1xi32> to vector<16xi32>
      %gather3A_942 = tpu.dynamic_gather %add3A_940[%gather3A_941] in [0] : vector<16xf32>, vector<16xi32> -> vector<16xf32>
      %add3A_943 = arith.addf %add3A_940, %gather3A_942 : vector<16xf32>
      %gather3A_944 = vector.shape_cast %reshape3A_37 : vector<16x1xi32> to vector<16xi32>
      %gather3A_945 = tpu.dynamic_gather %add3A_943[%gather3A_944] in [0] : vector<16xf32>, vector<16xi32> -> vector<16xf32>
      %add3A_946 = arith.addf %add3A_943, %gather3A_945 : vector<16xf32>
      %gather3A_947 = vector.shape_cast %reshape3A_41 : vector<16x1xi32> to vector<16xi32>
      %gather3A_948 = tpu.dynamic_gather %add3A_946[%gather3A_947] in [0] : vector<16xf32>, vector<16xi32> -> vector<16xf32>
      %add3A_949 = arith.addf %add3A_946, %gather3A_948 : vector<16xf32>
      %gather3A_950 = vector.shape_cast %reshape3A_45 : vector<16x1xi32> to vector<16xi32>
      %gather3A_951 = tpu.dynamic_gather %add3A_949[%gather3A_950] in [0] : vector<16xf32>, vector<16xi32> -> vector<16xf32>
      %add3A_952 = arith.addf %add3A_949, %gather3A_951 : vector<16xf32>
      %eq3A_953 = arith.constant 5 : i32
      %eq3A_954 = vector.broadcast %eq3A_953 : i32 to vector<16xi32>
      %eq3A_955 = arith.cmpi eq, %iota3A, %eq3A_954 : vector<16xi32>
      %select_n3A_956 = arith.select %eq3A_955, %add3A_952, %select_n3A_811 : vector<16xi1>, vector<16xf32>
      %add3A_957 = arith.constant 6 : i32
      %add3A_958 = arith.addi %add3A_89, %add3A_957 : i32
      %get3A_959 = arith.constant 0 : i32
      %get3A_960 = arith.constant 0 : i32
      %get3A_961 = tpu.memref_slice %arg5[%scan3A, %get3A_959, %get3A_960] : memref<2x128x128xf32, #tpu.memory_space<vmem>> -> memref<1x128x128xf32, #tpu.memory_space<vmem>>
      %get3A_962 = tpu.memref_squeeze %get3A_961 : memref<1x128x128xf32, #tpu.memory_space<vmem>> -> memref<128x128xf32, #tpu.memory_space<vmem>>
      %get3A_963 = arith.index_cast %add3A_958 : i32 to index
      %get3A_964 = arith.constant 0 : index
      %get3A_965 = tpu.vector_load %get3A_962[%get3A_963, %get3A_964] {strides = array<i32>} : memref<128x128xf32, #tpu.memory_space<vmem>>, vector<16xf32>,
      %get3A_966 = arith.constant 0 : i32
      %get3A_967 = arith.constant 0 : i32
      %get3A_968 = tpu.memref_slice %arg6[%scan3A_75, %get3A_966, %get3A_967] : memref<2x128x128xf32, #tpu.memory_space<vmem>> -> memref<1x128x128xf32, #tpu.memory_space<vmem>>
      %get3A_969 = tpu.memref_squeeze %get3A_968 : memref<1x128x128xf32, #tpu.memory_space<vmem>> -> memref<128x128xf32, #tpu.memory_space<vmem>>
      %get3A_970 = arith.index_cast %add3A_958 : i32 to index
      %get3A_971 = arith.constant 0 : index
      %get3A_972 = tpu.vector_load %get3A_969[%get3A_970, %get3A_971] {strides = array<i32>} : memref<128x128xf32, #tpu.memory_space<vmem>>, vector<16xf32>,
      %mul3A_973 = arith.mulf %get3A_965, %get3A_972 : vector<16xf32>
      %get3A_974 = arith.constant 0 : i32
      %get3A_975 = arith.constant 0 : i32
      %get3A_976 = tpu.memref_slice %arg5[%scan3A, %get3A_974, %get3A_975] : memref<2x128x128xf32, #tpu.memory_space<vmem>> -> memref<1x128x128xf32, #tpu.memory_space<vmem>>
      %get3A_977 = tpu.memref_squeeze %get3A_976 : memref<1x128x128xf32, #tpu.memory_space<vmem>> -> memref<128x128xf32, #tpu.memory_space<vmem>>
      %get3A_978 = arith.index_cast %add3A_958 : i32 to index
      %get3A_979 = arith.constant 64 : index
      %get3A_980 = tpu.vector_load %get3A_977[%get3A_978, %get3A_979] {strides = array<i32>} : memref<128x128xf32, #tpu.memory_space<vmem>>, vector<16xf32>,
      %get3A_981 = arith.constant 0 : i32
      %get3A_982 = arith.constant 0 : i32
      %get3A_983 = tpu.memref_slice %arg6[%scan3A_75, %get3A_981, %get3A_982] : memref<2x128x128xf32, #tpu.memory_space<vmem>> -> memref<1x128x128xf32, #tpu.memory_space<vmem>>
      %get3A_984 = tpu.memref_squeeze %get3A_983 : memref<1x128x128xf32, #tpu.memory_space<vmem>> -> memref<128x128xf32, #tpu.memory_space<vmem>>
      %get3A_985 = arith.index_cast %add3A_958 : i32 to index
      %get3A_986 = arith.constant 64 : index
      %get3A_987 = tpu.vector_load %get3A_984[%get3A_985, %get3A_986] {strides = array<i32>} : memref<128x128xf32, #tpu.memory_space<vmem>>, vector<16xf32>,
      %mul3A_988 = arith.mulf %get3A_980, %get3A_987 : vector<16xf32>
      %get3A_989 = arith.constant 0 : i32
      %get3A_990 = arith.constant 0 : i32
      %get3A_991 = tpu.memref_slice %arg5[%scan3A, %get3A_989, %get3A_990] : memref<2x128x128xf32, #tpu.memory_space<vmem>> -> memref<1x128x128xf32, #tpu.memory_space<vmem>>
      %get3A_992 = tpu.memref_squeeze %get3A_991 : memref<1x128x128xf32, #tpu.memory_space<vmem>> -> memref<128x128xf32, #tpu.memory_space<vmem>>
      %get3A_993 = arith.index_cast %add3A_958 : i32 to index
      %get3A_994 = arith.constant 16 : index
      %get3A_995 = tpu.vector_load %get3A_992[%get3A_993, %get3A_994] {strides = array<i32>} : memref<128x128xf32, #tpu.memory_space<vmem>>, vector<16xf32>,
      %get3A_996 = arith.constant 0 : i32
      %get3A_997 = arith.constant 0 : i32
      %get3A_998 = tpu.memref_slice %arg6[%scan3A_75, %get3A_996, %get3A_997] : memref<2x128x128xf32, #tpu.memory_space<vmem>> -> memref<1x128x128xf32, #tpu.memory_space<vmem>>
      %get3A_999 = tpu.memref_squeeze %get3A_998 : memref<1x128x128xf32, #tpu.memory_space<vmem>> -> memref<128x128xf32, #tpu.memory_space<vmem>>
      %get3A_1000 = arith.index_cast %add3A_958 : i32 to index
      %get3A_1001 = arith.constant 16 : index
      %get3A_1002 = tpu.vector_load %get3A_999[%get3A_1000, %get3A_1001] {strides = array<i32>} : memref<128x128xf32, #tpu.memory_space<vmem>>, vector<16xf32>,
      %mul3A_1003 = arith.mulf %get3A_995, %get3A_1002 : vector<16xf32>
      %add3A_1004 = arith.addf %mul3A_973, %mul3A_1003 : vector<16xf32>
      %get3A_1005 = arith.constant 0 : i32
      %get3A_1006 = arith.constant 0 : i32
      %get3A_1007 = tpu.memref_slice %arg5[%scan3A, %get3A_1005, %get3A_1006] : memref<2x128x128xf32, #tpu.memory_space<vmem>> -> memref<1x128x128xf32, #tpu.memory_space<vmem>>
      %get3A_1008 = tpu.memref_squeeze %get3A_1007 : memref<1x128x128xf32, #tpu.memory_space<vmem>> -> memref<128x128xf32, #tpu.memory_space<vmem>>
      %get3A_1009 = arith.index_cast %add3A_958 : i32 to index
      %get3A_1010 = arith.constant 80 : index
      %get3A_1011 = tpu.vector_load %get3A_1008[%get3A_1009, %get3A_1010] {strides = array<i32>} : memref<128x128xf32, #tpu.memory_space<vmem>>, vector<16xf32>,
      %get3A_1012 = arith.constant 0 : i32
      %get3A_1013 = arith.constant 0 : i32
      %get3A_1014 = tpu.memref_slice %arg6[%scan3A_75, %get3A_1012, %get3A_1013] : memref<2x128x128xf32, #tpu.memory_space<vmem>> -> memref<1x128x128xf32, #tpu.memory_space<vmem>>
      %get3A_1015 = tpu.memref_squeeze %get3A_1014 : memref<1x128x128xf32, #tpu.memory_space<vmem>> -> memref<128x128xf32, #tpu.memory_space<vmem>>
      %get3A_1016 = arith.index_cast %add3A_958 : i32 to index
      %get3A_1017 = arith.constant 80 : index
      %get3A_1018 = tpu.vector_load %get3A_1015[%get3A_1016, %get3A_1017] {strides = array<i32>} : memref<128x128xf32, #tpu.memory_space<vmem>>, vector<16xf32>,
      %mul3A_1019 = arith.mulf %get3A_1011, %get3A_1018 : vector<16xf32>
      %add3A_1020 = arith.addf %mul3A_988, %mul3A_1019 : vector<16xf32>
      %get3A_1021 = arith.constant 0 : i32
      %get3A_1022 = arith.constant 0 : i32
      %get3A_1023 = tpu.memref_slice %arg5[%scan3A, %get3A_1021, %get3A_1022] : memref<2x128x128xf32, #tpu.memory_space<vmem>> -> memref<1x128x128xf32, #tpu.memory_space<vmem>>
      %get3A_1024 = tpu.memref_squeeze %get3A_1023 : memref<1x128x128xf32, #tpu.memory_space<vmem>> -> memref<128x128xf32, #tpu.memory_space<vmem>>
      %get3A_1025 = arith.index_cast %add3A_958 : i32 to index
      %get3A_1026 = arith.constant 32 : index
      %get3A_1027 = tpu.vector_load %get3A_1024[%get3A_1025, %get3A_1026] {strides = array<i32>} : memref<128x128xf32, #tpu.memory_space<vmem>>, vector<16xf32>,
      %get3A_1028 = arith.constant 0 : i32
      %get3A_1029 = arith.constant 0 : i32
      %get3A_1030 = tpu.memref_slice %arg6[%scan3A_75, %get3A_1028, %get3A_1029] : memref<2x128x128xf32, #tpu.memory_space<vmem>> -> memref<1x128x128xf32, #tpu.memory_space<vmem>>
      %get3A_1031 = tpu.memref_squeeze %get3A_1030 : memref<1x128x128xf32, #tpu.memory_space<vmem>> -> memref<128x128xf32, #tpu.memory_space<vmem>>
      %get3A_1032 = arith.index_cast %add3A_958 : i32 to index
      %get3A_1033 = arith.constant 32 : index
      %get3A_1034 = tpu.vector_load %get3A_1031[%get3A_1032, %get3A_1033] {strides = array<i32>} : memref<128x128xf32, #tpu.memory_space<vmem>>, vector<16xf32>,
      %mul3A_1035 = arith.mulf %get3A_1027, %get3A_1034 : vector<16xf32>
      %add3A_1036 = arith.addf %add3A_1004, %mul3A_1035 : vector<16xf32>
      %get3A_1037 = arith.constant 0 : i32
      %get3A_1038 = arith.constant 0 : i32
      %get3A_1039 = tpu.memref_slice %arg5[%scan3A, %get3A_1037, %get3A_1038] : memref<2x128x128xf32, #tpu.memory_space<vmem>> -> memref<1x128x128xf32, #tpu.memory_space<vmem>>
      %get3A_1040 = tpu.memref_squeeze %get3A_1039 : memref<1x128x128xf32, #tpu.memory_space<vmem>> -> memref<128x128xf32, #tpu.memory_space<vmem>>
      %get3A_1041 = arith.index_cast %add3A_958 : i32 to index
      %get3A_1042 = arith.constant 96 : index
      %get3A_1043 = tpu.vector_load %get3A_1040[%get3A_1041, %get3A_1042] {strides = array<i32>} : memref<128x128xf32, #tpu.memory_space<vmem>>, vector<16xf32>,
      %get3A_1044 = arith.constant 0 : i32
      %get3A_1045 = arith.constant 0 : i32
      %get3A_1046 = tpu.memref_slice %arg6[%scan3A_75, %get3A_1044, %get3A_1045] : memref<2x128x128xf32, #tpu.memory_space<vmem>> -> memref<1x128x128xf32, #tpu.memory_space<vmem>>
      %get3A_1047 = tpu.memref_squeeze %get3A_1046 : memref<1x128x128xf32, #tpu.memory_space<vmem>> -> memref<128x128xf32, #tpu.memory_space<vmem>>
      %get3A_1048 = arith.index_cast %add3A_958 : i32 to index
      %get3A_1049 = arith.constant 96 : index
      %get3A_1050 = tpu.vector_load %get3A_1047[%get3A_1048, %get3A_1049] {strides = array<i32>} : memref<128x128xf32, #tpu.memory_space<vmem>>, vector<16xf32>,
      %mul3A_1051 = arith.mulf %get3A_1043, %get3A_1050 : vector<16xf32>
      %add3A_1052 = arith.addf %add3A_1020, %mul3A_1051 : vector<16xf32>
      %get3A_1053 = arith.constant 0 : i32
      %get3A_1054 = arith.constant 0 : i32
      %get3A_1055 = tpu.memref_slice %arg5[%scan3A, %get3A_1053, %get3A_1054] : memref<2x128x128xf32, #tpu.memory_space<vmem>> -> memref<1x128x128xf32, #tpu.memory_space<vmem>>
      %get3A_1056 = tpu.memref_squeeze %get3A_1055 : memref<1x128x128xf32, #tpu.memory_space<vmem>> -> memref<128x128xf32, #tpu.memory_space<vmem>>
      %get3A_1057 = arith.index_cast %add3A_958 : i32 to index
      %get3A_1058 = arith.constant 48 : index
      %get3A_1059 = tpu.vector_load %get3A_1056[%get3A_1057, %get3A_1058] {strides = array<i32>} : memref<128x128xf32, #tpu.memory_space<vmem>>, vector<16xf32>,
      %get3A_1060 = arith.constant 0 : i32
      %get3A_1061 = arith.constant 0 : i32
      %get3A_1062 = tpu.memref_slice %arg6[%scan3A_75, %get3A_1060, %get3A_1061] : memref<2x128x128xf32, #tpu.memory_space<vmem>> -> memref<1x128x128xf32, #tpu.memory_space<vmem>>
      %get3A_1063 = tpu.memref_squeeze %get3A_1062 : memref<1x128x128xf32, #tpu.memory_space<vmem>> -> memref<128x128xf32, #tpu.memory_space<vmem>>
      %get3A_1064 = arith.index_cast %add3A_958 : i32 to index
      %get3A_1065 = arith.constant 48 : index
      %get3A_1066 = tpu.vector_load %get3A_1063[%get3A_1064, %get3A_1065] {strides = array<i32>} : memref<128x128xf32, #tpu.memory_space<vmem>>, vector<16xf32>,
      %mul3A_1067 = arith.mulf %get3A_1059, %get3A_1066 : vector<16xf32>
      %add3A_1068 = arith.addf %add3A_1036, %mul3A_1067 : vector<16xf32>
      %get3A_1069 = arith.constant 0 : i32
      %get3A_1070 = arith.constant 0 : i32
      %get3A_1071 = tpu.memref_slice %arg5[%scan3A, %get3A_1069, %get3A_1070] : memref<2x128x128xf32, #tpu.memory_space<vmem>> -> memref<1x128x128xf32, #tpu.memory_space<vmem>>
      %get3A_1072 = tpu.memref_squeeze %get3A_1071 : memref<1x128x128xf32, #tpu.memory_space<vmem>> -> memref<128x128xf32, #tpu.memory_space<vmem>>
      %get3A_1073 = arith.index_cast %add3A_958 : i32 to index
      %get3A_1074 = arith.constant 112 : index
      %get3A_1075 = tpu.vector_load %get3A_1072[%get3A_1073, %get3A_1074] {strides = array<i32>} : memref<128x128xf32, #tpu.memory_space<vmem>>, vector<16xf32>,
      %get3A_1076 = arith.constant 0 : i32
      %get3A_1077 = arith.constant 0 : i32
      %get3A_1078 = tpu.memref_slice %arg6[%scan3A_75, %get3A_1076, %get3A_1077] : memref<2x128x128xf32, #tpu.memory_space<vmem>> -> memref<1x128x128xf32, #tpu.memory_space<vmem>>
      %get3A_1079 = tpu.memref_squeeze %get3A_1078 : memref<1x128x128xf32, #tpu.memory_space<vmem>> -> memref<128x128xf32, #tpu.memory_space<vmem>>
      %get3A_1080 = arith.index_cast %add3A_958 : i32 to index
      %get3A_1081 = arith.constant 112 : index
      %get3A_1082 = tpu.vector_load %get3A_1079[%get3A_1080, %get3A_1081] {strides = array<i32>} : memref<128x128xf32, #tpu.memory_space<vmem>>, vector<16xf32>,
      %mul3A_1083 = arith.mulf %get3A_1075, %get3A_1082 : vector<16xf32>
      %add3A_1084 = arith.addf %add3A_1052, %mul3A_1083 : vector<16xf32>
      %add3A_1085 = arith.addf %add3A_1068, %add3A_1084 : vector<16xf32>
      %gather3A_1086 = vector.shape_cast %reshape3A : vector<16x1xi32> to vector<16xi32>
      %gather3A_1087 = tpu.dynamic_gather %add3A_1085[%gather3A_1086] in [0] : vector<16xf32>, vector<16xi32> -> vector<16xf32>
      %add3A_1088 = arith.addf %add3A_1085, %gather3A_1087 : vector<16xf32>
      %gather3A_1089 = vector.shape_cast %reshape3A_37 : vector<16x1xi32> to vector<16xi32>
      %gather3A_1090 = tpu.dynamic_gather %add3A_1088[%gather3A_1089] in [0] : vector<16xf32>, vector<16xi32> -> vector<16xf32>
      %add3A_1091 = arith.addf %add3A_1088, %gather3A_1090 : vector<16xf32>
      %gather3A_1092 = vector.shape_cast %reshape3A_41 : vector<16x1xi32> to vector<16xi32>
      %gather3A_1093 = tpu.dynamic_gather %add3A_1091[%gather3A_1092] in [0] : vector<16xf32>, vector<16xi32> -> vector<16xf32>
      %add3A_1094 = arith.addf %add3A_1091, %gather3A_1093 : vector<16xf32>
      %gather3A_1095 = vector.shape_cast %reshape3A_45 : vector<16x1xi32> to vector<16xi32>
      %gather3A_1096 = tpu.dynamic_gather %add3A_1094[%gather3A_1095] in [0] : vector<16xf32>, vector<16xi32> -> vector<16xf32>
      %add3A_1097 = arith.addf %add3A_1094, %gather3A_1096 : vector<16xf32>
      %eq3A_1098 = arith.constant 6 : i32
      %eq3A_1099 = vector.broadcast %eq3A_1098 : i32 to vector<16xi32>
      %eq3A_1100 = arith.cmpi eq, %iota3A, %eq3A_1099 : vector<16xi32>
      %select_n3A_1101 = arith.select %eq3A_1100, %add3A_1097, %select_n3A_956 : vector<16xi1>, vector<16xf32>
      %add3A_1102 = arith.constant 7 : i32
      %add3A_1103 = arith.addi %add3A_89, %add3A_1102 : i32
      %get3A_1104 = arith.constant 0 : i32
      %get3A_1105 = arith.constant 0 : i32
      %get3A_1106 = tpu.memref_slice %arg5[%scan3A, %get3A_1104, %get3A_1105] : memref<2x128x128xf32, #tpu.memory_space<vmem>> -> memref<1x128x128xf32, #tpu.memory_space<vmem>>
      %get3A_1107 = tpu.memref_squeeze %get3A_1106 : memref<1x128x128xf32, #tpu.memory_space<vmem>> -> memref<128x128xf32, #tpu.memory_space<vmem>>
      %get3A_1108 = arith.index_cast %add3A_1103 : i32 to index
      %get3A_1109 = arith.constant 0 : index
      %get3A_1110 = tpu.vector_load %get3A_1107[%get3A_1108, %get3A_1109] {strides = array<i32>} : memref<128x128xf32, #tpu.memory_space<vmem>>, vector<16xf32>,
      %get3A_1111 = arith.constant 0 : i32
      %get3A_1112 = arith.constant 0 : i32
      %get3A_1113 = tpu.memref_slice %arg6[%scan3A_75, %get3A_1111, %get3A_1112] : memref<2x128x128xf32, #tpu.memory_space<vmem>> -> memref<1x128x128xf32, #tpu.memory_space<vmem>>
      %get3A_1114 = tpu.memref_squeeze %get3A_1113 : memref<1x128x128xf32, #tpu.memory_space<vmem>> -> memref<128x128xf32, #tpu.memory_space<vmem>>
      %get3A_1115 = arith.index_cast %add3A_1103 : i32 to index
      %get3A_1116 = arith.constant 0 : index
      %get3A_1117 = tpu.vector_load %get3A_1114[%get3A_1115, %get3A_1116] {strides = array<i32>} : memref<128x128xf32, #tpu.memory_space<vmem>>, vector<16xf32>,
      %mul3A_1118 = arith.mulf %get3A_1110, %get3A_1117 : vector<16xf32>
      %get3A_1119 = arith.constant 0 : i32
      %get3A_1120 = arith.constant 0 : i32
      %get3A_1121 = tpu.memref_slice %arg5[%scan3A, %get3A_1119, %get3A_1120] : memref<2x128x128xf32, #tpu.memory_space<vmem>> -> memref<1x128x128xf32, #tpu.memory_space<vmem>>
      %get3A_1122 = tpu.memref_squeeze %get3A_1121 : memref<1x128x128xf32, #tpu.memory_space<vmem>> -> memref<128x128xf32, #tpu.memory_space<vmem>>
      %get3A_1123 = arith.index_cast %add3A_1103 : i32 to index
      %get3A_1124 = arith.constant 64 : index
      %get3A_1125 = tpu.vector_load %get3A_1122[%get3A_1123, %get3A_1124] {strides = array<i32>} : memref<128x128xf32, #tpu.memory_space<vmem>>, vector<16xf32>,
      %get3A_1126 = arith.constant 0 : i32
      %get3A_1127 = arith.constant 0 : i32
      %get3A_1128 = tpu.memref_slice %arg6[%scan3A_75, %get3A_1126, %get3A_1127] : memref<2x128x128xf32, #tpu.memory_space<vmem>> -> memref<1x128x128xf32, #tpu.memory_space<vmem>>
      %get3A_1129 = tpu.memref_squeeze %get3A_1128 : memref<1x128x128xf32, #tpu.memory_space<vmem>> -> memref<128x128xf32, #tpu.memory_space<vmem>>
      %get3A_1130 = arith.index_cast %add3A_1103 : i32 to index
      %get3A_1131 = arith.constant 64 : index
      %get3A_1132 = tpu.vector_load %get3A_1129[%get3A_1130, %get3A_1131] {strides = array<i32>} : memref<128x128xf32, #tpu.memory_space<vmem>>, vector<16xf32>,
      %mul3A_1133 = arith.mulf %get3A_1125, %get3A_1132 : vector<16xf32>
      %get3A_1134 = arith.constant 0 : i32
      %get3A_1135 = arith.constant 0 : i32
      %get3A_1136 = tpu.memref_slice %arg5[%scan3A, %get3A_1134, %get3A_1135] : memref<2x128x128xf32, #tpu.memory_space<vmem>> -> memref<1x128x128xf32, #tpu.memory_space<vmem>>
      %get3A_1137 = tpu.memref_squeeze %get3A_1136 : memref<1x128x128xf32, #tpu.memory_space<vmem>> -> memref<128x128xf32, #tpu.memory_space<vmem>>
      %get3A_1138 = arith.index_cast %add3A_1103 : i32 to index
      %get3A_1139 = arith.constant 16 : index
      %get3A_1140 = tpu.vector_load %get3A_1137[%get3A_1138, %get3A_1139] {strides = array<i32>} : memref<128x128xf32, #tpu.memory_space<vmem>>, vector<16xf32>,
      %get3A_1141 = arith.constant 0 : i32
      %get3A_1142 = arith.constant 0 : i32
      %get3A_1143 = tpu.memref_slice %arg6[%scan3A_75, %get3A_1141, %get3A_1142] : memref<2x128x128xf32, #tpu.memory_space<vmem>> -> memref<1x128x128xf32, #tpu.memory_space<vmem>>
      %get3A_1144 = tpu.memref_squeeze %get3A_1143 : memref<1x128x128xf32, #tpu.memory_space<vmem>> -> memref<128x128xf32, #tpu.memory_space<vmem>>
      %get3A_1145 = arith.index_cast %add3A_1103 : i32 to index
      %get3A_1146 = arith.constant 16 : index
      %get3A_1147 = tpu.vector_load %get3A_1144[%get3A_1145, %get3A_1146] {strides = array<i32>} : memref<128x128xf32, #tpu.memory_space<vmem>>, vector<16xf32>,
      %mul3A_1148 = arith.mulf %get3A_1140, %get3A_1147 : vector<16xf32>
      %add3A_1149 = arith.addf %mul3A_1118, %mul3A_1148 : vector<16xf32>
      %get3A_1150 = arith.constant 0 : i32
      %get3A_1151 = arith.constant 0 : i32
      %get3A_1152 = tpu.memref_slice %arg5[%scan3A, %get3A_1150, %get3A_1151] : memref<2x128x128xf32, #tpu.memory_space<vmem>> -> memref<1x128x128xf32, #tpu.memory_space<vmem>>
      %get3A_1153 = tpu.memref_squeeze %get3A_1152 : memref<1x128x128xf32, #tpu.memory_space<vmem>> -> memref<128x128xf32, #tpu.memory_space<vmem>>
      %get3A_1154 = arith.index_cast %add3A_1103 : i32 to index
      %get3A_1155 = arith.constant 80 : index
      %get3A_1156 = tpu.vector_load %get3A_1153[%get3A_1154, %get3A_1155] {strides = array<i32>} : memref<128x128xf32, #tpu.memory_space<vmem>>, vector<16xf32>,
      %get3A_1157 = arith.constant 0 : i32
      %get3A_1158 = arith.constant 0 : i32
      %get3A_1159 = tpu.memref_slice %arg6[%scan3A_75, %get3A_1157, %get3A_1158] : memref<2x128x128xf32, #tpu.memory_space<vmem>> -> memref<1x128x128xf32, #tpu.memory_space<vmem>>
      %get3A_1160 = tpu.memref_squeeze %get3A_1159 : memref<1x128x128xf32, #tpu.memory_space<vmem>> -> memref<128x128xf32, #tpu.memory_space<vmem>>
      %get3A_1161 = arith.index_cast %add3A_1103 : i32 to index
      %get3A_1162 = arith.constant 80 : index
      %get3A_1163 = tpu.vector_load %get3A_1160[%get3A_1161, %get3A_1162] {strides = array<i32>} : memref<128x128xf32, #tpu.memory_space<vmem>>, vector<16xf32>,
      %mul3A_1164 = arith.mulf %get3A_1156, %get3A_1163 : vector<16xf32>
      %add3A_1165 = arith.addf %mul3A_1133, %mul3A_1164 : vector<16xf32>
      %get3A_1166 = arith.constant 0 : i32
      %get3A_1167 = arith.constant 0 : i32
      %get3A_1168 = tpu.memref_slice %arg5[%scan3A, %get3A_1166, %get3A_1167] : memref<2x128x128xf32, #tpu.memory_space<vmem>> -> memref<1x128x128xf32, #tpu.memory_space<vmem>>
      %get3A_1169 = tpu.memref_squeeze %get3A_1168 : memref<1x128x128xf32, #tpu.memory_space<vmem>> -> memref<128x128xf32, #tpu.memory_space<vmem>>
      %get3A_1170 = arith.index_cast %add3A_1103 : i32 to index
      %get3A_1171 = arith.constant 32 : index
      %get3A_1172 = tpu.vector_load %get3A_1169[%get3A_1170, %get3A_1171] {strides = array<i32>} : memref<128x128xf32, #tpu.memory_space<vmem>>, vector<16xf32>,
      %get3A_1173 = arith.constant 0 : i32
      %get3A_1174 = arith.constant 0 : i32
      %get3A_1175 = tpu.memref_slice %arg6[%scan3A_75, %get3A_1173, %get3A_1174] : memref<2x128x128xf32, #tpu.memory_space<vmem>> -> memref<1x128x128xf32, #tpu.memory_space<vmem>>
      %get3A_1176 = tpu.memref_squeeze %get3A_1175 : memref<1x128x128xf32, #tpu.memory_space<vmem>> -> memref<128x128xf32, #tpu.memory_space<vmem>>
      %get3A_1177 = arith.index_cast %add3A_1103 : i32 to index
      %get3A_1178 = arith.constant 32 : index
      %get3A_1179 = tpu.vector_load %get3A_1176[%get3A_1177, %get3A_1178] {strides = array<i32>} : memref<128x128xf32, #tpu.memory_space<vmem>>, vector<16xf32>,
      %mul3A_1180 = arith.mulf %get3A_1172, %get3A_1179 : vector<16xf32>
      %add3A_1181 = arith.addf %add3A_1149, %mul3A_1180 : vector<16xf32>
      %get3A_1182 = arith.constant 0 : i32
      %get3A_1183 = arith.constant 0 : i32
      %get3A_1184 = tpu.memref_slice %arg5[%scan3A, %get3A_1182, %get3A_1183] : memref<2x128x128xf32, #tpu.memory_space<vmem>> -> memref<1x128x128xf32, #tpu.memory_space<vmem>>
      %get3A_1185 = tpu.memref_squeeze %get3A_1184 : memref<1x128x128xf32, #tpu.memory_space<vmem>> -> memref<128x128xf32, #tpu.memory_space<vmem>>
      %get3A_1186 = arith.index_cast %add3A_1103 : i32 to index
      %get3A_1187 = arith.constant 96 : index
      %get3A_1188 = tpu.vector_load %get3A_1185[%get3A_1186, %get3A_1187] {strides = array<i32>} : memref<128x128xf32, #tpu.memory_space<vmem>>, vector<16xf32>,
      %get3A_1189 = arith.constant 0 : i32
      %get3A_1190 = arith.constant 0 : i32
      %get3A_1191 = tpu.memref_slice %arg6[%scan3A_75, %get3A_1189, %get3A_1190] : memref<2x128x128xf32, #tpu.memory_space<vmem>> -> memref<1x128x128xf32, #tpu.memory_space<vmem>>
      %get3A_1192 = tpu.memref_squeeze %get3A_1191 : memref<1x128x128xf32, #tpu.memory_space<vmem>> -> memref<128x128xf32, #tpu.memory_space<vmem>>
      %get3A_1193 = arith.index_cast %add3A_1103 : i32 to index
      %get3A_1194 = arith.constant 96 : index
      %get3A_1195 = tpu.vector_load %get3A_1192[%get3A_1193, %get3A_1194] {strides = array<i32>} : memref<128x128xf32, #tpu.memory_space<vmem>>, vector<16xf32>,
      %mul3A_1196 = arith.mulf %get3A_1188, %get3A_1195 : vector<16xf32>
      %add3A_1197 = arith.addf %add3A_1165, %mul3A_1196 : vector<16xf32>
      %get3A_1198 = arith.constant 0 : i32
      %get3A_1199 = arith.constant 0 : i32
      %get3A_1200 = tpu.memref_slice %arg5[%scan3A, %get3A_1198, %get3A_1199] : memref<2x128x128xf32, #tpu.memory_space<vmem>> -> memref<1x128x128xf32, #tpu.memory_space<vmem>>
      %get3A_1201 = tpu.memref_squeeze %get3A_1200 : memref<1x128x128xf32, #tpu.memory_space<vmem>> -> memref<128x128xf32, #tpu.memory_space<vmem>>
      %get3A_1202 = arith.index_cast %add3A_1103 : i32 to index
      %get3A_1203 = arith.constant 48 : index
      %get3A_1204 = tpu.vector_load %get3A_1201[%get3A_1202, %get3A_1203] {strides = array<i32>} : memref<128x128xf32, #tpu.memory_space<vmem>>, vector<16xf32>,
      %get3A_1205 = arith.constant 0 : i32
      %get3A_1206 = arith.constant 0 : i32
      %get3A_1207 = tpu.memref_slice %arg6[%scan3A_75, %get3A_1205, %get3A_1206] : memref<2x128x128xf32, #tpu.memory_space<vmem>> -> memref<1x128x128xf32, #tpu.memory_space<vmem>>
      %get3A_1208 = tpu.memref_squeeze %get3A_1207 : memref<1x128x128xf32, #tpu.memory_space<vmem>> -> memref<128x128xf32, #tpu.memory_space<vmem>>
      %get3A_1209 = arith.index_cast %add3A_1103 : i32 to index
      %get3A_1210 = arith.constant 48 : index
      %get3A_1211 = tpu.vector_load %get3A_1208[%get3A_1209, %get3A_1210] {strides = array<i32>} : memref<128x128xf32, #tpu.memory_space<vmem>>, vector<16xf32>,
      %mul3A_1212 = arith.mulf %get3A_1204, %get3A_1211 : vector<16xf32>
      %add3A_1213 = arith.addf %add3A_1181, %mul3A_1212 : vector<16xf32>
      %get3A_1214 = arith.constant 0 : i32
      %get3A_1215 = arith.constant 0 : i32
      %get3A_1216 = tpu.memref_slice %arg5[%scan3A, %get3A_1214, %get3A_1215] : memref<2x128x128xf32, #tpu.memory_space<vmem>> -> memref<1x128x128xf32, #tpu.memory_space<vmem>>
      %get3A_1217 = tpu.memref_squeeze %get3A_1216 : memref<1x128x128xf32, #tpu.memory_space<vmem>> -> memref<128x128xf32, #tpu.memory_space<vmem>>
      %get3A_1218 = arith.index_cast %add3A_1103 : i32 to index
      %get3A_1219 = arith.constant 112 : index
      %get3A_1220 = tpu.vector_load %get3A_1217[%get3A_1218, %get3A_1219] {strides = array<i32>} : memref<128x128xf32, #tpu.memory_space<vmem>>, vector<16xf32>,
      %get3A_1221 = arith.constant 0 : i32
      %get3A_1222 = arith.constant 0 : i32
      %get3A_1223 = tpu.memref_slice %arg6[%scan3A_75, %get3A_1221, %get3A_1222] : memref<2x128x128xf32, #tpu.memory_space<vmem>> -> memref<1x128x128xf32, #tpu.memory_space<vmem>>
      %get3A_1224 = tpu.memref_squeeze %get3A_1223 : memref<1x128x128xf32, #tpu.memory_space<vmem>> -> memref<128x128xf32, #tpu.memory_space<vmem>>
      %get3A_1225 = arith.index_cast %add3A_1103 : i32 to index
      %get3A_1226 = arith.constant 112 : index
      %get3A_1227 = tpu.vector_load %get3A_1224[%get3A_1225, %get3A_1226] {strides = array<i32>} : memref<128x128xf32, #tpu.memory_space<vmem>>, vector<16xf32>,
      %mul3A_1228 = arith.mulf %get3A_1220, %get3A_1227 : vector<16xf32>
      %add3A_1229 = arith.addf %add3A_1197, %mul3A_1228 : vector<16xf32>
      %add3A_1230 = arith.addf %add3A_1213, %add3A_1229 : vector<16xf32>
      %gather3A_1231 = vector.shape_cast %reshape3A : vector<16x1xi32> to vector<16xi32>
      %gather3A_1232 = tpu.dynamic_gather %add3A_1230[%gather3A_1231] in [0] : vector<16xf32>, vector<16xi32> -> vector<16xf32>
      %add3A_1233 = arith.addf %add3A_1230, %gather3A_1232 : vector<16xf32>
      %gather3A_1234 = vector.shape_cast %reshape3A_37 : vector<16x1xi32> to vector<16xi32>
      %gather3A_1235 = tpu.dynamic_gather %add3A_1233[%gather3A_1234] in [0] : vector<16xf32>, vector<16xi32> -> vector<16xf32>
      %add3A_1236 = arith.addf %add3A_1233, %gather3A_1235 : vector<16xf32>
      %gather3A_1237 = vector.shape_cast %reshape3A_41 : vector<16x1xi32> to vector<16xi32>
      %gather3A_1238 = tpu.dynamic_gather %add3A_1236[%gather3A_1237] in [0] : vector<16xf32>, vector<16xi32> -> vector<16xf32>
      %add3A_1239 = arith.addf %add3A_1236, %gather3A_1238 : vector<16xf32>
      %gather3A_1240 = vector.shape_cast %reshape3A_45 : vector<16x1xi32> to vector<16xi32>
      %gather3A_1241 = tpu.dynamic_gather %add3A_1239[%gather3A_1240] in [0] : vector<16xf32>, vector<16xi32> -> vector<16xf32>
      %add3A_1242 = arith.addf %add3A_1239, %gather3A_1241 : vector<16xf32>
      %eq3A_1243 = arith.constant 7 : i32
      %eq3A_1244 = vector.broadcast %eq3A_1243 : i32 to vector<16xi32>
      %eq3A_1245 = arith.cmpi eq, %iota3A, %eq3A_1244 : vector<16xi32>
      %select_n3A_1246 = arith.select %eq3A_1245, %add3A_1242, %select_n3A_1101 : vector<16xi1>, vector<16xf32>
      %add3A_1247 = arith.constant 8 : i32
      %add3A_1248 = arith.addi %add3A_89, %add3A_1247 : i32
      %get3A_1249 = arith.constant 0 : i32
      %get3A_1250 = arith.constant 0 : i32
      %get3A_1251 = tpu.memref_slice %arg5[%scan3A, %get3A_1249, %get3A_1250] : memref<2x128x128xf32, #tpu.memory_space<vmem>> -> memref<1x128x128xf32, #tpu.memory_space<vmem>>
      %get3A_1252 = tpu.memref_squeeze %get3A_1251 : memref<1x128x128xf32, #tpu.memory_space<vmem>> -> memref<128x128xf32, #tpu.memory_space<vmem>>
      %get3A_1253 = arith.index_cast %add3A_1248 : i32 to index
      %get3A_1254 = arith.constant 0 : index
      %get3A_1255 = tpu.vector_load %get3A_1252[%get3A_1253, %get3A_1254] {strides = array<i32>} : memref<128x128xf32, #tpu.memory_space<vmem>>, vector<16xf32>,
      %get3A_1256 = arith.constant 0 : i32
      %get3A_1257 = arith.constant 0 : i32
      %get3A_1258 = tpu.memref_slice %arg6[%scan3A_75, %get3A_1256, %get3A_1257] : memref<2x128x128xf32, #tpu.memory_space<vmem>> -> memref<1x128x128xf32, #tpu.memory_space<vmem>>
      %get3A_1259 = tpu.memref_squeeze %get3A_1258 : memref<1x128x128xf32, #tpu.memory_space<vmem>> -> memref<128x128xf32, #tpu.memory_space<vmem>>
      %get3A_1260 = arith.index_cast %add3A_1248 : i32 to index
      %get3A_1261 = arith.constant 0 : index
      %get3A_1262 = tpu.vector_load %get3A_1259[%get3A_1260, %get3A_1261] {strides = array<i32>} : memref<128x128xf32, #tpu.memory_space<vmem>>, vector<16xf32>,
      %mul3A_1263 = arith.mulf %get3A_1255, %get3A_1262 : vector<16xf32>
      %get3A_1264 = arith.constant 0 : i32
      %get3A_1265 = arith.constant 0 : i32
      %get3A_1266 = tpu.memref_slice %arg5[%scan3A, %get3A_1264, %get3A_1265] : memref<2x128x128xf32, #tpu.memory_space<vmem>> -> memref<1x128x128xf32, #tpu.memory_space<vmem>>
      %get3A_1267 = tpu.memref_squeeze %get3A_1266 : memref<1x128x128xf32, #tpu.memory_space<vmem>> -> memref<128x128xf32, #tpu.memory_space<vmem>>
      %get3A_1268 = arith.index_cast %add3A_1248 : i32 to index
      %get3A_1269 = arith.constant 64 : index
      %get3A_1270 = tpu.vector_load %get3A_1267[%get3A_1268, %get3A_1269] {strides = array<i32>} : memref<128x128xf32, #tpu.memory_space<vmem>>, vector<16xf32>,
      %get3A_1271 = arith.constant 0 : i32
      %get3A_1272 = arith.constant 0 : i32
      %get3A_1273 = tpu.memref_slice %arg6[%scan3A_75, %get3A_1271, %get3A_1272] : memref<2x128x128xf32, #tpu.memory_space<vmem>> -> memref<1x128x128xf32, #tpu.memory_space<vmem>>
      %get3A_1274 = tpu.memref_squeeze %get3A_1273 : memref<1x128x128xf32, #tpu.memory_space<vmem>> -> memref<128x128xf32, #tpu.memory_space<vmem>>
      %get3A_1275 = arith.index_cast %add3A_1248 : i32 to index
      %get3A_1276 = arith.constant 64 : index
      %get3A_1277 = tpu.vector_load %get3A_1274[%get3A_1275, %get3A_1276] {strides = array<i32>} : memref<128x128xf32, #tpu.memory_space<vmem>>, vector<16xf32>,
      %mul3A_1278 = arith.mulf %get3A_1270, %get3A_1277 : vector<16xf32>
      %get3A_1279 = arith.constant 0 : i32
      %get3A_1280 = arith.constant 0 : i32
      %get3A_1281 = tpu.memref_slice %arg5[%scan3A, %get3A_1279, %get3A_1280] : memref<2x128x128xf32, #tpu.memory_space<vmem>> -> memref<1x128x128xf32, #tpu.memory_space<vmem>>
      %get3A_1282 = tpu.memref_squeeze %get3A_1281 : memref<1x128x128xf32, #tpu.memory_space<vmem>> -> memref<128x128xf32, #tpu.memory_space<vmem>>
      %get3A_1283 = arith.index_cast %add3A_1248 : i32 to index
      %get3A_1284 = arith.constant 16 : index
      %get3A_1285 = tpu.vector_load %get3A_1282[%get3A_1283, %get3A_1284] {strides = array<i32>} : memref<128x128xf32, #tpu.memory_space<vmem>>, vector<16xf32>,
      %get3A_1286 = arith.constant 0 : i32
      %get3A_1287 = arith.constant 0 : i32
      %get3A_1288 = tpu.memref_slice %arg6[%scan3A_75, %get3A_1286, %get3A_1287] : memref<2x128x128xf32, #tpu.memory_space<vmem>> -> memref<1x128x128xf32, #tpu.memory_space<vmem>>
      %get3A_1289 = tpu.memref_squeeze %get3A_1288 : memref<1x128x128xf32, #tpu.memory_space<vmem>> -> memref<128x128xf32, #tpu.memory_space<vmem>>
      %get3A_1290 = arith.index_cast %add3A_1248 : i32 to index
      %get3A_1291 = arith.constant 16 : index
      %get3A_1292 = tpu.vector_load %get3A_1289[%get3A_1290, %get3A_1291] {strides = array<i32>} : memref<128x128xf32, #tpu.memory_space<vmem>>, vector<16xf32>,
      %mul3A_1293 = arith.mulf %get3A_1285, %get3A_1292 : vector<16xf32>
      %add3A_1294 = arith.addf %mul3A_1263, %mul3A_1293 : vector<16xf32>
      %get3A_1295 = arith.constant 0 : i32
      %get3A_1296 = arith.constant 0 : i32
      %get3A_1297 = tpu.memref_slice %arg5[%scan3A, %get3A_1295, %get3A_1296] : memref<2x128x128xf32, #tpu.memory_space<vmem>> -> memref<1x128x128xf32, #tpu.memory_space<vmem>>
      %get3A_1298 = tpu.memref_squeeze %get3A_1297 : memref<1x128x128xf32, #tpu.memory_space<vmem>> -> memref<128x128xf32, #tpu.memory_space<vmem>>
      %get3A_1299 = arith.index_cast %add3A_1248 : i32 to index
      %get3A_1300 = arith.constant 80 : index
      %get3A_1301 = tpu.vector_load %get3A_1298[%get3A_1299, %get3A_1300] {strides = array<i32>} : memref<128x128xf32, #tpu.memory_space<vmem>>, vector<16xf32>,
      %get3A_1302 = arith.constant 0 : i32
      %get3A_1303 = arith.constant 0 : i32
      %get3A_1304 = tpu.memref_slice %arg6[%scan3A_75, %get3A_1302, %get3A_1303] : memref<2x128x128xf32, #tpu.memory_space<vmem>> -> memref<1x128x128xf32, #tpu.memory_space<vmem>>
      %get3A_1305 = tpu.memref_squeeze %get3A_1304 : memref<1x128x128xf32, #tpu.memory_space<vmem>> -> memref<128x128xf32, #tpu.memory_space<vmem>>
      %get3A_1306 = arith.index_cast %add3A_1248 : i32 to index
      %get3A_1307 = arith.constant 80 : index
      %get3A_1308 = tpu.vector_load %get3A_1305[%get3A_1306, %get3A_1307] {strides = array<i32>} : memref<128x128xf32, #tpu.memory_space<vmem>>, vector<16xf32>,
      %mul3A_1309 = arith.mulf %get3A_1301, %get3A_1308 : vector<16xf32>
      %add3A_1310 = arith.addf %mul3A_1278, %mul3A_1309 : vector<16xf32>
      %get3A_1311 = arith.constant 0 : i32
      %get3A_1312 = arith.constant 0 : i32
      %get3A_1313 = tpu.memref_slice %arg5[%scan3A, %get3A_1311, %get3A_1312] : memref<2x128x128xf32, #tpu.memory_space<vmem>> -> memref<1x128x128xf32, #tpu.memory_space<vmem>>
      %get3A_1314 = tpu.memref_squeeze %get3A_1313 : memref<1x128x128xf32, #tpu.memory_space<vmem>> -> memref<128x128xf32, #tpu.memory_space<vmem>>
      %get3A_1315 = arith.index_cast %add3A_1248 : i32 to index
      %get3A_1316 = arith.constant 32 : index
      %get3A_1317 = tpu.vector_load %get3A_1314[%get3A_1315, %get3A_1316] {strides = array<i32>} : memref<128x128xf32, #tpu.memory_space<vmem>>, vector<16xf32>,
      %get3A_1318 = arith.constant 0 : i32
      %get3A_1319 = arith.constant 0 : i32
      %get3A_1320 = tpu.memref_slice %arg6[%scan3A_75, %get3A_1318, %get3A_1319] : memref<2x128x128xf32, #tpu.memory_space<vmem>> -> memref<1x128x128xf32, #tpu.memory_space<vmem>>
      %get3A_1321 = tpu.memref_squeeze %get3A_1320 : memref<1x128x128xf32, #tpu.memory_space<vmem>> -> memref<128x128xf32, #tpu.memory_space<vmem>>
      %get3A_1322 = arith.index_cast %add3A_1248 : i32 to index
      %get3A_1323 = arith.constant 32 : index
      %get3A_1324 = tpu.vector_load %get3A_1321[%get3A_1322, %get3A_1323] {strides = array<i32>} : memref<128x128xf32, #tpu.memory_space<vmem>>, vector<16xf32>,
      %mul3A_1325 = arith.mulf %get3A_1317, %get3A_1324 : vector<16xf32>
      %add3A_1326 = arith.addf %add3A_1294, %mul3A_1325 : vector<16xf32>
      %get3A_1327 = arith.constant 0 : i32
      %get3A_1328 = arith.constant 0 : i32
      %get3A_1329 = tpu.memref_slice %arg5[%scan3A, %get3A_1327, %get3A_1328] : memref<2x128x128xf32, #tpu.memory_space<vmem>> -> memref<1x128x128xf32, #tpu.memory_space<vmem>>
      %get3A_1330 = tpu.memref_squeeze %get3A_1329 : memref<1x128x128xf32, #tpu.memory_space<vmem>> -> memref<128x128xf32, #tpu.memory_space<vmem>>
      %get3A_1331 = arith.index_cast %add3A_1248 : i32 to index
      %get3A_1332 = arith.constant 96 : index
      %get3A_1333 = tpu.vector_load %get3A_1330[%get3A_1331, %get3A_1332] {strides = array<i32>} : memref<128x128xf32, #tpu.memory_space<vmem>>, vector<16xf32>,
      %get3A_1334 = arith.constant 0 : i32
      %get3A_1335 = arith.constant 0 : i32
      %get3A_1336 = tpu.memref_slice %arg6[%scan3A_75, %get3A_1334, %get3A_1335] : memref<2x128x128xf32, #tpu.memory_space<vmem>> -> memref<1x128x128xf32, #tpu.memory_space<vmem>>
      %get3A_1337 = tpu.memref_squeeze %get3A_1336 : memref<1x128x128xf32, #tpu.memory_space<vmem>> -> memref<128x128xf32, #tpu.memory_space<vmem>>
      %get3A_1338 = arith.index_cast %add3A_1248 : i32 to index
      %get3A_1339 = arith.constant 96 : index
      %get3A_1340 = tpu.vector_load %get3A_1337[%get3A_1338, %get3A_1339] {strides = array<i32>} : memref<128x128xf32, #tpu.memory_space<vmem>>, vector<16xf32>,
      %mul3A_1341 = arith.mulf %get3A_1333, %get3A_1340 : vector<16xf32>
      %add3A_1342 = arith.addf %add3A_1310, %mul3A_1341 : vector<16xf32>
      %get3A_1343 = arith.constant 0 : i32
      %get3A_1344 = arith.constant 0 : i32
      %get3A_1345 = tpu.memref_slice %arg5[%scan3A, %get3A_1343, %get3A_1344] : memref<2x128x128xf32, #tpu.memory_space<vmem>> -> memref<1x128x128xf32, #tpu.memory_space<vmem>>
      %get3A_1346 = tpu.memref_squeeze %get3A_1345 : memref<1x128x128xf32, #tpu.memory_space<vmem>> -> memref<128x128xf32, #tpu.memory_space<vmem>>
      %get3A_1347 = arith.index_cast %add3A_1248 : i32 to index
      %get3A_1348 = arith.constant 48 : index
      %get3A_1349 = tpu.vector_load %get3A_1346[%get3A_1347, %get3A_1348] {strides = array<i32>} : memref<128x128xf32, #tpu.memory_space<vmem>>, vector<16xf32>,
      %get3A_1350 = arith.constant 0 : i32
      %get3A_1351 = arith.constant 0 : i32
      %get3A_1352 = tpu.memref_slice %arg6[%scan3A_75, %get3A_1350, %get3A_1351] : memref<2x128x128xf32, #tpu.memory_space<vmem>> -> memref<1x128x128xf32, #tpu.memory_space<vmem>>
      %get3A_1353 = tpu.memref_squeeze %get3A_1352 : memref<1x128x128xf32, #tpu.memory_space<vmem>> -> memref<128x128xf32, #tpu.memory_space<vmem>>
      %get3A_1354 = arith.index_cast %add3A_1248 : i32 to index
      %get3A_1355 = arith.constant 48 : index
      %get3A_1356 = tpu.vector_load %get3A_1353[%get3A_1354, %get3A_1355] {strides = array<i32>} : memref<128x128xf32, #tpu.memory_space<vmem>>, vector<16xf32>,
      %mul3A_1357 = arith.mulf %get3A_1349, %get3A_1356 : vector<16xf32>
      %add3A_1358 = arith.addf %add3A_1326, %mul3A_1357 : vector<16xf32>
      %get3A_1359 = arith.constant 0 : i32
      %get3A_1360 = arith.constant 0 : i32
      %get3A_1361 = tpu.memref_slice %arg5[%scan3A, %get3A_1359, %get3A_1360] : memref<2x128x128xf32, #tpu.memory_space<vmem>> -> memref<1x128x128xf32, #tpu.memory_space<vmem>>
      %get3A_1362 = tpu.memref_squeeze %get3A_1361 : memref<1x128x128xf32, #tpu.memory_space<vmem>> -> memref<128x128xf32, #tpu.memory_space<vmem>>
      %get3A_1363 = arith.index_cast %add3A_1248 : i32 to index
      %get3A_1364 = arith.constant 112 : index
      %get3A_1365 = tpu.vector_load %get3A_1362[%get3A_1363, %get3A_1364] {strides = array<i32>} : memref<128x128xf32, #tpu.memory_space<vmem>>, vector<16xf32>,
      %get3A_1366 = arith.constant 0 : i32
      %get3A_1367 = arith.constant 0 : i32
      %get3A_1368 = tpu.memref_slice %arg6[%scan3A_75, %get3A_1366, %get3A_1367] : memref<2x128x128xf32, #tpu.memory_space<vmem>> -> memref<1x128x128xf32, #tpu.memory_space<vmem>>
      %get3A_1369 = tpu.memref_squeeze %get3A_1368 : memref<1x128x128xf32, #tpu.memory_space<vmem>> -> memref<128x128xf32, #tpu.memory_space<vmem>>
      %get3A_1370 = arith.index_cast %add3A_1248 : i32 to index
      %get3A_1371 = arith.constant 112 : index
      %get3A_1372 = tpu.vector_load %get3A_1369[%get3A_1370, %get3A_1371] {strides = array<i32>} : memref<128x128xf32, #tpu.memory_space<vmem>>, vector<16xf32>,
      %mul3A_1373 = arith.mulf %get3A_1365, %get3A_1372 : vector<16xf32>
      %add3A_1374 = arith.addf %add3A_1342, %mul3A_1373 : vector<16xf32>
      %add3A_1375 = arith.addf %add3A_1358, %add3A_1374 : vector<16xf32>
      %gather3A_1376 = vector.shape_cast %reshape3A : vector<16x1xi32> to vector<16xi32>
      %gather3A_1377 = tpu.dynamic_gather %add3A_1375[%gather3A_1376] in [0] : vector<16xf32>, vector<16xi32> -> vector<16xf32>
      %add3A_1378 = arith.addf %add3A_1375, %gather3A_1377 : vector<16xf32>
      %gather3A_1379 = vector.shape_cast %reshape3A_37 : vector<16x1xi32> to vector<16xi32>
      %gather3A_1380 = tpu.dynamic_gather %add3A_1378[%gather3A_1379] in [0] : vector<16xf32>, vector<16xi32> -> vector<16xf32>
      %add3A_1381 = arith.addf %add3A_1378, %gather3A_1380 : vector<16xf32>
      %gather3A_1382 = vector.shape_cast %reshape3A_41 : vector<16x1xi32> to vector<16xi32>
      %gather3A_1383 = tpu.dynamic_gather %add3A_1381[%gather3A_1382] in [0] : vector<16xf32>, vector<16xi32> -> vector<16xf32>
      %add3A_1384 = arith.addf %add3A_1381, %gather3A_1383 : vector<16xf32>
      %gather3A_1385 = vector.shape_cast %reshape3A_45 : vector<16x1xi32> to vector<16xi32>
      %gather3A_1386 = tpu.dynamic_gather %add3A_1384[%gather3A_1385] in [0] : vector<16xf32>, vector<16xi32> -> vector<16xf32>
      %add3A_1387 = arith.addf %add3A_1384, %gather3A_1386 : vector<16xf32>
      %eq3A_1388 = arith.constant 8 : i32
      %eq3A_1389 = vector.broadcast %eq3A_1388 : i32 to vector<16xi32>
      %eq3A_1390 = arith.cmpi eq, %iota3A, %eq3A_1389 : vector<16xi32>
      %select_n3A_1391 = arith.select %eq3A_1390, %add3A_1387, %select_n3A_1246 : vector<16xi1>, vector<16xf32>
      %add3A_1392 = arith.constant 9 : i32
      %add3A_1393 = arith.addi %add3A_89, %add3A_1392 : i32
      %get3A_1394 = arith.constant 0 : i32
      %get3A_1395 = arith.constant 0 : i32
      %get3A_1396 = tpu.memref_slice %arg5[%scan3A, %get3A_1394, %get3A_1395] : memref<2x128x128xf32, #tpu.memory_space<vmem>> -> memref<1x128x128xf32, #tpu.memory_space<vmem>>
      %get3A_1397 = tpu.memref_squeeze %get3A_1396 : memref<1x128x128xf32, #tpu.memory_space<vmem>> -> memref<128x128xf32, #tpu.memory_space<vmem>>
      %get3A_1398 = arith.index_cast %add3A_1393 : i32 to index
      %get3A_1399 = arith.constant 0 : index
      %get3A_1400 = tpu.vector_load %get3A_1397[%get3A_1398, %get3A_1399] {strides = array<i32>} : memref<128x128xf32, #tpu.memory_space<vmem>>, vector<16xf32>,
      %get3A_1401 = arith.constant 0 : i32
      %get3A_1402 = arith.constant 0 : i32
      %get3A_1403 = tpu.memref_slice %arg6[%scan3A_75, %get3A_1401, %get3A_1402] : memref<2x128x128xf32, #tpu.memory_space<vmem>> -> memref<1x128x128xf32, #tpu.memory_space<vmem>>
      %get3A_1404 = tpu.memref_squeeze %get3A_1403 : memref<1x128x128xf32, #tpu.memory_space<vmem>> -> memref<128x128xf32, #tpu.memory_space<vmem>>
      %get3A_1405 = arith.index_cast %add3A_1393 : i32 to index
      %get3A_1406 = arith.constant 0 : index
      %get3A_1407 = tpu.vector_load %get3A_1404[%get3A_1405, %get3A_1406] {strides = array<i32>} : memref<128x128xf32, #tpu.memory_space<vmem>>, vector<16xf32>,
      %mul3A_1408 = arith.mulf %get3A_1400, %get3A_1407 : vector<16xf32>
      %get3A_1409 = arith.constant 0 : i32
      %get3A_1410 = arith.constant 0 : i32
      %get3A_1411 = tpu.memref_slice %arg5[%scan3A, %get3A_1409, %get3A_1410] : memref<2x128x128xf32, #tpu.memory_space<vmem>> -> memref<1x128x128xf32, #tpu.memory_space<vmem>>
      %get3A_1412 = tpu.memref_squeeze %get3A_1411 : memref<1x128x128xf32, #tpu.memory_space<vmem>> -> memref<128x128xf32, #tpu.memory_space<vmem>>
      %get3A_1413 = arith.index_cast %add3A_1393 : i32 to index
      %get3A_1414 = arith.constant 64 : index
      %get3A_1415 = tpu.vector_load %get3A_1412[%get3A_1413, %get3A_1414] {strides = array<i32>} : memref<128x128xf32, #tpu.memory_space<vmem>>, vector<16xf32>,
      %get3A_1416 = arith.constant 0 : i32
      %get3A_1417 = arith.constant 0 : i32
      %get3A_1418 = tpu.memref_slice %arg6[%scan3A_75, %get3A_1416, %get3A_1417] : memref<2x128x128xf32, #tpu.memory_space<vmem>> -> memref<1x128x128xf32, #tpu.memory_space<vmem>>
      %get3A_1419 = tpu.memref_squeeze %get3A_1418 : memref<1x128x128xf32, #tpu.memory_space<vmem>> -> memref<128x128xf32, #tpu.memory_space<vmem>>
      %get3A_1420 = arith.index_cast %add3A_1393 : i32 to index
      %get3A_1421 = arith.constant 64 : index
      %get3A_1422 = tpu.vector_load %get3A_1419[%get3A_1420, %get3A_1421] {strides = array<i32>} : memref<128x128xf32, #tpu.memory_space<vmem>>, vector<16xf32>,
      %mul3A_1423 = arith.mulf %get3A_1415, %get3A_1422 : vector<16xf32>
      %get3A_1424 = arith.constant 0 : i32
      %get3A_1425 = arith.constant 0 : i32
      %get3A_1426 = tpu.memref_slice %arg5[%scan3A, %get3A_1424, %get3A_1425] : memref<2x128x128xf32, #tpu.memory_space<vmem>> -> memref<1x128x128xf32, #tpu.memory_space<vmem>>
      %get3A_1427 = tpu.memref_squeeze %get3A_1426 : memref<1x128x128xf32, #tpu.memory_space<vmem>> -> memref<128x128xf32, #tpu.memory_space<vmem>>
      %get3A_1428 = arith.index_cast %add3A_1393 : i32 to index
      %get3A_1429 = arith.constant 16 : index
      %get3A_1430 = tpu.vector_load %get3A_1427[%get3A_1428, %get3A_1429] {strides = array<i32>} : memref<128x128xf32, #tpu.memory_space<vmem>>, vector<16xf32>,
      %get3A_1431 = arith.constant 0 : i32
      %get3A_1432 = arith.constant 0 : i32
      %get3A_1433 = tpu.memref_slice %arg6[%scan3A_75, %get3A_1431, %get3A_1432] : memref<2x128x128xf32, #tpu.memory_space<vmem>> -> memref<1x128x128xf32, #tpu.memory_space<vmem>>
      %get3A_1434 = tpu.memref_squeeze %get3A_1433 : memref<1x128x128xf32, #tpu.memory_space<vmem>> -> memref<128x128xf32, #tpu.memory_space<vmem>>
      %get3A_1435 = arith.index_cast %add3A_1393 : i32 to index
      %get3A_1436 = arith.constant 16 : index
      %get3A_1437 = tpu.vector_load %get3A_1434[%get3A_1435, %get3A_1436] {strides = array<i32>} : memref<128x128xf32, #tpu.memory_space<vmem>>, vector<16xf32>,
      %mul3A_1438 = arith.mulf %get3A_1430, %get3A_1437 : vector<16xf32>
      %add3A_1439 = arith.addf %mul3A_1408, %mul3A_1438 : vector<16xf32>
      %get3A_1440 = arith.constant 0 : i32
      %get3A_1441 = arith.constant 0 : i32
      %get3A_1442 = tpu.memref_slice %arg5[%scan3A, %get3A_1440, %get3A_1441] : memref<2x128x128xf32, #tpu.memory_space<vmem>> -> memref<1x128x128xf32, #tpu.memory_space<vmem>>
      %get3A_1443 = tpu.memref_squeeze %get3A_1442 : memref<1x128x128xf32, #tpu.memory_space<vmem>> -> memref<128x128xf32, #tpu.memory_space<vmem>>
      %get3A_1444 = arith.index_cast %add3A_1393 : i32 to index
      %get3A_1445 = arith.constant 80 : index
      %get3A_1446 = tpu.vector_load %get3A_1443[%get3A_1444, %get3A_1445] {strides = array<i32>} : memref<128x128xf32, #tpu.memory_space<vmem>>, vector<16xf32>,
      %get3A_1447 = arith.constant 0 : i32
      %get3A_1448 = arith.constant 0 : i32
      %get3A_1449 = tpu.memref_slice %arg6[%scan3A_75, %get3A_1447, %get3A_1448] : memref<2x128x128xf32, #tpu.memory_space<vmem>> -> memref<1x128x128xf32, #tpu.memory_space<vmem>>
      %get3A_1450 = tpu.memref_squeeze %get3A_1449 : memref<1x128x128xf32, #tpu.memory_space<vmem>> -> memref<128x128xf32, #tpu.memory_space<vmem>>
      %get3A_1451 = arith.index_cast %add3A_1393 : i32 to index
      %get3A_1452 = arith.constant 80 : index
      %get3A_1453 = tpu.vector_load %get3A_1450[%get3A_1451, %get3A_1452] {strides = array<i32>} : memref<128x128xf32, #tpu.memory_space<vmem>>, vector<16xf32>,
      %mul3A_1454 = arith.mulf %get3A_1446, %get3A_1453 : vector<16xf32>
      %add3A_1455 = arith.addf %mul3A_1423, %mul3A_1454 : vector<16xf32>
      %get3A_1456 = arith.constant 0 : i32
      %get3A_1457 = arith.constant 0 : i32
      %get3A_1458 = tpu.memref_slice %arg5[%scan3A, %get3A_1456, %get3A_1457] : memref<2x128x128xf32, #tpu.memory_space<vmem>> -> memref<1x128x128xf32, #tpu.memory_space<vmem>>
      %get3A_1459 = tpu.memref_squeeze %get3A_1458 : memref<1x128x128xf32, #tpu.memory_space<vmem>> -> memref<128x128xf32, #tpu.memory_space<vmem>>
      %get3A_1460 = arith.index_cast %add3A_1393 : i32 to index
      %get3A_1461 = arith.constant 32 : index
      %get3A_1462 = tpu.vector_load %get3A_1459[%get3A_1460, %get3A_1461] {strides = array<i32>} : memref<128x128xf32, #tpu.memory_space<vmem>>, vector<16xf32>,
      %get3A_1463 = arith.constant 0 : i32
      %get3A_1464 = arith.constant 0 : i32
      %get3A_1465 = tpu.memref_slice %arg6[%scan3A_75, %get3A_1463, %get3A_1464] : memref<2x128x128xf32, #tpu.memory_space<vmem>> -> memref<1x128x128xf32, #tpu.memory_space<vmem>>
      %get3A_1466 = tpu.memref_squeeze %get3A_1465 : memref<1x128x128xf32, #tpu.memory_space<vmem>> -> memref<128x128xf32, #tpu.memory_space<vmem>>
      %get3A_1467 = arith.index_cast %add3A_1393 : i32 to index
      %get3A_1468 = arith.constant 32 : index
      %get3A_1469 = tpu.vector_load %get3A_1466[%get3A_1467, %get3A_1468] {strides = array<i32>} : memref<128x128xf32, #tpu.memory_space<vmem>>, vector<16xf32>,
      %mul3A_1470 = arith.mulf %get3A_1462, %get3A_1469 : vector<16xf32>
      %add3A_1471 = arith.addf %add3A_1439, %mul3A_1470 : vector<16xf32>
      %get3A_1472 = arith.constant 0 : i32
      %get3A_1473 = arith.constant 0 : i32
      %get3A_1474 = tpu.memref_slice %arg5[%scan3A, %get3A_1472, %get3A_1473] : memref<2x128x128xf32, #tpu.memory_space<vmem>> -> memref<1x128x128xf32, #tpu.memory_space<vmem>>
      %get3A_1475 = tpu.memref_squeeze %get3A_1474 : memref<1x128x128xf32, #tpu.memory_space<vmem>> -> memref<128x128xf32, #tpu.memory_space<vmem>>
      %get3A_1476 = arith.index_cast %add3A_1393 : i32 to index
      %get3A_1477 = arith.constant 96 : index
      %get3A_1478 = tpu.vector_load %get3A_1475[%get3A_1476, %get3A_1477] {strides = array<i32>} : memref<128x128xf32, #tpu.memory_space<vmem>>, vector<16xf32>,
      %get3A_1479 = arith.constant 0 : i32
      %get3A_1480 = arith.constant 0 : i32
      %get3A_1481 = tpu.memref_slice %arg6[%scan3A_75, %get3A_1479, %get3A_1480] : memref<2x128x128xf32, #tpu.memory_space<vmem>> -> memref<1x128x128xf32, #tpu.memory_space<vmem>>
      %get3A_1482 = tpu.memref_squeeze %get3A_1481 : memref<1x128x128xf32, #tpu.memory_space<vmem>> -> memref<128x128xf32, #tpu.memory_space<vmem>>
      %get3A_1483 = arith.index_cast %add3A_1393 : i32 to index
      %get3A_1484 = arith.constant 96 : index
      %get3A_1485 = tpu.vector_load %get3A_1482[%get3A_1483, %get3A_1484] {strides = array<i32>} : memref<128x128xf32, #tpu.memory_space<vmem>>, vector<16xf32>,
      %mul3A_1486 = arith.mulf %get3A_1478, %get3A_1485 : vector<16xf32>
      %add3A_1487 = arith.addf %add3A_1455, %mul3A_1486 : vector<16xf32>
      %get3A_1488 = arith.constant 0 : i32
      %get3A_1489 = arith.constant 0 : i32
      %get3A_1490 = tpu.memref_slice %arg5[%scan3A, %get3A_1488, %get3A_1489] : memref<2x128x128xf32, #tpu.memory_space<vmem>> -> memref<1x128x128xf32, #tpu.memory_space<vmem>>
      %get3A_1491 = tpu.memref_squeeze %get3A_1490 : memref<1x128x128xf32, #tpu.memory_space<vmem>> -> memref<128x128xf32, #tpu.memory_space<vmem>>
      %get3A_1492 = arith.index_cast %add3A_1393 : i32 to index
      %get3A_1493 = arith.constant 48 : index
      %get3A_1494 = tpu.vector_load %get3A_1491[%get3A_1492, %get3A_1493] {strides = array<i32>} : memref<128x128xf32, #tpu.memory_space<vmem>>, vector<16xf32>,
      %get3A_1495 = arith.constant 0 : i32
      %get3A_1496 = arith.constant 0 : i32
      %get3A_1497 = tpu.memref_slice %arg6[%scan3A_75, %get3A_1495, %get3A_1496] : memref<2x128x128xf32, #tpu.memory_space<vmem>> -> memref<1x128x128xf32, #tpu.memory_space<vmem>>
      %get3A_1498 = tpu.memref_squeeze %get3A_1497 : memref<1x128x128xf32, #tpu.memory_space<vmem>> -> memref<128x128xf32, #tpu.memory_space<vmem>>
      %get3A_1499 = arith.index_cast %add3A_1393 : i32 to index
      %get3A_1500 = arith.constant 48 : index
      %get3A_1501 = tpu.vector_load %get3A_1498[%get3A_1499, %get3A_1500] {strides = array<i32>} : memref<128x128xf32, #tpu.memory_space<vmem>>, vector<16xf32>,
      %mul3A_1502 = arith.mulf %get3A_1494, %get3A_1501 : vector<16xf32>
      %add3A_1503 = arith.addf %add3A_1471, %mul3A_1502 : vector<16xf32>
      %get3A_1504 = arith.constant 0 : i32
      %get3A_1505 = arith.constant 0 : i32
      %get3A_1506 = tpu.memref_slice %arg5[%scan3A, %get3A_1504, %get3A_1505] : memref<2x128x128xf32, #tpu.memory_space<vmem>> -> memref<1x128x128xf32, #tpu.memory_space<vmem>>
      %get3A_1507 = tpu.memref_squeeze %get3A_1506 : memref<1x128x128xf32, #tpu.memory_space<vmem>> -> memref<128x128xf32, #tpu.memory_space<vmem>>
      %get3A_1508 = arith.index_cast %add3A_1393 : i32 to index
      %get3A_1509 = arith.constant 112 : index
      %get3A_1510 = tpu.vector_load %get3A_1507[%get3A_1508, %get3A_1509] {strides = array<i32>} : memref<128x128xf32, #tpu.memory_space<vmem>>, vector<16xf32>,
      %get3A_1511 = arith.constant 0 : i32
      %get3A_1512 = arith.constant 0 : i32
      %get3A_1513 = tpu.memref_slice %arg6[%scan3A_75, %get3A_1511, %get3A_1512] : memref<2x128x128xf32, #tpu.memory_space<vmem>> -> memref<1x128x128xf32, #tpu.memory_space<vmem>>
      %get3A_1514 = tpu.memref_squeeze %get3A_1513 : memref<1x128x128xf32, #tpu.memory_space<vmem>> -> memref<128x128xf32, #tpu.memory_space<vmem>>
      %get3A_1515 = arith.index_cast %add3A_1393 : i32 to index
      %get3A_1516 = arith.constant 112 : index
      %get3A_1517 = tpu.vector_load %get3A_1514[%get3A_1515, %get3A_1516] {strides = array<i32>} : memref<128x128xf32, #tpu.memory_space<vmem>>, vector<16xf32>,
      %mul3A_1518 = arith.mulf %get3A_1510, %get3A_1517 : vector<16xf32>
      %add3A_1519 = arith.addf %add3A_1487, %mul3A_1518 : vector<16xf32>
      %add3A_1520 = arith.addf %add3A_1503, %add3A_1519 : vector<16xf32>
      %gather3A_1521 = vector.shape_cast %reshape3A : vector<16x1xi32> to vector<16xi32>
      %gather3A_1522 = tpu.dynamic_gather %add3A_1520[%gather3A_1521] in [0] : vector<16xf32>, vector<16xi32> -> vector<16xf32>
      %add3A_1523 = arith.addf %add3A_1520, %gather3A_1522 : vector<16xf32>
      %gather3A_1524 = vector.shape_cast %reshape3A_37 : vector<16x1xi32> to vector<16xi32>
      %gather3A_1525 = tpu.dynamic_gather %add3A_1523[%gather3A_1524] in [0] : vector<16xf32>, vector<16xi32> -> vector<16xf32>
      %add3A_1526 = arith.addf %add3A_1523, %gather3A_1525 : vector<16xf32>
      %gather3A_1527 = vector.shape_cast %reshape3A_41 : vector<16x1xi32> to vector<16xi32>
      %gather3A_1528 = tpu.dynamic_gather %add3A_1526[%gather3A_1527] in [0] : vector<16xf32>, vector<16xi32> -> vector<16xf32>
      %add3A_1529 = arith.addf %add3A_1526, %gather3A_1528 : vector<16xf32>
      %gather3A_1530 = vector.shape_cast %reshape3A_45 : vector<16x1xi32> to vector<16xi32>
      %gather3A_1531 = tpu.dynamic_gather %add3A_1529[%gather3A_1530] in [0] : vector<16xf32>, vector<16xi32> -> vector<16xf32>
      %add3A_1532 = arith.addf %add3A_1529, %gather3A_1531 : vector<16xf32>
      %eq3A_1533 = arith.constant 9 : i32
      %eq3A_1534 = vector.broadcast %eq3A_1533 : i32 to vector<16xi32>
      %eq3A_1535 = arith.cmpi eq, %iota3A, %eq3A_1534 : vector<16xi32>
      %select_n3A_1536 = arith.select %eq3A_1535, %add3A_1532, %select_n3A_1391 : vector<16xi1>, vector<16xf32>
      %add3A_1537 = arith.constant 10 : i32
      %add3A_1538 = arith.addi %add3A_89, %add3A_1537 : i32
      %get3A_1539 = arith.constant 0 : i32
      %get3A_1540 = arith.constant 0 : i32
      %get3A_1541 = tpu.memref_slice %arg5[%scan3A, %get3A_1539, %get3A_1540] : memref<2x128x128xf32, #tpu.memory_space<vmem>> -> memref<1x128x128xf32, #tpu.memory_space<vmem>>
      %get3A_1542 = tpu.memref_squeeze %get3A_1541 : memref<1x128x128xf32, #tpu.memory_space<vmem>> -> memref<128x128xf32, #tpu.memory_space<vmem>>
      %get3A_1543 = arith.index_cast %add3A_1538 : i32 to index
      %get3A_1544 = arith.constant 0 : index
      %get3A_1545 = tpu.vector_load %get3A_1542[%get3A_1543, %get3A_1544] {strides = array<i32>} : memref<128x128xf32, #tpu.memory_space<vmem>>, vector<16xf32>,
      %get3A_1546 = arith.constant 0 : i32
      %get3A_1547 = arith.constant 0 : i32
      %get3A_1548 = tpu.memref_slice %arg6[%scan3A_75, %get3A_1546, %get3A_1547] : memref<2x128x128xf32, #tpu.memory_space<vmem>> -> memref<1x128x128xf32, #tpu.memory_space<vmem>>
      %get3A_1549 = tpu.memref_squeeze %get3A_1548 : memref<1x128x128xf32, #tpu.memory_space<vmem>> -> memref<128x128xf32, #tpu.memory_space<vmem>>
      %get3A_1550 = arith.index_cast %add3A_1538 : i32 to index
      %get3A_1551 = arith.constant 0 : index
      %get3A_1552 = tpu.vector_load %get3A_1549[%get3A_1550, %get3A_1551] {strides = array<i32>} : memref<128x128xf32, #tpu.memory_space<vmem>>, vector<16xf32>,
      %mul3A_1553 = arith.mulf %get3A_1545, %get3A_1552 : vector<16xf32>
      %get3A_1554 = arith.constant 0 : i32
      %get3A_1555 = arith.constant 0 : i32
      %get3A_1556 = tpu.memref_slice %arg5[%scan3A, %get3A_1554, %get3A_1555] : memref<2x128x128xf32, #tpu.memory_space<vmem>> -> memref<1x128x128xf32, #tpu.memory_space<vmem>>
      %get3A_1557 = tpu.memref_squeeze %get3A_1556 : memref<1x128x128xf32, #tpu.memory_space<vmem>> -> memref<128x128xf32, #tpu.memory_space<vmem>>
      %get3A_1558 = arith.index_cast %add3A_1538 : i32 to index
      %get3A_1559 = arith.constant 64 : index
      %get3A_1560 = tpu.vector_load %get3A_1557[%get3A_1558, %get3A_1559] {strides = array<i32>} : memref<128x128xf32, #tpu.memory_space<vmem>>, vector<16xf32>,
      %get3A_1561 = arith.constant 0 : i32
      %get3A_1562 = arith.constant 0 : i32
      %get3A_1563 = tpu.memref_slice %arg6[%scan3A_75, %get3A_1561, %get3A_1562] : memref<2x128x128xf32, #tpu.memory_space<vmem>> -> memref<1x128x128xf32, #tpu.memory_space<vmem>>
      %get3A_1564 = tpu.memref_squeeze %get3A_1563 : memref<1x128x128xf32, #tpu.memory_space<vmem>> -> memref<128x128xf32, #tpu.memory_space<vmem>>
      %get3A_1565 = arith.index_cast %add3A_1538 : i32 to index
      %get3A_1566 = arith.constant 64 : index
      %get3A_1567 = tpu.vector_load %get3A_1564[%get3A_1565, %get3A_1566] {strides = array<i32>} : memref<128x128xf32, #tpu.memory_space<vmem>>, vector<16xf32>,
      %mul3A_1568 = arith.mulf %get3A_1560, %get3A_1567 : vector<16xf32>
      %get3A_1569 = arith.constant 0 : i32
      %get3A_1570 = arith.constant 0 : i32
      %get3A_1571 = tpu.memref_slice %arg5[%scan3A, %get3A_1569, %get3A_1570] : memref<2x128x128xf32, #tpu.memory_space<vmem>> -> memref<1x128x128xf32, #tpu.memory_space<vmem>>
      %get3A_1572 = tpu.memref_squeeze %get3A_1571 : memref<1x128x128xf32, #tpu.memory_space<vmem>> -> memref<128x128xf32, #tpu.memory_space<vmem>>
      %get3A_1573 = arith.index_cast %add3A_1538 : i32 to index
      %get3A_1574 = arith.constant 16 : index
      %get3A_1575 = tpu.vector_load %get3A_1572[%get3A_1573, %get3A_1574] {strides = array<i32>} : memref<128x128xf32, #tpu.memory_space<vmem>>, vector<16xf32>,
      %get3A_1576 = arith.constant 0 : i32
      %get3A_1577 = arith.constant 0 : i32
      %get3A_1578 = tpu.memref_slice %arg6[%scan3A_75, %get3A_1576, %get3A_1577] : memref<2x128x128xf32, #tpu.memory_space<vmem>> -> memref<1x128x128xf32, #tpu.memory_space<vmem>>
      %get3A_1579 = tpu.memref_squeeze %get3A_1578 : memref<1x128x128xf32, #tpu.memory_space<vmem>> -> memref<128x128xf32, #tpu.memory_space<vmem>>
      %get3A_1580 = arith.index_cast %add3A_1538 : i32 to index
      %get3A_1581 = arith.constant 16 : index
      %get3A_1582 = tpu.vector_load %get3A_1579[%get3A_1580, %get3A_1581] {strides = array<i32>} : memref<128x128xf32, #tpu.memory_space<vmem>>, vector<16xf32>,
      %mul3A_1583 = arith.mulf %get3A_1575, %get3A_1582 : vector<16xf32>
      %add3A_1584 = arith.addf %mul3A_1553, %mul3A_1583 : vector<16xf32>
      %get3A_1585 = arith.constant 0 : i32
      %get3A_1586 = arith.constant 0 : i32
      %get3A_1587 = tpu.memref_slice %arg5[%scan3A, %get3A_1585, %get3A_1586] : memref<2x128x128xf32, #tpu.memory_space<vmem>> -> memref<1x128x128xf32, #tpu.memory_space<vmem>>
      %get3A_1588 = tpu.memref_squeeze %get3A_1587 : memref<1x128x128xf32, #tpu.memory_space<vmem>> -> memref<128x128xf32, #tpu.memory_space<vmem>>
      %get3A_1589 = arith.index_cast %add3A_1538 : i32 to index
      %get3A_1590 = arith.constant 80 : index
      %get3A_1591 = tpu.vector_load %get3A_1588[%get3A_1589, %get3A_1590] {strides = array<i32>} : memref<128x128xf32, #tpu.memory_space<vmem>>, vector<16xf32>,
      %get3A_1592 = arith.constant 0 : i32
      %get3A_1593 = arith.constant 0 : i32
      %get3A_1594 = tpu.memref_slice %arg6[%scan3A_75, %get3A_1592, %get3A_1593] : memref<2x128x128xf32, #tpu.memory_space<vmem>> -> memref<1x128x128xf32, #tpu.memory_space<vmem>>
      %get3A_1595 = tpu.memref_squeeze %get3A_1594 : memref<1x128x128xf32, #tpu.memory_space<vmem>> -> memref<128x128xf32, #tpu.memory_space<vmem>>
      %get3A_1596 = arith.index_cast %add3A_1538 : i32 to index
      %get3A_1597 = arith.constant 80 : index
      %get3A_1598 = tpu.vector_load %get3A_1595[%get3A_1596, %get3A_1597] {strides = array<i32>} : memref<128x128xf32, #tpu.memory_space<vmem>>, vector<16xf32>,
      %mul3A_1599 = arith.mulf %get3A_1591, %get3A_1598 : vector<16xf32>
      %add3A_1600 = arith.addf %mul3A_1568, %mul3A_1599 : vector<16xf32>
      %get3A_1601 = arith.constant 0 : i32
      %get3A_1602 = arith.constant 0 : i32
      %get3A_1603 = tpu.memref_slice %arg5[%scan3A, %get3A_1601, %get3A_1602] : memref<2x128x128xf32, #tpu.memory_space<vmem>> -> memref<1x128x128xf32, #tpu.memory_space<vmem>>
      %get3A_1604 = tpu.memref_squeeze %get3A_1603 : memref<1x128x128xf32, #tpu.memory_space<vmem>> -> memref<128x128xf32, #tpu.memory_space<vmem>>
      %get3A_1605 = arith.index_cast %add3A_1538 : i32 to index
      %get3A_1606 = arith.constant 32 : index
      %get3A_1607 = tpu.vector_load %get3A_1604[%get3A_1605, %get3A_1606] {strides = array<i32>} : memref<128x128xf32, #tpu.memory_space<vmem>>, vector<16xf32>,
      %get3A_1608 = arith.constant 0 : i32
      %get3A_1609 = arith.constant 0 : i32
      %get3A_1610 = tpu.memref_slice %arg6[%scan3A_75, %get3A_1608, %get3A_1609] : memref<2x128x128xf32, #tpu.memory_space<vmem>> -> memref<1x128x128xf32, #tpu.memory_space<vmem>>
      %get3A_1611 = tpu.memref_squeeze %get3A_1610 : memref<1x128x128xf32, #tpu.memory_space<vmem>> -> memref<128x128xf32, #tpu.memory_space<vmem>>
      %get3A_1612 = arith.index_cast %add3A_1538 : i32 to index
      %get3A_1613 = arith.constant 32 : index
      %get3A_1614 = tpu.vector_load %get3A_1611[%get3A_1612, %get3A_1613] {strides = array<i32>} : memref<128x128xf32, #tpu.memory_space<vmem>>, vector<16xf32>,
      %mul3A_1615 = arith.mulf %get3A_1607, %get3A_1614 : vector<16xf32>
      %add3A_1616 = arith.addf %add3A_1584, %mul3A_1615 : vector<16xf32>
      %get3A_1617 = arith.constant 0 : i32
      %get3A_1618 = arith.constant 0 : i32
      %get3A_1619 = tpu.memref_slice %arg5[%scan3A, %get3A_1617, %get3A_1618] : memref<2x128x128xf32, #tpu.memory_space<vmem>> -> memref<1x128x128xf32, #tpu.memory_space<vmem>>
      %get3A_1620 = tpu.memref_squeeze %get3A_1619 : memref<1x128x128xf32, #tpu.memory_space<vmem>> -> memref<128x128xf32, #tpu.memory_space<vmem>>
      %get3A_1621 = arith.index_cast %add3A_1538 : i32 to index
      %get3A_1622 = arith.constant 96 : index
      %get3A_1623 = tpu.vector_load %get3A_1620[%get3A_1621, %get3A_1622] {strides = array<i32>} : memref<128x128xf32, #tpu.memory_space<vmem>>, vector<16xf32>,
      %get3A_1624 = arith.constant 0 : i32
      %get3A_1625 = arith.constant 0 : i32
      %get3A_1626 = tpu.memref_slice %arg6[%scan3A_75, %get3A_1624, %get3A_1625] : memref<2x128x128xf32, #tpu.memory_space<vmem>> -> memref<1x128x128xf32, #tpu.memory_space<vmem>>
      %get3A_1627 = tpu.memref_squeeze %get3A_1626 : memref<1x128x128xf32, #tpu.memory_space<vmem>> -> memref<128x128xf32, #tpu.memory_space<vmem>>
      %get3A_1628 = arith.index_cast %add3A_1538 : i32 to index
      %get3A_1629 = arith.constant 96 : index
      %get3A_1630 = tpu.vector_load %get3A_1627[%get3A_1628, %get3A_1629] {strides = array<i32>} : memref<128x128xf32, #tpu.memory_space<vmem>>, vector<16xf32>,
      %mul3A_1631 = arith.mulf %get3A_1623, %get3A_1630 : vector<16xf32>
      %add3A_1632 = arith.addf %add3A_1600, %mul3A_1631 : vector<16xf32>
      %get3A_1633 = arith.constant 0 : i32
      %get3A_1634 = arith.constant 0 : i32
      %get3A_1635 = tpu.memref_slice %arg5[%scan3A, %get3A_1633, %get3A_1634] : memref<2x128x128xf32, #tpu.memory_space<vmem>> -> memref<1x128x128xf32, #tpu.memory_space<vmem>>
      %get3A_1636 = tpu.memref_squeeze %get3A_1635 : memref<1x128x128xf32, #tpu.memory_space<vmem>> -> memref<128x128xf32, #tpu.memory_space<vmem>>
      %get3A_1637 = arith.index_cast %add3A_1538 : i32 to index
      %get3A_1638 = arith.constant 48 : index
      %get3A_1639 = tpu.vector_load %get3A_1636[%get3A_1637, %get3A_1638] {strides = array<i32>} : memref<128x128xf32, #tpu.memory_space<vmem>>, vector<16xf32>,
      %get3A_1640 = arith.constant 0 : i32
      %get3A_1641 = arith.constant 0 : i32
      %get3A_1642 = tpu.memref_slice %arg6[%scan3A_75, %get3A_1640, %get3A_1641] : memref<2x128x128xf32, #tpu.memory_space<vmem>> -> memref<1x128x128xf32, #tpu.memory_space<vmem>>
      %get3A_1643 = tpu.memref_squeeze %get3A_1642 : memref<1x128x128xf32, #tpu.memory_space<vmem>> -> memref<128x128xf32, #tpu.memory_space<vmem>>
      %get3A_1644 = arith.index_cast %add3A_1538 : i32 to index
      %get3A_1645 = arith.constant 48 : index
      %get3A_1646 = tpu.vector_load %get3A_1643[%get3A_1644, %get3A_1645] {strides = array<i32>} : memref<128x128xf32, #tpu.memory_space<vmem>>, vector<16xf32>,
      %mul3A_1647 = arith.mulf %get3A_1639, %get3A_1646 : vector<16xf32>
      %add3A_1648 = arith.addf %add3A_1616, %mul3A_1647 : vector<16xf32>
      %get3A_1649 = arith.constant 0 : i32
      %get3A_1650 = arith.constant 0 : i32
      %get3A_1651 = tpu.memref_slice %arg5[%scan3A, %get3A_1649, %get3A_1650] : memref<2x128x128xf32, #tpu.memory_space<vmem>> -> memref<1x128x128xf32, #tpu.memory_space<vmem>>
      %get3A_1652 = tpu.memref_squeeze %get3A_1651 : memref<1x128x128xf32, #tpu.memory_space<vmem>> -> memref<128x128xf32, #tpu.memory_space<vmem>>
      %get3A_1653 = arith.index_cast %add3A_1538 : i32 to index
      %get3A_1654 = arith.constant 112 : index
      %get3A_1655 = tpu.vector_load %get3A_1652[%get3A_1653, %get3A_1654] {strides = array<i32>} : memref<128x128xf32, #tpu.memory_space<vmem>>, vector<16xf32>,
      %get3A_1656 = arith.constant 0 : i32
      %get3A_1657 = arith.constant 0 : i32
      %get3A_1658 = tpu.memref_slice %arg6[%scan3A_75, %get3A_1656, %get3A_1657] : memref<2x128x128xf32, #tpu.memory_space<vmem>> -> memref<1x128x128xf32, #tpu.memory_space<vmem>>
      %get3A_1659 = tpu.memref_squeeze %get3A_1658 : memref<1x128x128xf32, #tpu.memory_space<vmem>> -> memref<128x128xf32, #tpu.memory_space<vmem>>
      %get3A_1660 = arith.index_cast %add3A_1538 : i32 to index
      %get3A_1661 = arith.constant 112 : index
      %get3A_1662 = tpu.vector_load %get3A_1659[%get3A_1660, %get3A_1661] {strides = array<i32>} : memref<128x128xf32, #tpu.memory_space<vmem>>, vector<16xf32>,
      %mul3A_1663 = arith.mulf %get3A_1655, %get3A_1662 : vector<16xf32>
      %add3A_1664 = arith.addf %add3A_1632, %mul3A_1663 : vector<16xf32>
      %add3A_1665 = arith.addf %add3A_1648, %add3A_1664 : vector<16xf32>
      %gather3A_1666 = vector.shape_cast %reshape3A : vector<16x1xi32> to vector<16xi32>
      %gather3A_1667 = tpu.dynamic_gather %add3A_1665[%gather3A_1666] in [0] : vector<16xf32>, vector<16xi32> -> vector<16xf32>
      %add3A_1668 = arith.addf %add3A_1665, %gather3A_1667 : vector<16xf32>
      %gather3A_1669 = vector.shape_cast %reshape3A_37 : vector<16x1xi32> to vector<16xi32>
      %gather3A_1670 = tpu.dynamic_gather %add3A_1668[%gather3A_1669] in [0] : vector<16xf32>, vector<16xi32> -> vector<16xf32>
      %add3A_1671 = arith.addf %add3A_1668, %gather3A_1670 : vector<16xf32>
      %gather3A_1672 = vector.shape_cast %reshape3A_41 : vector<16x1xi32> to vector<16xi32>
      %gather3A_1673 = tpu.dynamic_gather %add3A_1671[%gather3A_1672] in [0] : vector<16xf32>, vector<16xi32> -> vector<16xf32>
      %add3A_1674 = arith.addf %add3A_1671, %gather3A_1673 : vector<16xf32>
      %gather3A_1675 = vector.shape_cast %reshape3A_45 : vector<16x1xi32> to vector<16xi32>
      %gather3A_1676 = tpu.dynamic_gather %add3A_1674[%gather3A_1675] in [0] : vector<16xf32>, vector<16xi32> -> vector<16xf32>
      %add3A_1677 = arith.addf %add3A_1674, %gather3A_1676 : vector<16xf32>
      %eq3A_1678 = arith.constant 10 : i32
      %eq3A_1679 = vector.broadcast %eq3A_1678 : i32 to vector<16xi32>
      %eq3A_1680 = arith.cmpi eq, %iota3A, %eq3A_1679 : vector<16xi32>
      %select_n3A_1681 = arith.select %eq3A_1680, %add3A_1677, %select_n3A_1536 : vector<16xi1>, vector<16xf32>
      %add3A_1682 = arith.constant 11 : i32
      %add3A_1683 = arith.addi %add3A_89, %add3A_1682 : i32
      %get3A_1684 = arith.constant 0 : i32
      %get3A_1685 = arith.constant 0 : i32
      %get3A_1686 = tpu.memref_slice %arg5[%scan3A, %get3A_1684, %get3A_1685] : memref<2x128x128xf32, #tpu.memory_space<vmem>> -> memref<1x128x128xf32, #tpu.memory_space<vmem>>
      %get3A_1687 = tpu.memref_squeeze %get3A_1686 : memref<1x128x128xf32, #tpu.memory_space<vmem>> -> memref<128x128xf32, #tpu.memory_space<vmem>>
      %get3A_1688 = arith.index_cast %add3A_1683 : i32 to index
      %get3A_1689 = arith.constant 0 : index
      %get3A_1690 = tpu.vector_load %get3A_1687[%get3A_1688, %get3A_1689] {strides = array<i32>} : memref<128x128xf32, #tpu.memory_space<vmem>>, vector<16xf32>,
      %get3A_1691 = arith.constant 0 : i32
      %get3A_1692 = arith.constant 0 : i32
      %get3A_1693 = tpu.memref_slice %arg6[%scan3A_75, %get3A_1691, %get3A_1692] : memref<2x128x128xf32, #tpu.memory_space<vmem>> -> memref<1x128x128xf32, #tpu.memory_space<vmem>>
      %get3A_1694 = tpu.memref_squeeze %get3A_1693 : memref<1x128x128xf32, #tpu.memory_space<vmem>> -> memref<128x128xf32, #tpu.memory_space<vmem>>
      %get3A_1695 = arith.index_cast %add3A_1683 : i32 to index
      %get3A_1696 = arith.constant 0 : index
      %get3A_1697 = tpu.vector_load %get3A_1694[%get3A_1695, %get3A_1696] {strides = array<i32>} : memref<128x128xf32, #tpu.memory_space<vmem>>, vector<16xf32>,
      %mul3A_1698 = arith.mulf %get3A_1690, %get3A_1697 : vector<16xf32>
      %get3A_1699 = arith.constant 0 : i32
      %get3A_1700 = arith.constant 0 : i32
      %get3A_1701 = tpu.memref_slice %arg5[%scan3A, %get3A_1699, %get3A_1700] : memref<2x128x128xf32, #tpu.memory_space<vmem>> -> memref<1x128x128xf32, #tpu.memory_space<vmem>>
      %get3A_1702 = tpu.memref_squeeze %get3A_1701 : memref<1x128x128xf32, #tpu.memory_space<vmem>> -> memref<128x128xf32, #tpu.memory_space<vmem>>
      %get3A_1703 = arith.index_cast %add3A_1683 : i32 to index
      %get3A_1704 = arith.constant 64 : index
      %get3A_1705 = tpu.vector_load %get3A_1702[%get3A_1703, %get3A_1704] {strides = array<i32>} : memref<128x128xf32, #tpu.memory_space<vmem>>, vector<16xf32>,
      %get3A_1706 = arith.constant 0 : i32
      %get3A_1707 = arith.constant 0 : i32
      %get3A_1708 = tpu.memref_slice %arg6[%scan3A_75, %get3A_1706, %get3A_1707] : memref<2x128x128xf32, #tpu.memory_space<vmem>> -> memref<1x128x128xf32, #tpu.memory_space<vmem>>
      %get3A_1709 = tpu.memref_squeeze %get3A_1708 : memref<1x128x128xf32, #tpu.memory_space<vmem>> -> memref<128x128xf32, #tpu.memory_space<vmem>>
      %get3A_1710 = arith.index_cast %add3A_1683 : i32 to index
      %get3A_1711 = arith.constant 64 : index
      %get3A_1712 = tpu.vector_load %get3A_1709[%get3A_1710, %get3A_1711] {strides = array<i32>} : memref<128x128xf32, #tpu.memory_space<vmem>>, vector<16xf32>,
      %mul3A_1713 = arith.mulf %get3A_1705, %get3A_1712 : vector<16xf32>
      %get3A_1714 = arith.constant 0 : i32
      %get3A_1715 = arith.constant 0 : i32
      %get3A_1716 = tpu.memref_slice %arg5[%scan3A, %get3A_1714, %get3A_1715] : memref<2x128x128xf32, #tpu.memory_space<vmem>> -> memref<1x128x128xf32, #tpu.memory_space<vmem>>
      %get3A_1717 = tpu.memref_squeeze %get3A_1716 : memref<1x128x128xf32, #tpu.memory_space<vmem>> -> memref<128x128xf32, #tpu.memory_space<vmem>>
      %get3A_1718 = arith.index_cast %add3A_1683 : i32 to index
      %get3A_1719 = arith.constant 16 : index
      %get3A_1720 = tpu.vector_load %get3A_1717[%get3A_1718, %get3A_1719] {strides = array<i32>} : memref<128x128xf32, #tpu.memory_space<vmem>>, vector<16xf32>,
      %get3A_1721 = arith.constant 0 : i32
      %get3A_1722 = arith.constant 0 : i32
      %get3A_1723 = tpu.memref_slice %arg6[%scan3A_75, %get3A_1721, %get3A_1722] : memref<2x128x128xf32, #tpu.memory_space<vmem>> -> memref<1x128x128xf32, #tpu.memory_space<vmem>>
      %get3A_1724 = tpu.memref_squeeze %get3A_1723 : memref<1x128x128xf32, #tpu.memory_space<vmem>> -> memref<128x128xf32, #tpu.memory_space<vmem>>
      %get3A_1725 = arith.index_cast %add3A_1683 : i32 to index
      %get3A_1726 = arith.constant 16 : index
      %get3A_1727 = tpu.vector_load %get3A_1724[%get3A_1725, %get3A_1726] {strides = array<i32>} : memref<128x128xf32, #tpu.memory_space<vmem>>, vector<16xf32>,
      %mul3A_1728 = arith.mulf %get3A_1720, %get3A_1727 : vector<16xf32>
      %add3A_1729 = arith.addf %mul3A_1698, %mul3A_1728 : vector<16xf32>
      %get3A_1730 = arith.constant 0 : i32
      %get3A_1731 = arith.constant 0 : i32
      %get3A_1732 = tpu.memref_slice %arg5[%scan3A, %get3A_1730, %get3A_1731] : memref<2x128x128xf32, #tpu.memory_space<vmem>> -> memref<1x128x128xf32, #tpu.memory_space<vmem>>
      %get3A_1733 = tpu.memref_squeeze %get3A_1732 : memref<1x128x128xf32, #tpu.memory_space<vmem>> -> memref<128x128xf32, #tpu.memory_space<vmem>>
      %get3A_1734 = arith.index_cast %add3A_1683 : i32 to index
      %get3A_1735 = arith.constant 80 : index
      %get3A_1736 = tpu.vector_load %get3A_1733[%get3A_1734, %get3A_1735] {strides = array<i32>} : memref<128x128xf32, #tpu.memory_space<vmem>>, vector<16xf32>,
      %get3A_1737 = arith.constant 0 : i32
      %get3A_1738 = arith.constant 0 : i32
      %get3A_1739 = tpu.memref_slice %arg6[%scan3A_75, %get3A_1737, %get3A_1738] : memref<2x128x128xf32, #tpu.memory_space<vmem>> -> memref<1x128x128xf32, #tpu.memory_space<vmem>>
      %get3A_1740 = tpu.memref_squeeze %get3A_1739 : memref<1x128x128xf32, #tpu.memory_space<vmem>> -> memref<128x128xf32, #tpu.memory_space<vmem>>
      %get3A_1741 = arith.index_cast %add3A_1683 : i32 to index
      %get3A_1742 = arith.constant 80 : index
      %get3A_1743 = tpu.vector_load %get3A_1740[%get3A_1741, %get3A_1742] {strides = array<i32>} : memref<128x128xf32, #tpu.memory_space<vmem>>, vector<16xf32>,
      %mul3A_1744 = arith.mulf %get3A_1736, %get3A_1743 : vector<16xf32>
      %add3A_1745 = arith.addf %mul3A_1713, %mul3A_1744 : vector<16xf32>
      %get3A_1746 = arith.constant 0 : i32
      %get3A_1747 = arith.constant 0 : i32
      %get3A_1748 = tpu.memref_slice %arg5[%scan3A, %get3A_1746, %get3A_1747] : memref<2x128x128xf32, #tpu.memory_space<vmem>> -> memref<1x128x128xf32, #tpu.memory_space<vmem>>
      %get3A_1749 = tpu.memref_squeeze %get3A_1748 : memref<1x128x128xf32, #tpu.memory_space<vmem>> -> memref<128x128xf32, #tpu.memory_space<vmem>>
      %get3A_1750 = arith.index_cast %add3A_1683 : i32 to index
      %get3A_1751 = arith.constant 32 : index
      %get3A_1752 = tpu.vector_load %get3A_1749[%get3A_1750, %get3A_1751] {strides = array<i32>} : memref<128x128xf32, #tpu.memory_space<vmem>>, vector<16xf32>,
      %get3A_1753 = arith.constant 0 : i32
      %get3A_1754 = arith.constant 0 : i32
      %get3A_1755 = tpu.memref_slice %arg6[%scan3A_75, %get3A_1753, %get3A_1754] : memref<2x128x128xf32, #tpu.memory_space<vmem>> -> memref<1x128x128xf32, #tpu.memory_space<vmem>>
      %get3A_1756 = tpu.memref_squeeze %get3A_1755 : memref<1x128x128xf32, #tpu.memory_space<vmem>> -> memref<128x128xf32, #tpu.memory_space<vmem>>
      %get3A_1757 = arith.index_cast %add3A_1683 : i32 to index
      %get3A_1758 = arith.constant 32 : index
      %get3A_1759 = tpu.vector_load %get3A_1756[%get3A_1757, %get3A_1758] {strides = array<i32>} : memref<128x128xf32, #tpu.memory_space<vmem>>, vector<16xf32>,
      %mul3A_1760 = arith.mulf %get3A_1752, %get3A_1759 : vector<16xf32>
      %add3A_1761 = arith.addf %add3A_1729, %mul3A_1760 : vector<16xf32>
      %get3A_1762 = arith.constant 0 : i32
      %get3A_1763 = arith.constant 0 : i32
      %get3A_1764 = tpu.memref_slice %arg5[%scan3A, %get3A_1762, %get3A_1763] : memref<2x128x128xf32, #tpu.memory_space<vmem>> -> memref<1x128x128xf32, #tpu.memory_space<vmem>>
      %get3A_1765 = tpu.memref_squeeze %get3A_1764 : memref<1x128x128xf32, #tpu.memory_space<vmem>> -> memref<128x128xf32, #tpu.memory_space<vmem>>
      %get3A_1766 = arith.index_cast %add3A_1683 : i32 to index
      %get3A_1767 = arith.constant 96 : index
      %get3A_1768 = tpu.vector_load %get3A_1765[%get3A_1766, %get3A_1767] {strides = array<i32>} : memref<128x128xf32, #tpu.memory_space<vmem>>, vector<16xf32>,
      %get3A_1769 = arith.constant 0 : i32
      %get3A_1770 = arith.constant 0 : i32
      %get3A_1771 = tpu.memref_slice %arg6[%scan3A_75, %get3A_1769, %get3A_1770] : memref<2x128x128xf32, #tpu.memory_space<vmem>> -> memref<1x128x128xf32, #tpu.memory_space<vmem>>
      %get3A_1772 = tpu.memref_squeeze %get3A_1771 : memref<1x128x128xf32, #tpu.memory_space<vmem>> -> memref<128x128xf32, #tpu.memory_space<vmem>>
      %get3A_1773 = arith.index_cast %add3A_1683 : i32 to index
      %get3A_1774 = arith.constant 96 : index
      %get3A_1775 = tpu.vector_load %get3A_1772[%get3A_1773, %get3A_1774] {strides = array<i32>} : memref<128x128xf32, #tpu.memory_space<vmem>>, vector<16xf32>,
      %mul3A_1776 = arith.mulf %get3A_1768, %get3A_1775 : vector<16xf32>
      %add3A_1777 = arith.addf %add3A_1745, %mul3A_1776 : vector<16xf32>
      %get3A_1778 = arith.constant 0 : i32
      %get3A_1779 = arith.constant 0 : i32
      %get3A_1780 = tpu.memref_slice %arg5[%scan3A, %get3A_1778, %get3A_1779] : memref<2x128x128xf32, #tpu.memory_space<vmem>> -> memref<1x128x128xf32, #tpu.memory_space<vmem>>
      %get3A_1781 = tpu.memref_squeeze %get3A_1780 : memref<1x128x128xf32, #tpu.memory_space<vmem>> -> memref<128x128xf32, #tpu.memory_space<vmem>>
      %get3A_1782 = arith.index_cast %add3A_1683 : i32 to index
      %get3A_1783 = arith.constant 48 : index
      %get3A_1784 = tpu.vector_load %get3A_1781[%get3A_1782, %get3A_1783] {strides = array<i32>} : memref<128x128xf32, #tpu.memory_space<vmem>>, vector<16xf32>,
      %get3A_1785 = arith.constant 0 : i32
      %get3A_1786 = arith.constant 0 : i32
      %get3A_1787 = tpu.memref_slice %arg6[%scan3A_75, %get3A_1785, %get3A_1786] : memref<2x128x128xf32, #tpu.memory_space<vmem>> -> memref<1x128x128xf32, #tpu.memory_space<vmem>>
      %get3A_1788 = tpu.memref_squeeze %get3A_1787 : memref<1x128x128xf32, #tpu.memory_space<vmem>> -> memref<128x128xf32, #tpu.memory_space<vmem>>
      %get3A_1789 = arith.index_cast %add3A_1683 : i32 to index
      %get3A_1790 = arith.constant 48 : index
      %get3A_1791 = tpu.vector_load %get3A_1788[%get3A_1789, %get3A_1790] {strides = array<i32>} : memref<128x128xf32, #tpu.memory_space<vmem>>, vector<16xf32>,
      %mul3A_1792 = arith.mulf %get3A_1784, %get3A_1791 : vector<16xf32>
      %add3A_1793 = arith.addf %add3A_1761, %mul3A_1792 : vector<16xf32>
      %get3A_1794 = arith.constant 0 : i32
      %get3A_1795 = arith.constant 0 : i32
      %get3A_1796 = tpu.memref_slice %arg5[%scan3A, %get3A_1794, %get3A_1795] : memref<2x128x128xf32, #tpu.memory_space<vmem>> -> memref<1x128x128xf32, #tpu.memory_space<vmem>>
      %get3A_1797 = tpu.memref_squeeze %get3A_1796 : memref<1x128x128xf32, #tpu.memory_space<vmem>> -> memref<128x128xf32, #tpu.memory_space<vmem>>
      %get3A_1798 = arith.index_cast %add3A_1683 : i32 to index
      %get3A_1799 = arith.constant 112 : index
      %get3A_1800 = tpu.vector_load %get3A_1797[%get3A_1798, %get3A_1799] {strides = array<i32>} : memref<128x128xf32, #tpu.memory_space<vmem>>, vector<16xf32>,
      %get3A_1801 = arith.constant 0 : i32
      %get3A_1802 = arith.constant 0 : i32
      %get3A_1803 = tpu.memref_slice %arg6[%scan3A_75, %get3A_1801, %get3A_1802] : memref<2x128x128xf32, #tpu.memory_space<vmem>> -> memref<1x128x128xf32, #tpu.memory_space<vmem>>
      %get3A_1804 = tpu.memref_squeeze %get3A_1803 : memref<1x128x128xf32, #tpu.memory_space<vmem>> -> memref<128x128xf32, #tpu.memory_space<vmem>>
      %get3A_1805 = arith.index_cast %add3A_1683 : i32 to index
      %get3A_1806 = arith.constant 112 : index
      %get3A_1807 = tpu.vector_load %get3A_1804[%get3A_1805, %get3A_1806] {strides = array<i32>} : memref<128x128xf32, #tpu.memory_space<vmem>>, vector<16xf32>,
      %mul3A_1808 = arith.mulf %get3A_1800, %get3A_1807 : vector<16xf32>
      %add3A_1809 = arith.addf %add3A_1777, %mul3A_1808 : vector<16xf32>
      %add3A_1810 = arith.addf %add3A_1793, %add3A_1809 : vector<16xf32>
      %gather3A_1811 = vector.shape_cast %reshape3A : vector<16x1xi32> to vector<16xi32>
      %gather3A_1812 = tpu.dynamic_gather %add3A_1810[%gather3A_1811] in [0] : vector<16xf32>, vector<16xi32> -> vector<16xf32>
      %add3A_1813 = arith.addf %add3A_1810, %gather3A_1812 : vector<16xf32>
      %gather3A_1814 = vector.shape_cast %reshape3A_37 : vector<16x1xi32> to vector<16xi32>
      %gather3A_1815 = tpu.dynamic_gather %add3A_1813[%gather3A_1814] in [0] : vector<16xf32>, vector<16xi32> -> vector<16xf32>
      %add3A_1816 = arith.addf %add3A_1813, %gather3A_1815 : vector<16xf32>
      %gather3A_1817 = vector.shape_cast %reshape3A_41 : vector<16x1xi32> to vector<16xi32>
      %gather3A_1818 = tpu.dynamic_gather %add3A_1816[%gather3A_1817] in [0] : vector<16xf32>, vector<16xi32> -> vector<16xf32>
      %add3A_1819 = arith.addf %add3A_1816, %gather3A_1818 : vector<16xf32>
      %gather3A_1820 = vector.shape_cast %reshape3A_45 : vector<16x1xi32> to vector<16xi32>
      %gather3A_1821 = tpu.dynamic_gather %add3A_1819[%gather3A_1820] in [0] : vector<16xf32>, vector<16xi32> -> vector<16xf32>
      %add3A_1822 = arith.addf %add3A_1819, %gather3A_1821 : vector<16xf32>
      %eq3A_1823 = arith.constant 11 : i32
      %eq3A_1824 = vector.broadcast %eq3A_1823 : i32 to vector<16xi32>
      %eq3A_1825 = arith.cmpi eq, %iota3A, %eq3A_1824 : vector<16xi32>
      %select_n3A_1826 = arith.select %eq3A_1825, %add3A_1822, %select_n3A_1681 : vector<16xi1>, vector<16xf32>
      %add3A_1827 = arith.constant 12 : i32
      %add3A_1828 = arith.addi %add3A_89, %add3A_1827 : i32
      %get3A_1829 = arith.constant 0 : i32
      %get3A_1830 = arith.constant 0 : i32
      %get3A_1831 = tpu.memref_slice %arg5[%scan3A, %get3A_1829, %get3A_1830] : memref<2x128x128xf32, #tpu.memory_space<vmem>> -> memref<1x128x128xf32, #tpu.memory_space<vmem>>
      %get3A_1832 = tpu.memref_squeeze %get3A_1831 : memref<1x128x128xf32, #tpu.memory_space<vmem>> -> memref<128x128xf32, #tpu.memory_space<vmem>>
      %get3A_1833 = arith.index_cast %add3A_1828 : i32 to index
      %get3A_1834 = arith.constant 0 : index
      %get3A_1835 = tpu.vector_load %get3A_1832[%get3A_1833, %get3A_1834] {strides = array<i32>} : memref<128x128xf32, #tpu.memory_space<vmem>>, vector<16xf32>,
      %get3A_1836 = arith.constant 0 : i32
      %get3A_1837 = arith.constant 0 : i32
      %get3A_1838 = tpu.memref_slice %arg6[%scan3A_75, %get3A_1836, %get3A_1837] : memref<2x128x128xf32, #tpu.memory_space<vmem>> -> memref<1x128x128xf32, #tpu.memory_space<vmem>>
      %get3A_1839 = tpu.memref_squeeze %get3A_1838 : memref<1x128x128xf32, #tpu.memory_space<vmem>> -> memref<128x128xf32, #tpu.memory_space<vmem>>
      %get3A_1840 = arith.index_cast %add3A_1828 : i32 to index
      %get3A_1841 = arith.constant 0 : index
      %get3A_1842 = tpu.vector_load %get3A_1839[%get3A_1840, %get3A_1841] {strides = array<i32>} : memref<128x128xf32, #tpu.memory_space<vmem>>, vector<16xf32>,
      %mul3A_1843 = arith.mulf %get3A_1835, %get3A_1842 : vector<16xf32>
      %get3A_1844 = arith.constant 0 : i32
      %get3A_1845 = arith.constant 0 : i32
      %get3A_1846 = tpu.memref_slice %arg5[%scan3A, %get3A_1844, %get3A_1845] : memref<2x128x128xf32, #tpu.memory_space<vmem>> -> memref<1x128x128xf32, #tpu.memory_space<vmem>>
      %get3A_1847 = tpu.memref_squeeze %get3A_1846 : memref<1x128x128xf32, #tpu.memory_space<vmem>> -> memref<128x128xf32, #tpu.memory_space<vmem>>
      %get3A_1848 = arith.index_cast %add3A_1828 : i32 to index
      %get3A_1849 = arith.constant 64 : index
      %get3A_1850 = tpu.vector_load %get3A_1847[%get3A_1848, %get3A_1849] {strides = array<i32>} : memref<128x128xf32, #tpu.memory_space<vmem>>, vector<16xf32>,
      %get3A_1851 = arith.constant 0 : i32
      %get3A_1852 = arith.constant 0 : i32
      %get3A_1853 = tpu.memref_slice %arg6[%scan3A_75, %get3A_1851, %get3A_1852] : memref<2x128x128xf32, #tpu.memory_space<vmem>> -> memref<1x128x128xf32, #tpu.memory_space<vmem>>
      %get3A_1854 = tpu.memref_squeeze %get3A_1853 : memref<1x128x128xf32, #tpu.memory_space<vmem>> -> memref<128x128xf32, #tpu.memory_space<vmem>>
      %get3A_1855 = arith.index_cast %add3A_1828 : i32 to index
      %get3A_1856 = arith.constant 64 : index
      %get3A_1857 = tpu.vector_load %get3A_1854[%get3A_1855, %get3A_1856] {strides = array<i32>} : memref<128x128xf32, #tpu.memory_space<vmem>>, vector<16xf32>,
      %mul3A_1858 = arith.mulf %get3A_1850, %get3A_1857 : vector<16xf32>
      %get3A_1859 = arith.constant 0 : i32
      %get3A_1860 = arith.constant 0 : i32
      %get3A_1861 = tpu.memref_slice %arg5[%scan3A, %get3A_1859, %get3A_1860] : memref<2x128x128xf32, #tpu.memory_space<vmem>> -> memref<1x128x128xf32, #tpu.memory_space<vmem>>
      %get3A_1862 = tpu.memref_squeeze %get3A_1861 : memref<1x128x128xf32, #tpu.memory_space<vmem>> -> memref<128x128xf32, #tpu.memory_space<vmem>>
      %get3A_1863 = arith.index_cast %add3A_1828 : i32 to index
      %get3A_1864 = arith.constant 16 : index
      %get3A_1865 = tpu.vector_load %get3A_1862[%get3A_1863, %get3A_1864] {strides = array<i32>} : memref<128x128xf32, #tpu.memory_space<vmem>>, vector<16xf32>,
      %get3A_1866 = arith.constant 0 : i32
      %get3A_1867 = arith.constant 0 : i32
      %get3A_1868 = tpu.memref_slice %arg6[%scan3A_75, %get3A_1866, %get3A_1867] : memref<2x128x128xf32, #tpu.memory_space<vmem>> -> memref<1x128x128xf32, #tpu.memory_space<vmem>>
      %get3A_1869 = tpu.memref_squeeze %get3A_1868 : memref<1x128x128xf32, #tpu.memory_space<vmem>> -> memref<128x128xf32, #tpu.memory_space<vmem>>
      %get3A_1870 = arith.index_cast %add3A_1828 : i32 to index
      %get3A_1871 = arith.constant 16 : index
      %get3A_1872 = tpu.vector_load %get3A_1869[%get3A_1870, %get3A_1871] {strides = array<i32>} : memref<128x128xf32, #tpu.memory_space<vmem>>, vector<16xf32>,
      %mul3A_1873 = arith.mulf %get3A_1865, %get3A_1872 : vector<16xf32>
      %add3A_1874 = arith.addf %mul3A_1843, %mul3A_1873 : vector<16xf32>
      %get3A_1875 = arith.constant 0 : i32
      %get3A_1876 = arith.constant 0 : i32
      %get3A_1877 = tpu.memref_slice %arg5[%scan3A, %get3A_1875, %get3A_1876] : memref<2x128x128xf32, #tpu.memory_space<vmem>> -> memref<1x128x128xf32, #tpu.memory_space<vmem>>
      %get3A_1878 = tpu.memref_squeeze %get3A_1877 : memref<1x128x128xf32, #tpu.memory_space<vmem>> -> memref<128x128xf32, #tpu.memory_space<vmem>>
      %get3A_1879 = arith.index_cast %add3A_1828 : i32 to index
      %get3A_1880 = arith.constant 80 : index
      %get3A_1881 = tpu.vector_load %get3A_1878[%get3A_1879, %get3A_1880] {strides = array<i32>} : memref<128x128xf32, #tpu.memory_space<vmem>>, vector<16xf32>,
      %get3A_1882 = arith.constant 0 : i32
      %get3A_1883 = arith.constant 0 : i32
      %get3A_1884 = tpu.memref_slice %arg6[%scan3A_75, %get3A_1882, %get3A_1883] : memref<2x128x128xf32, #tpu.memory_space<vmem>> -> memref<1x128x128xf32, #tpu.memory_space<vmem>>
      %get3A_1885 = tpu.memref_squeeze %get3A_1884 : memref<1x128x128xf32, #tpu.memory_space<vmem>> -> memref<128x128xf32, #tpu.memory_space<vmem>>
      %get3A_1886 = arith.index_cast %add3A_1828 : i32 to index
      %get3A_1887 = arith.constant 80 : index
      %get3A_1888 = tpu.vector_load %get3A_1885[%get3A_1886, %get3A_1887] {strides = array<i32>} : memref<128x128xf32, #tpu.memory_space<vmem>>, vector<16xf32>,
      %mul3A_1889 = arith.mulf %get3A_1881, %get3A_1888 : vector<16xf32>
      %add3A_1890 = arith.addf %mul3A_1858, %mul3A_1889 : vector<16xf32>
      %get3A_1891 = arith.constant 0 : i32
      %get3A_1892 = arith.constant 0 : i32
      %get3A_1893 = tpu.memref_slice %arg5[%scan3A, %get3A_1891, %get3A_1892] : memref<2x128x128xf32, #tpu.memory_space<vmem>> -> memref<1x128x128xf32, #tpu.memory_space<vmem>>
      %get3A_1894 = tpu.memref_squeeze %get3A_1893 : memref<1x128x128xf32, #tpu.memory_space<vmem>> -> memref<128x128xf32, #tpu.memory_space<vmem>>
      %get3A_1895 = arith.index_cast %add3A_1828 : i32 to index
      %get3A_1896 = arith.constant 32 : index
      %get3A_1897 = tpu.vector_load %get3A_1894[%get3A_1895, %get3A_1896] {strides = array<i32>} : memref<128x128xf32, #tpu.memory_space<vmem>>, vector<16xf32>,
      %get3A_1898 = arith.constant 0 : i32
      %get3A_1899 = arith.constant 0 : i32
      %get3A_1900 = tpu.memref_slice %arg6[%scan3A_75, %get3A_1898, %get3A_1899] : memref<2x128x128xf32, #tpu.memory_space<vmem>> -> memref<1x128x128xf32, #tpu.memory_space<vmem>>
      %get3A_1901 = tpu.memref_squeeze %get3A_1900 : memref<1x128x128xf32, #tpu.memory_space<vmem>> -> memref<128x128xf32, #tpu.memory_space<vmem>>
      %get3A_1902 = arith.index_cast %add3A_1828 : i32 to index
      %get3A_1903 = arith.constant 32 : index
      %get3A_1904 = tpu.vector_load %get3A_1901[%get3A_1902, %get3A_1903] {strides = array<i32>} : memref<128x128xf32, #tpu.memory_space<vmem>>, vector<16xf32>,
      %mul3A_1905 = arith.mulf %get3A_1897, %get3A_1904 : vector<16xf32>
      %add3A_1906 = arith.addf %add3A_1874, %mul3A_1905 : vector<16xf32>
      %get3A_1907 = arith.constant 0 : i32
      %get3A_1908 = arith.constant 0 : i32
      %get3A_1909 = tpu.memref_slice %arg5[%scan3A, %get3A_1907, %get3A_1908] : memref<2x128x128xf32, #tpu.memory_space<vmem>> -> memref<1x128x128xf32, #tpu.memory_space<vmem>>
      %get3A_1910 = tpu.memref_squeeze %get3A_1909 : memref<1x128x128xf32, #tpu.memory_space<vmem>> -> memref<128x128xf32, #tpu.memory_space<vmem>>
      %get3A_1911 = arith.index_cast %add3A_1828 : i32 to index
      %get3A_1912 = arith.constant 96 : index
      %get3A_1913 = tpu.vector_load %get3A_1910[%get3A_1911, %get3A_1912] {strides = array<i32>} : memref<128x128xf32, #tpu.memory_space<vmem>>, vector<16xf32>,
      %get3A_1914 = arith.constant 0 : i32
      %get3A_1915 = arith.constant 0 : i32
      %get3A_1916 = tpu.memref_slice %arg6[%scan3A_75, %get3A_1914, %get3A_1915] : memref<2x128x128xf32, #tpu.memory_space<vmem>> -> memref<1x128x128xf32, #tpu.memory_space<vmem>>
      %get3A_1917 = tpu.memref_squeeze %get3A_1916 : memref<1x128x128xf32, #tpu.memory_space<vmem>> -> memref<128x128xf32, #tpu.memory_space<vmem>>
      %get3A_1918 = arith.index_cast %add3A_1828 : i32 to index
      %get3A_1919 = arith.constant 96 : index
      %get3A_1920 = tpu.vector_load %get3A_1917[%get3A_1918, %get3A_1919] {strides = array<i32>} : memref<128x128xf32, #tpu.memory_space<vmem>>, vector<16xf32>,
      %mul3A_1921 = arith.mulf %get3A_1913, %get3A_1920 : vector<16xf32>
      %add3A_1922 = arith.addf %add3A_1890, %mul3A_1921 : vector<16xf32>
      %get3A_1923 = arith.constant 0 : i32
      %get3A_1924 = arith.constant 0 : i32
      %get3A_1925 = tpu.memref_slice %arg5[%scan3A, %get3A_1923, %get3A_1924] : memref<2x128x128xf32, #tpu.memory_space<vmem>> -> memref<1x128x128xf32, #tpu.memory_space<vmem>>
      %get3A_1926 = tpu.memref_squeeze %get3A_1925 : memref<1x128x128xf32, #tpu.memory_space<vmem>> -> memref<128x128xf32, #tpu.memory_space<vmem>>
      %get3A_1927 = arith.index_cast %add3A_1828 : i32 to index
      %get3A_1928 = arith.constant 48 : index
      %get3A_1929 = tpu.vector_load %get3A_1926[%get3A_1927, %get3A_1928] {strides = array<i32>} : memref<128x128xf32, #tpu.memory_space<vmem>>, vector<16xf32>,
      %get3A_1930 = arith.constant 0 : i32
      %get3A_1931 = arith.constant 0 : i32
      %get3A_1932 = tpu.memref_slice %arg6[%scan3A_75, %get3A_1930, %get3A_1931] : memref<2x128x128xf32, #tpu.memory_space<vmem>> -> memref<1x128x128xf32, #tpu.memory_space<vmem>>
      %get3A_1933 = tpu.memref_squeeze %get3A_1932 : memref<1x128x128xf32, #tpu.memory_space<vmem>> -> memref<128x128xf32, #tpu.memory_space<vmem>>
      %get3A_1934 = arith.index_cast %add3A_1828 : i32 to index
      %get3A_1935 = arith.constant 48 : index
      %get3A_1936 = tpu.vector_load %get3A_1933[%get3A_1934, %get3A_1935] {strides = array<i32>} : memref<128x128xf32, #tpu.memory_space<vmem>>, vector<16xf32>,
      %mul3A_1937 = arith.mulf %get3A_1929, %get3A_1936 : vector<16xf32>
      %add3A_1938 = arith.addf %add3A_1906, %mul3A_1937 : vector<16xf32>
      %get3A_1939 = arith.constant 0 : i32
      %get3A_1940 = arith.constant 0 : i32
      %get3A_1941 = tpu.memref_slice %arg5[%scan3A, %get3A_1939, %get3A_1940] : memref<2x128x128xf32, #tpu.memory_space<vmem>> -> memref<1x128x128xf32, #tpu.memory_space<vmem>>
      %get3A_1942 = tpu.memref_squeeze %get3A_1941 : memref<1x128x128xf32, #tpu.memory_space<vmem>> -> memref<128x128xf32, #tpu.memory_space<vmem>>
      %get3A_1943 = arith.index_cast %add3A_1828 : i32 to index
      %get3A_1944 = arith.constant 112 : index
      %get3A_1945 = tpu.vector_load %get3A_1942[%get3A_1943, %get3A_1944] {strides = array<i32>} : memref<128x128xf32, #tpu.memory_space<vmem>>, vector<16xf32>,
      %get3A_1946 = arith.constant 0 : i32
      %get3A_1947 = arith.constant 0 : i32
      %get3A_1948 = tpu.memref_slice %arg6[%scan3A_75, %get3A_1946, %get3A_1947] : memref<2x128x128xf32, #tpu.memory_space<vmem>> -> memref<1x128x128xf32, #tpu.memory_space<vmem>>
      %get3A_1949 = tpu.memref_squeeze %get3A_1948 : memref<1x128x128xf32, #tpu.memory_space<vmem>> -> memref<128x128xf32, #tpu.memory_space<vmem>>
      %get3A_1950 = arith.index_cast %add3A_1828 : i32 to index
      %get3A_1951 = arith.constant 112 : index
      %get3A_1952 = tpu.vector_load %get3A_1949[%get3A_1950, %get3A_1951] {strides = array<i32>} : memref<128x128xf32, #tpu.memory_space<vmem>>, vector<16xf32>,
      %mul3A_1953 = arith.mulf %get3A_1945, %get3A_1952 : vector<16xf32>
      %add3A_1954 = arith.addf %add3A_1922, %mul3A_1953 : vector<16xf32>
      %add3A_1955 = arith.addf %add3A_1938, %add3A_1954 : vector<16xf32>
      %gather3A_1956 = vector.shape_cast %reshape3A : vector<16x1xi32> to vector<16xi32>
      %gather3A_1957 = tpu.dynamic_gather %add3A_1955[%gather3A_1956] in [0] : vector<16xf32>, vector<16xi32> -> vector<16xf32>
      %add3A_1958 = arith.addf %add3A_1955, %gather3A_1957 : vector<16xf32>
      %gather3A_1959 = vector.shape_cast %reshape3A_37 : vector<16x1xi32> to vector<16xi32>
      %gather3A_1960 = tpu.dynamic_gather %add3A_1958[%gather3A_1959] in [0] : vector<16xf32>, vector<16xi32> -> vector<16xf32>
      %add3A_1961 = arith.addf %add3A_1958, %gather3A_1960 : vector<16xf32>
      %gather3A_1962 = vector.shape_cast %reshape3A_41 : vector<16x1xi32> to vector<16xi32>
      %gather3A_1963 = tpu.dynamic_gather %add3A_1961[%gather3A_1962] in [0] : vector<16xf32>, vector<16xi32> -> vector<16xf32>
      %add3A_1964 = arith.addf %add3A_1961, %gather3A_1963 : vector<16xf32>
      %gather3A_1965 = vector.shape_cast %reshape3A_45 : vector<16x1xi32> to vector<16xi32>
      %gather3A_1966 = tpu.dynamic_gather %add3A_1964[%gather3A_1965] in [0] : vector<16xf32>, vector<16xi32> -> vector<16xf32>
      %add3A_1967 = arith.addf %add3A_1964, %gather3A_1966 : vector<16xf32>
      %eq3A_1968 = arith.constant 12 : i32
      %eq3A_1969 = vector.broadcast %eq3A_1968 : i32 to vector<16xi32>
      %eq3A_1970 = arith.cmpi eq, %iota3A, %eq3A_1969 : vector<16xi32>
      %select_n3A_1971 = arith.select %eq3A_1970, %add3A_1967, %select_n3A_1826 : vector<16xi1>, vector<16xf32>
      %add3A_1972 = arith.constant 13 : i32
      %add3A_1973 = arith.addi %add3A_89, %add3A_1972 : i32
      %get3A_1974 = arith.constant 0 : i32
      %get3A_1975 = arith.constant 0 : i32
      %get3A_1976 = tpu.memref_slice %arg5[%scan3A, %get3A_1974, %get3A_1975] : memref<2x128x128xf32, #tpu.memory_space<vmem>> -> memref<1x128x128xf32, #tpu.memory_space<vmem>>
      %get3A_1977 = tpu.memref_squeeze %get3A_1976 : memref<1x128x128xf32, #tpu.memory_space<vmem>> -> memref<128x128xf32, #tpu.memory_space<vmem>>
      %get3A_1978 = arith.index_cast %add3A_1973 : i32 to index
      %get3A_1979 = arith.constant 0 : index
      %get3A_1980 = tpu.vector_load %get3A_1977[%get3A_1978, %get3A_1979] {strides = array<i32>} : memref<128x128xf32, #tpu.memory_space<vmem>>, vector<16xf32>,
      %get3A_1981 = arith.constant 0 : i32
      %get3A_1982 = arith.constant 0 : i32
      %get3A_1983 = tpu.memref_slice %arg6[%scan3A_75, %get3A_1981, %get3A_1982] : memref<2x128x128xf32, #tpu.memory_space<vmem>> -> memref<1x128x128xf32, #tpu.memory_space<vmem>>
      %get3A_1984 = tpu.memref_squeeze %get3A_1983 : memref<1x128x128xf32, #tpu.memory_space<vmem>> -> memref<128x128xf32, #tpu.memory_space<vmem>>
      %get3A_1985 = arith.index_cast %add3A_1973 : i32 to index
      %get3A_1986 = arith.constant 0 : index
      %get3A_1987 = tpu.vector_load %get3A_1984[%get3A_1985, %get3A_1986] {strides = array<i32>} : memref<128x128xf32, #tpu.memory_space<vmem>>, vector<16xf32>,
      %mul3A_1988 = arith.mulf %get3A_1980, %get3A_1987 : vector<16xf32>
      %get3A_1989 = arith.constant 0 : i32
      %get3A_1990 = arith.constant 0 : i32
      %get3A_1991 = tpu.memref_slice %arg5[%scan3A, %get3A_1989, %get3A_1990] : memref<2x128x128xf32, #tpu.memory_space<vmem>> -> memref<1x128x128xf32, #tpu.memory_space<vmem>>
      %get3A_1992 = tpu.memref_squeeze %get3A_1991 : memref<1x128x128xf32, #tpu.memory_space<vmem>> -> memref<128x128xf32, #tpu.memory_space<vmem>>
      %get3A_1993 = arith.index_cast %add3A_1973 : i32 to index
      %get3A_1994 = arith.constant 64 : index
      %get3A_1995 = tpu.vector_load %get3A_1992[%get3A_1993, %get3A_1994] {strides = array<i32>} : memref<128x128xf32, #tpu.memory_space<vmem>>, vector<16xf32>,
      %get3A_1996 = arith.constant 0 : i32
      %get3A_1997 = arith.constant 0 : i32
      %get3A_1998 = tpu.memref_slice %arg6[%scan3A_75, %get3A_1996, %get3A_1997] : memref<2x128x128xf32, #tpu.memory_space<vmem>> -> memref<1x128x128xf32, #tpu.memory_space<vmem>>
      %get3A_1999 = tpu.memref_squeeze %get3A_1998 : memref<1x128x128xf32, #tpu.memory_space<vmem>> -> memref<128x128xf32, #tpu.memory_space<vmem>>
      %get3A_2000 = arith.index_cast %add3A_1973 : i32 to index
      %get3A_2001 = arith.constant 64 : index
      %get3A_2002 = tpu.vector_load %get3A_1999[%get3A_2000, %get3A_2001] {strides = array<i32>} : memref<128x128xf32, #tpu.memory_space<vmem>>, vector<16xf32>,
      %mul3A_2003 = arith.mulf %get3A_1995, %get3A_2002 : vector<16xf32>
      %get3A_2004 = arith.constant 0 : i32
      %get3A_2005 = arith.constant 0 : i32
      %get3A_2006 = tpu.memref_slice %arg5[%scan3A, %get3A_2004, %get3A_2005] : memref<2x128x128xf32, #tpu.memory_space<vmem>> -> memref<1x128x128xf32, #tpu.memory_space<vmem>>
      %get3A_2007 = tpu.memref_squeeze %get3A_2006 : memref<1x128x128xf32, #tpu.memory_space<vmem>> -> memref<128x128xf32, #tpu.memory_space<vmem>>
      %get3A_2008 = arith.index_cast %add3A_1973 : i32 to index
      %get3A_2009 = arith.constant 16 : index
      %get3A_2010 = tpu.vector_load %get3A_2007[%get3A_2008, %get3A_2009] {strides = array<i32>} : memref<128x128xf32, #tpu.memory_space<vmem>>, vector<16xf32>,
      %get3A_2011 = arith.constant 0 : i32
      %get3A_2012 = arith.constant 0 : i32
      %get3A_2013 = tpu.memref_slice %arg6[%scan3A_75, %get3A_2011, %get3A_2012] : memref<2x128x128xf32, #tpu.memory_space<vmem>> -> memref<1x128x128xf32, #tpu.memory_space<vmem>>
      %get3A_2014 = tpu.memref_squeeze %get3A_2013 : memref<1x128x128xf32, #tpu.memory_space<vmem>> -> memref<128x128xf32, #tpu.memory_space<vmem>>
      %get3A_2015 = arith.index_cast %add3A_1973 : i32 to index
      %get3A_2016 = arith.constant 16 : index
      %get3A_2017 = tpu.vector_load %get3A_2014[%get3A_2015, %get3A_2016] {strides = array<i32>} : memref<128x128xf32, #tpu.memory_space<vmem>>, vector<16xf32>,
      %mul3A_2018 = arith.mulf %get3A_2010, %get3A_2017 : vector<16xf32>
      %add3A_2019 = arith.addf %mul3A_1988, %mul3A_2018 : vector<16xf32>
      %get3A_2020 = arith.constant 0 : i32
      %get3A_2021 = arith.constant 0 : i32
      %get3A_2022 = tpu.memref_slice %arg5[%scan3A, %get3A_2020, %get3A_2021] : memref<2x128x128xf32, #tpu.memory_space<vmem>> -> memref<1x128x128xf32, #tpu.memory_space<vmem>>
      %get3A_2023 = tpu.memref_squeeze %get3A_2022 : memref<1x128x128xf32, #tpu.memory_space<vmem>> -> memref<128x128xf32, #tpu.memory_space<vmem>>
      %get3A_2024 = arith.index_cast %add3A_1973 : i32 to index
      %get3A_2025 = arith.constant 80 : index
      %get3A_2026 = tpu.vector_load %get3A_2023[%get3A_2024, %get3A_2025] {strides = array<i32>} : memref<128x128xf32, #tpu.memory_space<vmem>>, vector<16xf32>,
      %get3A_2027 = arith.constant 0 : i32
      %get3A_2028 = arith.constant 0 : i32
      %get3A_2029 = tpu.memref_slice %arg6[%scan3A_75, %get3A_2027, %get3A_2028] : memref<2x128x128xf32, #tpu.memory_space<vmem>> -> memref<1x128x128xf32, #tpu.memory_space<vmem>>
      %get3A_2030 = tpu.memref_squeeze %get3A_2029 : memref<1x128x128xf32, #tpu.memory_space<vmem>> -> memref<128x128xf32, #tpu.memory_space<vmem>>
      %get3A_2031 = arith.index_cast %add3A_1973 : i32 to index
      %get3A_2032 = arith.constant 80 : index
      %get3A_2033 = tpu.vector_load %get3A_2030[%get3A_2031, %get3A_2032] {strides = array<i32>} : memref<128x128xf32, #tpu.memory_space<vmem>>, vector<16xf32>,
      %mul3A_2034 = arith.mulf %get3A_2026, %get3A_2033 : vector<16xf32>
      %add3A_2035 = arith.addf %mul3A_2003, %mul3A_2034 : vector<16xf32>
      %get3A_2036 = arith.constant 0 : i32
      %get3A_2037 = arith.constant 0 : i32
      %get3A_2038 = tpu.memref_slice %arg5[%scan3A, %get3A_2036, %get3A_2037] : memref<2x128x128xf32, #tpu.memory_space<vmem>> -> memref<1x128x128xf32, #tpu.memory_space<vmem>>
      %get3A_2039 = tpu.memref_squeeze %get3A_2038 : memref<1x128x128xf32, #tpu.memory_space<vmem>> -> memref<128x128xf32, #tpu.memory_space<vmem>>
      %get3A_2040 = arith.index_cast %add3A_1973 : i32 to index
      %get3A_2041 = arith.constant 32 : index
      %get3A_2042 = tpu.vector_load %get3A_2039[%get3A_2040, %get3A_2041] {strides = array<i32>} : memref<128x128xf32, #tpu.memory_space<vmem>>, vector<16xf32>,
      %get3A_2043 = arith.constant 0 : i32
      %get3A_2044 = arith.constant 0 : i32
      %get3A_2045 = tpu.memref_slice %arg6[%scan3A_75, %get3A_2043, %get3A_2044] : memref<2x128x128xf32, #tpu.memory_space<vmem>> -> memref<1x128x128xf32, #tpu.memory_space<vmem>>
      %get3A_2046 = tpu.memref_squeeze %get3A_2045 : memref<1x128x128xf32, #tpu.memory_space<vmem>> -> memref<128x128xf32, #tpu.memory_space<vmem>>
      %get3A_2047 = arith.index_cast %add3A_1973 : i32 to index
      %get3A_2048 = arith.constant 32 : index
      %get3A_2049 = tpu.vector_load %get3A_2046[%get3A_2047, %get3A_2048] {strides = array<i32>} : memref<128x128xf32, #tpu.memory_space<vmem>>, vector<16xf32>,
      %mul3A_2050 = arith.mulf %get3A_2042, %get3A_2049 : vector<16xf32>
      %add3A_2051 = arith.addf %add3A_2019, %mul3A_2050 : vector<16xf32>
      %get3A_2052 = arith.constant 0 : i32
      %get3A_2053 = arith.constant 0 : i32
      %get3A_2054 = tpu.memref_slice %arg5[%scan3A, %get3A_2052, %get3A_2053] : memref<2x128x128xf32, #tpu.memory_space<vmem>> -> memref<1x128x128xf32, #tpu.memory_space<vmem>>
      %get3A_2055 = tpu.memref_squeeze %get3A_2054 : memref<1x128x128xf32, #tpu.memory_space<vmem>> -> memref<128x128xf32, #tpu.memory_space<vmem>>
      %get3A_2056 = arith.index_cast %add3A_1973 : i32 to index
      %get3A_2057 = arith.constant 96 : index
      %get3A_2058 = tpu.vector_load %get3A_2055[%get3A_2056, %get3A_2057] {strides = array<i32>} : memref<128x128xf32, #tpu.memory_space<vmem>>, vector<16xf32>,
      %get3A_2059 = arith.constant 0 : i32
      %get3A_2060 = arith.constant 0 : i32
      %get3A_2061 = tpu.memref_slice %arg6[%scan3A_75, %get3A_2059, %get3A_2060] : memref<2x128x128xf32, #tpu.memory_space<vmem>> -> memref<1x128x128xf32, #tpu.memory_space<vmem>>
      %get3A_2062 = tpu.memref_squeeze %get3A_2061 : memref<1x128x128xf32, #tpu.memory_space<vmem>> -> memref<128x128xf32, #tpu.memory_space<vmem>>
      %get3A_2063 = arith.index_cast %add3A_1973 : i32 to index
      %get3A_2064 = arith.constant 96 : index
      %get3A_2065 = tpu.vector_load %get3A_2062[%get3A_2063, %get3A_2064] {strides = array<i32>} : memref<128x128xf32, #tpu.memory_space<vmem>>, vector<16xf32>,
      %mul3A_2066 = arith.mulf %get3A_2058, %get3A_2065 : vector<16xf32>
      %add3A_2067 = arith.addf %add3A_2035, %mul3A_2066 : vector<16xf32>
      %get3A_2068 = arith.constant 0 : i32
      %get3A_2069 = arith.constant 0 : i32
      %get3A_2070 = tpu.memref_slice %arg5[%scan3A, %get3A_2068, %get3A_2069] : memref<2x128x128xf32, #tpu.memory_space<vmem>> -> memref<1x128x128xf32, #tpu.memory_space<vmem>>
      %get3A_2071 = tpu.memref_squeeze %get3A_2070 : memref<1x128x128xf32, #tpu.memory_space<vmem>> -> memref<128x128xf32, #tpu.memory_space<vmem>>
      %get3A_2072 = arith.index_cast %add3A_1973 : i32 to index
      %get3A_2073 = arith.constant 48 : index
      %get3A_2074 = tpu.vector_load %get3A_2071[%get3A_2072, %get3A_2073] {strides = array<i32>} : memref<128x128xf32, #tpu.memory_space<vmem>>, vector<16xf32>,
      %get3A_2075 = arith.constant 0 : i32
      %get3A_2076 = arith.constant 0 : i32
      %get3A_2077 = tpu.memref_slice %arg6[%scan3A_75, %get3A_2075, %get3A_2076] : memref<2x128x128xf32, #tpu.memory_space<vmem>> -> memref<1x128x128xf32, #tpu.memory_space<vmem>>
      %get3A_2078 = tpu.memref_squeeze %get3A_2077 : memref<1x128x128xf32, #tpu.memory_space<vmem>> -> memref<128x128xf32, #tpu.memory_space<vmem>>
      %get3A_2079 = arith.index_cast %add3A_1973 : i32 to index
      %get3A_2080 = arith.constant 48 : index
      %get3A_2081 = tpu.vector_load %get3A_2078[%get3A_2079, %get3A_2080] {strides = array<i32>} : memref<128x128xf32, #tpu.memory_space<vmem>>, vector<16xf32>,
      %mul3A_2082 = arith.mulf %get3A_2074, %get3A_2081 : vector<16xf32>
      %add3A_2083 = arith.addf %add3A_2051, %mul3A_2082 : vector<16xf32>
      %get3A_2084 = arith.constant 0 : i32
      %get3A_2085 = arith.constant 0 : i32
      %get3A_2086 = tpu.memref_slice %arg5[%scan3A, %get3A_2084, %get3A_2085] : memref<2x128x128xf32, #tpu.memory_space<vmem>> -> memref<1x128x128xf32, #tpu.memory_space<vmem>>
      %get3A_2087 = tpu.memref_squeeze %get3A_2086 : memref<1x128x128xf32, #tpu.memory_space<vmem>> -> memref<128x128xf32, #tpu.memory_space<vmem>>
      %get3A_2088 = arith.index_cast %add3A_1973 : i32 to index
      %get3A_2089 = arith.constant 112 : index
      %get3A_2090 = tpu.vector_load %get3A_2087[%get3A_2088, %get3A_2089] {strides = array<i32>} : memref<128x128xf32, #tpu.memory_space<vmem>>, vector<16xf32>,
      %get3A_2091 = arith.constant 0 : i32
      %get3A_2092 = arith.constant 0 : i32
      %get3A_2093 = tpu.memref_slice %arg6[%scan3A_75, %get3A_2091, %get3A_2092] : memref<2x128x128xf32, #tpu.memory_space<vmem>> -> memref<1x128x128xf32, #tpu.memory_space<vmem>>
      %get3A_2094 = tpu.memref_squeeze %get3A_2093 : memref<1x128x128xf32, #tpu.memory_space<vmem>> -> memref<128x128xf32, #tpu.memory_space<vmem>>
      %get3A_2095 = arith.index_cast %add3A_1973 : i32 to index
      %get3A_2096 = arith.constant 112 : index
      %get3A_2097 = tpu.vector_load %get3A_2094[%get3A_2095, %get3A_2096] {strides = array<i32>} : memref<128x128xf32, #tpu.memory_space<vmem>>, vector<16xf32>,
      %mul3A_2098 = arith.mulf %get3A_2090, %get3A_2097 : vector<16xf32>
      %add3A_2099 = arith.addf %add3A_2067, %mul3A_2098 : vector<16xf32>
      %add3A_2100 = arith.addf %add3A_2083, %add3A_2099 : vector<16xf32>
      %gather3A_2101 = vector.shape_cast %reshape3A : vector<16x1xi32> to vector<16xi32>
      %gather3A_2102 = tpu.dynamic_gather %add3A_2100[%gather3A_2101] in [0] : vector<16xf32>, vector<16xi32> -> vector<16xf32>
      %add3A_2103 = arith.addf %add3A_2100, %gather3A_2102 : vector<16xf32>
      %gather3A_2104 = vector.shape_cast %reshape3A_37 : vector<16x1xi32> to vector<16xi32>
      %gather3A_2105 = tpu.dynamic_gather %add3A_2103[%gather3A_2104] in [0] : vector<16xf32>, vector<16xi32> -> vector<16xf32>
      %add3A_2106 = arith.addf %add3A_2103, %gather3A_2105 : vector<16xf32>
      %gather3A_2107 = vector.shape_cast %reshape3A_41 : vector<16x1xi32> to vector<16xi32>
      %gather3A_2108 = tpu.dynamic_gather %add3A_2106[%gather3A_2107] in [0] : vector<16xf32>, vector<16xi32> -> vector<16xf32>
      %add3A_2109 = arith.addf %add3A_2106, %gather3A_2108 : vector<16xf32>
      %gather3A_2110 = vector.shape_cast %reshape3A_45 : vector<16x1xi32> to vector<16xi32>
      %gather3A_2111 = tpu.dynamic_gather %add3A_2109[%gather3A_2110] in [0] : vector<16xf32>, vector<16xi32> -> vector<16xf32>
      %add3A_2112 = arith.addf %add3A_2109, %gather3A_2111 : vector<16xf32>
      %eq3A_2113 = arith.constant 13 : i32
      %eq3A_2114 = vector.broadcast %eq3A_2113 : i32 to vector<16xi32>
      %eq3A_2115 = arith.cmpi eq, %iota3A, %eq3A_2114 : vector<16xi32>
      %select_n3A_2116 = arith.select %eq3A_2115, %add3A_2112, %select_n3A_1971 : vector<16xi1>, vector<16xf32>
      %add3A_2117 = arith.constant 14 : i32
      %add3A_2118 = arith.addi %add3A_89, %add3A_2117 : i32
      %get3A_2119 = arith.constant 0 : i32
      %get3A_2120 = arith.constant 0 : i32
      %get3A_2121 = tpu.memref_slice %arg5[%scan3A, %get3A_2119, %get3A_2120] : memref<2x128x128xf32, #tpu.memory_space<vmem>> -> memref<1x128x128xf32, #tpu.memory_space<vmem>>
      %get3A_2122 = tpu.memref_squeeze %get3A_2121 : memref<1x128x128xf32, #tpu.memory_space<vmem>> -> memref<128x128xf32, #tpu.memory_space<vmem>>
      %get3A_2123 = arith.index_cast %add3A_2118 : i32 to index
      %get3A_2124 = arith.constant 0 : index
      %get3A_2125 = tpu.vector_load %get3A_2122[%get3A_2123, %get3A_2124] {strides = array<i32>} : memref<128x128xf32, #tpu.memory_space<vmem>>, vector<16xf32>,
      %get3A_2126 = arith.constant 0 : i32
      %get3A_2127 = arith.constant 0 : i32
      %get3A_2128 = tpu.memref_slice %arg6[%scan3A_75, %get3A_2126, %get3A_2127] : memref<2x128x128xf32, #tpu.memory_space<vmem>> -> memref<1x128x128xf32, #tpu.memory_space<vmem>>
      %get3A_2129 = tpu.memref_squeeze %get3A_2128 : memref<1x128x128xf32, #tpu.memory_space<vmem>> -> memref<128x128xf32, #tpu.memory_space<vmem>>
      %get3A_2130 = arith.index_cast %add3A_2118 : i32 to index
      %get3A_2131 = arith.constant 0 : index
      %get3A_2132 = tpu.vector_load %get3A_2129[%get3A_2130, %get3A_2131] {strides = array<i32>} : memref<128x128xf32, #tpu.memory_space<vmem>>, vector<16xf32>,
      %mul3A_2133 = arith.mulf %get3A_2125, %get3A_2132 : vector<16xf32>
      %get3A_2134 = arith.constant 0 : i32
      %get3A_2135 = arith.constant 0 : i32
      %get3A_2136 = tpu.memref_slice %arg5[%scan3A, %get3A_2134, %get3A_2135] : memref<2x128x128xf32, #tpu.memory_space<vmem>> -> memref<1x128x128xf32, #tpu.memory_space<vmem>>
      %get3A_2137 = tpu.memref_squeeze %get3A_2136 : memref<1x128x128xf32, #tpu.memory_space<vmem>> -> memref<128x128xf32, #tpu.memory_space<vmem>>
      %get3A_2138 = arith.index_cast %add3A_2118 : i32 to index
      %get3A_2139 = arith.constant 64 : index
      %get3A_2140 = tpu.vector_load %get3A_2137[%get3A_2138, %get3A_2139] {strides = array<i32>} : memref<128x128xf32, #tpu.memory_space<vmem>>, vector<16xf32>,
      %get3A_2141 = arith.constant 0 : i32
      %get3A_2142 = arith.constant 0 : i32
      %get3A_2143 = tpu.memref_slice %arg6[%scan3A_75, %get3A_2141, %get3A_2142] : memref<2x128x128xf32, #tpu.memory_space<vmem>> -> memref<1x128x128xf32, #tpu.memory_space<vmem>>
      %get3A_2144 = tpu.memref_squeeze %get3A_2143 : memref<1x128x128xf32, #tpu.memory_space<vmem>> -> memref<128x128xf32, #tpu.memory_space<vmem>>
      %get3A_2145 = arith.index_cast %add3A_2118 : i32 to index
      %get3A_2146 = arith.constant 64 : index
      %get3A_2147 = tpu.vector_load %get3A_2144[%get3A_2145, %get3A_2146] {strides = array<i32>} : memref<128x128xf32, #tpu.memory_space<vmem>>, vector<16xf32>,
      %mul3A_2148 = arith.mulf %get3A_2140, %get3A_2147 : vector<16xf32>
      %get3A_2149 = arith.constant 0 : i32
      %get3A_2150 = arith.constant 0 : i32
      %get3A_2151 = tpu.memref_slice %arg5[%scan3A, %get3A_2149, %get3A_2150] : memref<2x128x128xf32, #tpu.memory_space<vmem>> -> memref<1x128x128xf32, #tpu.memory_space<vmem>>
      %get3A_2152 = tpu.memref_squeeze %get3A_2151 : memref<1x128x128xf32, #tpu.memory_space<vmem>> -> memref<128x128xf32, #tpu.memory_space<vmem>>
      %get3A_2153 = arith.index_cast %add3A_2118 : i32 to index
      %get3A_2154 = arith.constant 16 : index
      %get3A_2155 = tpu.vector_load %get3A_2152[%get3A_2153, %get3A_2154] {strides = array<i32>} : memref<128x128xf32, #tpu.memory_space<vmem>>, vector<16xf32>,
      %get3A_2156 = arith.constant 0 : i32
      %get3A_2157 = arith.constant 0 : i32
      %get3A_2158 = tpu.memref_slice %arg6[%scan3A_75, %get3A_2156, %get3A_2157] : memref<2x128x128xf32, #tpu.memory_space<vmem>> -> memref<1x128x128xf32, #tpu.memory_space<vmem>>
      %get3A_2159 = tpu.memref_squeeze %get3A_2158 : memref<1x128x128xf32, #tpu.memory_space<vmem>> -> memref<128x128xf32, #tpu.memory_space<vmem>>
      %get3A_2160 = arith.index_cast %add3A_2118 : i32 to index
      %get3A_2161 = arith.constant 16 : index
      %get3A_2162 = tpu.vector_load %get3A_2159[%get3A_2160, %get3A_2161] {strides = array<i32>} : memref<128x128xf32, #tpu.memory_space<vmem>>, vector<16xf32>,
      %mul3A_2163 = arith.mulf %get3A_2155, %get3A_2162 : vector<16xf32>
      %add3A_2164 = arith.addf %mul3A_2133, %mul3A_2163 : vector<16xf32>
      %get3A_2165 = arith.constant 0 : i32
      %get3A_2166 = arith.constant 0 : i32
      %get3A_2167 = tpu.memref_slice %arg5[%scan3A, %get3A_2165, %get3A_2166] : memref<2x128x128xf32, #tpu.memory_space<vmem>> -> memref<1x128x128xf32, #tpu.memory_space<vmem>>
      %get3A_2168 = tpu.memref_squeeze %get3A_2167 : memref<1x128x128xf32, #tpu.memory_space<vmem>> -> memref<128x128xf32, #tpu.memory_space<vmem>>
      %get3A_2169 = arith.index_cast %add3A_2118 : i32 to index
      %get3A_2170 = arith.constant 80 : index
      %get3A_2171 = tpu.vector_load %get3A_2168[%get3A_2169, %get3A_2170] {strides = array<i32>} : memref<128x128xf32, #tpu.memory_space<vmem>>, vector<16xf32>,
      %get3A_2172 = arith.constant 0 : i32
      %get3A_2173 = arith.constant 0 : i32
      %get3A_2174 = tpu.memref_slice %arg6[%scan3A_75, %get3A_2172, %get3A_2173] : memref<2x128x128xf32, #tpu.memory_space<vmem>> -> memref<1x128x128xf32, #tpu.memory_space<vmem>>
      %get3A_2175 = tpu.memref_squeeze %get3A_2174 : memref<1x128x128xf32, #tpu.memory_space<vmem>> -> memref<128x128xf32, #tpu.memory_space<vmem>>
      %get3A_2176 = arith.index_cast %add3A_2118 : i32 to index
      %get3A_2177 = arith.constant 80 : index
      %get3A_2178 = tpu.vector_load %get3A_2175[%get3A_2176, %get3A_2177] {strides = array<i32>} : memref<128x128xf32, #tpu.memory_space<vmem>>, vector<16xf32>,
      %mul3A_2179 = arith.mulf %get3A_2171, %get3A_2178 : vector<16xf32>
      %add3A_2180 = arith.addf %mul3A_2148, %mul3A_2179 : vector<16xf32>
      %get3A_2181 = arith.constant 0 : i32
      %get3A_2182 = arith.constant 0 : i32
      %get3A_2183 = tpu.memref_slice %arg5[%scan3A, %get3A_2181, %get3A_2182] : memref<2x128x128xf32, #tpu.memory_space<vmem>> -> memref<1x128x128xf32, #tpu.memory_space<vmem>>
      %get3A_2184 = tpu.memref_squeeze %get3A_2183 : memref<1x128x128xf32, #tpu.memory_space<vmem>> -> memref<128x128xf32, #tpu.memory_space<vmem>>
      %get3A_2185 = arith.index_cast %add3A_2118 : i32 to index
      %get3A_2186 = arith.constant 32 : index
      %get3A_2187 = tpu.vector_load %get3A_2184[%get3A_2185, %get3A_2186] {strides = array<i32>} : memref<128x128xf32, #tpu.memory_space<vmem>>, vector<16xf32>,
      %get3A_2188 = arith.constant 0 : i32
      %get3A_2189 = arith.constant 0 : i32
      %get3A_2190 = tpu.memref_slice %arg6[%scan3A_75, %get3A_2188, %get3A_2189] : memref<2x128x128xf32, #tpu.memory_space<vmem>> -> memref<1x128x128xf32, #tpu.memory_space<vmem>>
      %get3A_2191 = tpu.memref_squeeze %get3A_2190 : memref<1x128x128xf32, #tpu.memory_space<vmem>> -> memref<128x128xf32, #tpu.memory_space<vmem>>
      %get3A_2192 = arith.index_cast %add3A_2118 : i32 to index
      %get3A_2193 = arith.constant 32 : index
      %get3A_2194 = tpu.vector_load %get3A_2191[%get3A_2192, %get3A_2193] {strides = array<i32>} : memref<128x128xf32, #tpu.memory_space<vmem>>, vector<16xf32>,
      %mul3A_2195 = arith.mulf %get3A_2187, %get3A_2194 : vector<16xf32>
      %add3A_2196 = arith.addf %add3A_2164, %mul3A_2195 : vector<16xf32>
      %get3A_2197 = arith.constant 0 : i32
      %get3A_2198 = arith.constant 0 : i32
      %get3A_2199 = tpu.memref_slice %arg5[%scan3A, %get3A_2197, %get3A_2198] : memref<2x128x128xf32, #tpu.memory_space<vmem>> -> memref<1x128x128xf32, #tpu.memory_space<vmem>>
      %get3A_2200 = tpu.memref_squeeze %get3A_2199 : memref<1x128x128xf32, #tpu.memory_space<vmem>> -> memref<128x128xf32, #tpu.memory_space<vmem>>
      %get3A_2201 = arith.index_cast %add3A_2118 : i32 to index
      %get3A_2202 = arith.constant 96 : index
      %get3A_2203 = tpu.vector_load %get3A_2200[%get3A_2201, %get3A_2202] {strides = array<i32>} : memref<128x128xf32, #tpu.memory_space<vmem>>, vector<16xf32>,
      %get3A_2204 = arith.constant 0 : i32
      %get3A_2205 = arith.constant 0 : i32
      %get3A_2206 = tpu.memref_slice %arg6[%scan3A_75, %get3A_2204, %get3A_2205] : memref<2x128x128xf32, #tpu.memory_space<vmem>> -> memref<1x128x128xf32, #tpu.memory_space<vmem>>
      %get3A_2207 = tpu.memref_squeeze %get3A_2206 : memref<1x128x128xf32, #tpu.memory_space<vmem>> -> memref<128x128xf32, #tpu.memory_space<vmem>>
      %get3A_2208 = arith.index_cast %add3A_2118 : i32 to index
      %get3A_2209 = arith.constant 96 : index
      %get3A_2210 = tpu.vector_load %get3A_2207[%get3A_2208, %get3A_2209] {strides = array<i32>} : memref<128x128xf32, #tpu.memory_space<vmem>>, vector<16xf32>,
      %mul3A_2211 = arith.mulf %get3A_2203, %get3A_2210 : vector<16xf32>
      %add3A_2212 = arith.addf %add3A_2180, %mul3A_2211 : vector<16xf32>
      %get3A_2213 = arith.constant 0 : i32
      %get3A_2214 = arith.constant 0 : i32
      %get3A_2215 = tpu.memref_slice %arg5[%scan3A, %get3A_2213, %get3A_2214] : memref<2x128x128xf32, #tpu.memory_space<vmem>> -> memref<1x128x128xf32, #tpu.memory_space<vmem>>
      %get3A_2216 = tpu.memref_squeeze %get3A_2215 : memref<1x128x128xf32, #tpu.memory_space<vmem>> -> memref<128x128xf32, #tpu.memory_space<vmem>>
      %get3A_2217 = arith.index_cast %add3A_2118 : i32 to index
      %get3A_2218 = arith.constant 48 : index
      %get3A_2219 = tpu.vector_load %get3A_2216[%get3A_2217, %get3A_2218] {strides = array<i32>} : memref<128x128xf32, #tpu.memory_space<vmem>>, vector<16xf32>,
      %get3A_2220 = arith.constant 0 : i32
      %get3A_2221 = arith.constant 0 : i32
      %get3A_2222 = tpu.memref_slice %arg6[%scan3A_75, %get3A_2220, %get3A_2221] : memref<2x128x128xf32, #tpu.memory_space<vmem>> -> memref<1x128x128xf32, #tpu.memory_space<vmem>>
      %get3A_2223 = tpu.memref_squeeze %get3A_2222 : memref<1x128x128xf32, #tpu.memory_space<vmem>> -> memref<128x128xf32, #tpu.memory_space<vmem>>
      %get3A_2224 = arith.index_cast %add3A_2118 : i32 to index
      %get3A_2225 = arith.constant 48 : index
      %get3A_2226 = tpu.vector_load %get3A_2223[%get3A_2224, %get3A_2225] {strides = array<i32>} : memref<128x128xf32, #tpu.memory_space<vmem>>, vector<16xf32>,
      %mul3A_2227 = arith.mulf %get3A_2219, %get3A_2226 : vector<16xf32>
      %add3A_2228 = arith.addf %add3A_2196, %mul3A_2227 : vector<16xf32>
      %get3A_2229 = arith.constant 0 : i32
      %get3A_2230 = arith.constant 0 : i32
      %get3A_2231 = tpu.memref_slice %arg5[%scan3A, %get3A_2229, %get3A_2230] : memref<2x128x128xf32, #tpu.memory_space<vmem>> -> memref<1x128x128xf32, #tpu.memory_space<vmem>>
      %get3A_2232 = tpu.memref_squeeze %get3A_2231 : memref<1x128x128xf32, #tpu.memory_space<vmem>> -> memref<128x128xf32, #tpu.memory_space<vmem>>
      %get3A_2233 = arith.index_cast %add3A_2118 : i32 to index
      %get3A_2234 = arith.constant 112 : index
      %get3A_2235 = tpu.vector_load %get3A_2232[%get3A_2233, %get3A_2234] {strides = array<i32>} : memref<128x128xf32, #tpu.memory_space<vmem>>, vector<16xf32>,
      %get3A_2236 = arith.constant 0 : i32
      %get3A_2237 = arith.constant 0 : i32
      %get3A_2238 = tpu.memref_slice %arg6[%scan3A_75, %get3A_2236, %get3A_2237] : memref<2x128x128xf32, #tpu.memory_space<vmem>> -> memref<1x128x128xf32, #tpu.memory_space<vmem>>
      %get3A_2239 = tpu.memref_squeeze %get3A_2238 : memref<1x128x128xf32, #tpu.memory_space<vmem>> -> memref<128x128xf32, #tpu.memory_space<vmem>>
      %get3A_2240 = arith.index_cast %add3A_2118 : i32 to index
      %get3A_2241 = arith.constant 112 : index
      %get3A_2242 = tpu.vector_load %get3A_2239[%get3A_2240, %get3A_2241] {strides = array<i32>} : memref<128x128xf32, #tpu.memory_space<vmem>>, vector<16xf32>,
      %mul3A_2243 = arith.mulf %get3A_2235, %get3A_2242 : vector<16xf32>
      %add3A_2244 = arith.addf %add3A_2212, %mul3A_2243 : vector<16xf32>
      %add3A_2245 = arith.addf %add3A_2228, %add3A_2244 : vector<16xf32>
      %gather3A_2246 = vector.shape_cast %reshape3A : vector<16x1xi32> to vector<16xi32>
      %gather3A_2247 = tpu.dynamic_gather %add3A_2245[%gather3A_2246] in [0] : vector<16xf32>, vector<16xi32> -> vector<16xf32>
      %add3A_2248 = arith.addf %add3A_2245, %gather3A_2247 : vector<16xf32>
      %gather3A_2249 = vector.shape_cast %reshape3A_37 : vector<16x1xi32> to vector<16xi32>
      %gather3A_2250 = tpu.dynamic_gather %add3A_2248[%gather3A_2249] in [0] : vector<16xf32>, vector<16xi32> -> vector<16xf32>
      %add3A_2251 = arith.addf %add3A_2248, %gather3A_2250 : vector<16xf32>
      %gather3A_2252 = vector.shape_cast %reshape3A_41 : vector<16x1xi32> to vector<16xi32>
      %gather3A_2253 = tpu.dynamic_gather %add3A_2251[%gather3A_2252] in [0] : vector<16xf32>, vector<16xi32> -> vector<16xf32>
      %add3A_2254 = arith.addf %add3A_2251, %gather3A_2253 : vector<16xf32>
      %gather3A_2255 = vector.shape_cast %reshape3A_45 : vector<16x1xi32> to vector<16xi32>
      %gather3A_2256 = tpu.dynamic_gather %add3A_2254[%gather3A_2255] in [0] : vector<16xf32>, vector<16xi32> -> vector<16xf32>
      %add3A_2257 = arith.addf %add3A_2254, %gather3A_2256 : vector<16xf32>
      %eq3A_2258 = arith.constant 14 : i32
      %eq3A_2259 = vector.broadcast %eq3A_2258 : i32 to vector<16xi32>
      %eq3A_2260 = arith.cmpi eq, %iota3A, %eq3A_2259 : vector<16xi32>
      %select_n3A_2261 = arith.select %eq3A_2260, %add3A_2257, %select_n3A_2116 : vector<16xi1>, vector<16xf32>
      %add3A_2262 = arith.constant 15 : i32
      %add3A_2263 = arith.addi %add3A_89, %add3A_2262 : i32
      %get3A_2264 = arith.constant 0 : i32
      %get3A_2265 = arith.constant 0 : i32
      %get3A_2266 = tpu.memref_slice %arg5[%scan3A, %get3A_2264, %get3A_2265] : memref<2x128x128xf32, #tpu.memory_space<vmem>> -> memref<1x128x128xf32, #tpu.memory_space<vmem>>
      %get3A_2267 = tpu.memref_squeeze %get3A_2266 : memref<1x128x128xf32, #tpu.memory_space<vmem>> -> memref<128x128xf32, #tpu.memory_space<vmem>>
      %get3A_2268 = arith.index_cast %add3A_2263 : i32 to index
      %get3A_2269 = arith.constant 0 : index
      %get3A_2270 = tpu.vector_load %get3A_2267[%get3A_2268, %get3A_2269] {strides = array<i32>} : memref<128x128xf32, #tpu.memory_space<vmem>>, vector<16xf32>,
      %get3A_2271 = arith.constant 0 : i32
      %get3A_2272 = arith.constant 0 : i32
      %get3A_2273 = tpu.memref_slice %arg6[%scan3A_75, %get3A_2271, %get3A_2272] : memref<2x128x128xf32, #tpu.memory_space<vmem>> -> memref<1x128x128xf32, #tpu.memory_space<vmem>>
      %get3A_2274 = tpu.memref_squeeze %get3A_2273 : memref<1x128x128xf32, #tpu.memory_space<vmem>> -> memref<128x128xf32, #tpu.memory_space<vmem>>
      %get3A_2275 = arith.index_cast %add3A_2263 : i32 to index
      %get3A_2276 = arith.constant 0 : index
      %get3A_2277 = tpu.vector_load %get3A_2274[%get3A_2275, %get3A_2276] {strides = array<i32>} : memref<128x128xf32, #tpu.memory_space<vmem>>, vector<16xf32>,
      %mul3A_2278 = arith.mulf %get3A_2270, %get3A_2277 : vector<16xf32>
      %get3A_2279 = arith.constant 0 : i32
      %get3A_2280 = arith.constant 0 : i32
      %get3A_2281 = tpu.memref_slice %arg5[%scan3A, %get3A_2279, %get3A_2280] : memref<2x128x128xf32, #tpu.memory_space<vmem>> -> memref<1x128x128xf32, #tpu.memory_space<vmem>>
      %get3A_2282 = tpu.memref_squeeze %get3A_2281 : memref<1x128x128xf32, #tpu.memory_space<vmem>> -> memref<128x128xf32, #tpu.memory_space<vmem>>
      %get3A_2283 = arith.index_cast %add3A_2263 : i32 to index
      %get3A_2284 = arith.constant 64 : index
      %get3A_2285 = tpu.vector_load %get3A_2282[%get3A_2283, %get3A_2284] {strides = array<i32>} : memref<128x128xf32, #tpu.memory_space<vmem>>, vector<16xf32>,
      %get3A_2286 = arith.constant 0 : i32
      %get3A_2287 = arith.constant 0 : i32
      %get3A_2288 = tpu.memref_slice %arg6[%scan3A_75, %get3A_2286, %get3A_2287] : memref<2x128x128xf32, #tpu.memory_space<vmem>> -> memref<1x128x128xf32, #tpu.memory_space<vmem>>
      %get3A_2289 = tpu.memref_squeeze %get3A_2288 : memref<1x128x128xf32, #tpu.memory_space<vmem>> -> memref<128x128xf32, #tpu.memory_space<vmem>>
      %get3A_2290 = arith.index_cast %add3A_2263 : i32 to index
      %get3A_2291 = arith.constant 64 : index
      %get3A_2292 = tpu.vector_load %get3A_2289[%get3A_2290, %get3A_2291] {strides = array<i32>} : memref<128x128xf32, #tpu.memory_space<vmem>>, vector<16xf32>,
      %mul3A_2293 = arith.mulf %get3A_2285, %get3A_2292 : vector<16xf32>
      %get3A_2294 = arith.constant 0 : i32
      %get3A_2295 = arith.constant 0 : i32
      %get3A_2296 = tpu.memref_slice %arg5[%scan3A, %get3A_2294, %get3A_2295] : memref<2x128x128xf32, #tpu.memory_space<vmem>> -> memref<1x128x128xf32, #tpu.memory_space<vmem>>
      %get3A_2297 = tpu.memref_squeeze %get3A_2296 : memref<1x128x128xf32, #tpu.memory_space<vmem>> -> memref<128x128xf32, #tpu.memory_space<vmem>>
      %get3A_2298 = arith.index_cast %add3A_2263 : i32 to index
      %get3A_2299 = arith.constant 16 : index
      %get3A_2300 = tpu.vector_load %get3A_2297[%get3A_2298, %get3A_2299] {strides = array<i32>} : memref<128x128xf32, #tpu.memory_space<vmem>>, vector<16xf32>,
      %get3A_2301 = arith.constant 0 : i32
      %get3A_2302 = arith.constant 0 : i32
      %get3A_2303 = tpu.memref_slice %arg6[%scan3A_75, %get3A_2301, %get3A_2302] : memref<2x128x128xf32, #tpu.memory_space<vmem>> -> memref<1x128x128xf32, #tpu.memory_space<vmem>>
      %get3A_2304 = tpu.memref_squeeze %get3A_2303 : memref<1x128x128xf32, #tpu.memory_space<vmem>> -> memref<128x128xf32, #tpu.memory_space<vmem>>
      %get3A_2305 = arith.index_cast %add3A_2263 : i32 to index
      %get3A_2306 = arith.constant 16 : index
      %get3A_2307 = tpu.vector_load %get3A_2304[%get3A_2305, %get3A_2306] {strides = array<i32>} : memref<128x128xf32, #tpu.memory_space<vmem>>, vector<16xf32>,
      %mul3A_2308 = arith.mulf %get3A_2300, %get3A_2307 : vector<16xf32>
      %add3A_2309 = arith.addf %mul3A_2278, %mul3A_2308 : vector<16xf32>
      %get3A_2310 = arith.constant 0 : i32
      %get3A_2311 = arith.constant 0 : i32
      %get3A_2312 = tpu.memref_slice %arg5[%scan3A, %get3A_2310, %get3A_2311] : memref<2x128x128xf32, #tpu.memory_space<vmem>> -> memref<1x128x128xf32, #tpu.memory_space<vmem>>
      %get3A_2313 = tpu.memref_squeeze %get3A_2312 : memref<1x128x128xf32, #tpu.memory_space<vmem>> -> memref<128x128xf32, #tpu.memory_space<vmem>>
      %get3A_2314 = arith.index_cast %add3A_2263 : i32 to index
      %get3A_2315 = arith.constant 80 : index
      %get3A_2316 = tpu.vector_load %get3A_2313[%get3A_2314, %get3A_2315] {strides = array<i32>} : memref<128x128xf32, #tpu.memory_space<vmem>>, vector<16xf32>,
      %get3A_2317 = arith.constant 0 : i32
      %get3A_2318 = arith.constant 0 : i32
      %get3A_2319 = tpu.memref_slice %arg6[%scan3A_75, %get3A_2317, %get3A_2318] : memref<2x128x128xf32, #tpu.memory_space<vmem>> -> memref<1x128x128xf32, #tpu.memory_space<vmem>>
      %get3A_2320 = tpu.memref_squeeze %get3A_2319 : memref<1x128x128xf32, #tpu.memory_space<vmem>> -> memref<128x128xf32, #tpu.memory_space<vmem>>
      %get3A_2321 = arith.index_cast %add3A_2263 : i32 to index
      %get3A_2322 = arith.constant 80 : index
      %get3A_2323 = tpu.vector_load %get3A_2320[%get3A_2321, %get3A_2322] {strides = array<i32>} : memref<128x128xf32, #tpu.memory_space<vmem>>, vector<16xf32>,
      %mul3A_2324 = arith.mulf %get3A_2316, %get3A_2323 : vector<16xf32>
      %add3A_2325 = arith.addf %mul3A_2293, %mul3A_2324 : vector<16xf32>
      %get3A_2326 = arith.constant 0 : i32
      %get3A_2327 = arith.constant 0 : i32
      %get3A_2328 = tpu.memref_slice %arg5[%scan3A, %get3A_2326, %get3A_2327] : memref<2x128x128xf32, #tpu.memory_space<vmem>> -> memref<1x128x128xf32, #tpu.memory_space<vmem>>
      %get3A_2329 = tpu.memref_squeeze %get3A_2328 : memref<1x128x128xf32, #tpu.memory_space<vmem>> -> memref<128x128xf32, #tpu.memory_space<vmem>>
      %get3A_2330 = arith.index_cast %add3A_2263 : i32 to index
      %get3A_2331 = arith.constant 32 : index
      %get3A_2332 = tpu.vector_load %get3A_2329[%get3A_2330, %get3A_2331] {strides = array<i32>} : memref<128x128xf32, #tpu.memory_space<vmem>>, vector<16xf32>,
      %get3A_2333 = arith.constant 0 : i32
      %get3A_2334 = arith.constant 0 : i32
      %get3A_2335 = tpu.memref_slice %arg6[%scan3A_75, %get3A_2333, %get3A_2334] : memref<2x128x128xf32, #tpu.memory_space<vmem>> -> memref<1x128x128xf32, #tpu.memory_space<vmem>>
      %get3A_2336 = tpu.memref_squeeze %get3A_2335 : memref<1x128x128xf32, #tpu.memory_space<vmem>> -> memref<128x128xf32, #tpu.memory_space<vmem>>
      %get3A_2337 = arith.index_cast %add3A_2263 : i32 to index
      %get3A_2338 = arith.constant 32 : index
      %get3A_2339 = tpu.vector_load %get3A_2336[%get3A_2337, %get3A_2338] {strides = array<i32>} : memref<128x128xf32, #tpu.memory_space<vmem>>, vector<16xf32>,
      %mul3A_2340 = arith.mulf %get3A_2332, %get3A_2339 : vector<16xf32>
      %add3A_2341 = arith.addf %add3A_2309, %mul3A_2340 : vector<16xf32>
      %get3A_2342 = arith.constant 0 : i32
      %get3A_2343 = arith.constant 0 : i32
      %get3A_2344 = tpu.memref_slice %arg5[%scan3A, %get3A_2342, %get3A_2343] : memref<2x128x128xf32, #tpu.memory_space<vmem>> -> memref<1x128x128xf32, #tpu.memory_space<vmem>>
      %get3A_2345 = tpu.memref_squeeze %get3A_2344 : memref<1x128x128xf32, #tpu.memory_space<vmem>> -> memref<128x128xf32, #tpu.memory_space<vmem>>
      %get3A_2346 = arith.index_cast %add3A_2263 : i32 to index
      %get3A_2347 = arith.constant 96 : index
      %get3A_2348 = tpu.vector_load %get3A_2345[%get3A_2346, %get3A_2347] {strides = array<i32>} : memref<128x128xf32, #tpu.memory_space<vmem>>, vector<16xf32>,
      %get3A_2349 = arith.constant 0 : i32
      %get3A_2350 = arith.constant 0 : i32
      %get3A_2351 = tpu.memref_slice %arg6[%scan3A_75, %get3A_2349, %get3A_2350] : memref<2x128x128xf32, #tpu.memory_space<vmem>> -> memref<1x128x128xf32, #tpu.memory_space<vmem>>
      %get3A_2352 = tpu.memref_squeeze %get3A_2351 : memref<1x128x128xf32, #tpu.memory_space<vmem>> -> memref<128x128xf32, #tpu.memory_space<vmem>>
      %get3A_2353 = arith.index_cast %add3A_2263 : i32 to index
      %get3A_2354 = arith.constant 96 : index
      %get3A_2355 = tpu.vector_load %get3A_2352[%get3A_2353, %get3A_2354] {strides = array<i32>} : memref<128x128xf32, #tpu.memory_space<vmem>>, vector<16xf32>,
      %mul3A_2356 = arith.mulf %get3A_2348, %get3A_2355 : vector<16xf32>
      %add3A_2357 = arith.addf %add3A_2325, %mul3A_2356 : vector<16xf32>
      %get3A_2358 = arith.constant 0 : i32
      %get3A_2359 = arith.constant 0 : i32
      %get3A_2360 = tpu.memref_slice %arg5[%scan3A, %get3A_2358, %get3A_2359] : memref<2x128x128xf32, #tpu.memory_space<vmem>> -> memref<1x128x128xf32, #tpu.memory_space<vmem>>
      %get3A_2361 = tpu.memref_squeeze %get3A_2360 : memref<1x128x128xf32, #tpu.memory_space<vmem>> -> memref<128x128xf32, #tpu.memory_space<vmem>>
      %get3A_2362 = arith.index_cast %add3A_2263 : i32 to index
      %get3A_2363 = arith.constant 48 : index
      %get3A_2364 = tpu.vector_load %get3A_2361[%get3A_2362, %get3A_2363] {strides = array<i32>} : memref<128x128xf32, #tpu.memory_space<vmem>>, vector<16xf32>,
      %get3A_2365 = arith.constant 0 : i32
      %get3A_2366 = arith.constant 0 : i32
      %get3A_2367 = tpu.memref_slice %arg6[%scan3A_75, %get3A_2365, %get3A_2366] : memref<2x128x128xf32, #tpu.memory_space<vmem>> -> memref<1x128x128xf32, #tpu.memory_space<vmem>>
      %get3A_2368 = tpu.memref_squeeze %get3A_2367 : memref<1x128x128xf32, #tpu.memory_space<vmem>> -> memref<128x128xf32, #tpu.memory_space<vmem>>
      %get3A_2369 = arith.index_cast %add3A_2263 : i32 to index
      %get3A_2370 = arith.constant 48 : index
      %get3A_2371 = tpu.vector_load %get3A_2368[%get3A_2369, %get3A_2370] {strides = array<i32>} : memref<128x128xf32, #tpu.memory_space<vmem>>, vector<16xf32>,
      %mul3A_2372 = arith.mulf %get3A_2364, %get3A_2371 : vector<16xf32>
      %add3A_2373 = arith.addf %add3A_2341, %mul3A_2372 : vector<16xf32>
      %get3A_2374 = arith.constant 0 : i32
      %get3A_2375 = arith.constant 0 : i32
      %get3A_2376 = tpu.memref_slice %arg5[%scan3A, %get3A_2374, %get3A_2375] : memref<2x128x128xf32, #tpu.memory_space<vmem>> -> memref<1x128x128xf32, #tpu.memory_space<vmem>>
      %get3A_2377 = tpu.memref_squeeze %get3A_2376 : memref<1x128x128xf32, #tpu.memory_space<vmem>> -> memref<128x128xf32, #tpu.memory_space<vmem>>
      %get3A_2378 = arith.index_cast %add3A_2263 : i32 to index
      %get3A_2379 = arith.constant 112 : index
      %get3A_2380 = tpu.vector_load %get3A_2377[%get3A_2378, %get3A_2379] {strides = array<i32>} : memref<128x128xf32, #tpu.memory_space<vmem>>, vector<16xf32>,
      %get3A_2381 = arith.constant 0 : i32
      %get3A_2382 = arith.constant 0 : i32
      %get3A_2383 = tpu.memref_slice %arg6[%scan3A_75, %get3A_2381, %get3A_2382] : memref<2x128x128xf32, #tpu.memory_space<vmem>> -> memref<1x128x128xf32, #tpu.memory_space<vmem>>
      %get3A_2384 = tpu.memref_squeeze %get3A_2383 : memref<1x128x128xf32, #tpu.memory_space<vmem>> -> memref<128x128xf32, #tpu.memory_space<vmem>>
      %get3A_2385 = arith.index_cast %add3A_2263 : i32 to index
      %get3A_2386 = arith.constant 112 : index
      %get3A_2387 = tpu.vector_load %get3A_2384[%get3A_2385, %get3A_2386] {strides = array<i32>} : memref<128x128xf32, #tpu.memory_space<vmem>>, vector<16xf32>,
      %mul3A_2388 = arith.mulf %get3A_2380, %get3A_2387 : vector<16xf32>
      %add3A_2389 = arith.addf %add3A_2357, %mul3A_2388 : vector<16xf32>
      %add3A_2390 = arith.addf %add3A_2373, %add3A_2389 : vector<16xf32>
      %gather3A_2391 = vector.shape_cast %reshape3A : vector<16x1xi32> to vector<16xi32>
      %gather3A_2392 = tpu.dynamic_gather %add3A_2390[%gather3A_2391] in [0] : vector<16xf32>, vector<16xi32> -> vector<16xf32>
      %add3A_2393 = arith.addf %add3A_2390, %gather3A_2392 : vector<16xf32>
      %gather3A_2394 = vector.shape_cast %reshape3A_37 : vector<16x1xi32> to vector<16xi32>
      %gather3A_2395 = tpu.dynamic_gather %add3A_2393[%gather3A_2394] in [0] : vector<16xf32>, vector<16xi32> -> vector<16xf32>
      %add3A_2396 = arith.addf %add3A_2393, %gather3A_2395 : vector<16xf32>
      %gather3A_2397 = vector.shape_cast %reshape3A_41 : vector<16x1xi32> to vector<16xi32>
      %gather3A_2398 = tpu.dynamic_gather %add3A_2396[%gather3A_2397] in [0] : vector<16xf32>, vector<16xi32> -> vector<16xf32>
      %add3A_2399 = arith.addf %add3A_2396, %gather3A_2398 : vector<16xf32>
      %gather3A_2400 = vector.shape_cast %reshape3A_45 : vector<16x1xi32> to vector<16xi32>
      %gather3A_2401 = tpu.dynamic_gather %add3A_2399[%gather3A_2400] in [0] : vector<16xf32>, vector<16xi32> -> vector<16xf32>
      %add3A_2402 = arith.addf %add3A_2399, %gather3A_2401 : vector<16xf32>
      %eq3A_2403 = arith.constant 15 : i32
      %eq3A_2404 = vector.broadcast %eq3A_2403 : i32 to vector<16xi32>
      %eq3A_2405 = arith.cmpi eq, %iota3A, %eq3A_2404 : vector<16xi32>
      %select_n3A_2406 = arith.select %eq3A_2405, %add3A_2402, %select_n3A_2261 : vector<16xi1>, vector<16xf32>
      %neg3A = arith.constant 0.000000e+00 : f32
      %neg3A_2407 = vector.broadcast %neg3A : f32 to vector<16xf32>
      %neg3A_2408 = arith.subf %neg3A_2407, %select_n3A_2406 : vector<16xf32>
      %exp3A = math.exp %neg3A_2408 : vector<16xf32>
      %add3A_2409 = arith.constant 1.000000e+00 : f32
      %add3A_2410 = vector.broadcast %add3A_2409 : f32 to vector<16xf32>
      %add3A_2411 = arith.addf %add3A_2410, %exp3A : vector<16xf32>
      %div3A = arith.constant 1.000000e+00 : f32
      %div3A_2412 = vector.broadcast %div3A : f32 to vector<16xf32>
      %div3A_2413 = arith.divf %div3A_2412, %add3A_2411 : vector<16xf32>
      %add3A_2414 = arith.constant 0 : i32
      %add3A_2415 = arith.addi %add3A_2414, %add3A_89 : i32
      %swap3A = arith.index_cast %add3A_2415 : i32 to index
      %swap3A_2416 = tpu.vector_load %arg7[%swap3A] {strides = array<i32>} : memref<128xf32, #tpu.memory_space<vmem>>, vector<16xf32>,
      tpu.vector_store %arg7[%swap3A], %div3A_2413 {strides = array<i32>} : memref<128xf32, #tpu.memory_space<vmem>>, vector<16xf32>,
    }
    %scan3A_80 = arith.constant 8 : i32
    %dma_start3A_81 = tpu.memref_slice %arg4[%mul3A_2] : memref<4096xf32, #tpu.memory_space<hbm>> -> memref<128xf32, #tpu.memory_space<hbm>>
    %dma_start3A_82 = tpu.memref_slice %arg4[%mul3A_2] : memref<4096xf32, #tpu.memory_space<hbm>> -> memref<128xf32, #tpu.memory_space<hbm>>
    tpu.enqueue_dma source(%arg7 : memref<128xf32, #tpu.memory_space<vmem>>) target(%dma_start3A_82 : memref<128xf32, #tpu.memory_space<hbm>>) target_semaphore(%arg10 : memref<!tpu.dma_semaphore, #tpu.memory_space<semaphore_mem>>)
    %dma_wait3A_83 = tpu.memref_slice %arg4[%mul3A_2] : memref<4096xf32, #tpu.memory_space<hbm>> -> memref<128xf32, #tpu.memory_space<hbm>>
    %dma_wait3A_84 = tpu.memref_slice %arg4[%mul3A_2] : memref<4096xf32, #tpu.memory_space<hbm>> -> memref<128xf32, #tpu.memory_space<hbm>>
    tpu.wait_dma2 semaphore(%arg10 : memref<!tpu.dma_semaphore, #tpu.memory_space<semaphore_mem>>) src(%arg7 : memref<128xf32, #tpu.memory_space<vmem>>) dst(%dma_wait3A_84 : memref<128xf32, #tpu.memory_space<hbm>>)
    return
  }
}

module attributes {stable_mosaic.version = 14 : i64} {
  func.func @_tc_dot_sigmoid_body(%arg0: i32, %arg1: memref<4096x128xf32, #tpu.memory_space<vmem>>, %arg2: memref<4096x128xf32, #tpu.memory_space<vmem>>, %arg3: memref<32x128xf32, #tpu.memory_space<vmem>>) attributes {dimension_semantics = [#tpu.dimension_semantics<arbitrary>], iteration_bounds = array<i64: 3>, scalar_prefetch = 0 : i64, scratch_operands = 0 : i64, tpu.core_type = #tpu.core_type<tc>, window_params = [{transform_indices = @transform_0, window_bounds = array<i64: 4096, 128>}, {transform_indices = @transform_1, window_bounds = array<i64: 4096, 128>}, {transform_indices = @transform_2, window_bounds = array<i64: 32, 128>}]} {
    %get3A = arith.constant 0 : index
    %get3A_0 = arith.constant 0 : index
    %get3A_1 = vector.load %arg1[%get3A, %get3A_0] : memref<4096x128xf32, #tpu.memory_space<vmem>>, vector<4096x128xf32>
    %get3A_2 = arith.constant 0 : index
    %get3A_3 = arith.constant 0 : index
    %get3A_4 = vector.load %arg2[%get3A_2, %get3A_3] : memref<4096x128xf32, #tpu.memory_space<vmem>>, vector<4096x128xf32>
    %mul3A = arith.mulf %get3A_1, %get3A_4 : vector<4096x128xf32>
    %reshape3A = vector.shape_cast %mul3A : vector<4096x128xf32> to vector<32x128x128xf32>
    %slice3A = vector.extract_strided_slice %reshape3A {offsets = [0, 0, 0], sizes = [1, 128, 128], strides = [1, 1, 1]} : vector<32x128x128xf32> to vector<1x128x128xf32>
    %squeeze3A = vector.shape_cast %slice3A : vector<1x128x128xf32> to vector<128x128xf32>
    %transpose3A = tpu.transpose %squeeze3A, [1, 0] : vector<128x128xf32> -> vector<128x128xf32>
    %reduce_sum3A = arith.constant dense<0.000000e+00> : vector<128xf32>
    %reduce_sum3A_5 = vector.multi_reduction <add>, %transpose3A, %reduce_sum3A [0] : vector<128x128xf32> to vector<128xf32>
    %slice3A_6 = vector.extract_strided_slice %reshape3A {offsets = [1, 0, 0], sizes = [1, 128, 128], strides = [1, 1, 1]} : vector<32x128x128xf32> to vector<1x128x128xf32>
    %squeeze3A_7 = vector.shape_cast %slice3A_6 : vector<1x128x128xf32> to vector<128x128xf32>
    %transpose3A_8 = tpu.transpose %squeeze3A_7, [1, 0] : vector<128x128xf32> -> vector<128x128xf32>
    %reduce_sum3A_9 = arith.constant dense<0.000000e+00> : vector<128xf32>
    %reduce_sum3A_10 = vector.multi_reduction <add>, %transpose3A_8, %reduce_sum3A_9 [0] : vector<128x128xf32> to vector<128xf32>
    %slice3A_11 = vector.extract_strided_slice %reshape3A {offsets = [2, 0, 0], sizes = [1, 128, 128], strides = [1, 1, 1]} : vector<32x128x128xf32> to vector<1x128x128xf32>
    %squeeze3A_12 = vector.shape_cast %slice3A_11 : vector<1x128x128xf32> to vector<128x128xf32>
    %transpose3A_13 = tpu.transpose %squeeze3A_12, [1, 0] : vector<128x128xf32> -> vector<128x128xf32>
    %reduce_sum3A_14 = arith.constant dense<0.000000e+00> : vector<128xf32>
    %reduce_sum3A_15 = vector.multi_reduction <add>, %transpose3A_13, %reduce_sum3A_14 [0] : vector<128x128xf32> to vector<128xf32>
    %slice3A_16 = vector.extract_strided_slice %reshape3A {offsets = [3, 0, 0], sizes = [1, 128, 128], strides = [1, 1, 1]} : vector<32x128x128xf32> to vector<1x128x128xf32>
    %squeeze3A_17 = vector.shape_cast %slice3A_16 : vector<1x128x128xf32> to vector<128x128xf32>
    %transpose3A_18 = tpu.transpose %squeeze3A_17, [1, 0] : vector<128x128xf32> -> vector<128x128xf32>
    %reduce_sum3A_19 = arith.constant dense<0.000000e+00> : vector<128xf32>
    %reduce_sum3A_20 = vector.multi_reduction <add>, %transpose3A_18, %reduce_sum3A_19 [0] : vector<128x128xf32> to vector<128xf32>
    %slice3A_21 = vector.extract_strided_slice %reshape3A {offsets = [4, 0, 0], sizes = [1, 128, 128], strides = [1, 1, 1]} : vector<32x128x128xf32> to vector<1x128x128xf32>
    %squeeze3A_22 = vector.shape_cast %slice3A_21 : vector<1x128x128xf32> to vector<128x128xf32>
    %transpose3A_23 = tpu.transpose %squeeze3A_22, [1, 0] : vector<128x128xf32> -> vector<128x128xf32>
    %reduce_sum3A_24 = arith.constant dense<0.000000e+00> : vector<128xf32>
    %reduce_sum3A_25 = vector.multi_reduction <add>, %transpose3A_23, %reduce_sum3A_24 [0] : vector<128x128xf32> to vector<128xf32>
    %slice3A_26 = vector.extract_strided_slice %reshape3A {offsets = [5, 0, 0], sizes = [1, 128, 128], strides = [1, 1, 1]} : vector<32x128x128xf32> to vector<1x128x128xf32>
    %squeeze3A_27 = vector.shape_cast %slice3A_26 : vector<1x128x128xf32> to vector<128x128xf32>
    %transpose3A_28 = tpu.transpose %squeeze3A_27, [1, 0] : vector<128x128xf32> -> vector<128x128xf32>
    %reduce_sum3A_29 = arith.constant dense<0.000000e+00> : vector<128xf32>
    %reduce_sum3A_30 = vector.multi_reduction <add>, %transpose3A_28, %reduce_sum3A_29 [0] : vector<128x128xf32> to vector<128xf32>
    %slice3A_31 = vector.extract_strided_slice %reshape3A {offsets = [6, 0, 0], sizes = [1, 128, 128], strides = [1, 1, 1]} : vector<32x128x128xf32> to vector<1x128x128xf32>
    %squeeze3A_32 = vector.shape_cast %slice3A_31 : vector<1x128x128xf32> to vector<128x128xf32>
    %transpose3A_33 = tpu.transpose %squeeze3A_32, [1, 0] : vector<128x128xf32> -> vector<128x128xf32>
    %reduce_sum3A_34 = arith.constant dense<0.000000e+00> : vector<128xf32>
    %reduce_sum3A_35 = vector.multi_reduction <add>, %transpose3A_33, %reduce_sum3A_34 [0] : vector<128x128xf32> to vector<128xf32>
    %slice3A_36 = vector.extract_strided_slice %reshape3A {offsets = [7, 0, 0], sizes = [1, 128, 128], strides = [1, 1, 1]} : vector<32x128x128xf32> to vector<1x128x128xf32>
    %squeeze3A_37 = vector.shape_cast %slice3A_36 : vector<1x128x128xf32> to vector<128x128xf32>
    %transpose3A_38 = tpu.transpose %squeeze3A_37, [1, 0] : vector<128x128xf32> -> vector<128x128xf32>
    %reduce_sum3A_39 = arith.constant dense<0.000000e+00> : vector<128xf32>
    %reduce_sum3A_40 = vector.multi_reduction <add>, %transpose3A_38, %reduce_sum3A_39 [0] : vector<128x128xf32> to vector<128xf32>
    %slice3A_41 = vector.extract_strided_slice %reshape3A {offsets = [8, 0, 0], sizes = [1, 128, 128], strides = [1, 1, 1]} : vector<32x128x128xf32> to vector<1x128x128xf32>
    %squeeze3A_42 = vector.shape_cast %slice3A_41 : vector<1x128x128xf32> to vector<128x128xf32>
    %transpose3A_43 = tpu.transpose %squeeze3A_42, [1, 0] : vector<128x128xf32> -> vector<128x128xf32>
    %reduce_sum3A_44 = arith.constant dense<0.000000e+00> : vector<128xf32>
    %reduce_sum3A_45 = vector.multi_reduction <add>, %transpose3A_43, %reduce_sum3A_44 [0] : vector<128x128xf32> to vector<128xf32>
    %slice3A_46 = vector.extract_strided_slice %reshape3A {offsets = [9, 0, 0], sizes = [1, 128, 128], strides = [1, 1, 1]} : vector<32x128x128xf32> to vector<1x128x128xf32>
    %squeeze3A_47 = vector.shape_cast %slice3A_46 : vector<1x128x128xf32> to vector<128x128xf32>
    %transpose3A_48 = tpu.transpose %squeeze3A_47, [1, 0] : vector<128x128xf32> -> vector<128x128xf32>
    %reduce_sum3A_49 = arith.constant dense<0.000000e+00> : vector<128xf32>
    %reduce_sum3A_50 = vector.multi_reduction <add>, %transpose3A_48, %reduce_sum3A_49 [0] : vector<128x128xf32> to vector<128xf32>
    %slice3A_51 = vector.extract_strided_slice %reshape3A {offsets = [10, 0, 0], sizes = [1, 128, 128], strides = [1, 1, 1]} : vector<32x128x128xf32> to vector<1x128x128xf32>
    %squeeze3A_52 = vector.shape_cast %slice3A_51 : vector<1x128x128xf32> to vector<128x128xf32>
    %transpose3A_53 = tpu.transpose %squeeze3A_52, [1, 0] : vector<128x128xf32> -> vector<128x128xf32>
    %reduce_sum3A_54 = arith.constant dense<0.000000e+00> : vector<128xf32>
    %reduce_sum3A_55 = vector.multi_reduction <add>, %transpose3A_53, %reduce_sum3A_54 [0] : vector<128x128xf32> to vector<128xf32>
    %slice3A_56 = vector.extract_strided_slice %reshape3A {offsets = [11, 0, 0], sizes = [1, 128, 128], strides = [1, 1, 1]} : vector<32x128x128xf32> to vector<1x128x128xf32>
    %squeeze3A_57 = vector.shape_cast %slice3A_56 : vector<1x128x128xf32> to vector<128x128xf32>
    %transpose3A_58 = tpu.transpose %squeeze3A_57, [1, 0] : vector<128x128xf32> -> vector<128x128xf32>
    %reduce_sum3A_59 = arith.constant dense<0.000000e+00> : vector<128xf32>
    %reduce_sum3A_60 = vector.multi_reduction <add>, %transpose3A_58, %reduce_sum3A_59 [0] : vector<128x128xf32> to vector<128xf32>
    %slice3A_61 = vector.extract_strided_slice %reshape3A {offsets = [12, 0, 0], sizes = [1, 128, 128], strides = [1, 1, 1]} : vector<32x128x128xf32> to vector<1x128x128xf32>
    %squeeze3A_62 = vector.shape_cast %slice3A_61 : vector<1x128x128xf32> to vector<128x128xf32>
    %transpose3A_63 = tpu.transpose %squeeze3A_62, [1, 0] : vector<128x128xf32> -> vector<128x128xf32>
    %reduce_sum3A_64 = arith.constant dense<0.000000e+00> : vector<128xf32>
    %reduce_sum3A_65 = vector.multi_reduction <add>, %transpose3A_63, %reduce_sum3A_64 [0] : vector<128x128xf32> to vector<128xf32>
    %slice3A_66 = vector.extract_strided_slice %reshape3A {offsets = [13, 0, 0], sizes = [1, 128, 128], strides = [1, 1, 1]} : vector<32x128x128xf32> to vector<1x128x128xf32>
    %squeeze3A_67 = vector.shape_cast %slice3A_66 : vector<1x128x128xf32> to vector<128x128xf32>
    %transpose3A_68 = tpu.transpose %squeeze3A_67, [1, 0] : vector<128x128xf32> -> vector<128x128xf32>
    %reduce_sum3A_69 = arith.constant dense<0.000000e+00> : vector<128xf32>
    %reduce_sum3A_70 = vector.multi_reduction <add>, %transpose3A_68, %reduce_sum3A_69 [0] : vector<128x128xf32> to vector<128xf32>
    %slice3A_71 = vector.extract_strided_slice %reshape3A {offsets = [14, 0, 0], sizes = [1, 128, 128], strides = [1, 1, 1]} : vector<32x128x128xf32> to vector<1x128x128xf32>
    %squeeze3A_72 = vector.shape_cast %slice3A_71 : vector<1x128x128xf32> to vector<128x128xf32>
    %transpose3A_73 = tpu.transpose %squeeze3A_72, [1, 0] : vector<128x128xf32> -> vector<128x128xf32>
    %reduce_sum3A_74 = arith.constant dense<0.000000e+00> : vector<128xf32>
    %reduce_sum3A_75 = vector.multi_reduction <add>, %transpose3A_73, %reduce_sum3A_74 [0] : vector<128x128xf32> to vector<128xf32>
    %slice3A_76 = vector.extract_strided_slice %reshape3A {offsets = [15, 0, 0], sizes = [1, 128, 128], strides = [1, 1, 1]} : vector<32x128x128xf32> to vector<1x128x128xf32>
    %squeeze3A_77 = vector.shape_cast %slice3A_76 : vector<1x128x128xf32> to vector<128x128xf32>
    %transpose3A_78 = tpu.transpose %squeeze3A_77, [1, 0] : vector<128x128xf32> -> vector<128x128xf32>
    %reduce_sum3A_79 = arith.constant dense<0.000000e+00> : vector<128xf32>
    %reduce_sum3A_80 = vector.multi_reduction <add>, %transpose3A_78, %reduce_sum3A_79 [0] : vector<128x128xf32> to vector<128xf32>
    %slice3A_81 = vector.extract_strided_slice %reshape3A {offsets = [16, 0, 0], sizes = [1, 128, 128], strides = [1, 1, 1]} : vector<32x128x128xf32> to vector<1x128x128xf32>
    %squeeze3A_82 = vector.shape_cast %slice3A_81 : vector<1x128x128xf32> to vector<128x128xf32>
    %transpose3A_83 = tpu.transpose %squeeze3A_82, [1, 0] : vector<128x128xf32> -> vector<128x128xf32>
    %reduce_sum3A_84 = arith.constant dense<0.000000e+00> : vector<128xf32>
    %reduce_sum3A_85 = vector.multi_reduction <add>, %transpose3A_83, %reduce_sum3A_84 [0] : vector<128x128xf32> to vector<128xf32>
    %slice3A_86 = vector.extract_strided_slice %reshape3A {offsets = [17, 0, 0], sizes = [1, 128, 128], strides = [1, 1, 1]} : vector<32x128x128xf32> to vector<1x128x128xf32>
    %squeeze3A_87 = vector.shape_cast %slice3A_86 : vector<1x128x128xf32> to vector<128x128xf32>
    %transpose3A_88 = tpu.transpose %squeeze3A_87, [1, 0] : vector<128x128xf32> -> vector<128x128xf32>
    %reduce_sum3A_89 = arith.constant dense<0.000000e+00> : vector<128xf32>
    %reduce_sum3A_90 = vector.multi_reduction <add>, %transpose3A_88, %reduce_sum3A_89 [0] : vector<128x128xf32> to vector<128xf32>
    %slice3A_91 = vector.extract_strided_slice %reshape3A {offsets = [18, 0, 0], sizes = [1, 128, 128], strides = [1, 1, 1]} : vector<32x128x128xf32> to vector<1x128x128xf32>
    %squeeze3A_92 = vector.shape_cast %slice3A_91 : vector<1x128x128xf32> to vector<128x128xf32>
    %transpose3A_93 = tpu.transpose %squeeze3A_92, [1, 0] : vector<128x128xf32> -> vector<128x128xf32>
    %reduce_sum3A_94 = arith.constant dense<0.000000e+00> : vector<128xf32>
    %reduce_sum3A_95 = vector.multi_reduction <add>, %transpose3A_93, %reduce_sum3A_94 [0] : vector<128x128xf32> to vector<128xf32>
    %slice3A_96 = vector.extract_strided_slice %reshape3A {offsets = [19, 0, 0], sizes = [1, 128, 128], strides = [1, 1, 1]} : vector<32x128x128xf32> to vector<1x128x128xf32>
    %squeeze3A_97 = vector.shape_cast %slice3A_96 : vector<1x128x128xf32> to vector<128x128xf32>
    %transpose3A_98 = tpu.transpose %squeeze3A_97, [1, 0] : vector<128x128xf32> -> vector<128x128xf32>
    %reduce_sum3A_99 = arith.constant dense<0.000000e+00> : vector<128xf32>
    %reduce_sum3A_100 = vector.multi_reduction <add>, %transpose3A_98, %reduce_sum3A_99 [0] : vector<128x128xf32> to vector<128xf32>
    %slice3A_101 = vector.extract_strided_slice %reshape3A {offsets = [20, 0, 0], sizes = [1, 128, 128], strides = [1, 1, 1]} : vector<32x128x128xf32> to vector<1x128x128xf32>
    %squeeze3A_102 = vector.shape_cast %slice3A_101 : vector<1x128x128xf32> to vector<128x128xf32>
    %transpose3A_103 = tpu.transpose %squeeze3A_102, [1, 0] : vector<128x128xf32> -> vector<128x128xf32>
    %reduce_sum3A_104 = arith.constant dense<0.000000e+00> : vector<128xf32>
    %reduce_sum3A_105 = vector.multi_reduction <add>, %transpose3A_103, %reduce_sum3A_104 [0] : vector<128x128xf32> to vector<128xf32>
    %slice3A_106 = vector.extract_strided_slice %reshape3A {offsets = [21, 0, 0], sizes = [1, 128, 128], strides = [1, 1, 1]} : vector<32x128x128xf32> to vector<1x128x128xf32>
    %squeeze3A_107 = vector.shape_cast %slice3A_106 : vector<1x128x128xf32> to vector<128x128xf32>
    %transpose3A_108 = tpu.transpose %squeeze3A_107, [1, 0] : vector<128x128xf32> -> vector<128x128xf32>
    %reduce_sum3A_109 = arith.constant dense<0.000000e+00> : vector<128xf32>
    %reduce_sum3A_110 = vector.multi_reduction <add>, %transpose3A_108, %reduce_sum3A_109 [0] : vector<128x128xf32> to vector<128xf32>
    %slice3A_111 = vector.extract_strided_slice %reshape3A {offsets = [22, 0, 0], sizes = [1, 128, 128], strides = [1, 1, 1]} : vector<32x128x128xf32> to vector<1x128x128xf32>
    %squeeze3A_112 = vector.shape_cast %slice3A_111 : vector<1x128x128xf32> to vector<128x128xf32>
    %transpose3A_113 = tpu.transpose %squeeze3A_112, [1, 0] : vector<128x128xf32> -> vector<128x128xf32>
    %reduce_sum3A_114 = arith.constant dense<0.000000e+00> : vector<128xf32>
    %reduce_sum3A_115 = vector.multi_reduction <add>, %transpose3A_113, %reduce_sum3A_114 [0] : vector<128x128xf32> to vector<128xf32>
    %slice3A_116 = vector.extract_strided_slice %reshape3A {offsets = [23, 0, 0], sizes = [1, 128, 128], strides = [1, 1, 1]} : vector<32x128x128xf32> to vector<1x128x128xf32>
    %squeeze3A_117 = vector.shape_cast %slice3A_116 : vector<1x128x128xf32> to vector<128x128xf32>
    %transpose3A_118 = tpu.transpose %squeeze3A_117, [1, 0] : vector<128x128xf32> -> vector<128x128xf32>
    %reduce_sum3A_119 = arith.constant dense<0.000000e+00> : vector<128xf32>
    %reduce_sum3A_120 = vector.multi_reduction <add>, %transpose3A_118, %reduce_sum3A_119 [0] : vector<128x128xf32> to vector<128xf32>
    %slice3A_121 = vector.extract_strided_slice %reshape3A {offsets = [24, 0, 0], sizes = [1, 128, 128], strides = [1, 1, 1]} : vector<32x128x128xf32> to vector<1x128x128xf32>
    %squeeze3A_122 = vector.shape_cast %slice3A_121 : vector<1x128x128xf32> to vector<128x128xf32>
    %transpose3A_123 = tpu.transpose %squeeze3A_122, [1, 0] : vector<128x128xf32> -> vector<128x128xf32>
    %reduce_sum3A_124 = arith.constant dense<0.000000e+00> : vector<128xf32>
    %reduce_sum3A_125 = vector.multi_reduction <add>, %transpose3A_123, %reduce_sum3A_124 [0] : vector<128x128xf32> to vector<128xf32>
    %slice3A_126 = vector.extract_strided_slice %reshape3A {offsets = [25, 0, 0], sizes = [1, 128, 128], strides = [1, 1, 1]} : vector<32x128x128xf32> to vector<1x128x128xf32>
    %squeeze3A_127 = vector.shape_cast %slice3A_126 : vector<1x128x128xf32> to vector<128x128xf32>
    %transpose3A_128 = tpu.transpose %squeeze3A_127, [1, 0] : vector<128x128xf32> -> vector<128x128xf32>
    %reduce_sum3A_129 = arith.constant dense<0.000000e+00> : vector<128xf32>
    %reduce_sum3A_130 = vector.multi_reduction <add>, %transpose3A_128, %reduce_sum3A_129 [0] : vector<128x128xf32> to vector<128xf32>
    %slice3A_131 = vector.extract_strided_slice %reshape3A {offsets = [26, 0, 0], sizes = [1, 128, 128], strides = [1, 1, 1]} : vector<32x128x128xf32> to vector<1x128x128xf32>
    %squeeze3A_132 = vector.shape_cast %slice3A_131 : vector<1x128x128xf32> to vector<128x128xf32>
    %transpose3A_133 = tpu.transpose %squeeze3A_132, [1, 0] : vector<128x128xf32> -> vector<128x128xf32>
    %reduce_sum3A_134 = arith.constant dense<0.000000e+00> : vector<128xf32>
    %reduce_sum3A_135 = vector.multi_reduction <add>, %transpose3A_133, %reduce_sum3A_134 [0] : vector<128x128xf32> to vector<128xf32>
    %slice3A_136 = vector.extract_strided_slice %reshape3A {offsets = [27, 0, 0], sizes = [1, 128, 128], strides = [1, 1, 1]} : vector<32x128x128xf32> to vector<1x128x128xf32>
    %squeeze3A_137 = vector.shape_cast %slice3A_136 : vector<1x128x128xf32> to vector<128x128xf32>
    %transpose3A_138 = tpu.transpose %squeeze3A_137, [1, 0] : vector<128x128xf32> -> vector<128x128xf32>
    %reduce_sum3A_139 = arith.constant dense<0.000000e+00> : vector<128xf32>
    %reduce_sum3A_140 = vector.multi_reduction <add>, %transpose3A_138, %reduce_sum3A_139 [0] : vector<128x128xf32> to vector<128xf32>
    %slice3A_141 = vector.extract_strided_slice %reshape3A {offsets = [28, 0, 0], sizes = [1, 128, 128], strides = [1, 1, 1]} : vector<32x128x128xf32> to vector<1x128x128xf32>
    %squeeze3A_142 = vector.shape_cast %slice3A_141 : vector<1x128x128xf32> to vector<128x128xf32>
    %transpose3A_143 = tpu.transpose %squeeze3A_142, [1, 0] : vector<128x128xf32> -> vector<128x128xf32>
    %reduce_sum3A_144 = arith.constant dense<0.000000e+00> : vector<128xf32>
    %reduce_sum3A_145 = vector.multi_reduction <add>, %transpose3A_143, %reduce_sum3A_144 [0] : vector<128x128xf32> to vector<128xf32>
    %slice3A_146 = vector.extract_strided_slice %reshape3A {offsets = [29, 0, 0], sizes = [1, 128, 128], strides = [1, 1, 1]} : vector<32x128x128xf32> to vector<1x128x128xf32>
    %squeeze3A_147 = vector.shape_cast %slice3A_146 : vector<1x128x128xf32> to vector<128x128xf32>
    %transpose3A_148 = tpu.transpose %squeeze3A_147, [1, 0] : vector<128x128xf32> -> vector<128x128xf32>
    %reduce_sum3A_149 = arith.constant dense<0.000000e+00> : vector<128xf32>
    %reduce_sum3A_150 = vector.multi_reduction <add>, %transpose3A_148, %reduce_sum3A_149 [0] : vector<128x128xf32> to vector<128xf32>
    %slice3A_151 = vector.extract_strided_slice %reshape3A {offsets = [30, 0, 0], sizes = [1, 128, 128], strides = [1, 1, 1]} : vector<32x128x128xf32> to vector<1x128x128xf32>
    %squeeze3A_152 = vector.shape_cast %slice3A_151 : vector<1x128x128xf32> to vector<128x128xf32>
    %transpose3A_153 = tpu.transpose %squeeze3A_152, [1, 0] : vector<128x128xf32> -> vector<128x128xf32>
    %reduce_sum3A_154 = arith.constant dense<0.000000e+00> : vector<128xf32>
    %reduce_sum3A_155 = vector.multi_reduction <add>, %transpose3A_153, %reduce_sum3A_154 [0] : vector<128x128xf32> to vector<128xf32>
    %slice3A_156 = vector.extract_strided_slice %reshape3A {offsets = [31, 0, 0], sizes = [1, 128, 128], strides = [1, 1, 1]} : vector<32x128x128xf32> to vector<1x128x128xf32>
    %squeeze3A_157 = vector.shape_cast %slice3A_156 : vector<1x128x128xf32> to vector<128x128xf32>
    %transpose3A_158 = tpu.transpose %squeeze3A_157, [1, 0] : vector<128x128xf32> -> vector<128x128xf32>
    %reduce_sum3A_159 = arith.constant dense<0.000000e+00> : vector<128xf32>
    %reduce_sum3A_160 = vector.multi_reduction <add>, %transpose3A_158, %reduce_sum3A_159 [0] : vector<128x128xf32> to vector<128xf32>
    %stack3A = vector.shape_cast %reduce_sum3A_5 : vector<128xf32> to vector<1x128xf32>
    %stack3A_161 = vector.shape_cast %reduce_sum3A_10 : vector<128xf32> to vector<1x128xf32>
    %stack3A_162 = vector.shape_cast %reduce_sum3A_15 : vector<128xf32> to vector<1x128xf32>
    %stack3A_163 = vector.shape_cast %reduce_sum3A_20 : vector<128xf32> to vector<1x128xf32>
    %stack3A_164 = vector.shape_cast %reduce_sum3A_25 : vector<128xf32> to vector<1x128xf32>
    %stack3A_165 = vector.shape_cast %reduce_sum3A_30 : vector<128xf32> to vector<1x128xf32>
    %stack3A_166 = vector.shape_cast %reduce_sum3A_35 : vector<128xf32> to vector<1x128xf32>
    %stack3A_167 = vector.shape_cast %reduce_sum3A_40 : vector<128xf32> to vector<1x128xf32>
    %stack3A_168 = vector.shape_cast %reduce_sum3A_45 : vector<128xf32> to vector<1x128xf32>
    %stack3A_169 = vector.shape_cast %reduce_sum3A_50 : vector<128xf32> to vector<1x128xf32>
    %stack3A_170 = vector.shape_cast %reduce_sum3A_55 : vector<128xf32> to vector<1x128xf32>
    %stack3A_171 = vector.shape_cast %reduce_sum3A_60 : vector<128xf32> to vector<1x128xf32>
    %stack3A_172 = vector.shape_cast %reduce_sum3A_65 : vector<128xf32> to vector<1x128xf32>
    %stack3A_173 = vector.shape_cast %reduce_sum3A_70 : vector<128xf32> to vector<1x128xf32>
    %stack3A_174 = vector.shape_cast %reduce_sum3A_75 : vector<128xf32> to vector<1x128xf32>
    %stack3A_175 = vector.shape_cast %reduce_sum3A_80 : vector<128xf32> to vector<1x128xf32>
    %stack3A_176 = vector.shape_cast %reduce_sum3A_85 : vector<128xf32> to vector<1x128xf32>
    %stack3A_177 = vector.shape_cast %reduce_sum3A_90 : vector<128xf32> to vector<1x128xf32>
    %stack3A_178 = vector.shape_cast %reduce_sum3A_95 : vector<128xf32> to vector<1x128xf32>
    %stack3A_179 = vector.shape_cast %reduce_sum3A_100 : vector<128xf32> to vector<1x128xf32>
    %stack3A_180 = vector.shape_cast %reduce_sum3A_105 : vector<128xf32> to vector<1x128xf32>
    %stack3A_181 = vector.shape_cast %reduce_sum3A_110 : vector<128xf32> to vector<1x128xf32>
    %stack3A_182 = vector.shape_cast %reduce_sum3A_115 : vector<128xf32> to vector<1x128xf32>
    %stack3A_183 = vector.shape_cast %reduce_sum3A_120 : vector<128xf32> to vector<1x128xf32>
    %stack3A_184 = vector.shape_cast %reduce_sum3A_125 : vector<128xf32> to vector<1x128xf32>
    %stack3A_185 = vector.shape_cast %reduce_sum3A_130 : vector<128xf32> to vector<1x128xf32>
    %stack3A_186 = vector.shape_cast %reduce_sum3A_135 : vector<128xf32> to vector<1x128xf32>
    %stack3A_187 = vector.shape_cast %reduce_sum3A_140 : vector<128xf32> to vector<1x128xf32>
    %stack3A_188 = vector.shape_cast %reduce_sum3A_145 : vector<128xf32> to vector<1x128xf32>
    %stack3A_189 = vector.shape_cast %reduce_sum3A_150 : vector<128xf32> to vector<1x128xf32>
    %stack3A_190 = vector.shape_cast %reduce_sum3A_155 : vector<128xf32> to vector<1x128xf32>
    %stack3A_191 = vector.shape_cast %reduce_sum3A_160 : vector<128xf32> to vector<1x128xf32>
    %stack3A_192 = tpu.concatenate %stack3A, %stack3A_161, %stack3A_162, %stack3A_163, %stack3A_164, %stack3A_165, %stack3A_166, %stack3A_167, %stack3A_168, %stack3A_169, %stack3A_170, %stack3A_171, %stack3A_172, %stack3A_173, %stack3A_174, %stack3A_175, %stack3A_176, %stack3A_177, %stack3A_178, %stack3A_179, %stack3A_180, %stack3A_181, %stack3A_182, %stack3A_183, %stack3A_184, %stack3A_185, %stack3A_186, %stack3A_187, %stack3A_188, %stack3A_189, %stack3A_190, %stack3A_191 in 0 : vector<1x128xf32>, vector<1x128xf32>, vector<1x128xf32>, vector<1x128xf32>, vector<1x128xf32>, vector<1x128xf32>, vector<1x128xf32>, vector<1x128xf32>, vector<1x128xf32>, vector<1x128xf32>, vector<1x128xf32>, vector<1x128xf32>, vector<1x128xf32>, vector<1x128xf32>, vector<1x128xf32>, vector<1x128xf32>, vector<1x128xf32>, vector<1x128xf32>, vector<1x128xf32>, vector<1x128xf32>, vector<1x128xf32>, vector<1x128xf32>, vector<1x128xf32>, vector<1x128xf32>, vector<1x128xf32>, vector<1x128xf32>, vector<1x128xf32>, vector<1x128xf32>, vector<1x128xf32>, vector<1x128xf32>, vector<1x128xf32>, vector<1x128xf32> -> vector<32x128xf32>
    %logistic3A = arith.negf %stack3A_192 : vector<32x128xf32>
    %logistic3A_193 = math.exp %logistic3A : vector<32x128xf32>
    %logistic3A_194 = arith.constant 1.000000e+00 : f32
    %logistic3A_195 = vector.broadcast %logistic3A_194 : f32 to vector<32x128xf32>
    %logistic3A_196 = arith.addf %logistic3A_195, %logistic3A_193 : vector<32x128xf32>
    %logistic3A_197 = arith.divf %logistic3A_195, %logistic3A_196 : vector<32x128xf32>
    %swap3A = arith.constant 0 : index
    %swap3A_198 = arith.constant 0 : index
    %swap3A_199 = vector.load %arg3[%swap3A, %swap3A_198] : memref<32x128xf32, #tpu.memory_space<vmem>>, vector<32x128xf32>
    tpu.vector_store %arg3[%swap3A, %swap3A_198], %logistic3A_197 {strides = array<i32>} : memref<32x128xf32, #tpu.memory_space<vmem>>, vector<32x128xf32>,
    return
  }
  func.func @transform_0(%arg0: i32) -> (i32, i32) {
    %add3A = arith.constant 1 : i32
    %add3A_0 = arith.addi %arg0, %add3A : i32
    %c0_i32 = arith.constant 0 : i32
    %c0_i32_1 = arith.constant 0 : i32
    return %add3A_0, %c0_i32 : i32, i32
  }
  func.func @transform_1(%arg0: i32) -> (i32, i32) {
    %add3A = arith.constant 1 : i32
    %add3A_0 = arith.addi %arg0, %add3A : i32
    %c0_i32 = arith.constant 0 : i32
    %c0_i32_1 = arith.constant 0 : i32
    return %add3A_0, %c0_i32 : i32, i32
  }
  func.func @transform_2(%arg0: i32) -> (i32, i32) {
    %c0_i32 = arith.constant 0 : i32
    %c0_i32_0 = arith.constant 0 : i32
    return %arg0, %c0_i32 : i32, i32
  }
}

</mosaic_0001>

<sc_bundles>
// kernel: kernel.4.cloned.1.call-start
scs
__scs_entry_jumppad:
0x0: {  	(pc) =	sbr.rel $0x88, $3  }
0x1: {  	(tag) =	ssettag $0x0;
	lr =	simm.s32 $0x1  }
0x2: {  	[smem:$0x3F9F] =	sst lr;
	_ =	strace $0xD0000000  }
0x3: {  	_ = 	snop  }
0x4: {  	_ = 	snop  }
0x5: {  	_ = 	snop  }
0x6: {  	_ = 	snop  }
0x7: {  	_ = 	snop  }
__scs_overlays_trampoline_lowered:
0x8: {  	[smem:$0x3FAE] =	sst s0  }
0x9: {  	[smem:$0x3FAF] =	sst s1  }
0xa: {  	[smem:$0x3FB0] =	sst s2  }
0xb: {  	[smem:$0x3FB1] =	sst s3  }
0xc: {  	[smem:$0x3FB2] =	sst s4  }
0xd: {  	[smem:$0x3FB3] =	sst s5  }
0xe: {  	[smem:$0x3FB4] =	sst s6  }
0xf: {  	[smem:$0x3FB5] =	sst s7  }
0x10: {  	[smem:$0x3FB6] =	sst s8  }
0x11: {  	[smem:$0x3FB7] =	sst s9;
	s0 =	simm.s32 @!p0 $0x0  }
0x12: {  	s1 =	sld [smem:$0x3F9D];
	s0 =	simm.s32 @p0 $0x1  }
0x13: {  	[smem:$0x3FB8] =	sst s0;
	s0 =	simm.s32 @!p1 $0x0  }
0x14: {  	s2 =	sld [smem:$0x3F9C];
	s0 =	simm.s32 @p1 $0x1  }
0x15: {  	[smem:$0x3FB9] =	sst s0;
	s0 =	simm.s32 @!p2 $0x0  }
0x16: {  	s3 =	sld [smem:$0x3FDB];
	s0 =	simm.s32 @p2 $0x1  }
0x17: {  	s4 =	simm.s32 $0x1BF5;
	[smem:$0x3FBB] =	sst s0  }
0x18: {  	s0 =	sld [smem:$0x3F9E];
	_ =	swait.ge [sflag:s4], $0x0  }
0x19: {  	s7 =	sld [smem:$0x3F9F]  }
0x1a: {  	s8 =	sadd.s32 $0xFFFFE003, lr  }
0x1b: {  	s9 =	sadd.s32 $0xFFFFFEF7, lr;
	s5 =	simm.s32 $0xFFFFFFFF;
	p2 =	slt.u32 s8, $0xFFFFF086  }
0x1c: {  	p1 =	slt.u32 s9, $0xF7A;
	s5 =	simm.s32 @!p2 $0x0  }
0x1d: {  	s5 =	simm.s32 @p1 $0x1;
	p0 =	seq.s32 s7, s2  }
0x1e: {  	s7 =	smul.u32 @!p0 $0xF7A, s2;
	p2 =	seq.s32 @!p0 s5, $0x0  }
0x1f: {  	s9 =	smul.u32 $0xF7A, s1;
	s8 =	simm.s32 @!p0 $0x1BF5;
	p2 =	por !p2, p0  }
0x20: {  	[sflag:s8] =	ssyncset.s32 @!p0 $0xFFFFF086;
	s6 =	sadd.s32 @!p0 s3, s7;
	s7 =	simm.s32 @!p0 $0x108  }
0x21: {  	s3 =	sadd.s32 s3, s9;
	s6 =	sadd.s32 @!p0 $0x88, s6;
	s7 =	simm.s32 @p2 $0x1082  }
0x22: {  	[simem:s7], [sflag:s8] =	dma.local @!p0 [hbm:s6], $0xF7A  }
0x23: {  	s9 =	sor.u32 $0xD0000000, s2;
	s6 =	simm.s32 $0x108;
	_ =	swait.ge @!p0 [sflag:s8], $0x0  }
0x24: {  	s3 =	sadd.s32 $0x88, s3;
	s6 =	simm.s32 @!p1 $0x1082;
	[sflag:s4] =	ssyncset.s32 $0xFFFFF086  }
0x25: {  	[simem:s6], [sflag:s4] =	dma.local [hbm:s3], $0xF7A  }
0x26: {  	[smem:$0x3F9F] =	sst s1;
	(tag) =	ssettag s2;
	_ =	strace s9  }
0x27: {  	s1 =	sld [smem:$0x3FAF]  }
0x28: {  	s2 =	sld [smem:$0x3FB0]  }
0x29: {  	s4 =	sld [smem:$0x3FB2]  }
0x2a: {  	p0 =	seq.s32 s5, $0x0;
	s5 =	sld [smem:$0x3FB3]  }
0x2b: {  	s6 =	sld [smem:$0x3FB4]  }
0x2c: {  	s7 =	sld [smem:$0x3FB5]  }
0x2d: {  	s3 =	simm.s32 $0x108;
	s8 =	sld [smem:$0x3FB6]  }
0x2e: {  	s3 =	simm.s32 @!p0 $0x1082;
	s9 =	sld [smem:$0x3FB7]  }
0x2f: {  	lr =	sadd.s32 s0, s3;
	s0 =	sld [smem:$0x3FAE]  }
0x30: {  	s3 =	sld [smem:$0x3FB1]  }
0x31: {  	[smem:$0x3FBA] =	sst s10  }
0x32: {  	s10 =	sld [smem:$0x3FB8];
	_ =	sdelay $0x3  }
0x33: {  	p0 =	seq.s32 s10, $0x1;
	s10 =	sld [smem:$0x3FBA];
	_ =	sdelay $0x3  }
0x34: {  	[smem:$0x3FBA] =	sst s10  }
0x35: {  	s10 =	sld [smem:$0x3FB9];
	_ =	sdelay $0x3  }
0x36: {  	p1 =	seq.s32 s10, $0x1;
	s10 =	sld [smem:$0x3FBA];
	_ =	sdelay $0x3  }
0x37: {  	[smem:$0x3FBA] =	sst s10  }
0x38: {  	s10 =	sld [smem:$0x3FBB]  }
0x39: {  	_ = 	snop;
	(pc) =	sbr.ind lr, $3  }
0x3a: {  	_ = 	snop  }
0x3b: {  	_ = 	snop  }
0x3c: {  	p2 =	seq.s32 s10, $0x1;
	s10 =	sld [smem:$0x3FBA]  }
0x3d: {  	_ =	shalt  }
0x3e: {  	_ =	shalt  }
0x3f: {  	_ =	shalt  }
0x40: {  	_ =	shalt  }
0x41: {  	_ =	shalt  }
0x42: {  	_ =	shalt  }
0x43: {  	_ =	shalt  }
0x44: {  	_ =	shalt  }
0x45: {  	_ =	shalt  }
0x46: {  	_ =	shalt  }
0x47: {  	_ =	shalt  }
0x48: {  	_ =	shalt  }
0x49: {  	_ =	shalt  }
0x4a: {  	_ =	shalt  }
0x4b: {  	_ =	shalt  }
0x4c: {  	_ =	shalt  }
0x4d: {  	_ =	shalt  }
0x4e: {  	_ =	shalt  }
0x4f: {  	_ =	shalt  }
0x50: {  	_ =	shalt  }
0x51: {  	_ =	shalt  }
0x52: {  	_ =	shalt  }
0x53: {  	_ =	shalt  }
0x54: {  	_ =	shalt  }
0x55: {  	_ =	shalt  }
0x56: {  	_ =	shalt  }
0x57: {  	_ =	shalt  }
0x58: {  	_ =	shalt  }
0x59: {  	_ =	shalt  }
0x5a: {  	_ =	shalt  }
0x5b: {  	_ =	shalt  }
0x5c: {  	_ =	shalt  }
0x5d: {  	_ =	shalt  }
0x5e: {  	_ =	shalt  }
0x5f: {  	_ =	shalt  }
0x60: {  	_ =	shalt  }
0x61: {  	_ =	shalt  }
0x62: {  	_ =	shalt  }
0x63: {  	_ =	shalt  }
0x64: {  	_ =	shalt  }
0x65: {  	_ =	shalt  }
0x66: {  	_ =	shalt  }
0x67: {  	_ =	shalt  }
0x68: {  	_ =	shalt  }
0x69: {  	_ =	shalt  }
0x6a: {  	_ =	shalt  }
0x6b: {  	_ =	shalt  }
0x6c: {  	_ =	shalt  }
0x6d: {  	_ =	shalt  }
0x6e: {  	_ =	shalt  }
0x6f: {  	_ =	shalt  }
0x70: {  	_ =	shalt  }
0x71: {  	_ =	shalt  }
0x72: {  	_ =	shalt  }
0x73: {  	_ =	shalt  }
0x74: {  	_ =	shalt  }
0x75: {  	_ =	shalt  }
0x76: {  	_ =	shalt  }
0x77: {  	_ =	shalt  }
0x78: {  	_ =	shalt  }
0x79: {  	_ =	shalt  }
0x7a: {  	_ =	shalt  }
0x7b: {  	_ =	shalt  }
0x7c: {  	_ =	shalt  }
0x7d: {  	_ =	shalt  }
0x7e: {  	_ =	shalt  }
0x7f: {  	_ =	shalt  }
0x80: {  	_ =	shalt  }
0x81: {  	_ =	shalt  }
0x82: {  	_ =	shalt  }
0x83: {  	_ =	shalt  }
0x84: {  	_ =	shalt  }
0x85: {  	_ =	shalt  }
0x86: {  	_ =	shalt  }
0x87: {  	_ =	shalt  }
.Lfunc_end0:
.L_simem_size_0:
called_computation_lowered:
.L_overlay_start_0:
0x88: {  	s2 =	sld [smem:$0x3FD9]  }
0x89: {  	s3 =	sld [smem:$0x3FFE];
	_ =	sdelay $0x1  }
0x8a: {  	s1 =	srdreg.scid  }
0x8b: {  	s0 =	sand.u32 $0x1, s1  }
0x8c: {  	s17 =	sshll.u32 s0, $0xA;
	s2 =	sadd.s32 s3, s2  }
0x8d: {  	s2 =	sadd.s32 s2, s17  }
0x8e: {  	[smem:$0x3FC6] =	sst s2  }
0x8f: {  	_ = 	snop  }
0x90: {  	s2 =	sld [smem:$0x3FC9]  }
0x91: {  	s18 =	sld [smem:$0x3FC8];
	(tm) =	ssettm $0x1  }
0x92: {  	s4 =	sld [smem:$0x3FFB];
	_ =	sdelay $0x3  }
0x93: {  	_ =	strace s4  }
0x94: {  	s4 =	sld [smem:$0x3FFC];
	_ =	sdelay $0x3  }
0x95: {  	_ =	strace s4  }
0x96: {  	s4 =	sld [smem:$0x3FFD];
	_ =	sdelay $0x3  }
0x97: {  	_ =	strace s4  }
0x98: {  	_ =	strace $0x8FFFFFFF  }
0x99: {  	s19 =	sld [smem:$0x3FDB];
	_ =	sdelay $0x1  }
0x9a: {  	s5 =	simm.s32 $_scs_section_size  }
0x9b: {  	s6 =	simm.s32 $_size__tile_overlayer_lowered;
	s7 =	simm.s32 $_tile_overlayer_lowered  }
0x9c: {  	s22 =	simm.s32 $0x1BFF;
	s21 =	sshll.u32 s7, $0x1;
	s4 =	sadd.s32 s5, s19  }
0x9d: {  	s8 =	simm.s32 $0x0;
	s20 =	sshll.u32 s6, $0x1;
	s6 =	sadd.s32 s21, s4  }
0x9e: {  	[timem:s8], [sflag:s22] =	dma.local [hbm:s6], s20  }
0x9f: {  	_ =	swait.ge [sflag:s22], s20  }
0xa0: {  	s5 =	ssub.s32 $0x0, s20;
	[sflag:s22] =	ssyncset.done $0x0  }
0xa1: {  	[sflag:s22] =	ssyncadd.s32 s5;
	_ =	sdelay $0x1  }
0xa2: {  	s23 =	simm.s32 $0x1B8B  }
0xa3: {  	_ =	swait.ge [sflag:s23], $0x1  }
0xa4: {  	[sflag:s23] =	ssyncset.done $0x0  }
0xa5: {  	s25 =	simm.s32 $0x1B8E;
	s24 =	sld [smem:$0x3FFE];
	[sflag:s23] =	ssyncadd.s32 $0xFFFFFFFF  }
0xa6: {  	s26 =	simm.s32 $execute0_lowered;
	[smem:$0x3FD2] =	sst s25  }
0xa7: {  	s6 =	sshll.u32 s26, $0x1;
	_ =	strace $0x80000046;
	[dreg:$0x1] =	wrdreg $0xFFFFFFFF  }
0xa8: {  	s28 =	simm.s32 $_size_execute0_lowered;
	s4 =	sadd.s32 s4, s6;
	[dreg:$0x0] =	wrdreg $0x0  }
0xa9: {  	s6 =	sshll.u32 s28, $0x1;
	[dreg:$0x2] =	wrdreg s4  }
0xaa: {  	[dreg:$0x3] =	wrdreg s6  }
0xab: {  	[dreg:$0x4] =	wrdreg $0xC0  }
0xac: {  	_ =	task [dreg:s8], $0x5FFFF  }
0xad: {  	[dreg:$0x1] =	wrdreg $0xFFFFFFFF  }
0xae: {  	[dreg:$0x0] =	wrdreg $0x60  }
0xaf: {  	[dreg:$0x2] =	wrdreg s2  }
0xb0: {  	[dreg:$0x3] =	wrdreg s18  }
0xb1: {  	[dreg:$0x4] =	wrdreg s24  }
0xb2: {  	[dreg:$0x5] =	wrdreg $0x9  }
0xb3: {  	_ =	task.clear_ibuf [dreg:s8], $0x6FFFF;
	_ =	strace $0x90000046  }
0xb4: {  	s29 =	simm.s32 $0x9;
	_ =	strace $0x80000048  }
0xb5: {  	_ =	swait.ge [sflag:s29], $0x1  }
0xb6: {  	[sflag:s29] =	ssyncadd.s32 $0xFFFFFFFF  }
0xb7: {  	_ =	strace $0x90000048  }
0xb8: {  	_ =	sfence  }
0xb9: {  	s30 =	sld [smem:$0x0];
	_ =	sdelay $0x2  }
0xba: {  	s31 =	sshll.u32 s1, $0xD;
	s1 =	sshrl.u32 s1, $0x2  }
0xbb: {  	s3 =	sand.u32 $0x4000, s31;
	s1 =	sadd.s32 s1, s30  }
0xbc: {  	s0 =	sor.u32 s3, s0;
	s1 =	sshll.u32 s1, $0x11  }
0xbd: {  	s0 =	sor.u32 s1, s0  }
0xbe: {  	s0 =	sadd.s32 $0x8F2B, s0  }
0xbf: {  	[sflag:s0] =	ssyncadd.remote.s32 $0x1  }
0xc0: {  	_ =	sfence.sel $0xFFFF  }
0xc1: {  	[dreg:$0x0] =	wrdreg $0xFFFFFFFF;
	(pc) =	sbr.abs _section_cstart, $3  }
0xc2: {  	[dreg:$0x1] =	wrdreg $0xFFFFFFFF  }
0xc3: {  	_ =	task.clear_ibuf [dreg:s8], $0x2FFFF;
	_ =	strace $0x9FFFFFFF  }
0xc4: {  	(tm) =	ssettm $0x7FFFFFFF  }
0xc5: {  	_ =	shalt  }
tec
execute0_lowered:
.L_overlay_start_1:
0x0: {  	(tag) =	ssettag $0x1  }
0x1: {  	v0 =	vimm.s32 $0xFEDCBA98;
	v1 =	vimm.s32 $0x76543210  }
0x2: {  	v2 =	vimm.s32 $0xBA98FEDC;
	v3 =	vimm.s32 $0x32107654;
	v4 =	vimm.s32 $0xDCFE98BA  }
0x3: {  	v5 =	vimm.s32 $0x54761032;
	v6 =	vimm.s32 $0xEFCDAB89;
	v7 =	vimm.s32 $0x67452301  }
0x4: {  	vm0 =	vmmov $0x1;
	vm1 =	vmmov $0x3;
	vm2 =	vmmov $0x7  }
0x5: {  	s3 =	rddreg [dreg:$0x0];
	vm3 =	vmmov $0xf;
	vm4 =	vmmov $0x1f;
	vm5 =	vmmov $0x3f  }
0x6: {  	s4 =	rddreg [dreg:$0x1];
	vm6 =	vmmov $0x7f;
	vm7 =	vmmov $0xff;
	vm8 =	vmmov $0x1ff  }
0x7: {  	s5 =	rddreg [dreg:$0x2];
	vm9 =	vmmov $0x3ff;
	v0 =	vunpack.c.l.s4.s8 v0;
	v1 =	vunpack.c.l.s4.s8 v1  }
0x8: {  	s0 =	rddreg [dreg:$0x3];
	s6 =	srdreg.scid;
	v2 =	vunpack.c.l.s4.s8 v2;
	v3 =	vunpack.c.l.s4.s8 v3;
	v4 =	vunpack.c.l.s4.s8 v4  }
0x9: {  	s2 =	simm.s32 $0x0;
	s1 =	stileid.u32;
	s10 =	simm.s32 $0x10000;
	v5 =	vunpack.c.l.s4.s8 v5;
	v6 =	vunpack.c.l.s4.s8 v6;
	v7 =	vunpack.c.l.s4.s8 v7  }
0xa: {  	s11 =	simm.s32 $0x3;
	s12 =	simm.s32 $0x0;
	s6 =	sand.u32 $0x1, s6;
	v0 =	vunpack.c.0.s8.s32 v0;
	v2 =	vunpack.c.0.s8.s32 v2;
	v3 =	vunpack.c.0.s8.s32 v3  }
0xb: {  	s7 =	sshll.u32 s1, $0x8;
	s8 =	sshll.u32 s6, $0x7;
	s6 =	ssub.s32 $0x2, s6;
	v4 =	vunpack.c.0.s8.s32 v4;
	v5 =	vunpack.c.0.s8.s32 v5;
	v1 =	vunpack.c.0.s8.s32 v1  }
0xc: {  	[smem:$0x7FF] =	sst s2;
	v6 =	vunpack.c.0.s8.s32 v6;
	v7 =	vunpack.c.0.s8.s32 v7;
	s7 =	sor.u32 s8, s7;
	s9 =	sshrl.u32 s6, $0x1;
	v0 =	vand.u32 $0xF, v0  }
0xd: {  	vm10 =	vmmov $0x7ff;
	s8 =	sshrl.u32 s7, $0x3;
	s7 =	sshll.u32 s7, $0x4;
	s6 =	ssub.s32 s6, s9;
	v2 =	vcombine.low v3, v2;
	v0 =	vcombine.low v0, v1  }
0xe: {  	vm11 =	vmmov $0xfff;
	s9 =	simm.s32 $0x2;
	v3 =	vcombine.low v5, v4;
	v4 =	vcombine.low v7, v6;
	s5 =	sadd.s32 s8, s5;
	s3 =	sadd.s32 s3, s7  }
0xf: {  	vm12 =	vmmov $0x1fff;
	vm13 =	vmmov $0x3fff;
	vm14 =	vmmov $0x7fff;
	s4 =	sadd.s32 s4, s7;
	s6 =	smax.u32 s6, $0x1;
	s7 =	simm.s32 $0x8000;
	[tilespmem:$0x1FFF0] =	vst v0  }
0x10: {  	s8 =	simm.s32 $0x1;
	s5 =	sadd.s32 $0x800, s5;
	v1 =	vand.u32 $0xF, v2;
	v2 =	vand.u32 $0xF, v3;
	v3 =	vand.u32 $0xF, v4;
	_ =	strace $0x80000047  }
.LBB2_1:
0x11: {  	[tilespmem:s2], [sflag:$0x1] =	stream.linear.gather [hbm4b:s3+s2], $0x4000, $0x38;
	[tilespmem:$0x10080] =	vst v63  }
0x12: {  	_ = 	snop  }
0x13: {  	[tilespmem:s7], [sflag:$0x2] =	stream.linear.gather [hbm4b:s4+s2], $0x4000, $0x38;
	[tilespmem:$0x10080] =	vst v63  }
0x14: {  	_ =	swait.ge [sflag:s8], $0x4000  }
0x15: {  	[sflag:s8] =	ssyncset.done $0x0  }
0x16: {  	[sflag:s8] =	ssyncadd.s32 $0xFFFFC000  }
0x17: {  	_ =	swait.ge [sflag:s9], $0x4000  }
0x18: {  	[sflag:s9] =	ssyncset.done $0x0  }
0x19: {  	s13 =	simm.s32 $0x0;
	[sflag:s9] =	ssyncadd.s32 $0xFFFFC000  }
0x1a: {  	v0 =	vld [tilespmem:s13+$0x730];
	_ =	sdelay $0x4  }
0x1b: {  	[tilespmem:$0x1F800] =	vst v0;
	v0 =	vld [tilespmem:s13+$0x770];
	_ =	sdelay $0x4  }
0x1c: {  	[tilespmem:$0x1F810] =	vst v0;
	v0 =	vld [tilespmem:s13+$0x6B0];
	_ =	sdelay $0x4  }
0x1d: {  	[tilespmem:$0x1F820] =	vst v0;
	v0 =	vld [tilespmem:s13+$0x86B0];
	_ =	sdelay $0x4  }
0x1e: {  	[tilespmem:$0x1F830] =	vst v0;
	v0 =	vld [tilespmem:s13+$0x6F0];
	_ =	sdelay $0x4  }
0x1f: {  	[tilespmem:$0x1F840] =	vst v0;
	v0 =	vld [tilespmem:s13+$0x86F0]  }
0x20: {  	v47 =	vld [tilespmem:s13+$0x7B0]  }
0x21: {  	v45 =	vld [tilespmem:s13+$0x87B0]  }
0x22: {  	v52 =	vld [tilespmem:s13+$0x7F0]  }
0x23: {  	v49 =	vld [tilespmem:s13+$0x87F0]  }
0x24: {  	[tilespmem:$0x1F850] =	vst v0;
	v0 =	vld [tilespmem:s13+$0x630]  }
0x25: {  	v62 =	vld [tilespmem:s13+$0x8730]  }
0x26: {  	v55 =	vld [tilespmem:s13+$0x8770]  }
0x27: {  	v60 =	vld [tilespmem:s13+$0x7A0]  }
0x28: {  	v56 =	vld [tilespmem:s13+$0x84B0]  }
0x29: {  	[tilespmem:$0x1F860] =	vst v0;
	v0 =	vld [tilespmem:s13+$0x8630]  }
0x2a: {  	v32 =	vld [tilespmem:s13+$0x87A0]  }
0x2b: {  	v58 =	vld [tilespmem:s13+$0x7E0]  }
0x2c: {  	v59 =	vld [tilespmem:s13+$0x87E0]  }
0x2d: {  	[tilespmem:$0x1FA60] =	vst v56;
	v56 =	vld [tilespmem:s13+$0x8560]  }
0x2e: {  	[tilespmem:$0x1F870] =	vst v0;
	v0 =	vld [tilespmem:s13+$0x670]  }
0x2f: {  	v50 =	vld [tilespmem:s13+$0x720]  }
0x30: {  	v46 =	vld [tilespmem:s13+$0x8720]  }
0x31: {  	v63 =	vld [tilespmem:s13+$0x760]  }
0x32: {  	[tilespmem:$0x1FA40] =	vst v56;
	v56 =	vld [tilespmem:s13+$0x430]  }
0x33: {  	[tilespmem:$0x1F8A0] =	vst v0;
	v0 =	vld [tilespmem:s13+$0x8670]  }
0x34: {  	v48 =	vld [tilespmem:s13+$0x8760]  }
0x35: {  	v11 =	vld [tilespmem:s13+$0x780]  }
0x36: {  	v10 =	vld [tilespmem:s13+$0x8780]  }
0x37: {  	[tilespmem:$0x1FB70] =	vst v56;
	v56 =	vld [tilespmem:s13+$0x8430]  }
0x38: {  	[tilespmem:$0x1F8B0] =	vst v0;
	v0 =	vld [tilespmem:s13+$0x5B0]  }
0x39: {  	v8 =	vld [tilespmem:s13+$0x790]  }
0x3a: {  	v7 =	vld [tilespmem:s13+$0x8790]  }
0x3b: {  	v9 =	vld [tilespmem:s13+$0x7C0]  }
0x3c: {  	[tilespmem:$0x1FB80] =	vst v56;
	v56 =	vld [tilespmem:s13+$0x470]  }
0x3d: {  	[tilespmem:$0x1F900] =	vst v0;
	v0 =	vld [tilespmem:s13+$0x85B0]  }
0x3e: {  	v5 =	vld [tilespmem:s13+$0x87C0]  }
0x3f: {  	v6 =	vld [tilespmem:s13+$0x7D0]  }
0x40: {  	v4 =	vld [tilespmem:s13+$0x87D0]  }
0x41: {  	[tilespmem:$0x1FB90] =	vst v56;
	v56 =	vld [tilespmem:s13+$0x8470]  }
0x42: {  	[tilespmem:$0x1F910] =	vst v0;
	v0 =	vld [tilespmem:s13+$0x5F0]  }
0x43: {  	v54 =	vld [tilespmem:s13+$0x6A0]  }
0x44: {  	v53 =	vld [tilespmem:s13+$0x86A0]  }
0x45: {  	v51 =	vld [tilespmem:s13+$0x6E0]  }
0x46: {  	[tilespmem:$0x1FBA0] =	vst v56;
	v56 =	vld [tilespmem:s13+$0x4A0]  }
0x47: {  	[tilespmem:$0x1F920] =	vst v0;
	v0 =	vld [tilespmem:s13+$0x85F0]  }
0x48: {  	v57 =	vld [tilespmem:s13+$0x86E0]  }
0x49: {  	v24 =	vld [tilespmem:s13+$0x700]  }
0x4a: {  	v18 =	vld [tilespmem:s13+$0x8700]  }
0x4b: {  	[tilespmem:$0x1FB20] =	vst v56;
	v56 =	vld [tilespmem:s13+$0x84A0]  }
0x4c: {  	[tilespmem:$0x1F930] =	vst v0;
	v0 =	vld [tilespmem:s13+$0x660]  }
0x4d: {  	v19 =	vld [tilespmem:s13+$0x710]  }
0x4e: {  	v13 =	vld [tilespmem:s13+$0x8710]  }
0x4f: {  	v20 =	vld [tilespmem:s13+$0x740]  }
0x50: {  	[tilespmem:$0x1FB30] =	vst v56;
	v56 =	vld [tilespmem:s13+$0x4E0]  }
0x51: {  	[tilespmem:$0x1F880] =	vst v0;
	v0 =	vld [tilespmem:s13+$0x8660]  }
0x52: {  	v14 =	vld [tilespmem:s13+$0x8740]  }
0x53: {  	v15 =	vld [tilespmem:s13+$0x750]  }
0x54: {  	v12 =	vld [tilespmem:s13+$0x8750]  }
0x55: {  	[tilespmem:$0x1FB40] =	vst v56;
	v56 =	vld [tilespmem:s13+$0x84E0]  }
0x56: {  	[tilespmem:$0x1F890] =	vst v0;
	v0 =	vld [tilespmem:s13+$0x530]  }
0x57: {  	v61 =	vld [tilespmem:s13+$0x620]  }
0x58: {  	v25 =	vld [tilespmem:s13+$0x680]  }
0x59: {  	v7 =	vmul.f32 v7, v8;
	v8 =	vld [tilespmem:s13+$0x2E0]  }
0x5a: {  	[tilespmem:$0x1FB50] =	vst v56;
	v56 =	vld [tilespmem:s13+$0x500]  }
0x5b: {  	[tilespmem:$0x1F940] =	vst v0;
	v0 =	vld [tilespmem:s13+$0x8530]  }
0x5c: {  	v21 =	vld [tilespmem:s13+$0x8680]  }
0x5d: {  	v4 =	vmul.f32 v4, v6;
	v6 =	vld [tilespmem:s13+$0x82E0]  }
0x5e: {  	[tilespmem:$0x1FED0] =	vst v8;
	v8 =	vld [tilespmem:s13+$0x300]  }
0x5f: {  	[tilespmem:$0x1F980] =	vst v56;
	v56 =	vld [tilespmem:s13+$0x8500]  }
0x60: {  	v5 =	vmul.f32 v5, v9;
	[tilespmem:$0x1F950] =	vst v0;
	v0 =	vld [tilespmem:s13+$0x570]  }
0x61: {  	v26 =	vld [tilespmem:s13+$0x690];
	v10 =	vmul.f32 v10, v11  }
0x62: {  	v22 =	vld [tilespmem:s13+$0x8690];
	v4 =	vadd.f32 v4, v5;
	v5 =	vmul.f32 v59, v58;
	[tilespmem:$0x1FEE0] =	vst v6  }
0x63: {  	v27 =	vld [tilespmem:s13+$0x6C0];
	v7 =	vadd.f32 v7, v10;
	v6 =	vmul.f32 v32, v60;
	[tilespmem:$0x1FD80] =	vst v8  }
0x64: {  	v4 =	vadd.f32 v5, v4;
	v5 =	vmul.f32 v49, v52;
	[tilespmem:$0x1F990] =	vst v56;
	v56 =	vld [tilespmem:s13+$0x510]  }
0x65: {  	v6 =	vadd.f32 v6, v7;
	v8 =	vmul.f32 v45, v47;
	[tilespmem:$0x1F960] =	vst v0;
	v0 =	vld [tilespmem:s13+$0x8570]  }
0x66: {  	v16 =	vld [tilespmem:s13+$0x86C0];
	v4 =	vadd.f32 v5, v4  }
0x67: {  	v23 =	vld [tilespmem:s13+$0x6D0];
	v5 =	vmul.f32 v18, v24;
	v7 =	vadd.f32 v8, v6;
	v8 =	vmul.f32 v13, v19  }
0x68: {  	v17 =	vld [tilespmem:s13+$0x86D0]  }
0x69: {  	v4 =	vadd.f32 v4, v7;
	v5 =	vadd.f32 v8, v5;
	v7 =	vmul.f32 v46, v50;
	[tilespmem:$0x1F9A0] =	vst v56;
	v56 =	vld [tilespmem:s13+$0x8510]  }
0x6a: {  	[tilespmem:$0x1F970] =	vst v0;
	v0 =	vld [tilespmem:s13+$0x5A0]  }
0x6b: {  	v11 =	vmul.f32 v12, v15;
	v10 =	vmul.f32 v14, v20;
	v5 =	vadd.f32 v7, v5;
	v7 =	vld [tilespmem:$0x1F810]  }
0x6c: {  	v34 =	vld [tilespmem:s13+$0x640]  }
0x6d: {  	v8 =	vadd.f32 v11, v10;
	v11 =	vld [tilespmem:$0x1F800]  }
0x6e: {  	v10 =	vmul.f32 v48, v63;
	[tilespmem:$0x1F9B0] =	vst v56;
	v56 =	vld [tilespmem:s13+$0x540]  }
0x6f: {  	[tilespmem:$0x1F8C0] =	vst v0;
	v0 =	vld [tilespmem:s13+$0x85A0]  }
0x70: {  	v14 =	vld [tilespmem:s13+$0x1F0];
	v8 =	vadd.f32 v10, v8;
	v7 =	vmul.f32 v55, v7  }
0x71: {  	v55 =	vld [tilespmem:$0x1FFF0]  }
0x72: {  	v11 =	vmul.f32 v62, v11;
	v7 =	vadd.f32 v7, v8;
	v8 =	vld [tilespmem:s13+$0x220]  }
0x73: {  	[tilespmem:$0x1F9C0] =	vst v56;
	v56 =	vld [tilespmem:s13+$0x8540]  }
0x74: {  	v5 =	vadd.f32 v11, v5;
	[tilespmem:$0x1F8D0] =	vst v0;
	v0 =	vld [tilespmem:s13+$0x5E0]  }
0x75: {  	v12 =	vld [tilespmem:s13+$0x1B0]  }
0x76: {  	[tilespmem:$0x1FF10] =	vst v14;
	v5 =	vadd.f32 v7, v5;
	v7 =	vld [tilespmem:s13+$0x260]  }
0x77: {  	v14 =	vmul.f32 v17, v23;
	v13 =	vld [tilespmem:s13+$0x81B0];
	v10 =	vmul.f32 v16, v27;
	[tilespmem:$0x1FF30] =	vst v8  }
0x78: {  	v11 =	vperm.xlane v4, v55;
	[tilespmem:$0x1F9D0] =	vst v56;
	v56 =	vld [tilespmem:s13+$0x550]  }
0x79: {  	v8 =	vadd.f32 v14, v10;
	v10 =	vmul.f32 v57, v51;
	[tilespmem:$0x1F8E0] =	vst v0;
	v0 =	vld [tilespmem:s13+$0x85E0]  }
0x7a: {  	[tilespmem:$0x1FEF0] =	vst v12;
	v4 =	vadd.f32 v4, v11;
	v11 =	vld [tilespmem:s13+$0x8220]  }
0x7b: {  	[tilespmem:$0x1FF50] =	vst v7;
	v7 =	vadd.f32 v10, v8;
	v8 =	vld [tilespmem:$0x1F840]  }
0x7c: {  	[tilespmem:$0x1FF00] =	vst v13;
	v10 =	vld [tilespmem:$0x1F850]  }
0x7d: {  	v12 =	vmul.f32 v21, v25;
	v13 =	vmul.f32 v22, v26;
	[tilespmem:$0x1F9E0] =	vst v56;
	v56 =	vld [tilespmem:s13+$0x8550]  }
0x7e: {  	[tilespmem:$0x1F8F0] =	vst v0;
	v0 =	vld [tilespmem:s13+$0x8640]  }
0x7f: {  	v30 =	vld [tilespmem:s13+$0x8620];
	v12 =	vadd.f32 v13, v12;
	v13 =	vmul.f32 v53, v54  }
0x80: {  	v31 =	vld [tilespmem:s13+$0x600]  }
0x81: {  	[tilespmem:$0x1FF40] =	vst v11;
	v11 =	vadd.f32 v13, v12;
	v12 =	vld [tilespmem:$0x1F820];
	v8 =	vmul.f32 v10, v8  }
0x82: {  	[tilespmem:$0x1F9F0] =	vst v56;
	v56 =	vld [tilespmem:s13+$0x3B0]  }
0x83: {  	v7 =	vadd.f32 v8, v7;
	v8 =	vmul.f32 v0, v34;
	v0 =	vld [tilespmem:s13+$0x8280]  }
0x84: {  	v13 =	vld [tilespmem:$0x1F830]  }
0x85: {  	v15 =	vld [tilespmem:s13+$0x81F0]  }
0x86: {  	v10 =	vld [tilespmem:$0x1F860]  }
0x87: {  	[tilespmem:$0x1FBC0] =	vst v56;
	v56 =	vld [tilespmem:s13+$0x83B0]  }
0x88: {  	[tilespmem:$0x1FE80] =	vst v0;
	v0 =	vld [tilespmem:s13+$0x290]  }
0x89: {  	v12 =	vmul.f32 v13, v12;
	v13 =	vld [tilespmem:$0x1F870]  }
0x8a: {  	v28 =	vld [tilespmem:s13+$0x8600]  }
0x8b: {  	v36 =	vld [tilespmem:s13+$0x650]  }
0x8c: {  	[tilespmem:$0x1FBD0] =	vst v56;
	v56 =	vld [tilespmem:s13+$0x3F0]  }
0x8d: {  	[tilespmem:$0x1FE90] =	vst v0;
	v0 =	vld [tilespmem:s13+$0x8290]  }
0x8e: {  	[tilespmem:$0x1FF20] =	vst v15;
	v15 =	vperm.xlane v5, v55;
	v11 =	vadd.f32 v12, v11;
	v10 =	vmul.f32 v13, v10;
	v13 =	vld [tilespmem:s13+$0x8260]  }
0x8f: {  	v35 =	vld [tilespmem:s13+$0x8650]  }
0x90: {  	v7 =	vadd.f32 v7, v11;
	v11 =	vadd.f32 v5, v15;
	v5 =	vld [tilespmem:$0x1F890]  }
0x91: {  	[tilespmem:$0x1FBE0] =	vst v56;
	v56 =	vld [tilespmem:s13+$0x83F0]  }
0x92: {  	[tilespmem:$0x1FEA0] =	vst v0;
	v0 =	vld [tilespmem:$0x1F880]  }
0x93: {  	v33 =	vld [tilespmem:s13+$0x610];
	[tilespmem:$0x1FF60] =	vst v13;
	v13 =	vperm.xlane v4, v1  }
0x94: {  	v29 =	vld [tilespmem:s13+$0x8610]  }
0x95: {  	v40 =	vld [tilespmem:s13+$0x4F0];
	v13 =	vadd.f32 v4, v13;
	v4 =	vmul.f32 v35, v36  }
0x96: {  	[tilespmem:$0x1FBF0] =	vst v56;
	v56 =	vld [tilespmem:s13+$0x420]  }
0x97: {  	v4 =	vadd.f32 v4, v8;
	v8 =	vmul.f32 v5, v0;
	v0 =	vld [tilespmem:$0x1F8A0]  }
0x98: {  	v5 =	vld [tilespmem:$0x1F8B0]  }
0x99: {  	v41 =	vld [tilespmem:s13+$0x84F0]  }
0x9a: {  	v44 =	vld [tilespmem:s13+$0x560]  }
0x9b: {  	[tilespmem:$0x1FC00] =	vst v56;
	v56 =	vld [tilespmem:s13+$0x8420]  }
0x9c: {  	v8 =	vadd.f32 v8, v4;
	v4 =	vld [tilespmem:$0x1F8D0]  }
0x9d: {  	v17 =	vmul.f32 v5, v0;
	v0 =	vld [tilespmem:$0x1F8C0]  }
0x9e: {  	v38 =	vld [tilespmem:s13+$0x8590]  }
0x9f: {  	[tilespmem:$0x1FA30] =	vst v44;
	v44 =	vld [tilespmem:s13+$0x580]  }
0xa0: {  	[tilespmem:$0x1FC10] =	vst v56;
	v56 =	vld [tilespmem:s13+$0x460]  }
0xa1: {  	v14 =	vld [tilespmem:s13+$0x280]  }
0xa2: {  	v24 =	vmul.f32 v4, v0;
	v0 =	vld [tilespmem:s13+$0x130]  }
0xa3: {  	[tilespmem:$0x1FA80] =	vst v40;
	v40 =	vld [tilespmem:s13+$0x8580]  }
0xa4: {  	[tilespmem:$0x1FA90] =	vst v41;
	v41 =	vld [tilespmem:s13+$0x590]  }
0xa5: {  	[tilespmem:$0x1FCA0] =	vst v56;
	v56 =	vld [tilespmem:s13+$0x8460]  }
0xa6: {  	[tilespmem:$0x1FE70] =	vst v14;
	v14 =	vmul.f32 v29, v33;
	v12 =	vmul.f32 v28, v31;
	v4 =	vld [tilespmem:$0x1F8F0]  }
0xa7: {  	[tilespmem:$0x1FF70] =	vst v0;
	v0 =	vld [tilespmem:$0x1F8E0]  }
0xa8: {  	v37 =	vld [tilespmem:s13+$0x4B0];
	v12 =	vadd.f32 v14, v12;
	v14 =	vmul.f32 v30, v61  }
0xa9: {  	v43 =	vld [tilespmem:s13+$0x8520]  }
0xaa: {  	v20 =	vmul.f32 v40, v44;
	v21 =	vmul.f32 v38, v41;
	v12 =	vadd.f32 v14, v12;
	[tilespmem:$0x1FCB0] =	vst v56;
	v56 =	vld [tilespmem:s13+$0x480]  }
0xab: {  	v42 =	vld [tilespmem:s13+$0x520]  }
0xac: {  	v10 =	vadd.f32 v10, v12;
	v12 =	vadd.f32 v21, v20;
	v20 =	vmul.f32 v4, v0;
	v0 =	vld [tilespmem:s13+$0x8130]  }
0xad: {  	v39 =	vld [tilespmem:s13+$0x5D0]  }
0xae: {  	[tilespmem:$0x1FA20] =	vst v43;
	v43 =	vld [tilespmem:s13+$0x5C0]  }
0xaf: {  	[tilespmem:$0x1FAA0] =	vst v56;
	v56 =	vld [tilespmem:s13+$0x8480]  }
0xb0: {  	v4 =	vld [tilespmem:$0x1F910]  }
0xb1: {  	[tilespmem:$0x1FF80] =	vst v0;
	v0 =	vld [tilespmem:$0x1F900]  }
0xb2: {  	[tilespmem:$0x1FA10] =	vst v42;
	v42 =	vld [tilespmem:s13+$0x85C0]  }
0xb3: {  	[tilespmem:$0x1FA50] =	vst v37;
	v37 =	vld [tilespmem:s13+$0x85D0];
	_ =	sdelay $0x1  }
0xb4: {  	[tilespmem:$0x1FAB0] =	vst v56;
	v56 =	vld [tilespmem:s13+$0x490]  }
0xb5: {  	v21 =	vmul.f32 v4, v0;
	v0 =	vld [tilespmem:$0x1F920]  }
0xb6: {  	v4 =	vld [tilespmem:$0x1F930]  }
0xb7: {  	v23 =	vmul.f32 v37, v39;
	v22 =	vmul.f32 v42, v43;
	_ =	sdelay $0x1  }
0xb8: {  	[tilespmem:$0x1FAC0] =	vst v56;
	v56 =	vld [tilespmem:s13+$0x8490];
	v8 =	vadd.f32 v17, v8;
	v17 =	vadd.f32 v23, v22;
	_ =	sdelay $0x1  }
0xb9: {  	v17 =	vadd.f32 v20, v17;
	v20 =	vmul.f32 v4, v0;
	v0 =	vld [tilespmem:s13+$0x1A0];
	_ =	sdelay $0x2  }
0xba: {  	[tilespmem:$0x1FAD0] =	vst v56;
	v56 =	vld [tilespmem:s13+$0x4C0];
	_ =	sdelay $0x1  }
0xbb: {  	[tilespmem:$0x1FF90] =	vst v0;
	v0 =	vld [tilespmem:s13+$0x81A0];
	_ =	sdelay $0x2  }
0xbc: {  	[tilespmem:$0x1FAE0] =	vst v56;
	v56 =	vld [tilespmem:s13+$0x84C0];
	_ =	sdelay $0x1  }
0xbd: {  	[tilespmem:$0x1FFA0] =	vst v0;
	v0 =	vld [tilespmem:s13+$0x1E0];
	_ =	sdelay $0x2  }
0xbe: {  	[tilespmem:$0x1FAF0] =	vst v56;
	v56 =	vld [tilespmem:s13+$0x4D0];
	_ =	sdelay $0x1  }
0xbf: {  	[tilespmem:$0x1FFB0] =	vst v0;
	v0 =	vld [tilespmem:s13+$0x81E0];
	_ =	sdelay $0x2  }
0xc0: {  	[tilespmem:$0x1FB00] =	vst v56;
	v56 =	vld [tilespmem:s13+$0x84D0]  }
0xc1: {  	v4 =	vld [tilespmem:$0x1F950]  }
0xc2: {  	[tilespmem:$0x1FFC0] =	vst v0;
	v0 =	vld [tilespmem:$0x1F940]  }
0xc3: {  	v12 =	vadd.f32 v24, v12  }
0xc4: {  	v14 =	vperm.xlane v7, v55  }
0xc5: {  	v12 =	vadd.f32 v21, v12;
	v17 =	vadd.f32 v20, v17  }
0xc6: {  	v14 =	vadd.f32 v7, v14;
	v8 =	vadd.f32 v8, v10;
	[tilespmem:$0x1FB10] =	vst v56;
	v56 =	vld [tilespmem:s13+$0x330]  }
0xc7: {  	v10 =	vperm.xlane v11, v1;
	v12 =	vadd.f32 v17, v12;
	v17 =	vmul.f32 v4, v0;
	v0 =	vld [tilespmem:$0x1F960]  }
0xc8: {  	v4 =	vld [tilespmem:$0x1F970]  }
0xc9: {  	v10 =	vadd.f32 v11, v10;
	v11 =	vperm.xlane v14, v1;
	_ =	sdelay $0x1  }
0xca: {  	v11 =	vadd.f32 v14, v11;
	v14 =	vperm.xlane v13, v2  }
0xcb: {  	[tilespmem:$0x1FDD0] =	vst v56;
	v56 =	vld [tilespmem:s13+$0x8330]  }
0xcc: {  	v57 =	vadd.f32 v13, v14;
	v13 =	vmul.f32 v4, v0;
	v0 =	vld [tilespmem:$0x1F980]  }
0xcd: {  	v4 =	vld [tilespmem:$0x1F990];
	_ =	sdelay $0x2  }
0xce: {  	v20 =	vperm.xlane v10, v2  }
0xcf: {  	[tilespmem:$0x1FDE0] =	vst v56;
	v56 =	vld [tilespmem:s13+$0x370]  }
0xd0: {  	v63 =	vadd.f32 v10, v20;
	v10 =	vmul.f32 v4, v0;
	v0 =	vld [tilespmem:$0x1F9A0]  }
0xd1: {  	v4 =	vld [tilespmem:$0x1F9B0];
	_ =	sdelay $0x3  }
0xd2: {  	[tilespmem:$0x1FDF0] =	vst v56;
	v56 =	vld [tilespmem:s13+$0x8370]  }
0xd3: {  	v21 =	vmul.f32 v4, v0;
	v0 =	vld [tilespmem:$0x1F9C0]  }
0xd4: {  	v4 =	vld [tilespmem:$0x1F9D0];
	_ =	sdelay $0x3  }
0xd5: {  	[tilespmem:$0x1FE00] =	vst v56;
	v56 =	vld [tilespmem:s13+$0x3A0]  }
0xd6: {  	v25 =	vmul.f32 v4, v0;
	v0 =	vld [tilespmem:$0x1F9E0]  }
0xd7: {  	v4 =	vld [tilespmem:$0x1F9F0];
	_ =	sdelay $0x2  }
0xd8: {  	v20 =	vperm.xlane v11, v2;
	_ =	sdelay $0x1  }
0xd9: {  	[tilespmem:$0x1FD40] =	vst v56;
	v56 =	vld [tilespmem:s13+$0x83A0];
	v26 =	vmul.f32 v4, v0;
	v0 =	vadd.f32 v11, v20  }
0xda: {  	v4 =	vld [tilespmem:$0x1FA20]  }
0xdb: {  	[tilespmem:$0x1FA00] =	vst v0;
	v0 =	vld [tilespmem:$0x1FA10];
	_ =	sdelay $0x3  }
0xdc: {  	[tilespmem:$0x1FD50] =	vst v56;
	v56 =	vld [tilespmem:s13+$0x3E0]  }
0xdd: {  	v20 =	vmul.f32 v4, v0;
	v0 =	vld [tilespmem:$0x1FA30]  }
0xde: {  	v4 =	vld [tilespmem:$0x1FA40]  }
0xdf: {  	v24 =	vperm.xlane v8, v55;
	_ =	sdelay $0x1  }
0xe0: {  	v8 =	vadd.f32 v8, v24  }
0xe1: {  	[tilespmem:$0x1FD60] =	vst v56;
	v56 =	vld [tilespmem:s13+$0x83E0]  }
0xe2: {  	v14 =	vperm.xlane v8, v1;
	v25 =	vadd.f32 v26, v25;
	v26 =	vmul.f32 v4, v0;
	v0 =	vld [tilespmem:$0x1FA50]  }
0xe3: {  	v4 =	vld [tilespmem:$0x1FA60]  }
0xe4: {  	v14 =	vadd.f32 v8, v14;
	_ =	sdelay $0x1  }
0xe5: {  	v10 =	vadd.f32 v21, v10;
	v21 =	vperm.xlane v14, v2;
	v11 =	vperm.xlane v12, v55;
	_ =	sdelay $0x1  }
0xe6: {  	[tilespmem:$0x1FD70] =	vst v56;
	v56 =	vld [tilespmem:s13+$0x400];
	v11 =	vadd.f32 v12, v11;
	v12 =	vmul.f32 v4, v0;
	v0 =	vadd.f32 v14, v21  }
0xe7: {  	v4 =	vld [tilespmem:$0x1FA90]  }
0xe8: {  	[tilespmem:$0x1FA70] =	vst v0;
	v0 =	vld [tilespmem:$0x1FA80];
	_ =	sdelay $0x3  }
0xe9: {  	[tilespmem:$0x1FC20] =	vst v56;
	v56 =	vld [tilespmem:s13+$0x8400]  }
0xea: {  	v14 =	vmul.f32 v4, v0;
	v0 =	vld [tilespmem:$0x1FAA0]  }
0xeb: {  	v4 =	vld [tilespmem:$0x1FAB0];
	_ =	sdelay $0x2  }
0xec: {  	[tilespmem:$0x1FC30] =	vst v56;
	v56 =	vld [tilespmem:s13+$0x410];
	_ =	sdelay $0x1  }
0xed: {  	v21 =	vmul.f32 v4, v0;
	v0 =	vld [tilespmem:s13+$0x30];
	_ =	sdelay $0x2  }
0xee: {  	[tilespmem:$0x1FC40] =	vst v56;
	v56 =	vld [tilespmem:s13+$0x8410]  }
0xef: {  	v4 =	vld [tilespmem:$0x1FAD0]  }
0xf0: {  	[tilespmem:$0x1FFD0] =	vst v0;
	v0 =	vld [tilespmem:$0x1FAC0];
	_ =	sdelay $0x2  }
0xf1: {  	[tilespmem:$0x1FC50] =	vst v56;
	v56 =	vld [tilespmem:s13+$0x440];
	_ =	sdelay $0x1  }
0xf2: {  	v10 =	vadd.f32 v20, v10;
	v20 =	vadd.f32 v26, v25;
	v26 =	vmul.f32 v4, v0;
	v0 =	vld [tilespmem:s13+$0x8030];
	_ =	sdelay $0x2  }
0xf3: {  	[tilespmem:$0x1FC60] =	vst v56;
	v56 =	vld [tilespmem:s13+$0x8440]  }
0xf4: {  	v4 =	vld [tilespmem:$0x1FAF0]  }
0xf5: {  	[tilespmem:$0x1FFE0] =	vst v0;
	v0 =	vld [tilespmem:$0x1FAE0];
	_ =	sdelay $0x3  }
0xf6: {  	[tilespmem:$0x1FC70] =	vst v56;
	v56 =	vld [tilespmem:s13+$0x450]  }
0xf7: {  	v28 =	vmul.f32 v4, v0;
	v0 =	vld [tilespmem:$0x1FB00]  }
0xf8: {  	v4 =	vld [tilespmem:$0x1FB10];
	_ =	sdelay $0x3  }
0xf9: {  	[tilespmem:$0x1FC80] =	vst v56;
	v56 =	vld [tilespmem:s13+$0x8450]  }
0xfa: {  	v29 =	vmul.f32 v4, v0;
	v0 =	vld [tilespmem:$0x1FB20]  }
0xfb: {  	v4 =	vld [tilespmem:$0x1FB30];
	_ =	sdelay $0x3  }
0xfc: {  	[tilespmem:$0x1FC90] =	vst v56;
	v56 =	vld [tilespmem:s13+$0x2B0]  }
0xfd: {  	v21 =	vadd.f32 v26, v21;
	v26 =	vmul.f32 v4, v0;
	v0 =	vld [tilespmem:$0x1FB40]  }
0xfe: {  	v4 =	vld [tilespmem:$0x1FB50];
	_ =	sdelay $0x2  }
0xff: {  	v10 =	vadd.f32 v17, v10;
	v17 =	vperm.xlane v11, v1;
	[tilespmem:$0x1FE10] =	vst v56;
	v56 =	vld [tilespmem:s13+$0x82B0];
	_ =	sdelay $0x1  }
0x100: {  	v34 =	vadd.f32 v11, v17;
	v17 =	vadd.f32 v29, v28;
	v28 =	vmul.f32 v4, v0;
	v0 =	vld [tilespmem:s13+$0xB0];
	_ =	sdelay $0x2  }
0x101: {  	[tilespmem:$0x1FE20] =	vst v56;
	v56 =	vld [tilespmem:s13+$0x2F0]  }
0x102: {  	v4 =	vld [tilespmem:$0x1FB80]  }
0x103: {  	[tilespmem:$0x1FB60] =	vst v0;
	v0 =	vld [tilespmem:$0x1FB70];
	_ =	sdelay $0x3  }
0x104: {  	[tilespmem:$0x1FE30] =	vst v56;
	v56 =	vld [tilespmem:s13+$0x82F0]  }
0x105: {  	v31 =	vmul.f32 v4, v0;
	v0 =	vld [tilespmem:$0x1FB90]  }
0x106: {  	v4 =	vld [tilespmem:$0x1FBA0];
	_ =	sdelay $0x2  }
0x107: {  	[tilespmem:$0x1FE40] =	vst v56;
	v56 =	vld [tilespmem:s13+$0x320];
	_ =	sdelay $0x1  }
0x108: {  	v35 =	vmul.f32 v4, v0;
	v0 =	vld [tilespmem:s13+$0x80B0];
	_ =	sdelay $0x2  }
0x109: {  	[tilespmem:$0x1FD90] =	vst v56;
	v56 =	vld [tilespmem:s13+$0x8320]  }
0x10a: {  	v4 =	vld [tilespmem:$0x1FBD0]  }
0x10b: {  	[tilespmem:$0x1FBB0] =	vst v0;
	v0 =	vld [tilespmem:$0x1FBC0];
	_ =	sdelay $0x3  }
0x10c: {  	[tilespmem:$0x1FDA0] =	vst v56;
	v56 =	vld [tilespmem:s13+$0x360]  }
0x10d: {  	v21 =	vadd.f32 v26, v21;
	v26 =	vmul.f32 v4, v0;
	v0 =	vld [tilespmem:$0x1FBE0]  }
0x10e: {  	v4 =	vld [tilespmem:$0x1FBF0];
	_ =	sdelay $0x3  }
0x10f: {  	[tilespmem:$0x1FDB0] =	vst v56;
	v56 =	vld [tilespmem:s13+$0x8360]  }
0x110: {  	v17 =	vadd.f32 v28, v17;
	v28 =	vmul.f32 v4, v0;
	v0 =	vld [tilespmem:$0x1FC00]  }
0x111: {  	v4 =	vld [tilespmem:$0x1FC10];
	_ =	sdelay $0x3  }
0x112: {  	[tilespmem:$0x1FDC0] =	vst v56;
	v56 =	vld [tilespmem:s13+$0x380]  }
0x113: {  	v36 =	vmul.f32 v4, v0;
	v0 =	vld [tilespmem:$0x1FC20]  }
0x114: {  	v4 =	vld [tilespmem:$0x1FC30];
	_ =	sdelay $0x3  }
0x115: {  	[tilespmem:$0x1FCC0] =	vst v56;
	v56 =	vld [tilespmem:s13+$0x8380]  }
0x116: {  	v62 =	vmul.f32 v4, v0;
	v0 =	vld [tilespmem:$0x1FC40]  }
0x117: {  	v4 =	vld [tilespmem:$0x1FC50];
	_ =	sdelay $0x3  }
0x118: {  	[tilespmem:$0x1FCD0] =	vst v56;
	v56 =	vld [tilespmem:s13+$0x390]  }
0x119: {  	v45 =	vmul.f32 v4, v0;
	v0 =	vld [tilespmem:$0x1FC60]  }
0x11a: {  	v4 =	vld [tilespmem:$0x1FC70];
	_ =	sdelay $0x3  }
0x11b: {  	[tilespmem:$0x1FCE0] =	vst v56;
	v56 =	vld [tilespmem:s13+$0x8390]  }
0x11c: {  	v14 =	vadd.f32 v14, v17;
	v17 =	vmul.f32 v4, v0;
	v0 =	vld [tilespmem:$0x1FC80]  }
0x11d: {  	v4 =	vld [tilespmem:$0x1FC90];
	_ =	sdelay $0x3  }
0x11e: {  	[tilespmem:$0x1FCF0] =	vst v56;
	v56 =	vld [tilespmem:s13+$0x3C0]  }
0x11f: {  	v46 =	vmul.f32 v4, v0;
	v0 =	vld [tilespmem:$0x1FCA0]  }
0x120: {  	v4 =	vld [tilespmem:$0x1FCB0];
	_ =	sdelay $0x2  }
0x121: {  	v5 =	vld [tilespmem:$0x1FCD0]  }
0x122: {  	[tilespmem:$0x1FD00] =	vst v56;
	v56 =	vld [tilespmem:s13+$0x83C0]  }
0x123: {  	v50 =	vmul.f32 v4, v0;
	v4 =	vld [tilespmem:$0x1FCC0];
	_ =	sdelay $0x2  }
0x124: {  	v12 =	vadd.f32 v12, v21  }
0x125: {  	[tilespmem:$0x1FD10] =	vst v56;
	v56 =	vld [tilespmem:s13+$0x3D0]  }
0x126: {  	v12 =	vadd.f32 v14, v12;
	v14 =	vmul.f32 v5, v4;
	v4 =	vld [tilespmem:$0x1FCE0]  }
0x127: {  	v5 =	vld [tilespmem:$0x1FCF0];
	_ =	sdelay $0x3  }
0x128: {  	[tilespmem:$0x1FD20] =	vst v56;
	v56 =	vld [tilespmem:s13+$0x83D0]  }
0x129: {  	v13 =	vadd.f32 v13, v20;
	v51 =	vmul.f32 v5, v4;
	v4 =	vld [tilespmem:$0x1FD00]  }
0x12a: {  	v5 =	vld [tilespmem:$0x1FD10]  }
0x12b: {  	v13 =	vadd.f32 v13, v10;
	_ =	sdelay $0x1  }
0x12c: {  	v21 =	vperm.xlane v13, v55;
	_ =	sdelay $0x1  }
0x12d: {  	v13 =	vadd.f32 v13, v21;
	[tilespmem:$0x1FD30] =	vst v56;
	v21 =	vadd.f32 v45, v62;
	v62 =	vmul.f32 v5, v4;
	v4 =	vld [tilespmem:$0x1FD20]  }
0x12e: {  	v5 =	vld [tilespmem:$0x1FD30];
	_ =	sdelay $0x4  }
0x12f: {  	v45 =	vmul.f32 v5, v4;
	v4 =	vld [tilespmem:$0x1FD40]  }
0x130: {  	v5 =	vld [tilespmem:$0x1FD50];
	_ =	sdelay $0x4  }
0x131: {  	v17 =	vadd.f32 v46, v17;
	v46 =	vmul.f32 v5, v4;
	v4 =	vld [tilespmem:$0x1FD60]  }
0x132: {  	v5 =	vld [tilespmem:$0x1FD70];
	_ =	sdelay $0x3  }
0x133: {  	v59 =	vld [tilespmem:s13+$0x8300]  }
0x134: {  	v17 =	vadd.f32 v50, v17;
	v50 =	vadd.f32 v45, v62;
	v62 =	vmul.f32 v5, v4;
	v4 =	vld [tilespmem:$0x1FD80];
	_ =	sdelay $0x1  }
0x135: {  	v9 =	vld [tilespmem:s13+$0x340]  }
0x136: {  	v18 =	vld [tilespmem:s13+$0x8340];
	v21 =	vadd.f32 v36, v21  }
0x137: {  	v5 =	vld [tilespmem:$0x1FDA0]  }
0x138: {  	v21 =	vadd.f32 v31, v21;
	v31 =	vmul.f32 v59, v4;
	v4 =	vld [tilespmem:$0x1FD90];
	_ =	sdelay $0x2  }
0x139: {  	v60 =	vld [tilespmem:s13+$0x8350]  }
0x13a: {  	v6 =	vld [tilespmem:s13+$0x350]  }
0x13b: {  	v9 =	vmul.f32 v18, v9;
	v18 =	vmul.f32 v5, v4;
	v4 =	vld [tilespmem:$0x1FDB0]  }
0x13c: {  	v5 =	vld [tilespmem:$0x1FDC0];
	_ =	sdelay $0x2  }
0x13d: {  	v6 =	vmul.f32 v60, v6  }
0x13e: {  	v58 =	vld [tilespmem:s13+$0x310]  }
0x13f: {  	v6 =	vadd.f32 v6, v9;
	v9 =	vmul.f32 v5, v4;
	v4 =	vld [tilespmem:$0x1FDD0]  }
0x140: {  	v5 =	vld [tilespmem:$0x1FDE0]  }
0x141: {  	v49 =	vld [tilespmem:s13+$0x8200]  }
0x142: {  	v52 =	vld [tilespmem:s13+$0x70]  }
0x143: {  	v32 =	vld [tilespmem:s13+$0x8310];
	v17 =	vadd.f32 v35, v17;
	v41 =	vadd.f32 v62, v50  }
0x144: {  	v44 =	vld [tilespmem:s13+$0x2D0]  }
0x145: {  	v17 =	vadd.f32 v17, v21;
	v21 =	vadd.f32 v28, v41;
	v28 =	vmul.f32 v5, v4;
	v4 =	vld [tilespmem:$0x1FDF0]  }
0x146: {  	v5 =	vld [tilespmem:$0x1FE00]  }
0x147: {  	v40 =	vld [tilespmem:s13+$0x160]  }
0x148: {  	v38 =	vld [tilespmem:s13+$0x140]  }
0x149: {  	v39 =	vld [tilespmem:s13+$0x8140]  }
0x14a: {  	v56 =	vld [tilespmem:s13+$0x230]  }
0x14b: {  	v6 =	vadd.f32 v9, v6;
	v9 =	vmul.f32 v5, v4;
	v4 =	vld [tilespmem:$0x1FE10]  }
0x14c: {  	v5 =	vld [tilespmem:$0x1FE20]  }
0x14d: {  	v37 =	vld [tilespmem:s13+$0x8150]  }
0x14e: {  	v47 =	vld [tilespmem:s13+$0x2C0]  }
0x14f: {  	v32 =	vmul.f32 v32, v58;
	v58 =	vld [tilespmem:s13+$0x1D0]  }
0x150: {  	[tilespmem:$0x1FE50] =	vst v56;
	v56 =	vld [tilespmem:s13+$0x8230]  }
0x151: {  	v60 =	vmul.f32 v5, v4;
	v4 =	vld [tilespmem:$0x1FE30]  }
0x152: {  	v5 =	vld [tilespmem:$0x1FE40]  }
0x153: {  	v19 =	vld [tilespmem:s13+$0x8210]  }
0x154: {  	v48 =	vld [tilespmem:s13+$0x8120]  }
0x155: {  	v16 =	vld [tilespmem:s13+$0x82C0]  }
0x156: {  	v27 =	vld [tilespmem:s13+$0x8240]  }
0x157: {  	[tilespmem:$0x1FE60] =	vst v56;
	v14 =	vadd.f32 v51, v14;
	v20 =	vmul.f32 v5, v4;
	v4 =	vld [tilespmem:$0x1FE50]  }
0x158: {  	v5 =	vld [tilespmem:$0x1FE60]  }
0x159: {  	v43 =	vld [tilespmem:s13+$0x120];
	v14 =	vadd.f32 v46, v14  }
0x15a: {  	v53 =	vld [tilespmem:s13+$0x210]  }
0x15b: {  	v54 =	vld [tilespmem:s13+$0x8180];
	v14 =	vadd.f32 v26, v14;
	v26 =	vadd.f32 v32, v31  }
0x15c: {  	v56 =	vld [tilespmem:s13+$0x2A0];
	v31 =	vperm.xlane v17, v55  }
0x15d: {  	v18 =	vadd.f32 v18, v26;
	v22 =	vmul.f32 v5, v4;
	v4 =	vld [tilespmem:$0x1FE70]  }
0x15e: {  	v26 =	vadd.f32 v17, v31;
	v5 =	vld [tilespmem:$0x1FE80]  }
0x15f: {  	v33 =	vld [tilespmem:s13+$0x250];
	v28 =	vadd.f32 v28, v18;
	v6 =	vadd.f32 v9, v6  }
0x160: {  	v7 =	vld [tilespmem:$0x1FEA0];
	v14 =	vadd.f32 v21, v14;
	v21 =	vperm.xlane v12, v55  }
0x161: {  	v23 =	vld [tilespmem:s13+$0x8250];
	v6 =	vadd.f32 v6, v28;
	v28 =	vperm.xlane v26, v1  }
0x162: {  	[tilespmem:$0x1FEB0] =	vst v56;
	v56 =	vld [tilespmem:s13+$0x82A0];
	v12 =	vadd.f32 v12, v21;
	v21 =	vperm.xlane v14, v55  }
0x163: {  	v26 =	vadd.f32 v26, v28;
	v28 =	vperm.xlane v6, v55;
	v55 =	vmul.f32 v5, v4;
	v5 =	vld [tilespmem:$0x1FE90]  }
0x164: {  	v16 =	vmul.f32 v16, v47;
	v47 =	vld [tilespmem:s13+$0x0]  }
0x165: {  	v15 =	vld [tilespmem:s13+$0x82D0]  }
0x166: {  	v61 =	vld [tilespmem:s13+$0x200]  }
0x167: {  	v30 =	vld [tilespmem:s13+$0x20];
	v23 =	vmul.f32 v23, v33;
	v9 =	vperm.xlane v12, v1  }
0x168: {  	v33 =	vld [tilespmem:s13+$0x8050];
	[tilespmem:$0x1FEC0] =	vst v56;
	v14 =	vadd.f32 v14, v21;
	v31 =	vperm.xlane v13, v1;
	v5 =	vmul.f32 v7, v5  }
0x169: {  	v8 =	vld [tilespmem:$0x1FEC0];
	v36 =	vadd.f32 v12, v9  }
0x16a: {  	v12 =	vadd.f32 v13, v31;
	v13 =	vperm.xlane v14, v1;
	v7 =	vadd.f32 v5, v55;
	v5 =	vld [tilespmem:$0x1FEB0]  }
0x16b: {  	v24 =	vld [tilespmem:s13+$0x240]  }
0x16c: {  	v11 =	vld [tilespmem:s13+$0x190];
	v35 =	vadd.f32 v14, v13;
	v13 =	vperm.xlane v12, v2  }
0x16d: {  	v29 =	vld [tilespmem:s13+$0x8160];
	v14 =	vperm.xlane v36, v2;
	v6 =	vadd.f32 v6, v28;
	v28 =	vperm.xlane v26, v2  }
0x16e: {  	v25 =	vld [tilespmem:s13+$0x8070];
	v12 =	vadd.f32 v12, v13  }
0x16f: {  	v13 =	vadd.f32 v36, v14;
	v14 =	vadd.f32 v26, v28;
	v28 =	vmul.f32 v8, v5;
	v5 =	vld [tilespmem:$0x1FED0]  }
0x170: {  	v8 =	vld [tilespmem:$0x1FEE0]  }
0x171: {  	v10 =	vld [tilespmem:s13+$0x1C0]  }
0x172: {  	v29 =	vmul.f32 v29, v40;
	v40 =	vld [tilespmem:s13+$0x80C0]  }
0x173: {  	v56 =	vld [tilespmem:s13+$0x170]  }
0x174: {  	v55 =	vld [tilespmem:$0x1FF00]  }
0x175: {  	v8 =	vmul.f32 v8, v5;
	v5 =	vld [tilespmem:$0x1FEF0]  }
0x176: {  	v0 =	vld [tilespmem:s13+$0x180]  }
0x177: {  	v51 =	vld [tilespmem:s13+$0x8190];
	v4 =	vperm.xlane v35, v2  }
0x178: {  	v45 =	vld [tilespmem:s13+$0x8060]  }
0x179: {  	v46 =	vld [tilespmem:s13+$0x60];
	v26 =	vmul.f32 v15, v44;
	v15 =	vadd.f32 v35, v4;
	v4 =	vperm.xlane v6, v1  }
0x17a: {  	v62 =	vld [tilespmem:s13+$0x81D0];
	v35 =	vmul.f32 v55, v5  }
0x17b: {  	v5 =	vadd.f32 v26, v16;
	v16 =	vadd.f32 v6, v4;
	v6 =	vmul.f32 v19, v53;
	v19 =	vld [tilespmem:$0x1FF10]  }
0x17c: {  	v26 =	vld [tilespmem:$0x1FF20]  }
0x17d: {  	v50 =	vld [tilespmem:s13+$0x8020];
	v4 =	vmul.f32 v49, v61  }
0x17e: {  	v7 =	vadd.f32 v28, v7;
	v28 =	vld [tilespmem:$0x1FF40]  }
0x17f: {  	v4 =	vadd.f32 v6, v4;
	v6 =	vld [tilespmem:$0x1FF50]  }
0x180: {  	v5 =	vadd.f32 v8, v5;
	v8 =	vld [tilespmem:$0x1FF60]  }
0x181: {  	v26 =	vmul.f32 v26, v19;
	v19 =	vld [tilespmem:$0x1FF30]  }
0x182: {  	v41 =	vld [tilespmem:s13+$0x150]  }
0x183: {  	v59 =	vld [tilespmem:s13+$0x81C0]  }
0x184: {  	v32 =	vld [tilespmem:s13+$0x100]  }
0x185: {  	v21 =	vld [tilespmem:s13+$0x8100]  }
0x186: {  	v6 =	vmul.f32 v8, v6;
	v8 =	vld [tilespmem:$0x1FF80];
	v53 =	vmul.f32 v28, v19  }
0x187: {  	v19 =	vadd.f32 v60, v7;
	v7 =	vmul.f32 v27, v24;
	v24 =	vadd.f32 v20, v5;
	v5 =	vld [tilespmem:$0x1FF70]  }
0x188: {  	v17 =	vld [tilespmem:s13+$0xA0]  }
0x189: {  	v18 =	vld [tilespmem:s13+$0x80A0]  }
0x18a: {  	v31 =	vld [tilespmem:s13+$0x110]  }
0x18b: {  	v42 =	vperm.xlane v34, v2;
	v20 =	vld [tilespmem:$0x1FFA0]  }
0x18c: {  	v8 =	vmul.f32 v8, v5;
	v5 =	vld [tilespmem:$0x1FF90]  }
0x18d: {  	v9 =	vadd.f32 v34, v42;
	v34 =	vld [tilespmem:s13+$0x8110]  }
0x18e: {  	v42 =	vld [tilespmem:s13+$0x8000]  }
0x18f: {  	v36 =	vld [tilespmem:s13+$0x8010];
	v4 =	vadd.f32 v53, v4;
	v53 =	vmul.f32 v54, v0;
	v0 =	vmul.f32 v51, v11  }
0x190: {  	v44 =	vld [tilespmem:s13+$0x10]  }
0x191: {  	v20 =	vmul.f32 v20, v5;
	v5 =	vadd.f32 v22, v4;
	v22 =	vadd.f32 v0, v53;
	v0 =	vld [tilespmem:$0x1FFB0]  }
0x192: {  	v4 =	vld [tilespmem:$0x1FFC0]  }
0x193: {  	v49 =	vld [tilespmem:s13+$0x40]  }
0x194: {  	v61 =	vld [tilespmem:s13+$0x8040]  }
0x195: {  	v28 =	vld [tilespmem:s13+$0x50];
	v7 =	vadd.f32 v23, v7  }
0x196: {  	v60 =	vld [tilespmem:s13+$0x80]  }
0x197: {  	v0 =	vmul.f32 v4, v0;
	v4 =	vadd.f32 v6, v7;
	v6 =	vld [tilespmem:$0x1FFD0]  }
0x198: {  	v7 =	vld [tilespmem:$0x1FFE0]  }
0x199: {  	v10 =	vmul.f32 v59, v10;
	v27 =	vld [tilespmem:s13+$0x8080];
	v11 =	vmul.f32 v62, v58  }
0x19a: {  	v54 =	vld [tilespmem:s13+$0x90]  }
0x19b: {  	v43 =	vmul.f32 v48, v43;
	v23 =	vld [tilespmem:s13+$0x8090];
	v62 =	vadd.f32 v11, v10  }
0x19c: {  	v48 =	vadd.f32 v20, v22;
	v20 =	vmul.f32 v50, v30;
	v22 =	vmul.f32 v45, v46;
	v45 =	vld [tilespmem:s13+$0xD0]  }
0x19d: {  	s15 =	simm.s32 $0x1;
	s14 =	simm.s32 $0x0;
	v46 =	vadd.f32 v0, v62;
	v6 =	vmul.f32 v7, v6;
	v7 =	vmul.f32 v25, v52;
	v25 =	vld [tilespmem:s13+$0xC0]  }
.LBB2_2:
0x19e: {  	v50 =	vld [tilespmem:s13+$0x80D0]  }
0x19f: {  	v52 =	vld [tilespmem:s13+$0xE0]  }
0x1a0: {  	v58 =	vld [tilespmem:s13+$0x80E0]  }
0x1a1: {  	v59 =	vld [tilespmem:s13+$0xF0];
	v21 =	vmul.f32 v21, v32;
	v31 =	vmul.f32 v34, v31  }
0x1a2: {  	v36 =	vmul.f32 v36, v44;
	v28 =	vmul.f32 v33, v28;
	v44 =	vld [tilespmem:s13+$0x8170]  }
0x1a3: {  	v17 =	vmul.f32 v18, v17;
	v18 =	vld [tilespmem:s13+$0x270];
	v21 =	vadd.f32 v31, v21;
	v31 =	vmul.f32 v61, v49  }
0x1a4: {  	v51 =	vadd.f32 v35, v48;
	v53 =	vmul.f32 v39, v38;
	v61 =	vld [tilespmem:s13+$0x80F0]  }
0x1a5: {  	v37 =	vmul.f32 v37, v41;
	v55 =	vmul.f32 v42, v47;
	v28 =	vadd.f32 v28, v31;
	v31 =	vld [tilespmem:s13+$0x8270]  }
0x1a6: {  	v26 =	vadd.f32 v26, v46;
	v27 =	vmul.f32 v27, v60;
	v23 =	vmul.f32 v23, v54;
	v0 =	vld [tilespmem:$0x1FB60]  }
0x1a7: {  	v25 =	vmul.f32 v40, v25;
	v62 =	vmul.f32 v50, v45;
	v35 =	vadd.f32 v37, v53;
	v10 =	vld [tilespmem:$0x1FBB0]  }
0x1a8: {  	v36 =	vadd.f32 v36, v55;
	v23 =	vadd.f32 v23, v27  }
0x1a9: {  	v25 =	vadd.f32 v62, v25;
	v21 =	vadd.f32 v43, v21  }
0x1aa: {  	v27 =	vmul.f32 v58, v52;
	v29 =	vadd.f32 v29, v35;
	v20 =	vadd.f32 v20, v36  }
0x1ab: {  	v11 =	vadd.f32 v17, v23;
	v22 =	vadd.f32 v22, v28  }
0x1ac: {  	v17 =	vadd.f32 v27, v25;
	v23 =	vmul.f32 v61, v59;
	v10 =	vmul.f32 v10, v0  }
0x1ad: {  	v6 =	vadd.f32 v6, v20;
	v20 =	vmul.f32 v44, v56;
	v56 =	vld [tilespmem:$0x1FFF0];
	v7 =	vadd.f32 v7, v22  }
0x1ae: {  	v10 =	vadd.f32 v10, v11;
	v11 =	vadd.f32 v23, v17  }
0x1af: {  	v8 =	vadd.f32 v8, v21;
	v18 =	vmul.f32 v31, v18;
	v17 =	vadd.f32 v20, v29  }
0x1b0: {  	v6 =	vadd.f32 v7, v6;
	v7 =	vadd.f32 v11, v10  }
0x1b1: {  	v4 =	vadd.f32 v18, v4;
	v8 =	vadd.f32 v17, v8;
	v10 =	vperm.xlane v16, v2  }
0x1b2: {  	v18 =	vadd.f32 v26, v51;
	v11 =	vperm.xlane v6, v56;
	v17 =	vperm.xlane v7, v56  }
0x1b3: {  	v4 =	vadd.f32 v4, v5;
	v5 =	vadd.f32 v24, v19;
	v20 =	vperm.xlane v8, v56  }
0x1b4: {  	v6 =	vadd.f32 v6, v11;
	v11 =	vperm.xlane v18, v56;
	v7 =	vadd.f32 v7, v17  }
0x1b5: {  	v19 =	vperm.xlane v5, v56;
	v8 =	vadd.f32 v8, v20;
	v17 =	vperm.xlane v4, v56  }
0x1b6: {  	v20 =	vperm.xlane v6, v1;
	v11 =	vadd.f32 v18, v11;
	v21 =	vperm.xlane v7, v1  }
0x1b7: {  	v5 =	vadd.f32 v5, v19;
	v18 =	vperm.xlane v8, v1;
	v4 =	vadd.f32 v4, v17  }
0x1b8: {  	v6 =	vadd.f32 v6, v20;
	v17 =	vperm.xlane v11, v1;
	v7 =	vadd.f32 v7, v21  }
0x1b9: {  	v19 =	vperm.xlane v5, v1;
	v8 =	vadd.f32 v8, v18;
	v18 =	vperm.xlane v4, v1  }
0x1ba: {  	v20 =	vperm.xlane v6, v2;
	v11 =	vadd.f32 v11, v17;
	v21 =	vperm.xlane v7, v2  }
0x1bb: {  	v5 =	vadd.f32 v5, v19;
	v17 =	vperm.xlane v8, v2;
	v4 =	vadd.f32 v4, v18  }
0x1bc: {  	v6 =	vadd.f32 v6, v20;
	v18 =	vperm.xlane v11, v2;
	v7 =	vadd.f32 v7, v21  }
0x1bd: {  	v19 =	vperm.xlane v5, v2;
	v8 =	vadd.f32 v8, v17;
	v17 =	vperm.xlane v4, v2  }
0x1be: {  	v20 =	vperm.xlane v6, v3;
	v11 =	vadd.f32 v11, v18;
	v21 =	vperm.xlane v7, v3  }
0x1bf: {  	v5 =	vadd.f32 v5, v19;
	v18 =	vperm.xlane v8, v3;
	v4 =	vadd.f32 v4, v17  }
0x1c0: {  	v6 =	vadd.f32 v6, v20;
	v17 =	vperm.xlane v11, v3;
	v7 =	vadd.f32 v7, v21  }
0x1c1: {  	v10 =	vadd.f32 v16, v10;
	v8 =	vadd.f32 v8, v18;
	v18 =	vperm.xlane v4, v3  }
0x1c2: {  	v6 =	vsel vm0, v6, v7;
	v7 =	vadd.f32 v11, v17;
	v11 =	vperm.xlane v5, v3  }
0x1c3: {  	v4 =	vadd.f32 v4, v18;
	v6 =	vsel vm1, v6, v8;
	v8 =	vperm.xlane v10, v3  }
0x1c4: {  	v6 =	vsel vm2, v6, v7;
	v5 =	vadd.f32 v5, v11  }
0x1c5: {  	v7 =	vperm.xlane v15, v3;
	v4 =	vsel vm3, v6, v4;
	v6 =	vadd.f32 v10, v8;
	v10 =	vld [tilespmem:$0x1FA70]  }
0x1c6: {  	v0 =	vld [tilespmem:$0x1FA00];
	v8 =	vperm.xlane v14, v3  }
0x1c7: {  	v4 =	vsel vm4, v4, v5;
	v5 =	vadd.f32 v15, v7;
	v7 =	vperm.xlane v13, v3  }
0x1c8: {  	v4 =	vsel vm5, v4, v6;
	v6 =	vadd.f32 v14, v8;
	v8 =	vperm.xlane v12, v3  }
0x1c9: {  	v4 =	vsel vm6, v4, v5;
	v5 =	vadd.f32 v13, v7;
	v7 =	vperm.xlane v9, v3  }
0x1ca: {  	v4 =	vsel vm7, v4, v6;
	v6 =	vadd.f32 v12, v8;
	v8 =	vperm.xlane v10, v3  }
0x1cb: {  	v4 =	vsel vm8, v4, v5;
	v5 =	vadd.f32 v9, v7;
	v7 =	vperm.xlane v0, v3  }
0x1cc: {  	v4 =	vsel vm9, v4, v6;
	v6 =	vadd.f32 v10, v8;
	v8 =	vperm.xlane v63, v3  }
0x1cd: {  	v4 =	vsel vm10, v4, v5;
	v5 =	vadd.f32 v0, v7;
	v7 =	vperm.xlane v57, v3  }
0x1ce: {  	v4 =	vsel vm11, v4, v6;
	v6 =	vadd.f32 v63, v8  }
0x1cf: {  	v4 =	vsel vm12, v4, v5;
	v5 =	vadd.f32 v57, v7  }
0x1d0: {  	v4 =	vsel vm13, v4, v6  }
0x1d1: {  	v4 =	vsel vm14, v4, v5  }
0x1d2: {  	v4 =	vsub.f32 $0.0e+00, v4;
	_ =	sdelay $0x1  }
0x1d3: {  	v4 =	vmul.f32 $1.442695020e+00, v4;
	_ =	sdelay $0x1  }
0x1d4: {  	(erf) = vpow2.f32 v4;
	_ =	sdelay $0x8  }
0x1d5: {  	v4 =	vpop (erf)  }
0x1d6: {  	v4 =	vadd.f32 $1.000000000e+00, v4;
	_ =	sdelay $0x1  }
0x1d7: {  	(erf) = vrcp.f32 v4;
	_ =	sdelay $0x7  }
0x1d8: {  	s31 =	sshll.u32 s14, $0x4  }
0x1d9: {  	s16 =	sand.u32 $0x3FFFFFF0, s31;
	v4 =	vpop (erf)  }
0x1da: {  	s13 =	sshll.u32 s15, $0xB;
	[tilespmem:s16+$0x10000] =	vst v4  }
0x1db: {  	v0 =	vld [tilespmem:s13+$0x7B0];
	_ =	sdelay $0x4  }
0x1dc: {  	[tilespmem:$0x1F0D0] =	vst v0;
	v0 =	vld [tilespmem:s13+$0x87B0];
	_ =	sdelay $0x4  }
0x1dd: {  	[tilespmem:$0x1F0E0] =	vst v0;
	v0 =	vld [tilespmem:s13+$0x7F0];
	_ =	sdelay $0x4  }
0x1de: {  	[tilespmem:$0x1F0F0] =	vst v0;
	v0 =	vld [tilespmem:s13+$0x87F0];
	_ =	sdelay $0x4  }
0x1df: {  	[tilespmem:$0x1F100] =	vst v0;
	v0 =	vld [tilespmem:s13+$0x730];
	_ =	sdelay $0x4  }
0x1e0: {  	[tilespmem:$0x1F150] =	vst v0;
	v0 =	vld [tilespmem:s13+$0x8730];
	_ =	sdelay $0x4  }
0x1e1: {  	[tilespmem:$0x1F160] =	vst v0;
	v0 =	vld [tilespmem:s13+$0x770];
	_ =	sdelay $0x4  }
0x1e2: {  	[tilespmem:$0x1F170] =	vst v0;
	v0 =	vld [tilespmem:s13+$0x8770];
	_ =	sdelay $0x4  }
0x1e3: {  	[tilespmem:$0x1F180] =	vst v0;
	v0 =	vld [tilespmem:s13+$0x7A0];
	_ =	sdelay $0x4  }
0x1e4: {  	[tilespmem:$0x1F090] =	vst v0;
	v0 =	vld [tilespmem:s13+$0x87A0];
	_ =	sdelay $0x4  }
0x1e5: {  	[tilespmem:$0x1F0A0] =	vst v0;
	v0 =	vld [tilespmem:s13+$0x7E0];
	_ =	sdelay $0x4  }
0x1e6: {  	[tilespmem:$0x1F0B0] =	vst v0;
	v0 =	vld [tilespmem:s13+$0x87E0];
	_ =	sdelay $0x4  }
0x1e7: {  	[tilespmem:$0x1F0C0] =	vst v0;
	v0 =	vld [tilespmem:s13+$0x6B0];
	_ =	sdelay $0x4  }
0x1e8: {  	[tilespmem:$0x1F1D0] =	vst v0;
	v0 =	vld [tilespmem:s13+$0x86B0];
	_ =	sdelay $0x4  }
0x1e9: {  	[tilespmem:$0x1F1E0] =	vst v0;
	v0 =	vld [tilespmem:s13+$0x6F0];
	_ =	sdelay $0x4  }
0x1ea: {  	[tilespmem:$0x1F1F0] =	vst v0;
	v0 =	vld [tilespmem:s13+$0x86F0];
	_ =	sdelay $0x4  }
0x1eb: {  	[tilespmem:$0x1F200] =	vst v0;
	v0 =	vld [tilespmem:s13+$0x720];
	_ =	sdelay $0x4  }
0x1ec: {  	[tilespmem:$0x1F110] =	vst v0;
	v0 =	vld [tilespmem:s13+$0x8720];
	_ =	sdelay $0x4  }
0x1ed: {  	[tilespmem:$0x1F120] =	vst v0;
	v0 =	vld [tilespmem:s13+$0x760];
	_ =	sdelay $0x4  }
0x1ee: {  	[tilespmem:$0x1F130] =	vst v0;
	v0 =	vld [tilespmem:s13+$0x8760];
	_ =	sdelay $0x4  }
0x1ef: {  	[tilespmem:$0x1F140] =	vst v0;
	v0 =	vld [tilespmem:s13+$0x630];
	_ =	sdelay $0x4  }
0x1f0: {  	[tilespmem:$0x1F210] =	vst v0;
	v0 =	vld [tilespmem:s13+$0x8630];
	_ =	sdelay $0x4  }
0x1f1: {  	[tilespmem:$0x1F220] =	vst v0;
	v0 =	vld [tilespmem:s13+$0x670];
	_ =	sdelay $0x4  }
0x1f2: {  	[tilespmem:$0x1F270] =	vst v0;
	v0 =	vld [tilespmem:s13+$0x8670];
	_ =	sdelay $0x4  }
0x1f3: {  	[tilespmem:$0x1F280] =	vst v0;
	v0 =	vld [tilespmem:s13+$0x6A0];
	_ =	sdelay $0x4  }
0x1f4: {  	[tilespmem:$0x1F190] =	vst v0;
	v0 =	vld [tilespmem:s13+$0x86A0];
	_ =	sdelay $0x4  }
0x1f5: {  	[tilespmem:$0x1F1A0] =	vst v0;
	v0 =	vld [tilespmem:s13+$0x6E0];
	_ =	sdelay $0x4  }
0x1f6: {  	[tilespmem:$0x1F1B0] =	vst v0;
	v0 =	vld [tilespmem:s13+$0x86E0];
	_ =	sdelay $0x4  }
0x1f7: {  	[tilespmem:$0x1F1C0] =	vst v0;
	v0 =	vld [tilespmem:s13+$0x5B0];
	_ =	sdelay $0x4  }
0x1f8: {  	[tilespmem:$0x1F2D0] =	vst v0;
	v0 =	vld [tilespmem:s13+$0x85B0];
	_ =	sdelay $0x4  }
0x1f9: {  	[tilespmem:$0x1F2E0] =	vst v0;
	v0 =	vld [tilespmem:s13+$0x5F0];
	_ =	sdelay $0x4  }
0x1fa: {  	[tilespmem:$0x1F2F0] =	vst v0;
	v0 =	vld [tilespmem:s13+$0x85F0];
	_ =	sdelay $0x4  }
0x1fb: {  	[tilespmem:$0x1F300] =	vst v0;
	v0 =	vld [tilespmem:s13+$0x620];
	_ =	sdelay $0x4  }
0x1fc: {  	[tilespmem:$0x1F230] =	vst v0;
	v0 =	vld [tilespmem:s13+$0x8620];
	_ =	sdelay $0x4  }
0x1fd: {  	[tilespmem:$0x1F240] =	vst v0;
	v0 =	vld [tilespmem:s13+$0x660];
	_ =	sdelay $0x4  }
0x1fe: {  	[tilespmem:$0x1F250] =	vst v0;
	v0 =	vld [tilespmem:s13+$0x8660];
	_ =	sdelay $0x4  }
0x1ff: {  	[tilespmem:$0x1F260] =	vst v0;
	v0 =	vld [tilespmem:s13+$0x530];
	_ =	sdelay $0x4  }
0x200: {  	[tilespmem:$0x1F310] =	vst v0;
	v0 =	vld [tilespmem:s13+$0x8530];
	_ =	sdelay $0x4  }
0x201: {  	[tilespmem:$0x1F320] =	vst v0;
	v0 =	vld [tilespmem:s13+$0x570];
	_ =	sdelay $0x4  }
0x202: {  	[tilespmem:$0x1F330] =	vst v0;
	v0 =	vld [tilespmem:s13+$0x8570];
	_ =	sdelay $0x4  }
0x203: {  	[tilespmem:$0x1F340] =	vst v0;
	v0 =	vld [tilespmem:s13+$0x5A0];
	_ =	sdelay $0x4  }
0x204: {  	[tilespmem:$0x1F290] =	vst v0;
	v0 =	vld [tilespmem:s13+$0x85A0];
	_ =	sdelay $0x4  }
0x205: {  	[tilespmem:$0x1F2A0] =	vst v0;
	v0 =	vld [tilespmem:s13+$0x5E0];
	_ =	sdelay $0x4  }
0x206: {  	[tilespmem:$0x1F2B0] =	vst v0;
	v0 =	vld [tilespmem:s13+$0x85E0];
	_ =	sdelay $0x4  }
0x207: {  	[tilespmem:$0x1F2C0] =	vst v0;
	v0 =	vld [tilespmem:s13+$0x4B0];
	_ =	sdelay $0x4  }
0x208: {  	[tilespmem:$0x1F3D0] =	vst v0;
	v0 =	vld [tilespmem:s13+$0x84B0];
	_ =	sdelay $0x4  }
0x209: {  	[tilespmem:$0x1F3E0] =	vst v0;
	v0 =	vld [tilespmem:s13+$0x4F0];
	_ =	sdelay $0x4  }
0x20a: {  	[tilespmem:$0x1F3F0] =	vst v0;
	v0 =	vld [tilespmem:s13+$0x84F0];
	_ =	sdelay $0x4  }
0x20b: {  	[tilespmem:$0x1F400] =	vst v0;
	v0 =	vld [tilespmem:s13+$0x520];
	_ =	sdelay $0x4  }
0x20c: {  	[tilespmem:$0x1F390] =	vst v0;
	v0 =	vld [tilespmem:s13+$0x8520];
	_ =	sdelay $0x4  }
0x20d: {  	[tilespmem:$0x1F3A0] =	vst v0;
	v0 =	vld [tilespmem:s13+$0x560];
	_ =	sdelay $0x4  }
0x20e: {  	[tilespmem:$0x1F3B0] =	vst v0;
	v0 =	vld [tilespmem:s13+$0x8560];
	_ =	sdelay $0x4  }
0x20f: {  	[tilespmem:$0x1F3C0] =	vst v0;
	v0 =	vld [tilespmem:s13+$0x430];
	_ =	sdelay $0x4  }
0x210: {  	[tilespmem:$0x1F470] =	vst v0;
	v0 =	vld [tilespmem:s13+$0x8430];
	_ =	sdelay $0x4  }
0x211: {  	[tilespmem:$0x1F480] =	vst v0;
	v0 =	vld [tilespmem:s13+$0x470];
	_ =	sdelay $0x4  }
0x212: {  	[tilespmem:$0x1F490] =	vst v0;
	v0 =	vld [tilespmem:s13+$0x8470];
	_ =	sdelay $0x4  }
0x213: {  	[tilespmem:$0x1F4A0] =	vst v0;
	v0 =	vld [tilespmem:s13+$0x4A0];
	_ =	sdelay $0x4  }
0x214: {  	[tilespmem:$0x1F430] =	vst v0;
	v0 =	vld [tilespmem:s13+$0x84A0];
	_ =	sdelay $0x4  }
0x215: {  	[tilespmem:$0x1F440] =	vst v0;
	v0 =	vld [tilespmem:s13+$0x4E0];
	_ =	sdelay $0x4  }
0x216: {  	[tilespmem:$0x1F450] =	vst v0;
	v0 =	vld [tilespmem:s13+$0x84E0];
	_ =	sdelay $0x4  }
0x217: {  	[tilespmem:$0x1F460] =	vst v0;
	v0 =	vld [tilespmem:s13+$0x500];
	_ =	sdelay $0x4  }
0x218: {  	[tilespmem:$0x1F350] =	vst v0;
	v0 =	vld [tilespmem:s13+$0x8500];
	_ =	sdelay $0x4  }
0x219: {  	[tilespmem:$0x1F360] =	vst v0;
	v0 =	vld [tilespmem:s13+$0x510];
	_ =	sdelay $0x4  }
0x21a: {  	[tilespmem:$0x1F370] =	vst v0;
	v0 =	vld [tilespmem:s13+$0x540];
	_ =	sdelay $0x4  }
0x21b: {  	[tilespmem:$0x1F380] =	vst v0;
	v0 =	vld [tilespmem:s13+$0x3B0];
	_ =	sdelay $0x4  }
0x21c: {  	[tilespmem:$0x1F4B0] =	vst v0;
	v0 =	vld [tilespmem:s13+$0x83B0];
	_ =	sdelay $0x4  }
0x21d: {  	[tilespmem:$0x1F4C0] =	vst v0;
	v0 =	vld [tilespmem:s13+$0x3F0];
	_ =	sdelay $0x4  }
0x21e: {  	[tilespmem:$0x1F4D0] =	vst v0;
	v0 =	vld [tilespmem:s13+$0x83F0];
	_ =	sdelay $0x4  }
0x21f: {  	[tilespmem:$0x1F4E0] =	vst v0;
	v0 =	vld [tilespmem:s13+$0x420];
	_ =	sdelay $0x4  }
0x220: {  	[tilespmem:$0x1F4F0] =	vst v0;
	v0 =	vld [tilespmem:s13+$0x8420];
	_ =	sdelay $0x4  }
0x221: {  	[tilespmem:$0x1F500] =	vst v0;
	v0 =	vld [tilespmem:s13+$0x460];
	_ =	sdelay $0x4  }
0x222: {  	[tilespmem:$0x1F570] =	vst v0;
	v0 =	vld [tilespmem:s13+$0x8460];
	_ =	sdelay $0x4  }
0x223: {  	[tilespmem:$0x1F580] =	vst v0;
	v0 =	vld [tilespmem:s13+$0x480];
	_ =	sdelay $0x4  }
0x224: {  	[tilespmem:$0x1F410] =	vst v0;
	v0 =	vld [tilespmem:s13+$0x8480];
	_ =	sdelay $0x4  }
0x225: {  	[tilespmem:$0x1F420] =	vst v0;
	v0 =	vld [tilespmem:s13+$0x330];
	_ =	sdelay $0x4  }
0x226: {  	[tilespmem:$0x1F620] =	vst v0;
	v0 =	vld [tilespmem:s13+$0x8330];
	_ =	sdelay $0x4  }
0x227: {  	[tilespmem:$0x1F630] =	vst v0;
	v0 =	vld [tilespmem:s13+$0x370];
	_ =	sdelay $0x4  }
0x228: {  	[tilespmem:$0x1F640] =	vst v0;
	v0 =	vld [tilespmem:s13+$0x8370];
	_ =	sdelay $0x4  }
0x229: {  	[tilespmem:$0x1F650] =	vst v0;
	v0 =	vld [tilespmem:s13+$0x3A0];
	_ =	sdelay $0x4  }
0x22a: {  	[tilespmem:$0x1F5A0] =	vst v0;
	v0 =	vld [tilespmem:s13+$0x83A0];
	_ =	sdelay $0x4  }
0x22b: {  	[tilespmem:$0x1F5B0] =	vst v0;
	v0 =	vld [tilespmem:s13+$0x3E0];
	_ =	sdelay $0x4  }
0x22c: {  	[tilespmem:$0x1F5C0] =	vst v0;
	v0 =	vld [tilespmem:s13+$0x83E0];
	_ =	sdelay $0x4  }
0x22d: {  	[tilespmem:$0x1F5D0] =	vst v0;
	v0 =	vld [tilespmem:s13+$0x400];
	_ =	sdelay $0x4  }
0x22e: {  	[tilespmem:$0x1F510] =	vst v0;
	v0 =	vld [tilespmem:s13+$0x8400];
	_ =	sdelay $0x4  }
0x22f: {  	[tilespmem:$0x1F520] =	vst v0;
	v0 =	vld [tilespmem:s13+$0x410];
	_ =	sdelay $0x4  }
0x230: {  	[tilespmem:$0x1F530] =	vst v0;
	v0 =	vld [tilespmem:s13+$0x8410];
	_ =	sdelay $0x4  }
0x231: {  	[tilespmem:$0x1F540] =	vst v0;
	v0 =	vld [tilespmem:s13+$0x440];
	_ =	sdelay $0x4  }
0x232: {  	[tilespmem:$0x1F550] =	vst v0;
	v0 =	vld [tilespmem:s13+$0x8440];
	_ =	sdelay $0x4  }
0x233: {  	[tilespmem:$0x1F560] =	vst v0;
	v0 =	vld [tilespmem:s13+$0x2B0];
	_ =	sdelay $0x4  }
0x234: {  	[tilespmem:$0x1F660] =	vst v0;
	v0 =	vld [tilespmem:s13+$0x82B0];
	_ =	sdelay $0x4  }
0x235: {  	[tilespmem:$0x1F670] =	vst v0;
	v0 =	vld [tilespmem:s13+$0x2F0];
	_ =	sdelay $0x4  }
0x236: {  	[tilespmem:$0x1F680] =	vst v0;
	v0 =	vld [tilespmem:s13+$0x82F0];
	_ =	sdelay $0x4  }
0x237: {  	[tilespmem:$0x1F690] =	vst v0;
	v0 =	vld [tilespmem:s13+$0x320];
	_ =	sdelay $0x4  }
0x238: {  	[tilespmem:$0x1F5E0] =	vst v0;
	v0 =	vld [tilespmem:s13+$0x8320];
	_ =	sdelay $0x4  }
0x239: {  	[tilespmem:$0x1F5F0] =	vst v0;
	v0 =	vld [tilespmem:s13+$0x360];
	_ =	sdelay $0x4  }
0x23a: {  	[tilespmem:$0x1F600] =	vst v0;
	v0 =	vld [tilespmem:s13+$0x8360];
	_ =	sdelay $0x4  }
0x23b: {  	[tilespmem:$0x1F610] =	vst v0;
	v0 =	vld [tilespmem:s13+$0x380];
	_ =	sdelay $0x4  }
0x23c: {  	[tilespmem:$0x1F590] =	vst v0;
	v0 =	vld [tilespmem:s13+$0x230];
	_ =	sdelay $0x4  }
0x23d: {  	[tilespmem:$0x1F6A0] =	vst v0;
	v0 =	vld [tilespmem:s13+$0x8230];
	_ =	sdelay $0x4  }
0x23e: {  	[tilespmem:$0x1F6B0] =	vst v0;
	v0 =	vld [tilespmem:s13+$0x2A0];
	_ =	sdelay $0x4  }
0x23f: {  	[tilespmem:$0x1F6C0] =	vst v0;
	v0 =	vld [tilespmem:s13+$0x82A0];
	_ =	sdelay $0x2  }
0x240: {  	v45 =	vld [tilespmem:s13+$0x790]  }
0x241: {  	v38 =	vld [tilespmem:s13+$0x8790]  }
0x242: {  	[tilespmem:$0x1F6D0] =	vst v0;
	v0 =	vld [tilespmem:s13+$0x2E0];
	_ =	sdelay $0x1  }
0x243: {  	v33 =	vld [tilespmem:s13+$0x7D0]  }
0x244: {  	v24 =	vld [tilespmem:s13+$0x87D0]  }
0x245: {  	v38 =	vmul.f32 v38, v45;
	v45 =	vld [tilespmem:$0x1F0A0]  }
0x246: {  	[tilespmem:$0x1F6E0] =	vst v0;
	v0 =	vld [tilespmem:$0x1F090]  }
0x247: {  	v49 =	vld [tilespmem:s13+$0x780]  }
0x248: {  	v46 =	vld [tilespmem:s13+$0x8780];
	_ =	sdelay $0x2  }
0x249: {  	v24 =	vmul.f32 v24, v33;
	v33 =	vmul.f32 v45, v0;
	v0 =	vld [tilespmem:s13+$0x82E0];
	_ =	sdelay $0x1  }
0x24a: {  	v41 =	vld [tilespmem:s13+$0x7C0];
	v46 =	vmul.f32 v46, v49  }
0x24b: {  	v34 =	vld [tilespmem:s13+$0x87C0]  }
0x24c: {  	v38 =	vadd.f32 v38, v46;
	v46 =	vld [tilespmem:$0x1F0C0]  }
0x24d: {  	[tilespmem:$0x1F6F0] =	vst v0;
	v0 =	vld [tilespmem:$0x1F0B0];
	_ =	sdelay $0x2  }
0x24e: {  	v34 =	vmul.f32 v34, v41  }
0x24f: {  	v49 =	vld [tilespmem:$0x1F0E0]  }
0x250: {  	v24 =	vadd.f32 v24, v34;
	v34 =	vmul.f32 v46, v0;
	v0 =	vld [tilespmem:$0x1F0D0];
	_ =	sdelay $0x2  }
0x251: {  	v44 =	vld [tilespmem:s13+$0x710]  }
0x252: {  	v33 =	vadd.f32 v33, v38;
	v38 =	vadd.f32 v34, v24;
	v24 =	vld [tilespmem:$0x1F100]  }
0x253: {  	v46 =	vmul.f32 v49, v0;
	v0 =	vld [tilespmem:$0x1F0F0]  }
0x254: {  	v43 =	vld [tilespmem:s13+$0x740]  }
0x255: {  	v61 =	vld [tilespmem:s13+$0x8740]  }
0x256: {  	v40 =	vld [tilespmem:s13+$0x8710];
	_ =	sdelay $0x1  }
0x257: {  	v35 =	vld [tilespmem:s13+$0x750];
	v49 =	vmul.f32 v24, v0  }
0x258: {  	v28 =	vld [tilespmem:s13+$0x8750]  }
0x259: {  	v43 =	vmul.f32 v61, v43;
	v61 =	vld [tilespmem:$0x1F110];
	v33 =	vadd.f32 v46, v33;
	v49 =	vadd.f32 v49, v38  }
0x25a: {  	v40 =	vmul.f32 v40, v44;
	v44 =	vld [tilespmem:$0x1F120]  }
0x25b: {  	v33 =	vadd.f32 v49, v33;
	v49 =	vld [tilespmem:s13+$0x1B0];
	_ =	sdelay $0x1  }
0x25c: {  	v50 =	vld [tilespmem:s13+$0x700]  }
0x25d: {  	v47 =	vld [tilespmem:s13+$0x8700]  }
0x25e: {  	v28 =	vmul.f32 v28, v35;
	v35 =	vmul.f32 v44, v61;
	v61 =	vld [tilespmem:$0x1F130]  }
0x25f: {  	[tilespmem:$0x1F700] =	vst v49;
	v49 =	vld [tilespmem:$0x1F140]  }
0x260: {  	v29 =	vld [tilespmem:s13+$0x680]  }
0x261: {  	v20 =	vld [tilespmem:s13+$0x8680]  }
0x262: {  	v11 =	vld [tilespmem:s13+$0x6D0]  }
0x263: {  	v44 =	vld [tilespmem:$0x1F150]  }
0x264: {  	v28 =	vadd.f32 v28, v43;
	v43 =	vmul.f32 v49, v61;
	v61 =	vld [tilespmem:$0x1F160]  }
0x265: {  	v8 =	vld [tilespmem:s13+$0x86D0]  }
0x266: {  	v19 =	vld [tilespmem:s13+$0x690]  }
0x267: {  	v13 =	vld [tilespmem:s13+$0x8690]  }
0x268: {  	v18 =	vld [tilespmem:s13+$0x6C0]  }
0x269: {  	v0 =	vmul.f32 v47, v50;
	v44 =	vmul.f32 v61, v44;
	v61 =	vld [tilespmem:s13+$0x81B0]  }
0x26a: {  	v8 =	vmul.f32 v8, v11;
	v11 =	vld [tilespmem:s13+$0x220]  }
0x26b: {  	v15 =	vld [tilespmem:s13+$0x86C0];
	v0 =	vadd.f32 v40, v0;
	_ =	sdelay $0x1  }
0x26c: {  	v20 =	vmul.f32 v20, v29;
	v13 =	vmul.f32 v13, v19;
	v0 =	vadd.f32 v35, v0;
	v35 =	vld [tilespmem:$0x1F170]  }
0x26d: {  	[tilespmem:$0x1F710] =	vst v61;
	v61 =	vld [tilespmem:$0x1F180]  }
0x26e: {  	[tilespmem:$0x1F740] =	vst v11;
	v11 =	vadd.f32 v13, v20;
	v13 =	vld [tilespmem:$0x1F190]  }
0x26f: {  	v15 =	vmul.f32 v15, v18;
	v18 =	vld [tilespmem:$0x1F1A0];
	_ =	sdelay $0x2  }
0x270: {  	v19 =	vadd.f32 v43, v28;
	v35 =	vmul.f32 v61, v35;
	_ =	sdelay $0x1  }
0x271: {  	v13 =	vmul.f32 v18, v13;
	v18 =	vadd.f32 v35, v19;
	v19 =	vld [tilespmem:s13+$0x8220];
	_ =	sdelay $0x3  }
0x272: {  	v8 =	vadd.f32 v8, v15;
	v15 =	vld [tilespmem:$0x1F1B0]  }
0x273: {  	[tilespmem:$0x1F750] =	vst v19;
	v19 =	vld [tilespmem:$0x1F1C0]  }
0x274: {  	v42 =	vld [tilespmem:s13+$0x600]  }
0x275: {  	v36 =	vld [tilespmem:s13+$0x8600]  }
0x276: {  	v27 =	vld [tilespmem:s13+$0x610];
	v0 =	vadd.f32 v44, v0  }
0x277: {  	v28 =	vld [tilespmem:s13+$0x81F0]  }
0x278: {  	v0 =	vadd.f32 v18, v0;
	v18 =	vld [tilespmem:$0x1F200];
	v15 =	vmul.f32 v19, v15  }
0x279: {  	v40 =	vperm.xlane v33, v56;
	v19 =	vld [tilespmem:s13+$0x260]  }
0x27a: {  	v8 =	vadd.f32 v15, v8;
	v15 =	vld [tilespmem:$0x1F1F0]  }
0x27b: {  	v23 =	vld [tilespmem:s13+$0x8610];
	v33 =	vadd.f32 v33, v40  }
0x27c: {  	v11 =	vadd.f32 v13, v11;
	v13 =	vld [tilespmem:$0x1F1D0]  }
0x27d: {  	v20 =	vperm.xlane v33, v1;
	[tilespmem:$0x1F730] =	vst v28;
	v28 =	vld [tilespmem:$0x1F220]  }
0x27e: {  	[tilespmem:$0x1F760] =	vst v19;
	v19 =	vld [tilespmem:$0x1F1E0]  }
0x27f: {  	v15 =	vmul.f32 v18, v15;
	v18 =	vadd.f32 v33, v20;
	v20 =	vld [tilespmem:$0x1F210]  }
0x280: {  	v26 =	vld [tilespmem:s13+$0x640]  }
0x281: {  	v22 =	vld [tilespmem:s13+$0x8640]  }
0x282: {  	v17 =	vld [tilespmem:s13+$0x650]  }
0x283: {  	v14 =	vld [tilespmem:s13+$0x8650];
	v13 =	vmul.f32 v19, v13  }
0x284: {  	v5 =	vld [tilespmem:s13+$0x5D0];
	v23 =	vmul.f32 v23, v27;
	v20 =	vmul.f32 v28, v20  }
0x285: {  	v4 =	vld [tilespmem:s13+$0x85D0];
	v11 =	vadd.f32 v13, v11;
	v13 =	vperm.xlane v0, v56;
	v28 =	vmul.f32 v36, v42  }
0x286: {  	v8 =	vadd.f32 v15, v8;
	v15 =	vld [tilespmem:$0x1F230]  }
0x287: {  	v0 =	vadd.f32 v0, v13;
	v13 =	vadd.f32 v23, v28;
	v23 =	vld [tilespmem:$0x1F240]  }
0x288: {  	v9 =	vld [tilespmem:s13+$0x590]  }
0x289: {  	v10 =	vld [tilespmem:s13+$0x5C0]  }
0x28a: {  	v4 =	vmul.f32 v4, v5;
	v5 =	vld [tilespmem:s13+$0x130]  }
0x28b: {  	v6 =	vld [tilespmem:s13+$0x85C0];
	v22 =	vmul.f32 v22, v26;
	v17 =	vmul.f32 v14, v17  }
0x28c: {  	v7 =	vld [tilespmem:s13+$0x8590];
	v8 =	vadd.f32 v8, v11;
	v23 =	vmul.f32 v23, v15  }
0x28d: {  	v11 =	vadd.f32 v17, v22;
	v17 =	vld [tilespmem:$0x1F250]  }
0x28e: {  	v22 =	vld [tilespmem:$0x1F260];
	v13 =	vadd.f32 v23, v13;
	v23 =	vperm.xlane v8, v56  }
0x28f: {  	[tilespmem:$0x1F770] =	vst v5;
	v5 =	vld [tilespmem:$0x1F290]  }
0x290: {  	v6 =	vmul.f32 v6, v10;
	v10 =	vadd.f32 v8, v23;
	v8 =	vld [tilespmem:$0x1F2A0];
	_ =	sdelay $0x2  }
0x291: {  	v17 =	vmul.f32 v22, v17;
	_ =	sdelay $0x1  }
0x292: {  	v7 =	vmul.f32 v7, v9;
	v9 =	vadd.f32 v17, v11;
	v11 =	vmul.f32 v8, v5;
	v5 =	vld [tilespmem:s13+$0x8130];
	_ =	sdelay $0x3  }
0x293: {  	v4 =	vadd.f32 v4, v6;
	v6 =	vld [tilespmem:$0x1F2C0]  }
0x294: {  	[tilespmem:$0x1F780] =	vst v5;
	v5 =	vld [tilespmem:$0x1F2B0]  }
0x295: {  	v16 =	vld [tilespmem:s13+$0x580]  }
0x296: {  	v12 =	vld [tilespmem:s13+$0x8580];
	_ =	sdelay $0x2  }
0x297: {  	v6 =	vmul.f32 v6, v5;
	v5 =	vld [tilespmem:s13+$0x170];
	_ =	sdelay $0x1  }
0x298: {  	v12 =	vmul.f32 v12, v16;
	_ =	sdelay $0x1  }
0x299: {  	v12 =	vadd.f32 v7, v12;
	v7 =	vld [tilespmem:$0x1F2E0]  }
0x29a: {  	[tilespmem:$0x1F7B0] =	vst v5;
	v5 =	vld [tilespmem:$0x1F2D0];
	_ =	sdelay $0x4  }
0x29b: {  	v17 =	vmul.f32 v7, v5;
	v5 =	vld [tilespmem:s13+$0x1A0];
	_ =	sdelay $0x3  }
0x29c: {  	v6 =	vadd.f32 v6, v4;
	v4 =	vld [tilespmem:$0x1F2F0]  }
0x29d: {  	[tilespmem:$0x1F790] =	vst v5;
	v5 =	vld [tilespmem:$0x1F300];
	_ =	sdelay $0x4  }
0x29e: {  	v11 =	vadd.f32 v11, v12;
	v12 =	vmul.f32 v5, v4;
	v4 =	vld [tilespmem:s13+$0x81A0];
	_ =	sdelay $0x4  }
0x29f: {  	[tilespmem:$0x1F7A0] =	vst v4;
	v4 =	vld [tilespmem:s13+$0x1E0]  }
0x2a0: {  	v26 =	vld [tilespmem:$0x1F280]  }
0x2a1: {  	v22 =	vld [tilespmem:$0x1F270];
	_ =	sdelay $0x2  }
0x2a2: {  	[tilespmem:$0x1F7C0] =	vst v4;
	v4 =	vld [tilespmem:s13+$0x81E0];
	_ =	sdelay $0x1  }
0x2a3: {  	v22 =	vmul.f32 v26, v22;
	_ =	sdelay $0x1  }
0x2a4: {  	v13 =	vadd.f32 v20, v13;
	v9 =	vadd.f32 v22, v9;
	v5 =	vld [tilespmem:$0x1F320]  }
0x2a5: {  	[tilespmem:$0x1F7D0] =	vst v4;
	v4 =	vld [tilespmem:$0x1F310]  }
0x2a6: {  	v9 =	vadd.f32 v9, v13;
	_ =	sdelay $0x1  }
0x2a7: {  	v20 =	vperm.xlane v9, v56  }
0x2a8: {  	v26 =	vperm.xlane v0, v1  }
0x2a9: {  	v9 =	vadd.f32 v9, v20;
	v20 =	vmul.f32 v5, v4;
	v4 =	vld [tilespmem:$0x1F330]  }
0x2aa: {  	v0 =	vadd.f32 v0, v26;
	v5 =	vld [tilespmem:$0x1F340]  }
0x2ab: {  	v13 =	vperm.xlane v10, v1  }
0x2ac: {  	v11 =	vadd.f32 v17, v11;
	v17 =	vperm.xlane v0, v2  }
0x2ad: {  	v10 =	vadd.f32 v10, v13;
	v13 =	vperm.xlane v18, v2  }
0x2ae: {  	v27 =	vadd.f32 v0, v17;
	v0 =	vld [tilespmem:$0x1F350]  }
0x2af: {  	v8 =	vadd.f32 v18, v13;
	v13 =	vmul.f32 v5, v4;
	v5 =	vld [tilespmem:$0x1F360];
	_ =	sdelay $0x3  }
0x2b0: {  	v60 =	vld [tilespmem:s13+$0x8510]  }
0x2b1: {  	v0 =	vmul.f32 v5, v0;
	v5 =	vld [tilespmem:$0x1F370];
	_ =	sdelay $0x1  }
0x2b2: {  	v55 =	vld [tilespmem:s13+$0x8540]  }
0x2b3: {  	v7 =	vld [tilespmem:$0x1F3A0]  }
0x2b4: {  	v12 =	vadd.f32 v12, v6;
	v6 =	vld [tilespmem:$0x1F390]  }
0x2b5: {  	v17 =	vmul.f32 v60, v5;
	v5 =	vld [tilespmem:$0x1F380];
	_ =	sdelay $0x1  }
0x2b6: {  	v22 =	vperm.xlane v9, v1  }
0x2b7: {  	v30 =	vld [tilespmem:s13+$0x550];
	v11 =	vadd.f32 v12, v11;
	v12 =	vperm.xlane v10, v2  }
0x2b8: {  	v53 =	vld [tilespmem:s13+$0x8550];
	v9 =	vadd.f32 v9, v22  }
0x2b9: {  	v22 =	vmul.f32 v55, v5;
	v5 =	vadd.f32 v10, v12;
	v10 =	vmul.f32 v7, v6;
	v6 =	vld [tilespmem:$0x1F3B0]  }
0x2ba: {  	v0 =	vadd.f32 v17, v0;
	v12 =	vperm.xlane v9, v2;
	v7 =	vld [tilespmem:$0x1F3C0];
	_ =	sdelay $0x1  }
0x2bb: {  	v10 =	vadd.f32 v10, v0;
	v0 =	vadd.f32 v9, v12  }
0x2bc: {  	v23 =	vmul.f32 v53, v30  }
0x2bd: {  	[tilespmem:$0x1FA70] =	vst v0;
	v0 =	vld [tilespmem:s13+$0x30]  }
0x2be: {  	v17 =	vadd.f32 v23, v22;
	v22 =	vmul.f32 v7, v6;
	v6 =	vld [tilespmem:$0x1F3D0]  }
0x2bf: {  	v7 =	vld [tilespmem:$0x1F3E0];
	_ =	sdelay $0x2  }
0x2c0: {  	v18 =	vperm.xlane v11, v56  }
0x2c1: {  	[tilespmem:$0x1F7E0] =	vst v0;
	v0 =	vld [tilespmem:$0x1F3F0]  }
0x2c2: {  	v11 =	vadd.f32 v11, v18;
	v18 =	vmul.f32 v7, v6;
	v6 =	vld [tilespmem:$0x1F400];
	_ =	sdelay $0x3  }
0x2c3: {  	v7 =	vld [tilespmem:$0x1F420]  }
0x2c4: {  	v9 =	vmul.f32 v6, v0;
	v0 =	vld [tilespmem:$0x1F410];
	_ =	sdelay $0x4  }
0x2c5: {  	v12 =	vadd.f32 v22, v17;
	v22 =	vmul.f32 v7, v0;
	v0 =	vld [tilespmem:s13+$0x70];
	_ =	sdelay $0x1  }
0x2c6: {  	v59 =	vld [tilespmem:s13+$0x490]  }
0x2c7: {  	v57 =	vld [tilespmem:s13+$0x8490]  }
0x2c8: {  	v20 =	vadd.f32 v20, v10;
	v10 =	vld [tilespmem:$0x1F440]  }
0x2c9: {  	[tilespmem:$0x1F7F0] =	vst v0;
	v0 =	vld [tilespmem:$0x1F430];
	_ =	sdelay $0x2  }
0x2ca: {  	v58 =	vld [tilespmem:s13+$0x4C0];
	v23 =	vmul.f32 v57, v59  }
0x2cb: {  	v51 =	vld [tilespmem:s13+$0x84C0]  }
0x2cc: {  	v12 =	vadd.f32 v13, v12;
	v13 =	vadd.f32 v23, v22;
	v22 =	vmul.f32 v10, v0;
	v10 =	vld [tilespmem:s13+$0xB0]  }
0x2cd: {  	v52 =	vld [tilespmem:s13+$0x4D0]  }
0x2ce: {  	v63 =	vld [tilespmem:s13+$0x84D0];
	v17 =	vperm.xlane v11, v1  }
0x2cf: {  	v62 =	vld [tilespmem:s13+$0x450]  }
0x2d0: {  	v0 =	vadd.f32 v11, v17;
	v11 =	vld [tilespmem:$0x1F460]  }
0x2d1: {  	[tilespmem:$0x1FB60] =	vst v10;
	v10 =	vld [tilespmem:$0x1F450]  }
0x2d2: {  	v54 =	vld [tilespmem:s13+$0x8450]  }
0x2d3: {  	v48 =	vld [tilespmem:s13+$0x8380]  }
0x2d4: {  	v37 =	vld [tilespmem:s13+$0x390]  }
0x2d5: {  	v32 =	vld [tilespmem:s13+$0x8390]  }
0x2d6: {  	v23 =	vmul.f32 v11, v10;
	v10 =	vld [tilespmem:s13+$0x80B0]  }
0x2d7: {  	v39 =	vld [tilespmem:s13+$0x3C0]  }
0x2d8: {  	v31 =	vld [tilespmem:s13+$0x83C0]  }
0x2d9: {  	v25 =	vld [tilespmem:s13+$0x3D0]  }
0x2da: {  	v11 =	vld [tilespmem:$0x1F480]  }
0x2db: {  	[tilespmem:$0x1FBB0] =	vst v10;
	v10 =	vld [tilespmem:$0x1F470]  }
0x2dc: {  	v21 =	vld [tilespmem:s13+$0x83D0]  }
0x2dd: {  	v41 =	vld [tilespmem:s13+$0x8300]  }
0x2de: {  	v14 =	vld [tilespmem:s13+$0x8290]  }
0x2df: {  	v16 =	vld [tilespmem:s13+$0x82D0]  }
0x2e0: {  	v12 =	vadd.f32 v12, v20;
	v20 =	vmul.f32 v11, v10;
	v10 =	vld [tilespmem:$0x1F490]  }
0x2e1: {  	v11 =	vld [tilespmem:$0x1F4A0]  }
0x2e2: {  	v29 =	vld [tilespmem:s13+$0x8120]  }
0x2e3: {  	v21 =	vmul.f32 v21, v25;
	v25 =	vld [tilespmem:s13+$0x8190]  }
0x2e4: {  	v32 =	vmul.f32 v32, v37;
	v37 =	vld [tilespmem:s13+$0x8150]  }
0x2e5: {  	v58 =	vmul.f32 v51, v58;
	v51 =	vld [tilespmem:$0x1F620]  }
0x2e6: {  	v42 =	vmul.f32 v11, v10;
	v10 =	vld [tilespmem:$0x1F4B0]  }
0x2e7: {  	v52 =	vmul.f32 v63, v52;
	v11 =	vld [tilespmem:$0x1F4C0]  }
0x2e8: {  	v45 =	vld [tilespmem:s13+$0x300]  }
0x2e9: {  	v34 =	vld [tilespmem:s13+$0x310];
	v17 =	vadd.f32 v52, v58  }
0x2ea: {  	v46 =	vld [tilespmem:s13+$0x340]  }
0x2eb: {  	v17 =	vadd.f32 v23, v17;
	v23 =	vld [tilespmem:$0x1F4E0]  }
0x2ec: {  	v10 =	vmul.f32 v11, v10;
	v11 =	vld [tilespmem:$0x1F4D0]  }
0x2ed: {  	v24 =	vld [tilespmem:s13+$0x8310]  }
0x2ee: {  	v47 =	vld [tilespmem:s13+$0x350]  }
0x2ef: {  	v50 =	vld [tilespmem:s13+$0x8350]  }
0x2f0: {  	v30 =	vld [tilespmem:$0x1F500]  }
0x2f1: {  	v11 =	vmul.f32 v23, v11;
	v23 =	vld [tilespmem:$0x1F4F0]  }
0x2f2: {  	v38 =	vld [tilespmem:s13+$0x8340]  }
0x2f3: {  	v24 =	vmul.f32 v24, v34;
	v34 =	vld [tilespmem:s13+$0x8110];
	v13 =	vadd.f32 v22, v13  }
0x2f4: {  	v40 =	vld [tilespmem:s13+$0x8250]  }
0x2f5: {  	v13 =	vadd.f32 v18, v13;
	v18 =	vld [tilespmem:$0x1F510]  }
0x2f6: {  	v23 =	vmul.f32 v30, v23;
	v30 =	vld [tilespmem:$0x1F520]  }
0x2f7: {  	v49 =	vld [tilespmem:s13+$0x1F0]  }
0x2f8: {  	v44 =	vld [tilespmem:s13+$0x2D0]  }
0x2f9: {  	v43 =	vld [tilespmem:s13+$0x250]  }
0x2fa: {  	v59 =	vld [tilespmem:$0x1F540]  }
0x2fb: {  	v18 =	vmul.f32 v30, v18;
	v30 =	vld [tilespmem:$0x1F530]  }
0x2fc: {  	[tilespmem:$0x1F720] =	vst v49;
	v49 =	vld [tilespmem:s13+$0x280]  }
0x2fd: {  	v16 =	vmul.f32 v16, v44;
	v44 =	vld [tilespmem:s13+$0x10]  }
0x2fe: {  	v61 =	vld [tilespmem:s13+$0x210]  }
0x2ff: {  	v9 =	vadd.f32 v9, v17;
	v17 =	vld [tilespmem:$0x1F550]  }
0x300: {  	v63 =	vmul.f32 v59, v30;
	v30 =	vld [tilespmem:$0x1F560]  }
0x301: {  	v35 =	vld [tilespmem:s13+$0x8280]  }
0x302: {  	v33 =	vld [tilespmem:s13+$0x290];
	v22 =	vperm.xlane v12, v56  }
0x303: {  	v19 =	vld [tilespmem:s13+$0x8260]  }
0x304: {  	v12 =	vadd.f32 v12, v22;
	v22 =	vld [tilespmem:$0x1F570]  }
0x305: {  	v18 =	vadd.f32 v63, v18;
	v17 =	vmul.f32 v30, v17;
	v30 =	vmul.f32 v54, v62;
	v62 =	vld [tilespmem:$0x1F580]  }
0x306: {  	v9 =	vadd.f32 v9, v13;
	v13 =	vld [tilespmem:$0x1F590]  }
0x307: {  	v18 =	vadd.f32 v23, v18;
	v23 =	vld [tilespmem:$0x1F5A0]  }
0x308: {  	v17 =	vadd.f32 v30, v17;
	v30 =	vmul.f32 v31, v39;
	v31 =	vld [tilespmem:$0x1F5B0]  }
0x309: {  	v36 =	vld [tilespmem:s13+$0x82C0]  }
0x30a: {  	v28 =	vld [tilespmem:s13+$0x8200];
	v22 =	vmul.f32 v62, v22  }
0x30b: {  	v4 =	vld [tilespmem:s13+$0x8210];
	v13 =	vmul.f32 v48, v13  }
0x30c: {  	v21 =	vadd.f32 v21, v30;
	v30 =	vld [tilespmem:$0x1F5D0];
	v17 =	vadd.f32 v22, v17  }
0x30d: {  	v13 =	vadd.f32 v32, v13;
	v31 =	vmul.f32 v31, v23;
	v23 =	vld [tilespmem:$0x1F5C0]  }
0x30e: {  	v18 =	vadd.f32 v20, v18;
	v17 =	vadd.f32 v42, v17;
	v42 =	vmul.f32 v50, v47;
	v47 =	vld [tilespmem:$0x1F5F0]  }
0x30f: {  	v63 =	vmul.f32 v41, v45;
	v13 =	vadd.f32 v31, v13;
	v50 =	vld [tilespmem:$0x1F610]  }
0x310: {  	v18 =	vadd.f32 v17, v18;
	v17 =	vld [tilespmem:$0x1F5E0]  }
0x311: {  	v10 =	vadd.f32 v10, v13;
	v13 =	vadd.f32 v24, v63;
	v24 =	vld [tilespmem:$0x1F600]  }
0x312: {  	v15 =	vld [tilespmem:s13+$0x2C0];
	v30 =	vmul.f32 v30, v23  }
0x313: {  	v53 =	vld [tilespmem:$0x1F630]  }
0x314: {  	v26 =	vld [tilespmem:s13+$0x200];
	v41 =	vmul.f32 v38, v46;
	v21 =	vadd.f32 v30, v21  }
0x315: {  	v4 =	vmul.f32 v4, v61;
	v61 =	vld [tilespmem:s13+$0x8040];
	v17 =	vmul.f32 v47, v17  }
0x316: {  	v60 =	vld [tilespmem:s13+$0x240];
	v11 =	vadd.f32 v11, v21;
	v21 =	vadd.f32 v42, v41;
	v24 =	vmul.f32 v50, v24  }
0x317: {  	v13 =	vadd.f32 v17, v13;
	v17 =	vld [tilespmem:$0x1F640]  }
0x318: {  	v21 =	vadd.f32 v24, v21;
	v24 =	vld [tilespmem:$0x1F650]  }
0x319: {  	[tilespmem:$0x1FA00] =	vst v5;
	v5 =	vld [tilespmem:s13+$0x8240]  }
0x31a: {  	v6 =	vld [tilespmem:s13+$0x8030]  }
0x31b: {  	v7 =	vld [tilespmem:s13+$0x8070]  }
0x31c: {  	v52 =	vld [tilespmem:s13+$0x120]  }
0x31d: {  	v58 =	vld [tilespmem:s13+$0x160];
	v32 =	vmul.f32 v53, v51;
	v24 =	vmul.f32 v24, v17  }
0x31e: {  	v48 =	vld [tilespmem:s13+$0x190];
	v10 =	vadd.f32 v11, v10  }
0x31f: {  	v53 =	vld [tilespmem:s13+$0x8060];
	v13 =	vadd.f32 v32, v13;
	v24 =	vadd.f32 v24, v21  }
0x320: {  	v59 =	vld [tilespmem:s13+$0x8160];
	v31 =	vperm.xlane v9, v56  }
0x321: {  	v45 =	vld [tilespmem:s13+$0x20];
	v11 =	vperm.xlane v18, v56;
	v55 =	vperm.xlane v10, v56;
	v13 =	vadd.f32 v24, v13  }
0x322: {  	v46 =	vld [tilespmem:s13+$0x8020];
	v9 =	vadd.f32 v9, v31;
	v63 =	vperm.xlane v12, v1  }
0x323: {  	v38 =	vld [tilespmem:s13+$0x140];
	v11 =	vadd.f32 v18, v11;
	v10 =	vadd.f32 v10, v55;
	v55 =	vperm.xlane v13, v56  }
0x324: {  	v12 =	vadd.f32 v12, v63;
	v63 =	vld [tilespmem:$0x1F690]  }
0x325: {  	v57 =	vperm.xlane v9, v1;
	v24 =	vperm.xlane v11, v1;
	v55 =	vadd.f32 v13, v55;
	v13 =	vld [tilespmem:$0x1F680]  }
0x326: {  	v54 =	vld [tilespmem:s13+$0x180]  }
0x327: {  	v42 =	vadd.f32 v9, v57;
	v57 =	vld [tilespmem:$0x1F670];
	v11 =	vadd.f32 v11, v24;
	v24 =	vperm.xlane v12, v2  }
0x328: {  	v56 =	vld [tilespmem:$0x1F660]  }
0x329: {  	v47 =	vperm.xlane v0, v2;
	v51 =	vperm.xlane v10, v1;
	v12 =	vadd.f32 v12, v24;
	v24 =	vld [tilespmem:$0x1F6B0]  }
0x32a: {  	v63 =	vmul.f32 v63, v13;
	v13 =	vld [tilespmem:$0x1F6A0]  }
0x32b: {  	v20 =	vld [tilespmem:s13+$0x1D0];
	v9 =	vadd.f32 v0, v47;
	v0 =	vadd.f32 v10, v51  }
0x32c: {  	v33 =	vmul.f32 v14, v33;
	v39 =	vld [tilespmem:s13+$0x8140]  }
0x32d: {  	v62 =	vld [tilespmem:s13+$0x8180];
	v10 =	vperm.xlane v42, v2;
	v51 =	vperm.xlane v0, v2  }
0x32e: {  	v22 =	vld [tilespmem:s13+$0x1C0];
	v47 =	vperm.xlane v11, v2;
	v57 =	vmul.f32 v57, v56  }
0x32f: {  	v23 =	vld [tilespmem:s13+$0x81C0];
	v56 =	vmul.f32 v24, v13;
	v13 =	vadd.f32 v42, v10;
	v10 =	vmul.f32 v35, v49  }
0x330: {  	v14 =	vadd.f32 v11, v47;
	v11 =	vmul.f32 v36, v15;
	v36 =	vld [tilespmem:$0x1F6D0]  }
0x331: {  	v15 =	vadd.f32 v0, v51;
	v0 =	vadd.f32 v33, v10;
	v10 =	vld [tilespmem:$0x1F6C0]  }
0x332: {  	v31 =	vld [tilespmem:s13+$0x110]  }
0x333: {  	v30 =	vld [tilespmem:s13+$0x81D0]  }
0x334: {  	v50 =	vld [tilespmem:s13+$0x60]  }
0x335: {  	v41 =	vld [tilespmem:s13+$0x150];
	v24 =	vperm.xlane v55, v1  }
0x336: {  	v22 =	vmul.f32 v23, v22;
	v23 =	vld [tilespmem:s13+$0x8090];
	v10 =	vmul.f32 v36, v10  }
0x337: {  	v11 =	vadd.f32 v16, v11;
	v16 =	vadd.f32 v55, v24;
	v24 =	vmul.f32 v28, v26;
	v26 =	vld [tilespmem:$0x1F730]  }
0x338: {  	v0 =	vadd.f32 v10, v0;
	v10 =	vld [tilespmem:$0x1F720]  }
0x339: {  	v18 =	vld [tilespmem:s13+$0x80A0]  }
0x33a: {  	v51 =	vld [tilespmem:$0x1F6F0]  }
0x33b: {  	v49 =	vld [tilespmem:$0x1F6E0]  }
0x33c: {  	v28 =	vld [tilespmem:$0x1F750]  }
0x33d: {  	v26 =	vmul.f32 v26, v10;
	v10 =	vld [tilespmem:$0x1F740]  }
0x33e: {  	v4 =	vadd.f32 v4, v24;
	v24 =	vld [tilespmem:$0x1F760]  }
0x33f: {  	v32 =	vld [tilespmem:s13+$0x100]  }
0x340: {  	v17 =	vld [tilespmem:s13+$0xA0]  }
0x341: {  	v21 =	vld [tilespmem:s13+$0x8100]  }
0x342: {  	v47 =	vld [tilespmem:s13+$0x0];
	v10 =	vmul.f32 v28, v10  }
0x343: {  	v42 =	vld [tilespmem:s13+$0x8000];
	v33 =	vmul.f32 v51, v49;
	v51 =	vmul.f32 v19, v24;
	v19 =	vadd.f32 v57, v0  }
0x344: {  	v35 =	vld [tilespmem:$0x1F700];
	v0 =	vmul.f32 v5, v60;
	v5 =	vmul.f32 v40, v43;
	v4 =	vadd.f32 v10, v4  }
0x345: {  	v25 =	vmul.f32 v25, v48;
	v49 =	vld [tilespmem:$0x1F710];
	v10 =	vmul.f32 v62, v54  }
0x346: {  	v0 =	vadd.f32 v5, v0;
	v5 =	vadd.f32 v56, v4;
	v4 =	vld [tilespmem:$0x1F7C0]  }
0x347: {  	v11 =	vadd.f32 v33, v11;
	v10 =	vadd.f32 v25, v10;
	v25 =	vld [tilespmem:$0x1F7D0]  }
0x348: {  	v36 =	vld [tilespmem:s13+$0x8010]  }
0x349: {  	v24 =	vadd.f32 v63, v11;
	v11 =	vld [tilespmem:$0x1F780]  }
0x34a: {  	v57 =	vmov v8;
	v8 =	vld [tilespmem:$0x1F770]  }
0x34b: {  	v33 =	vld [tilespmem:s13+$0x8050]  }
0x34c: {  	v20 =	vmul.f32 v30, v20;
	v30 =	vmul.f32 v25, v4;
	v4 =	vadd.f32 v51, v0;
	v0 =	vld [tilespmem:$0x1F7E0]  }
0x34d: {  	v63 =	vmov v27;
	v27 =	vld [tilespmem:$0x1F7A0]  }
0x34e: {  	v35 =	vmul.f32 v49, v35;
	v49 =	vld [tilespmem:s13+$0x40]  }
0x34f: {  	v8 =	vmul.f32 v11, v8;
	v11 =	vld [tilespmem:$0x1F790]  }
0x350: {  	v60 =	vld [tilespmem:s13+$0x80]  }
0x351: {  	v6 =	vmul.f32 v6, v0;
	v0 =	vld [tilespmem:$0x1F7F0]  }
0x352: {  	v40 =	vld [tilespmem:s13+$0x80C0]  }
0x353: {  	p0 =	sne.s32 s15, $0x7;
	v28 =	vld [tilespmem:s13+$0x50]  }
.Ltmp0:
0x354: {  	v11 =	vmul.f32 v27, v11;
	v27 =	vld [tilespmem:s13+$0x8080];
	(pc) =	sbr.rel @p0 .LBB2_2-.Ltmp0, $4  }
0x355: {  	v54 =	vld [tilespmem:s13+$0x90]  }
0x356: {  	v56 =	vld [tilespmem:$0x1F7B0];
	v7 =	vmul.f32 v7, v0;
	v0 =	vadd.f32 v20, v22  }
0x357: {  	v43 =	vmul.f32 v29, v52;
	v29 =	vmul.f32 v59, v58;
	v48 =	vadd.f32 v11, v10;
	v25 =	vld [tilespmem:s13+$0xC0]  }
0x358: {  	s14 =	smov.u32 s15;
	s15 =	sadd.s32 $0x1, s15;
	v20 =	vmul.f32 v46, v45;
	v22 =	vmul.f32 v53, v50;
	v45 =	vld [tilespmem:s13+$0xD0];
	v46 =	vadd.f32 v30, v0  }
0x359: {  	v0 =	vld [tilespmem:s13+$0x80D0]  }
0x35a: {  	v10 =	vmul.f32 v21, v32;
	v30 =	vld [tilespmem:s13+$0xE0]  }
0x35b: {  	v11 =	vmul.f32 v34, v31;
	v62 =	vmul.f32 v39, v38;
	v50 =	vld [tilespmem:s13+$0x80E0]  }
0x35c: {  	v41 =	vmul.f32 v37, v41;
	v47 =	vmul.f32 v42, v47;
	v52 =	vld [tilespmem:s13+$0xF0]  }
0x35d: {  	v21 =	vadd.f32 v35, v48;
	v48 =	vmul.f32 v36, v44;
	v27 =	vmul.f32 v27, v60;
	v60 =	vld [tilespmem:$0x1FB60]  }
0x35e: {  	v51 =	vmul.f32 v61, v49;
	v28 =	vmul.f32 v33, v28;
	v61 =	vld [tilespmem:$0x1FBB0]  }
0x35f: {  	v23 =	vmul.f32 v23, v54;
	v54 =	vld [tilespmem:s13+$0x8170];
	v10 =	vadd.f32 v11, v10;
	v31 =	vadd.f32 v41, v62  }
0x360: {  	v53 =	vld [tilespmem:s13+$0x80F0];
	v34 =	vadd.f32 v48, v47;
	v11 =	vadd.f32 v28, v51;
	v25 =	vmul.f32 v40, v25  }
0x361: {  	v23 =	vadd.f32 v23, v27;
	v10 =	vadd.f32 v43, v10;
	v0 =	vmul.f32 v0, v45  }
0x362: {  	v17 =	vmul.f32 v18, v17;
	v55 =	vld [tilespmem:s13+$0x270];
	v29 =	vadd.f32 v29, v31;
	v20 =	vadd.f32 v20, v34  }
0x363: {  	v59 =	vld [tilespmem:s13+$0x8270];
	v11 =	vadd.f32 v22, v11;
	v58 =	vmul.f32 v50, v30;
	v0 =	vadd.f32 v0, v25  }
0x364: {  	v22 =	vmul.f32 v61, v60;
	v6 =	vadd.f32 v6, v20;
	v20 =	vmul.f32 v54, v56  }
0x365: {  	v17 =	vadd.f32 v17, v23;
	v62 =	vmul.f32 v53, v52;
	v0 =	vadd.f32 v58, v0  }
0x366: {  	v7 =	vadd.f32 v7, v11;
	v23 =	vadd.f32 v20, v29;
	v29 =	vld [tilespmem:$0x1FFF0]  }
0x367: {  	v17 =	vadd.f32 v22, v17;
	v0 =	vadd.f32 v62, v0  }
0x368: {  	v26 =	vadd.f32 v26, v46;
	v8 =	vadd.f32 v8, v10;
	v25 =	vmul.f32 v59, v55  }
0x369: {  	v6 =	vadd.f32 v7, v6;
	v0 =	vadd.f32 v0, v17  }
0x36a: {  	v28 =	vperm.xlane v16, v2;
	v4 =	vadd.f32 v25, v4;
	v27 =	vadd.f32 v23, v8  }
0x36b: {  	v32 =	vadd.f32 v26, v21;
	v30 =	vperm.xlane v6, v29;
	v31 =	vperm.xlane v0, v29  }
0x36c: {  	v4 =	vadd.f32 v4, v5;
	v5 =	vadd.f32 v24, v19;
	v33 =	vperm.xlane v27, v29  }
0x36d: {  	v34 =	vperm.xlane v32, v29;
	v6 =	vadd.f32 v6, v30;
	v0 =	vadd.f32 v0, v31  }
0x36e: {  	v35 =	vperm.xlane v4, v29;
	v36 =	vperm.xlane v5, v29;
	v7 =	vadd.f32 v27, v33  }
0x36f: {  	v10 =	vadd.f32 v32, v34;
	v37 =	vperm.xlane v6, v1;
	v38 =	vperm.xlane v0, v1  }
0x370: {  	v4 =	vadd.f32 v4, v35;
	v5 =	vadd.f32 v5, v36;
	v39 =	vperm.xlane v7, v1  }
0x371: {  	v40 =	vperm.xlane v10, v1;
	v6 =	vadd.f32 v6, v37;
	v0 =	vadd.f32 v0, v38  }
0x372: {  	v41 =	vperm.xlane v4, v1;
	v18 =	vperm.xlane v5, v1;
	v7 =	vadd.f32 v7, v39  }
0x373: {  	v10 =	vadd.f32 v10, v40;
	v19 =	vperm.xlane v6, v2;
	v20 =	vperm.xlane v0, v2  }
0x374: {  	v4 =	vadd.f32 v4, v41;
	v5 =	vadd.f32 v5, v18;
	v42 =	vperm.xlane v7, v2  }
0x375: {  	v43 =	vperm.xlane v10, v2;
	v6 =	vadd.f32 v6, v19;
	v0 =	vadd.f32 v0, v20  }
0x376: {  	v44 =	vperm.xlane v4, v2;
	v18 =	vperm.xlane v5, v2;
	v7 =	vadd.f32 v7, v42  }
0x377: {  	v10 =	vadd.f32 v10, v43;
	v19 =	vperm.xlane v6, v3;
	v20 =	vperm.xlane v0, v3  }
0x378: {  	v4 =	vadd.f32 v4, v44;
	v5 =	vadd.f32 v5, v18;
	v45 =	vperm.xlane v7, v3  }
0x379: {  	v46 =	vperm.xlane v10, v3;
	v6 =	vadd.f32 v6, v19;
	v0 =	vadd.f32 v0, v20  }
0x37a: {  	v8 =	vadd.f32 v16, v28;
	v47 =	vperm.xlane v4, v3;
	v7 =	vadd.f32 v7, v45  }
0x37b: {  	v49 =	vperm.xlane v5, v3;
	v48 =	vadd.f32 v10, v46;
	v0 =	vsel vm0, v6, v0  }
0x37c: {  	v50 =	vperm.xlane v8, v3;
	v4 =	vadd.f32 v4, v47;
	v0 =	vsel vm1, v0, v7  }
0x37d: {  	v51 =	vperm.xlane v15, v3;
	v56 =	vld [tilespmem:$0x1FA70];
	v5 =	vadd.f32 v5, v49;
	v0 =	vsel vm2, v0, v48  }
0x37e: {  	v52 =	vperm.xlane v14, v3;
	v59 =	vld [tilespmem:$0x1FA00];
	v0 =	vsel vm3, v0, v4;
	v4 =	vadd.f32 v8, v50  }
0x37f: {  	v53 =	vperm.xlane v13, v3;
	v0 =	vsel vm4, v0, v5;
	v5 =	vadd.f32 v15, v51  }
0x380: {  	v54 =	vperm.xlane v12, v3;
	v0 =	vsel vm5, v0, v4;
	v4 =	vadd.f32 v14, v52  }
0x381: {  	v55 =	vperm.xlane v9, v3;
	v0 =	vsel vm6, v0, v5;
	v5 =	vadd.f32 v13, v53  }
0x382: {  	v58 =	vperm.xlane v56, v3;
	v0 =	vsel vm7, v0, v4;
	v4 =	vadd.f32 v12, v54  }
0x383: {  	v60 =	vperm.xlane v59, v3;
	v0 =	vsel vm8, v0, v5;
	v5 =	vadd.f32 v9, v55  }
0x384: {  	v61 =	vperm.xlane v63, v3;
	v0 =	vsel vm9, v0, v4;
	v4 =	vadd.f32 v56, v58  }
0x385: {  	v62 =	vperm.xlane v57, v3;
	v0 =	vsel vm10, v0, v5;
	v5 =	vadd.f32 v59, v60  }
0x386: {  	v0 =	vsel vm11, v0, v4;
	v4 =	vadd.f32 v63, v61  }
0x387: {  	v0 =	vsel vm12, v0, v5;
	v5 =	vadd.f32 v57, v62  }
0x388: {  	v0 =	vsel vm13, v0, v4  }
0x389: {  	v0 =	vsel vm14, v0, v5  }
0x38a: {  	v0 =	vsub.f32 $0.0e+00, v0;
	_ =	sdelay $0x1  }
0x38b: {  	v0 =	vmul.f32 $1.442695020e+00, v0;
	_ =	sdelay $0x1  }
0x38c: {  	(erf) = vpow2.f32 v0;
	_ =	sdelay $0x8  }
0x38d: {  	v0 =	vpop (erf)  }
0x38e: {  	v0 =	vadd.f32 $1.000000000e+00, v0;
	_ =	sdelay $0x1  }
0x38f: {  	(erf) = vrcp.f32 v0;
	_ =	sdelay $0x7  }
0x390: {  	s31 =	sshll.u32 s14, $0x4;
	s12 =	sadd.s32 $0x1, s12  }
0x391: {  	s13 =	sand.u32 $0x3FFFFFF0, s31;
	p0 =	sne.s32 s12, s6;
	v0 =	vpop (erf)  }
.Ltmp1:
0x392: {  	[tilespmem:s13+$0x10000] =	vst v0;
	(pc) =	sbr.rel @p0 .LBB2_1-.Ltmp1, $4  }
0x393: {  	[hbm4b:s5+s2] =	stream.linear.scatter [tilespmem:s10], [sflag:$0x3], $0x80, $0x38;
	[tilespmem:$0x10080] =	vst v63  }
0x394: {  	_ =	swait.ge [sflag:s11], $0x80  }
0x395: {  	[sflag:s11] =	ssyncset.done $0x0  }
0x396: {  	[sflag:s11] =	ssyncadd.s32 $0xFFFFFF80  }
0x397: {  	_ =	sfence.sel $0x180000  }
0x398: {  	[bflag:$0x0] =	sbarrier.arrive $0xFFFF  }
0x399: {  	p0 =	sne.s32 s1, $0x0;
	_ =	strace $0x90000047  }
0x39a: {  	s0 =	sadd.s32 @!p0 $0x100000, s0;
	[bflag:$0x2] =	sbarrier.arrive $0xFFFF  }
0x39b: {  	[sflag:s0] =	ssyncadd.tile.s32 @!p0 $0x1;
	_ =	shalt  }
.Lfunc_end2:
_tile_overlayer_lowered:
.L_overlay_start_2:
0x39c: {  	(tag) =	ssettag $0x2  }
0x39d: {  	s0 =	rddreg [dreg:$0x0];
	s2 =	stileid.u32  }
0x39e: {  	s1 =	rddreg [dreg:$0x1];
	p0 =	sne.s32 s2, $0x0  }
0x39f: {  	s3 =	rddreg [dreg:$0x2];
	[bflag:$0x3] =	sbarrier.arrive $0xFFFF;
	s2 =	simm.s32 @!p0 $0x1C04  }
0x3a0: {  	[timem:s3], [sflag:s2] =	dma.local @!p0 [hbm:s0], s1  }
0x3a1: {  	s0 =	simm.s32 @!p0 $0x4  }
0x3a2: {  	_ =	swait.ge @!p0 [sflag:s0], s1  }
0x3a3: {  	s1 =	ssub.s32 @!p0 $0x0, s1;
	[sflag:s0] =	ssyncset.done @!p0 $0x0  }
0x3a4: {  	[sflag:s0] =	ssyncadd.s32 @!p0 s1  }
0x3a5: {  	[bflag:$0x3] =	sbarrier.arrive $0xFFFF  }
0x3a6: {  	_ =	shalt  }

</sc_bundles>
